<compile_context>
chip_gen: v7x
topology: tpu7x:2x2x1
jax: 0.10.2.dev20260603
libtpu: 0.0.44.dev20260713+nightly
codegen_flags: <defaults>
</compile_context>

<pallas_src>
import functools

import jax
import jax.numpy as jnp
from jax import lax
from jax.experimental import pallas as pl
from jax.experimental.pallas import tpu as pltpu
from jax.experimental.pallas import tpu_sc as plsc

N = 320000
D = 128
MAX_LEN = 50
TBL = 64

NC, NS = 2, 16
NW = NC * NS
ROWS_PER_W = N // NW
CHUNK = 80
NCHUNK = ROWS_PER_W // CHUNK
NBUF = 3
LANES = 16
VPR = D // LANES
GUNROLL = 5


def _table_body(emb_ref, w_ref, b_ref, out_ref):
    out_ref[...] = lax.dot_general(
        emb_ref[...], w_ref[...],
        (((1,), (1,)), ((), ())),
        preferred_element_type=jnp.float32,
    ) + b_ref[...]


_table_call = pl.pallas_call(
    _table_body,
    out_shape=jax.ShapeDtypeStruct((TBL, D), jnp.float32),
)


def _sc_body(x_hbm, t_hbm, table_hbm, out_hbm, table_v, tb, xall,
             tsem, in_sems, out_sems):
    wid = lax.axis_index("s") * NC + lax.axis_index("c")
    base0 = wid * ROWS_PER_W

    t_cp = pltpu.async_copy(t_hbm.at[pl.ds(base0, ROWS_PER_W)], tb, tsem)
    pltpu.sync_copy(table_hbm, table_v)
    t_cp.wait()

    def in_copy(c, p):
        return pltpu.make_async_copy(
            x_hbm.at[pl.ds(base0 + c * CHUNK, CHUNK)], xall.at[p],
            in_sems.at[p])

    def out_copy(c, p):
        return pltpu.make_async_copy(
            xall.at[p], out_hbm.at[pl.ds(base0 + c * CHUNK, CHUNK)],
            out_sems.at[p])

    def compute(c, p):
        @plsc.parallel_loop(0, CHUNK // LANES, unroll=GUNROLL)
        def _(g):
            row0 = g * LANES
            tv = tb[pl.ds(c * CHUNK + row0, LANES)]
            tis = [tv[k] for k in range(LANES)]
            for j in range(VPR):
                sl = pl.ds(j * LANES, LANES)
                for k in range(LANES):
                    plsc.addupdate(xall.at[p, row0 + k, sl], table_v[tis[k], sl])

    in_copy(0, 0).start()
    in_copy(1, 1).start()

    def chunk_body(c, carry):
        p = lax.rem(c, NBUF)
        in_copy(c, p).wait()
        compute(c, p)
        out_copy(c, p).start()

        @pl.when(c + 2 < NCHUNK)
        def _():
            p2 = lax.rem(c + 2, NBUF)

            @pl.when(c >= 1)
            def _():
                out_copy(c - 1, p2).wait()

            in_copy(c + 2, p2).start()

        return carry

    lax.fori_loop(0, NCHUNK, chunk_body, 0)
    for c in range(NCHUNK - 3, NCHUNK):
        out_copy(c, c % NBUF).wait()


_sc_call = functools.partial(
    pl.kernel,
    out_type=jax.ShapeDtypeStruct((N, D), jnp.float32),
    mesh=plsc.VectorSubcoreMesh(core_axis_name="c", subcore_axis_name="s"),
    scratch_types=[
        pltpu.VMEM((TBL, D), jnp.float32),
        pltpu.VMEM((ROWS_PER_W,), jnp.int32),
        pltpu.VMEM((NBUF, CHUNK, D), jnp.float32),
        pltpu.SemaphoreType.DMA,
        pltpu.SemaphoreType.DMA((NBUF,)),
        pltpu.SemaphoreType.DMA((NBUF,)),
    ],
)(_sc_body)


@jax.jit
def kernel(x, t, emb, W, b):
    emb_p = jnp.zeros((TBL, D), jnp.float32).at[:MAX_LEN].set(emb)
    table = _table_call(emb_p, W, b.reshape(1, D))
    return _sc_call(x, t.astype(jnp.int32), table)

# --- scband reference (transcript-rebuilt; emitter-appended) ---
"""Pipeline reference for scband-rel-temporal-encoding-7361573945618 (READ-ONLY COPY).

The authoritative reference and input builder live on the scoring server;
editing this copy changes nothing except your own understanding.
"""

import jax, jax.numpy as jnp
import numpy as np

N = 320000
N_HID = 128
MAX_LEN = 50


def _build_emb_table():
    position = jnp.arange(0.0, MAX_LEN, dtype=jnp.float32)[:, None]
    div_term = jnp.exp(jnp.arange(0, N_HID, 2, dtype=jnp.float32) * (-(np.log(10000.0) / N_HID)))
    emb = jnp.zeros((MAX_LEN, N_HID), dtype=jnp.float32)
    emb = emb.at[:, 0::2].set(jnp.sin(position * div_term) / np.sqrt(N_HID))
    emb = emb.at[:, 1::2].set(jnp.cos(position * div_term) / np.sqrt(N_HID))
    return emb


def setup_inputs(seed: int = 0) -> dict:
    key = jax.random.key(seed)
    kx, kt, kw, kb = jax.random.split(key, 4)
    x = jax.random.normal(kx, (N, N_HID), dtype=jnp.float32)
    t = jax.random.randint(kt, (N,), 0, MAX_LEN, dtype=jnp.int64 if jax.config.jax_enable_x64 else jnp.int32)
    emb = _build_emb_table()
    bound = 1.0 / np.sqrt(N_HID)
    W = jax.random.uniform(kw, (N_HID, N_HID), dtype=jnp.float32, minval=-bound, maxval=bound)
    b = jax.random.uniform(kb, (N_HID,), dtype=jnp.float32, minval=-bound, maxval=bound)
    return {"x": x, "t": t, "emb": emb, "W": W, "b": b}


def reference(x, t, emb, W, b):
    # emb(t): gather rows from the sinusoidal table
    e = jnp.take(emb, t, axis=0)
    # lin(e): torch Linear -> e @ W.T + b
    return x + e @ W.T + b

if __name__ == "__main__":
    import jax
    _d = setup_inputs()
    print(jax.jit(kernel)(*tuple(_d.values())))

</pallas_src>

<mosaic_0001>
#map = affine_map<(d0, d1) -> (0, 0)>
#map1 = affine_map<(d0, d1) -> (0)>
module attributes {stable_mosaic.version = 14 : i64} {
  func.func @_sc_body(%arg0: i32, %arg1: i32, %arg2: memref<320000x128xf32, #tpu.memory_space<hbm>>, %arg3: memref<320000xi32, #tpu.memory_space<hbm>>, %arg4: memref<64x128xf32, #tpu.memory_space<hbm>>, %arg5: memref<320000x128xf32, #tpu.memory_space<hbm>>, %arg6: memref<64x128xf32, #tpu.memory_space<vmem>>, %arg7: memref<10000xi32, #tpu.memory_space<vmem>>, %arg8: memref<3x80x128xf32, #tpu.memory_space<vmem>>, %arg9: memref<!tpu.dma_semaphore, #tpu.memory_space<semaphore_mem>>, %arg10: memref<3x!tpu.dma_semaphore, #tpu.memory_space<semaphore_mem>>, %arg11: memref<3x!tpu.dma_semaphore, #tpu.memory_space<semaphore_mem>>) attributes {dimension_semantics = [#tpu.dimension_semantics<core_parallel>, #tpu.dimension_semantics<subcore_parallel>], iteration_bounds = array<i64: 2, 16>, scalar_prefetch = 0 : i64, scratch_operands = 6 : i64, tpu.core_type = #tpu.core_type<sc_vector_subcore>, window_params = [{transform_indices = #map}, {transform_indices = #map1}, {transform_indices = #map}, {transform_indices = #map}]} {
    %mul3A = arith.constant 2 : i32
    %mul3A_0 = arith.muli %arg1, %mul3A : i32
    %add3A = arith.addi %mul3A_0, %arg0 : i32
    %mul3A_1 = arith.constant 10000 : i32
    %mul3A_2 = arith.muli %add3A, %mul3A_1 : i32
    %dma_start3A = tpu.memref_slice %arg3[%mul3A_2] : memref<320000xi32, #tpu.memory_space<hbm>> -> memref<10000xi32, #tpu.memory_space<hbm>>
    %dma_start3A_3 = tpu.memref_slice %arg3[%mul3A_2] : memref<320000xi32, #tpu.memory_space<hbm>> -> memref<10000xi32, #tpu.memory_space<hbm>>
    tpu.enqueue_dma source(%dma_start3A_3 : memref<10000xi32, #tpu.memory_space<hbm>>) target(%arg7 : memref<10000xi32, #tpu.memory_space<vmem>>) target_semaphore(%arg9 : memref<!tpu.dma_semaphore, #tpu.memory_space<semaphore_mem>>)
    "tpu.region"() ({
      %run_scoped3A = tpu.sem_alloc : memref<!tpu.dma_semaphore, #tpu.memory_space<semaphore_mem>>
      tpu.enqueue_dma source(%arg4 : memref<64x128xf32, #tpu.memory_space<hbm>>) target(%arg6 : memref<64x128xf32, #tpu.memory_space<vmem>>) target_semaphore(%run_scoped3A : memref<!tpu.dma_semaphore, #tpu.memory_space<semaphore_mem>>)
      tpu.wait_dma2 semaphore(%run_scoped3A : memref<!tpu.dma_semaphore, #tpu.memory_space<semaphore_mem>>) src(%arg4 : memref<64x128xf32, #tpu.memory_space<hbm>>) dst(%arg6 : memref<64x128xf32, #tpu.memory_space<vmem>>)
      tpu.yield
    }) : () -> ()
    %dma_wait3A = tpu.memref_slice %arg3[%mul3A_2] : memref<320000xi32, #tpu.memory_space<hbm>> -> memref<10000xi32, #tpu.memory_space<hbm>>
    %dma_wait3A_4 = tpu.memref_slice %arg3[%mul3A_2] : memref<320000xi32, #tpu.memory_space<hbm>> -> memref<10000xi32, #tpu.memory_space<hbm>>
    tpu.wait_dma2 semaphore(%arg9 : memref<!tpu.dma_semaphore, #tpu.memory_space<semaphore_mem>>) src(%dma_wait3A_4 : memref<10000xi32, #tpu.memory_space<hbm>>) dst(%arg7 : memref<10000xi32, #tpu.memory_space<vmem>>)
    %add3A_5 = arith.constant 0 : i32
    %add3A_6 = arith.addi %mul3A_2, %add3A_5 : i32
    %dma_start3A_7 = arith.constant 0 : i32
    %dma_start3A_8 = arith.constant 0 : i32
    %dma_start3A_9 = arith.constant 0 : i32
    %dma_start3A_10 = arith.constant 0 : i32
    %dma_start3A_11 = tpu.memref_slice %arg8[%dma_start3A_7, %dma_start3A_9, %dma_start3A_10] : memref<3x80x128xf32, #tpu.memory_space<vmem>> -> memref<1x80x128xf32, #tpu.memory_space<vmem>>
    %dma_start3A_12 = tpu.memref_squeeze %dma_start3A_11 : memref<1x80x128xf32, #tpu.memory_space<vmem>> -> memref<80x128xf32, #tpu.memory_space<vmem>>
    %dma_start3A_13 = arith.constant 0 : i32
    %dma_start3A_14 = tpu.memref_slice %arg2[%add3A_6, %dma_start3A_13] : memref<320000x128xf32, #tpu.memory_space<hbm>> -> memref<80x128xf32, #tpu.memory_space<hbm>>
    %dma_start3A_15 = tpu.memref_slice %arg10[%dma_start3A_8] : memref<3x!tpu.dma_semaphore, #tpu.memory_space<semaphore_mem>> -> memref<1x!tpu.dma_semaphore, #tpu.memory_space<semaphore_mem>>
    %dma_start3A_16 = tpu.memref_squeeze %dma_start3A_15 : memref<1x!tpu.dma_semaphore, #tpu.memory_space<semaphore_mem>> -> memref<!tpu.dma_semaphore, #tpu.memory_space<semaphore_mem>>
    %dma_start3A_17 = arith.constant 0 : i32
    %dma_start3A_18 = arith.constant 0 : i32
    %dma_start3A_19 = tpu.memref_slice %arg8[%dma_start3A_7, %dma_start3A_17, %dma_start3A_18] : memref<3x80x128xf32, #tpu.memory_space<vmem>> -> memref<1x80x128xf32, #tpu.memory_space<vmem>>
    %dma_start3A_20 = tpu.memref_squeeze %dma_start3A_19 : memref<1x80x128xf32, #tpu.memory_space<vmem>> -> memref<80x128xf32, #tpu.memory_space<vmem>>
    %dma_start3A_21 = arith.constant 0 : i32
    %dma_start3A_22 = tpu.memref_slice %arg2[%add3A_6, %dma_start3A_21] : memref<320000x128xf32, #tpu.memory_space<hbm>> -> memref<80x128xf32, #tpu.memory_space<hbm>>
    tpu.enqueue_dma source(%dma_start3A_22 : memref<80x128xf32, #tpu.memory_space<hbm>>) target(%dma_start3A_20 : memref<80x128xf32, #tpu.memory_space<vmem>>) target_semaphore(%dma_start3A_16 : memref<!tpu.dma_semaphore, #tpu.memory_space<semaphore_mem>>)
    %add3A_23 = arith.constant 80 : i32
    %add3A_24 = arith.addi %mul3A_2, %add3A_23 : i32
    %dma_start3A_25 = arith.constant 1 : i32
    %dma_start3A_26 = arith.constant 1 : i32
    %dma_start3A_27 = arith.constant 0 : i32
    %dma_start3A_28 = arith.constant 0 : i32
    %dma_start3A_29 = tpu.memref_slice %arg8[%dma_start3A_25, %dma_start3A_27, %dma_start3A_28] : memref<3x80x128xf32, #tpu.memory_space<vmem>> -> memref<1x80x128xf32, #tpu.memory_space<vmem>>
    %dma_start3A_30 = tpu.memref_squeeze %dma_start3A_29 : memref<1x80x128xf32, #tpu.memory_space<vmem>> -> memref<80x128xf32, #tpu.memory_space<vmem>>
    %dma_start3A_31 = arith.constant 0 : i32
    %dma_start3A_32 = tpu.memref_slice %arg2[%add3A_24, %dma_start3A_31] : memref<320000x128xf32, #tpu.memory_space<hbm>> -> memref<80x128xf32, #tpu.memory_space<hbm>>
    %dma_start3A_33 = tpu.memref_slice %arg10[%dma_start3A_26] : memref<3x!tpu.dma_semaphore, #tpu.memory_space<semaphore_mem>> -> memref<1x!tpu.dma_semaphore, #tpu.memory_space<semaphore_mem>>
    %dma_start3A_34 = tpu.memref_squeeze %dma_start3A_33 : memref<1x!tpu.dma_semaphore, #tpu.memory_space<semaphore_mem>> -> memref<!tpu.dma_semaphore, #tpu.memory_space<semaphore_mem>>
    %dma_start3A_35 = arith.constant 0 : i32
    %dma_start3A_36 = arith.constant 0 : i32
    %dma_start3A_37 = tpu.memref_slice %arg8[%dma_start3A_25, %dma_start3A_35, %dma_start3A_36] : memref<3x80x128xf32, #tpu.memory_space<vmem>> -> memref<1x80x128xf32, #tpu.memory_space<vmem>>
    %dma_start3A_38 = tpu.memref_squeeze %dma_start3A_37 : memref<1x80x128xf32, #tpu.memory_space<vmem>> -> memref<80x128xf32, #tpu.memory_space<vmem>>
    %dma_start3A_39 = arith.constant 0 : i32
    %dma_start3A_40 = tpu.memref_slice %arg2[%add3A_24, %dma_start3A_39] : memref<320000x128xf32, #tpu.memory_space<hbm>> -> memref<80x128xf32, #tpu.memory_space<hbm>>
    tpu.enqueue_dma source(%dma_start3A_40 : memref<80x128xf32, #tpu.memory_space<hbm>>) target(%dma_start3A_38 : memref<80x128xf32, #tpu.memory_space<vmem>>) target_semaphore(%dma_start3A_34 : memref<!tpu.dma_semaphore, #tpu.memory_space<semaphore_mem>>)
    %scan3A = arith.constant 0 : i32
    %scan3A_41 = arith.constant 0 : i32
    %scan3A_42 = arith.constant 125 : i32
    %scan3A_43 = arith.addi %scan3A_41, %scan3A_42 : i32
    %scan3A_44 = arith.constant 1 : i32
    scf.for %scan3A_100 = %scan3A_41 to %scan3A_43 step %scan3A_44  : i32 {
      %rem3A = arith.constant 3 : i32
      %rem3A_101 = arith.remsi %scan3A_100, %rem3A : i32
      %mul3A_102 = arith.constant 80 : i32
      %mul3A_103 = arith.muli %scan3A_100, %mul3A_102 : i32
      %add3A_104 = arith.addi %mul3A_2, %mul3A_103 : i32
      %dma_wait3A_105 = arith.constant 0 : i32
      %dma_wait3A_106 = arith.constant 0 : i32
      %dma_wait3A_107 = tpu.memref_slice %arg8[%rem3A_101, %dma_wait3A_105, %dma_wait3A_106] : memref<3x80x128xf32, #tpu.memory_space<vmem>> -> memref<1x80x128xf32, #tpu.memory_space<vmem>>
      %dma_wait3A_108 = tpu.memref_squeeze %dma_wait3A_107 : memref<1x80x128xf32, #tpu.memory_space<vmem>> -> memref<80x128xf32, #tpu.memory_space<vmem>>
      %dma_wait3A_109 = arith.constant 0 : i32
      %dma_wait3A_110 = tpu.memref_slice %arg2[%add3A_104, %dma_wait3A_109] : memref<320000x128xf32, #tpu.memory_space<hbm>> -> memref<80x128xf32, #tpu.memory_space<hbm>>
      %dma_wait3A_111 = tpu.memref_slice %arg10[%rem3A_101] : memref<3x!tpu.dma_semaphore, #tpu.memory_space<semaphore_mem>> -> memref<1x!tpu.dma_semaphore, #tpu.memory_space<semaphore_mem>>
      %dma_wait3A_112 = tpu.memref_squeeze %dma_wait3A_111 : memref<1x!tpu.dma_semaphore, #tpu.memory_space<semaphore_mem>> -> memref<!tpu.dma_semaphore, #tpu.memory_space<semaphore_mem>>
      %dma_wait3A_113 = arith.constant 0 : i32
      %dma_wait3A_114 = arith.constant 0 : i32
      %dma_wait3A_115 = tpu.memref_slice %arg8[%rem3A_101, %dma_wait3A_113, %dma_wait3A_114] : memref<3x80x128xf32, #tpu.memory_space<vmem>> -> memref<1x80x128xf32, #tpu.memory_space<vmem>>
      %dma_wait3A_116 = tpu.memref_squeeze %dma_wait3A_115 : memref<1x80x128xf32, #tpu.memory_space<vmem>> -> memref<80x128xf32, #tpu.memory_space<vmem>>
      %dma_wait3A_117 = arith.constant 0 : i32
      %dma_wait3A_118 = tpu.memref_slice %arg2[%add3A_104, %dma_wait3A_117] : memref<320000x128xf32, #tpu.memory_space<hbm>> -> memref<80x128xf32, #tpu.memory_space<hbm>>
      tpu.wait_dma2 semaphore(%dma_wait3A_112 : memref<!tpu.dma_semaphore, #tpu.memory_space<semaphore_mem>>) src(%dma_wait3A_118 : memref<80x128xf32, #tpu.memory_space<hbm>>) dst(%dma_wait3A_116 : memref<80x128xf32, #tpu.memory_space<vmem>>)
      %parallel_loop3A = arith.constant 0 : i32
      %parallel_loop3A_119 = arith.constant 5 : i32
      %parallel_loop3A_120 = arith.constant 1 : i32
      scf.for %parallel_loop3A_142 = %parallel_loop3A to %parallel_loop3A_119 step %parallel_loop3A_120  : i32 {
        %parallel_loop3A_143 = arith.constant 16 : i32
        %parallel_loop3A_144 = arith.muli %parallel_loop3A_142, %parallel_loop3A_143 : i32
        %parallel_loop3A_145 = arith.constant 80 : i32
        %parallel_loop3A_146 = arith.muli %scan3A_100, %parallel_loop3A_145 : i32
        %parallel_loop3A_147 = arith.addi %parallel_loop3A_146, %parallel_loop3A_144 : i32
        %parallel_loop3A_148 = arith.index_cast %parallel_loop3A_147 : i32 to index
        %parallel_loop3A_149 = tpu.vector_load %arg7[%parallel_loop3A_148] {strides = array<i32>} : memref<10000xi32, #tpu.memory_space<vmem>>, vector<16xi32>,
        %parallel_loop3A_150 = vector.shape_cast %parallel_loop3A_149 : vector<16xi32> to vector<16xi32>
        %parallel_loop3A_151 = vector.extract_strided_slice %parallel_loop3A_150 {offsets = [0], sizes = [1], strides = [1]} : vector<16xi32> to vector<1xi32>
        %parallel_loop3A_152 = vector.extract %parallel_loop3A_151[0] : i32 from vector<1xi32>
        %parallel_loop3A_153 = vector.extract_strided_slice %parallel_loop3A_150 {offsets = [1], sizes = [1], strides = [1]} : vector<16xi32> to vector<1xi32>
        %parallel_loop3A_154 = vector.extract %parallel_loop3A_153[0] : i32 from vector<1xi32>
        %parallel_loop3A_155 = vector.extract_strided_slice %parallel_loop3A_150 {offsets = [2], sizes = [1], strides = [1]} : vector<16xi32> to vector<1xi32>
        %parallel_loop3A_156 = vector.extract %parallel_loop3A_155[0] : i32 from vector<1xi32>
        %parallel_loop3A_157 = vector.extract_strided_slice %parallel_loop3A_150 {offsets = [3], sizes = [1], strides = [1]} : vector<16xi32> to vector<1xi32>
        %parallel_loop3A_158 = vector.extract %parallel_loop3A_157[0] : i32 from vector<1xi32>
        %parallel_loop3A_159 = vector.extract_strided_slice %parallel_loop3A_150 {offsets = [4], sizes = [1], strides = [1]} : vector<16xi32> to vector<1xi32>
        %parallel_loop3A_160 = vector.extract %parallel_loop3A_159[0] : i32 from vector<1xi32>
        %parallel_loop3A_161 = vector.extract_strided_slice %parallel_loop3A_150 {offsets = [5], sizes = [1], strides = [1]} : vector<16xi32> to vector<1xi32>
        %parallel_loop3A_162 = vector.extract %parallel_loop3A_161[0] : i32 from vector<1xi32>
        %parallel_loop3A_163 = vector.extract_strided_slice %parallel_loop3A_150 {offsets = [6], sizes = [1], strides = [1]} : vector<16xi32> to vector<1xi32>
        %parallel_loop3A_164 = vector.extract %parallel_loop3A_163[0] : i32 from vector<1xi32>
        %parallel_loop3A_165 = vector.extract_strided_slice %parallel_loop3A_150 {offsets = [7], sizes = [1], strides = [1]} : vector<16xi32> to vector<1xi32>
        %parallel_loop3A_166 = vector.extract %parallel_loop3A_165[0] : i32 from vector<1xi32>
        %parallel_loop3A_167 = vector.extract_strided_slice %parallel_loop3A_150 {offsets = [8], sizes = [1], strides = [1]} : vector<16xi32> to vector<1xi32>
        %parallel_loop3A_168 = vector.extract %parallel_loop3A_167[0] : i32 from vector<1xi32>
        %parallel_loop3A_169 = vector.extract_strided_slice %parallel_loop3A_150 {offsets = [9], sizes = [1], strides = [1]} : vector<16xi32> to vector<1xi32>
        %parallel_loop3A_170 = vector.extract %parallel_loop3A_169[0] : i32 from vector<1xi32>
        %parallel_loop3A_171 = vector.extract_strided_slice %parallel_loop3A_150 {offsets = [10], sizes = [1], strides = [1]} : vector<16xi32> to vector<1xi32>
        %parallel_loop3A_172 = vector.extract %parallel_loop3A_171[0] : i32 from vector<1xi32>
        %parallel_loop3A_173 = vector.extract_strided_slice %parallel_loop3A_150 {offsets = [11], sizes = [1], strides = [1]} : vector<16xi32> to vector<1xi32>
        %parallel_loop3A_174 = vector.extract %parallel_loop3A_173[0] : i32 from vector<1xi32>
        %parallel_loop3A_175 = vector.extract_strided_slice %parallel_loop3A_150 {offsets = [12], sizes = [1], strides = [1]} : vector<16xi32> to vector<1xi32>
        %parallel_loop3A_176 = vector.extract %parallel_loop3A_175[0] : i32 from vector<1xi32>
        %parallel_loop3A_177 = vector.extract_strided_slice %parallel_loop3A_150 {offsets = [13], sizes = [1], strides = [1]} : vector<16xi32> to vector<1xi32>
        %parallel_loop3A_178 = vector.extract %parallel_loop3A_177[0] : i32 from vector<1xi32>
        %parallel_loop3A_179 = vector.extract_strided_slice %parallel_loop3A_150 {offsets = [14], sizes = [1], strides = [1]} : vector<16xi32> to vector<1xi32>
        %parallel_loop3A_180 = vector.extract %parallel_loop3A_179[0] : i32 from vector<1xi32>
        %parallel_loop3A_181 = vector.extract_strided_slice %parallel_loop3A_150 {offsets = [15], sizes = [1], strides = [1]} : vector<16xi32> to vector<1xi32>
        %parallel_loop3A_182 = vector.extract %parallel_loop3A_181[0] : i32 from vector<1xi32>
        %parallel_loop3A_183 = arith.constant 0 : i32
        %parallel_loop3A_184 = arith.addi %parallel_loop3A_144, %parallel_loop3A_183 : i32
        %parallel_loop3A_185 = arith.index_cast %parallel_loop3A_152 : i32 to index
        %parallel_loop3A_186 = arith.constant 0 : index
        %parallel_loop3A_187 = tpu.vector_load %arg6[%parallel_loop3A_185, %parallel_loop3A_186] {strides = array<i32>} : memref<64x128xf32, #tpu.memory_space<vmem>>, vector<1x16xf32>,
        %parallel_loop3A_188 = vector.shape_cast %parallel_loop3A_187 : vector<1x16xf32> to vector<16xf32>
        %parallel_loop3A_189 = arith.index_cast %rem3A_101 : i32 to index
        %parallel_loop3A_190 = arith.index_cast %parallel_loop3A_184 : i32 to index
        %parallel_loop3A_191 = arith.constant 0 : index
        %parallel_loop3A_192 = tpu.vector_load %arg8[%parallel_loop3A_189, %parallel_loop3A_190, %parallel_loop3A_191] {strides = array<i32>} : memref<3x80x128xf32, #tpu.memory_space<vmem>>, vector<1x1x16xf32>,
        %parallel_loop3A_193 = vector.shape_cast %parallel_loop3A_192 : vector<1x1x16xf32> to vector<16xf32>
        %parallel_loop3A_194 = vector.shape_cast %parallel_loop3A_188 : vector<16xf32> to vector<1x1x16xf32>
        tpu.vector_store %arg8[%parallel_loop3A_189, %parallel_loop3A_190, %parallel_loop3A_191], %parallel_loop3A_194 {add = true, strides = array<i32>} : memref<3x80x128xf32, #tpu.memory_space<vmem>>, vector<1x1x16xf32>,
        %parallel_loop3A_195 = arith.constant 1 : i32
        %parallel_loop3A_196 = arith.addi %parallel_loop3A_144, %parallel_loop3A_195 : i32
        %parallel_loop3A_197 = arith.index_cast %parallel_loop3A_154 : i32 to index
        %parallel_loop3A_198 = arith.constant 0 : index
        %parallel_loop3A_199 = tpu.vector_load %arg6[%parallel_loop3A_197, %parallel_loop3A_198] {strides = array<i32>} : memref<64x128xf32, #tpu.memory_space<vmem>>, vector<1x16xf32>,
        %parallel_loop3A_200 = vector.shape_cast %parallel_loop3A_199 : vector<1x16xf32> to vector<16xf32>
        %parallel_loop3A_201 = arith.index_cast %rem3A_101 : i32 to index
        %parallel_loop3A_202 = arith.index_cast %parallel_loop3A_196 : i32 to index
        %parallel_loop3A_203 = arith.constant 0 : index
        %parallel_loop3A_204 = tpu.vector_load %arg8[%parallel_loop3A_201, %parallel_loop3A_202, %parallel_loop3A_203] {strides = array<i32>} : memref<3x80x128xf32, #tpu.memory_space<vmem>>, vector<1x1x16xf32>,
        %parallel_loop3A_205 = vector.shape_cast %parallel_loop3A_204 : vector<1x1x16xf32> to vector<16xf32>
        %parallel_loop3A_206 = vector.shape_cast %parallel_loop3A_200 : vector<16xf32> to vector<1x1x16xf32>
        tpu.vector_store %arg8[%parallel_loop3A_201, %parallel_loop3A_202, %parallel_loop3A_203], %parallel_loop3A_206 {add = true, strides = array<i32>} : memref<3x80x128xf32, #tpu.memory_space<vmem>>, vector<1x1x16xf32>,
        %parallel_loop3A_207 = arith.constant 2 : i32
        %parallel_loop3A_208 = arith.addi %parallel_loop3A_144, %parallel_loop3A_207 : i32
        %parallel_loop3A_209 = arith.index_cast %parallel_loop3A_156 : i32 to index
        %parallel_loop3A_210 = arith.constant 0 : index
        %parallel_loop3A_211 = tpu.vector_load %arg6[%parallel_loop3A_209, %parallel_loop3A_210] {strides = array<i32>} : memref<64x128xf32, #tpu.memory_space<vmem>>, vector<1x16xf32>,
        %parallel_loop3A_212 = vector.shape_cast %parallel_loop3A_211 : vector<1x16xf32> to vector<16xf32>
        %parallel_loop3A_213 = arith.index_cast %rem3A_101 : i32 to index
        %parallel_loop3A_214 = arith.index_cast %parallel_loop3A_208 : i32 to index
        %parallel_loop3A_215 = arith.constant 0 : index
        %parallel_loop3A_216 = tpu.vector_load %arg8[%parallel_loop3A_213, %parallel_loop3A_214, %parallel_loop3A_215] {strides = array<i32>} : memref<3x80x128xf32, #tpu.memory_space<vmem>>, vector<1x1x16xf32>,
        %parallel_loop3A_217 = vector.shape_cast %parallel_loop3A_216 : vector<1x1x16xf32> to vector<16xf32>
        %parallel_loop3A_218 = vector.shape_cast %parallel_loop3A_212 : vector<16xf32> to vector<1x1x16xf32>
        tpu.vector_store %arg8[%parallel_loop3A_213, %parallel_loop3A_214, %parallel_loop3A_215], %parallel_loop3A_218 {add = true, strides = array<i32>} : memref<3x80x128xf32, #tpu.memory_space<vmem>>, vector<1x1x16xf32>,
        %parallel_loop3A_219 = arith.constant 3 : i32
        %parallel_loop3A_220 = arith.addi %parallel_loop3A_144, %parallel_loop3A_219 : i32
        %parallel_loop3A_221 = arith.index_cast %parallel_loop3A_158 : i32 to index
        %parallel_loop3A_222 = arith.constant 0 : index
        %parallel_loop3A_223 = tpu.vector_load %arg6[%parallel_loop3A_221, %parallel_loop3A_222] {strides = array<i32>} : memref<64x128xf32, #tpu.memory_space<vmem>>, vector<1x16xf32>,
        %parallel_loop3A_224 = vector.shape_cast %parallel_loop3A_223 : vector<1x16xf32> to vector<16xf32>
        %parallel_loop3A_225 = arith.index_cast %rem3A_101 : i32 to index
        %parallel_loop3A_226 = arith.index_cast %parallel_loop3A_220 : i32 to index
        %parallel_loop3A_227 = arith.constant 0 : index
        %parallel_loop3A_228 = tpu.vector_load %arg8[%parallel_loop3A_225, %parallel_loop3A_226, %parallel_loop3A_227] {strides = array<i32>} : memref<3x80x128xf32, #tpu.memory_space<vmem>>, vector<1x1x16xf32>,
        %parallel_loop3A_229 = vector.shape_cast %parallel_loop3A_228 : vector<1x1x16xf32> to vector<16xf32>
        %parallel_loop3A_230 = vector.shape_cast %parallel_loop3A_224 : vector<16xf32> to vector<1x1x16xf32>
        tpu.vector_store %arg8[%parallel_loop3A_225, %parallel_loop3A_226, %parallel_loop3A_227], %parallel_loop3A_230 {add = true, strides = array<i32>} : memref<3x80x128xf32, #tpu.memory_space<vmem>>, vector<1x1x16xf32>,
        %parallel_loop3A_231 = arith.constant 4 : i32
        %parallel_loop3A_232 = arith.addi %parallel_loop3A_144, %parallel_loop3A_231 : i32
        %parallel_loop3A_233 = arith.index_cast %parallel_loop3A_160 : i32 to index
        %parallel_loop3A_234 = arith.constant 0 : index
        %parallel_loop3A_235 = tpu.vector_load %arg6[%parallel_loop3A_233, %parallel_loop3A_234] {strides = array<i32>} : memref<64x128xf32, #tpu.memory_space<vmem>>, vector<1x16xf32>,
        %parallel_loop3A_236 = vector.shape_cast %parallel_loop3A_235 : vector<1x16xf32> to vector<16xf32>
        %parallel_loop3A_237 = arith.index_cast %rem3A_101 : i32 to index
        %parallel_loop3A_238 = arith.index_cast %parallel_loop3A_232 : i32 to index
        %parallel_loop3A_239 = arith.constant 0 : index
        %parallel_loop3A_240 = tpu.vector_load %arg8[%parallel_loop3A_237, %parallel_loop3A_238, %parallel_loop3A_239] {strides = array<i32>} : memref<3x80x128xf32, #tpu.memory_space<vmem>>, vector<1x1x16xf32>,
        %parallel_loop3A_241 = vector.shape_cast %parallel_loop3A_240 : vector<1x1x16xf32> to vector<16xf32>
        %parallel_loop3A_242 = vector.shape_cast %parallel_loop3A_236 : vector<16xf32> to vector<1x1x16xf32>
        tpu.vector_store %arg8[%parallel_loop3A_237, %parallel_loop3A_238, %parallel_loop3A_239], %parallel_loop3A_242 {add = true, strides = array<i32>} : memref<3x80x128xf32, #tpu.memory_space<vmem>>, vector<1x1x16xf32>,
        %parallel_loop3A_243 = arith.constant 5 : i32
        %parallel_loop3A_244 = arith.addi %parallel_loop3A_144, %parallel_loop3A_243 : i32
        %parallel_loop3A_245 = arith.index_cast %parallel_loop3A_162 : i32 to index
        %parallel_loop3A_246 = arith.constant 0 : index
        %parallel_loop3A_247 = tpu.vector_load %arg6[%parallel_loop3A_245, %parallel_loop3A_246] {strides = array<i32>} : memref<64x128xf32, #tpu.memory_space<vmem>>, vector<1x16xf32>,
        %parallel_loop3A_248 = vector.shape_cast %parallel_loop3A_247 : vector<1x16xf32> to vector<16xf32>
        %parallel_loop3A_249 = arith.index_cast %rem3A_101 : i32 to index
        %parallel_loop3A_250 = arith.index_cast %parallel_loop3A_244 : i32 to index
        %parallel_loop3A_251 = arith.constant 0 : index
        %parallel_loop3A_252 = tpu.vector_load %arg8[%parallel_loop3A_249, %parallel_loop3A_250, %parallel_loop3A_251] {strides = array<i32>} : memref<3x80x128xf32, #tpu.memory_space<vmem>>, vector<1x1x16xf32>,
        %parallel_loop3A_253 = vector.shape_cast %parallel_loop3A_252 : vector<1x1x16xf32> to vector<16xf32>
        %parallel_loop3A_254 = vector.shape_cast %parallel_loop3A_248 : vector<16xf32> to vector<1x1x16xf32>
        tpu.vector_store %arg8[%parallel_loop3A_249, %parallel_loop3A_250, %parallel_loop3A_251], %parallel_loop3A_254 {add = true, strides = array<i32>} : memref<3x80x128xf32, #tpu.memory_space<vmem>>, vector<1x1x16xf32>,
        %parallel_loop3A_255 = arith.constant 6 : i32
        %parallel_loop3A_256 = arith.addi %parallel_loop3A_144, %parallel_loop3A_255 : i32
        %parallel_loop3A_257 = arith.index_cast %parallel_loop3A_164 : i32 to index
        %parallel_loop3A_258 = arith.constant 0 : index
        %parallel_loop3A_259 = tpu.vector_load %arg6[%parallel_loop3A_257, %parallel_loop3A_258] {strides = array<i32>} : memref<64x128xf32, #tpu.memory_space<vmem>>, vector<1x16xf32>,
        %parallel_loop3A_260 = vector.shape_cast %parallel_loop3A_259 : vector<1x16xf32> to vector<16xf32>
        %parallel_loop3A_261 = arith.index_cast %rem3A_101 : i32 to index
        %parallel_loop3A_262 = arith.index_cast %parallel_loop3A_256 : i32 to index
        %parallel_loop3A_263 = arith.constant 0 : index
        %parallel_loop3A_264 = tpu.vector_load %arg8[%parallel_loop3A_261, %parallel_loop3A_262, %parallel_loop3A_263] {strides = array<i32>} : memref<3x80x128xf32, #tpu.memory_space<vmem>>, vector<1x1x16xf32>,
        %parallel_loop3A_265 = vector.shape_cast %parallel_loop3A_264 : vector<1x1x16xf32> to vector<16xf32>
        %parallel_loop3A_266 = vector.shape_cast %parallel_loop3A_260 : vector<16xf32> to vector<1x1x16xf32>
        tpu.vector_store %arg8[%parallel_loop3A_261, %parallel_loop3A_262, %parallel_loop3A_263], %parallel_loop3A_266 {add = true, strides = array<i32>} : memref<3x80x128xf32, #tpu.memory_space<vmem>>, vector<1x1x16xf32>,
        %parallel_loop3A_267 = arith.constant 7 : i32
        %parallel_loop3A_268 = arith.addi %parallel_loop3A_144, %parallel_loop3A_267 : i32
        %parallel_loop3A_269 = arith.index_cast %parallel_loop3A_166 : i32 to index
        %parallel_loop3A_270 = arith.constant 0 : index
        %parallel_loop3A_271 = tpu.vector_load %arg6[%parallel_loop3A_269, %parallel_loop3A_270] {strides = array<i32>} : memref<64x128xf32, #tpu.memory_space<vmem>>, vector<1x16xf32>,
        %parallel_loop3A_272 = vector.shape_cast %parallel_loop3A_271 : vector<1x16xf32> to vector<16xf32>
        %parallel_loop3A_273 = arith.index_cast %rem3A_101 : i32 to index
        %parallel_loop3A_274 = arith.index_cast %parallel_loop3A_268 : i32 to index
        %parallel_loop3A_275 = arith.constant 0 : index
        %parallel_loop3A_276 = tpu.vector_load %arg8[%parallel_loop3A_273, %parallel_loop3A_274, %parallel_loop3A_275] {strides = array<i32>} : memref<3x80x128xf32, #tpu.memory_space<vmem>>, vector<1x1x16xf32>,
        %parallel_loop3A_277 = vector.shape_cast %parallel_loop3A_276 : vector<1x1x16xf32> to vector<16xf32>
        %parallel_loop3A_278 = vector.shape_cast %parallel_loop3A_272 : vector<16xf32> to vector<1x1x16xf32>
        tpu.vector_store %arg8[%parallel_loop3A_273, %parallel_loop3A_274, %parallel_loop3A_275], %parallel_loop3A_278 {add = true, strides = array<i32>} : memref<3x80x128xf32, #tpu.memory_space<vmem>>, vector<1x1x16xf32>,
        %parallel_loop3A_279 = arith.constant 8 : i32
        %parallel_loop3A_280 = arith.addi %parallel_loop3A_144, %parallel_loop3A_279 : i32
        %parallel_loop3A_281 = arith.index_cast %parallel_loop3A_168 : i32 to index
        %parallel_loop3A_282 = arith.constant 0 : index
        %parallel_loop3A_283 = tpu.vector_load %arg6[%parallel_loop3A_281, %parallel_loop3A_282] {strides = array<i32>} : memref<64x128xf32, #tpu.memory_space<vmem>>, vector<1x16xf32>,
        %parallel_loop3A_284 = vector.shape_cast %parallel_loop3A_283 : vector<1x16xf32> to vector<16xf32>
        %parallel_loop3A_285 = arith.index_cast %rem3A_101 : i32 to index
        %parallel_loop3A_286 = arith.index_cast %parallel_loop3A_280 : i32 to index
        %parallel_loop3A_287 = arith.constant 0 : index
        %parallel_loop3A_288 = tpu.vector_load %arg8[%parallel_loop3A_285, %parallel_loop3A_286, %parallel_loop3A_287] {strides = array<i32>} : memref<3x80x128xf32, #tpu.memory_space<vmem>>, vector<1x1x16xf32>,
        %parallel_loop3A_289 = vector.shape_cast %parallel_loop3A_288 : vector<1x1x16xf32> to vector<16xf32>
        %parallel_loop3A_290 = vector.shape_cast %parallel_loop3A_284 : vector<16xf32> to vector<1x1x16xf32>
        tpu.vector_store %arg8[%parallel_loop3A_285, %parallel_loop3A_286, %parallel_loop3A_287], %parallel_loop3A_290 {add = true, strides = array<i32>} : memref<3x80x128xf32, #tpu.memory_space<vmem>>, vector<1x1x16xf32>,
        %parallel_loop3A_291 = arith.constant 9 : i32
        %parallel_loop3A_292 = arith.addi %parallel_loop3A_144, %parallel_loop3A_291 : i32
        %parallel_loop3A_293 = arith.index_cast %parallel_loop3A_170 : i32 to index
        %parallel_loop3A_294 = arith.constant 0 : index
        %parallel_loop3A_295 = tpu.vector_load %arg6[%parallel_loop3A_293, %parallel_loop3A_294] {strides = array<i32>} : memref<64x128xf32, #tpu.memory_space<vmem>>, vector<1x16xf32>,
        %parallel_loop3A_296 = vector.shape_cast %parallel_loop3A_295 : vector<1x16xf32> to vector<16xf32>
        %parallel_loop3A_297 = arith.index_cast %rem3A_101 : i32 to index
        %parallel_loop3A_298 = arith.index_cast %parallel_loop3A_292 : i32 to index
        %parallel_loop3A_299 = arith.constant 0 : index
        %parallel_loop3A_300 = tpu.vector_load %arg8[%parallel_loop3A_297, %parallel_loop3A_298, %parallel_loop3A_299] {strides = array<i32>} : memref<3x80x128xf32, #tpu.memory_space<vmem>>, vector<1x1x16xf32>,
        %parallel_loop3A_301 = vector.shape_cast %parallel_loop3A_300 : vector<1x1x16xf32> to vector<16xf32>
        %parallel_loop3A_302 = vector.shape_cast %parallel_loop3A_296 : vector<16xf32> to vector<1x1x16xf32>
        tpu.vector_store %arg8[%parallel_loop3A_297, %parallel_loop3A_298, %parallel_loop3A_299], %parallel_loop3A_302 {add = true, strides = array<i32>} : memref<3x80x128xf32, #tpu.memory_space<vmem>>, vector<1x1x16xf32>,
        %parallel_loop3A_303 = arith.constant 10 : i32
        %parallel_loop3A_304 = arith.addi %parallel_loop3A_144, %parallel_loop3A_303 : i32
        %parallel_loop3A_305 = arith.index_cast %parallel_loop3A_172 : i32 to index
        %parallel_loop3A_306 = arith.constant 0 : index
        %parallel_loop3A_307 = tpu.vector_load %arg6[%parallel_loop3A_305, %parallel_loop3A_306] {strides = array<i32>} : memref<64x128xf32, #tpu.memory_space<vmem>>, vector<1x16xf32>,
        %parallel_loop3A_308 = vector.shape_cast %parallel_loop3A_307 : vector<1x16xf32> to vector<16xf32>
        %parallel_loop3A_309 = arith.index_cast %rem3A_101 : i32 to index
        %parallel_loop3A_310 = arith.index_cast %parallel_loop3A_304 : i32 to index
        %parallel_loop3A_311 = arith.constant 0 : index
        %parallel_loop3A_312 = tpu.vector_load %arg8[%parallel_loop3A_309, %parallel_loop3A_310, %parallel_loop3A_311] {strides = array<i32>} : memref<3x80x128xf32, #tpu.memory_space<vmem>>, vector<1x1x16xf32>,
        %parallel_loop3A_313 = vector.shape_cast %parallel_loop3A_312 : vector<1x1x16xf32> to vector<16xf32>
        %parallel_loop3A_314 = vector.shape_cast %parallel_loop3A_308 : vector<16xf32> to vector<1x1x16xf32>
        tpu.vector_store %arg8[%parallel_loop3A_309, %parallel_loop3A_310, %parallel_loop3A_311], %parallel_loop3A_314 {add = true, strides = array<i32>} : memref<3x80x128xf32, #tpu.memory_space<vmem>>, vector<1x1x16xf32>,
        %parallel_loop3A_315 = arith.constant 11 : i32
        %parallel_loop3A_316 = arith.addi %parallel_loop3A_144, %parallel_loop3A_315 : i32
        %parallel_loop3A_317 = arith.index_cast %parallel_loop3A_174 : i32 to index
        %parallel_loop3A_318 = arith.constant 0 : index
        %parallel_loop3A_319 = tpu.vector_load %arg6[%parallel_loop3A_317, %parallel_loop3A_318] {strides = array<i32>} : memref<64x128xf32, #tpu.memory_space<vmem>>, vector<1x16xf32>,
        %parallel_loop3A_320 = vector.shape_cast %parallel_loop3A_319 : vector<1x16xf32> to vector<16xf32>
        %parallel_loop3A_321 = arith.index_cast %rem3A_101 : i32 to index
        %parallel_loop3A_322 = arith.index_cast %parallel_loop3A_316 : i32 to index
        %parallel_loop3A_323 = arith.constant 0 : index
        %parallel_loop3A_324 = tpu.vector_load %arg8[%parallel_loop3A_321, %parallel_loop3A_322, %parallel_loop3A_323] {strides = array<i32>} : memref<3x80x128xf32, #tpu.memory_space<vmem>>, vector<1x1x16xf32>,
        %parallel_loop3A_325 = vector.shape_cast %parallel_loop3A_324 : vector<1x1x16xf32> to vector<16xf32>
        %parallel_loop3A_326 = vector.shape_cast %parallel_loop3A_320 : vector<16xf32> to vector<1x1x16xf32>
        tpu.vector_store %arg8[%parallel_loop3A_321, %parallel_loop3A_322, %parallel_loop3A_323], %parallel_loop3A_326 {add = true, strides = array<i32>} : memref<3x80x128xf32, #tpu.memory_space<vmem>>, vector<1x1x16xf32>,
        %parallel_loop3A_327 = arith.constant 12 : i32
        %parallel_loop3A_328 = arith.addi %parallel_loop3A_144, %parallel_loop3A_327 : i32
        %parallel_loop3A_329 = arith.index_cast %parallel_loop3A_176 : i32 to index
        %parallel_loop3A_330 = arith.constant 0 : index
        %parallel_loop3A_331 = tpu.vector_load %arg6[%parallel_loop3A_329, %parallel_loop3A_330] {strides = array<i32>} : memref<64x128xf32, #tpu.memory_space<vmem>>, vector<1x16xf32>,
        %parallel_loop3A_332 = vector.shape_cast %parallel_loop3A_331 : vector<1x16xf32> to vector<16xf32>
        %parallel_loop3A_333 = arith.index_cast %rem3A_101 : i32 to index
        %parallel_loop3A_334 = arith.index_cast %parallel_loop3A_328 : i32 to index
        %parallel_loop3A_335 = arith.constant 0 : index
        %parallel_loop3A_336 = tpu.vector_load %arg8[%parallel_loop3A_333, %parallel_loop3A_334, %parallel_loop3A_335] {strides = array<i32>} : memref<3x80x128xf32, #tpu.memory_space<vmem>>, vector<1x1x16xf32>,
        %parallel_loop3A_337 = vector.shape_cast %parallel_loop3A_336 : vector<1x1x16xf32> to vector<16xf32>
        %parallel_loop3A_338 = vector.shape_cast %parallel_loop3A_332 : vector<16xf32> to vector<1x1x16xf32>
        tpu.vector_store %arg8[%parallel_loop3A_333, %parallel_loop3A_334, %parallel_loop3A_335], %parallel_loop3A_338 {add = true, strides = array<i32>} : memref<3x80x128xf32, #tpu.memory_space<vmem>>, vector<1x1x16xf32>,
        %parallel_loop3A_339 = arith.constant 13 : i32
        %parallel_loop3A_340 = arith.addi %parallel_loop3A_144, %parallel_loop3A_339 : i32
        %parallel_loop3A_341 = arith.index_cast %parallel_loop3A_178 : i32 to index
        %parallel_loop3A_342 = arith.constant 0 : index
        %parallel_loop3A_343 = tpu.vector_load %arg6[%parallel_loop3A_341, %parallel_loop3A_342] {strides = array<i32>} : memref<64x128xf32, #tpu.memory_space<vmem>>, vector<1x16xf32>,
        %parallel_loop3A_344 = vector.shape_cast %parallel_loop3A_343 : vector<1x16xf32> to vector<16xf32>
        %parallel_loop3A_345 = arith.index_cast %rem3A_101 : i32 to index
        %parallel_loop3A_346 = arith.index_cast %parallel_loop3A_340 : i32 to index
        %parallel_loop3A_347 = arith.constant 0 : index
        %parallel_loop3A_348 = tpu.vector_load %arg8[%parallel_loop3A_345, %parallel_loop3A_346, %parallel_loop3A_347] {strides = array<i32>} : memref<3x80x128xf32, #tpu.memory_space<vmem>>, vector<1x1x16xf32>,
        %parallel_loop3A_349 = vector.shape_cast %parallel_loop3A_348 : vector<1x1x16xf32> to vector<16xf32>
        %parallel_loop3A_350 = vector.shape_cast %parallel_loop3A_344 : vector<16xf32> to vector<1x1x16xf32>
        tpu.vector_store %arg8[%parallel_loop3A_345, %parallel_loop3A_346, %parallel_loop3A_347], %parallel_loop3A_350 {add = true, strides = array<i32>} : memref<3x80x128xf32, #tpu.memory_space<vmem>>, vector<1x1x16xf32>,
        %parallel_loop3A_351 = arith.constant 14 : i32
        %parallel_loop3A_352 = arith.addi %parallel_loop3A_144, %parallel_loop3A_351 : i32
        %parallel_loop3A_353 = arith.index_cast %parallel_loop3A_180 : i32 to index
        %parallel_loop3A_354 = arith.constant 0 : index
        %parallel_loop3A_355 = tpu.vector_load %arg6[%parallel_loop3A_353, %parallel_loop3A_354] {strides = array<i32>} : memref<64x128xf32, #tpu.memory_space<vmem>>, vector<1x16xf32>,
        %parallel_loop3A_356 = vector.shape_cast %parallel_loop3A_355 : vector<1x16xf32> to vector<16xf32>
        %parallel_loop3A_357 = arith.index_cast %rem3A_101 : i32 to index
        %parallel_loop3A_358 = arith.index_cast %parallel_loop3A_352 : i32 to index
        %parallel_loop3A_359 = arith.constant 0 : index
        %parallel_loop3A_360 = tpu.vector_load %arg8[%parallel_loop3A_357, %parallel_loop3A_358, %parallel_loop3A_359] {strides = array<i32>} : memref<3x80x128xf32, #tpu.memory_space<vmem>>, vector<1x1x16xf32>,
        %parallel_loop3A_361 = vector.shape_cast %parallel_loop3A_360 : vector<1x1x16xf32> to vector<16xf32>
        %parallel_loop3A_362 = vector.shape_cast %parallel_loop3A_356 : vector<16xf32> to vector<1x1x16xf32>
        tpu.vector_store %arg8[%parallel_loop3A_357, %parallel_loop3A_358, %parallel_loop3A_359], %parallel_loop3A_362 {add = true, strides = array<i32>} : memref<3x80x128xf32, #tpu.memory_space<vmem>>, vector<1x1x16xf32>,
        %parallel_loop3A_363 = arith.constant 15 : i32
        %parallel_loop3A_364 = arith.addi %parallel_loop3A_144, %parallel_loop3A_363 : i32
        %parallel_loop3A_365 = arith.index_cast %parallel_loop3A_182 : i32 to index
        %parallel_loop3A_366 = arith.constant 0 : index
        %parallel_loop3A_367 = tpu.vector_load %arg6[%parallel_loop3A_365, %parallel_loop3A_366] {strides = array<i32>} : memref<64x128xf32, #tpu.memory_space<vmem>>, vector<1x16xf32>,
        %parallel_loop3A_368 = vector.shape_cast %parallel_loop3A_367 : vector<1x16xf32> to vector<16xf32>
        %parallel_loop3A_369 = arith.index_cast %rem3A_101 : i32 to index
        %parallel_loop3A_370 = arith.index_cast %parallel_loop3A_364 : i32 to index
        %parallel_loop3A_371 = arith.constant 0 : index
        %parallel_loop3A_372 = tpu.vector_load %arg8[%parallel_loop3A_369, %parallel_loop3A_370, %parallel_loop3A_371] {strides = array<i32>} : memref<3x80x128xf32, #tpu.memory_space<vmem>>, vector<1x1x16xf32>,
        %parallel_loop3A_373 = vector.shape_cast %parallel_loop3A_372 : vector<1x1x16xf32> to vector<16xf32>
        %parallel_loop3A_374 = vector.shape_cast %parallel_loop3A_368 : vector<16xf32> to vector<1x1x16xf32>
        tpu.vector_store %arg8[%parallel_loop3A_369, %parallel_loop3A_370, %parallel_loop3A_371], %parallel_loop3A_374 {add = true, strides = array<i32>} : memref<3x80x128xf32, #tpu.memory_space<vmem>>, vector<1x1x16xf32>,
        %parallel_loop3A_375 = arith.constant 0 : i32
        %parallel_loop3A_376 = arith.addi %parallel_loop3A_144, %parallel_loop3A_375 : i32
        %parallel_loop3A_377 = arith.index_cast %parallel_loop3A_152 : i32 to index
        %parallel_loop3A_378 = arith.constant 16 : index
        %parallel_loop3A_379 = tpu.vector_load %arg6[%parallel_loop3A_377, %parallel_loop3A_378] {strides = array<i32>} : memref<64x128xf32, #tpu.memory_space<vmem>>, vector<1x16xf32>,
        %parallel_loop3A_380 = vector.shape_cast %parallel_loop3A_379 : vector<1x16xf32> to vector<16xf32>
        %parallel_loop3A_381 = arith.index_cast %rem3A_101 : i32 to index
        %parallel_loop3A_382 = arith.index_cast %parallel_loop3A_376 : i32 to index
        %parallel_loop3A_383 = arith.constant 16 : index
        %parallel_loop3A_384 = tpu.vector_load %arg8[%parallel_loop3A_381, %parallel_loop3A_382, %parallel_loop3A_383] {strides = array<i32>} : memref<3x80x128xf32, #tpu.memory_space<vmem>>, vector<1x1x16xf32>,
        %parallel_loop3A_385 = vector.shape_cast %parallel_loop3A_384 : vector<1x1x16xf32> to vector<16xf32>
        %parallel_loop3A_386 = vector.shape_cast %parallel_loop3A_380 : vector<16xf32> to vector<1x1x16xf32>
        tpu.vector_store %arg8[%parallel_loop3A_381, %parallel_loop3A_382, %parallel_loop3A_383], %parallel_loop3A_386 {add = true, strides = array<i32>} : memref<3x80x128xf32, #tpu.memory_space<vmem>>, vector<1x1x16xf32>,
        %parallel_loop3A_387 = arith.constant 1 : i32
        %parallel_loop3A_388 = arith.addi %parallel_loop3A_144, %parallel_loop3A_387 : i32
        %parallel_loop3A_389 = arith.index_cast %parallel_loop3A_154 : i32 to index
        %parallel_loop3A_390 = arith.constant 16 : index
        %parallel_loop3A_391 = tpu.vector_load %arg6[%parallel_loop3A_389, %parallel_loop3A_390] {strides = array<i32>} : memref<64x128xf32, #tpu.memory_space<vmem>>, vector<1x16xf32>,
        %parallel_loop3A_392 = vector.shape_cast %parallel_loop3A_391 : vector<1x16xf32> to vector<16xf32>
        %parallel_loop3A_393 = arith.index_cast %rem3A_101 : i32 to index
        %parallel_loop3A_394 = arith.index_cast %parallel_loop3A_388 : i32 to index
        %parallel_loop3A_395 = arith.constant 16 : index
        %parallel_loop3A_396 = tpu.vector_load %arg8[%parallel_loop3A_393, %parallel_loop3A_394, %parallel_loop3A_395] {strides = array<i32>} : memref<3x80x128xf32, #tpu.memory_space<vmem>>, vector<1x1x16xf32>,
        %parallel_loop3A_397 = vector.shape_cast %parallel_loop3A_396 : vector<1x1x16xf32> to vector<16xf32>
        %parallel_loop3A_398 = vector.shape_cast %parallel_loop3A_392 : vector<16xf32> to vector<1x1x16xf32>
        tpu.vector_store %arg8[%parallel_loop3A_393, %parallel_loop3A_394, %parallel_loop3A_395], %parallel_loop3A_398 {add = true, strides = array<i32>} : memref<3x80x128xf32, #tpu.memory_space<vmem>>, vector<1x1x16xf32>,
        %parallel_loop3A_399 = arith.constant 2 : i32
        %parallel_loop3A_400 = arith.addi %parallel_loop3A_144, %parallel_loop3A_399 : i32
        %parallel_loop3A_401 = arith.index_cast %parallel_loop3A_156 : i32 to index
        %parallel_loop3A_402 = arith.constant 16 : index
        %parallel_loop3A_403 = tpu.vector_load %arg6[%parallel_loop3A_401, %parallel_loop3A_402] {strides = array<i32>} : memref<64x128xf32, #tpu.memory_space<vmem>>, vector<1x16xf32>,
        %parallel_loop3A_404 = vector.shape_cast %parallel_loop3A_403 : vector<1x16xf32> to vector<16xf32>
        %parallel_loop3A_405 = arith.index_cast %rem3A_101 : i32 to index
        %parallel_loop3A_406 = arith.index_cast %parallel_loop3A_400 : i32 to index
        %parallel_loop3A_407 = arith.constant 16 : index
        %parallel_loop3A_408 = tpu.vector_load %arg8[%parallel_loop3A_405, %parallel_loop3A_406, %parallel_loop3A_407] {strides = array<i32>} : memref<3x80x128xf32, #tpu.memory_space<vmem>>, vector<1x1x16xf32>,
        %parallel_loop3A_409 = vector.shape_cast %parallel_loop3A_408 : vector<1x1x16xf32> to vector<16xf32>
        %parallel_loop3A_410 = vector.shape_cast %parallel_loop3A_404 : vector<16xf32> to vector<1x1x16xf32>
        tpu.vector_store %arg8[%parallel_loop3A_405, %parallel_loop3A_406, %parallel_loop3A_407], %parallel_loop3A_410 {add = true, strides = array<i32>} : memref<3x80x128xf32, #tpu.memory_space<vmem>>, vector<1x1x16xf32>,
        %parallel_loop3A_411 = arith.constant 3 : i32
        %parallel_loop3A_412 = arith.addi %parallel_loop3A_144, %parallel_loop3A_411 : i32
        %parallel_loop3A_413 = arith.index_cast %parallel_loop3A_158 : i32 to index
        %parallel_loop3A_414 = arith.constant 16 : index
        %parallel_loop3A_415 = tpu.vector_load %arg6[%parallel_loop3A_413, %parallel_loop3A_414] {strides = array<i32>} : memref<64x128xf32, #tpu.memory_space<vmem>>, vector<1x16xf32>,
        %parallel_loop3A_416 = vector.shape_cast %parallel_loop3A_415 : vector<1x16xf32> to vector<16xf32>
        %parallel_loop3A_417 = arith.index_cast %rem3A_101 : i32 to index
        %parallel_loop3A_418 = arith.index_cast %parallel_loop3A_412 : i32 to index
        %parallel_loop3A_419 = arith.constant 16 : index
        %parallel_loop3A_420 = tpu.vector_load %arg8[%parallel_loop3A_417, %parallel_loop3A_418, %parallel_loop3A_419] {strides = array<i32>} : memref<3x80x128xf32, #tpu.memory_space<vmem>>, vector<1x1x16xf32>,
        %parallel_loop3A_421 = vector.shape_cast %parallel_loop3A_420 : vector<1x1x16xf32> to vector<16xf32>
        %parallel_loop3A_422 = vector.shape_cast %parallel_loop3A_416 : vector<16xf32> to vector<1x1x16xf32>
        tpu.vector_store %arg8[%parallel_loop3A_417, %parallel_loop3A_418, %parallel_loop3A_419], %parallel_loop3A_422 {add = true, strides = array<i32>} : memref<3x80x128xf32, #tpu.memory_space<vmem>>, vector<1x1x16xf32>,
        %parallel_loop3A_423 = arith.constant 4 : i32
        %parallel_loop3A_424 = arith.addi %parallel_loop3A_144, %parallel_loop3A_423 : i32
        %parallel_loop3A_425 = arith.index_cast %parallel_loop3A_160 : i32 to index
        %parallel_loop3A_426 = arith.constant 16 : index
        %parallel_loop3A_427 = tpu.vector_load %arg6[%parallel_loop3A_425, %parallel_loop3A_426] {strides = array<i32>} : memref<64x128xf32, #tpu.memory_space<vmem>>, vector<1x16xf32>,
        %parallel_loop3A_428 = vector.shape_cast %parallel_loop3A_427 : vector<1x16xf32> to vector<16xf32>
        %parallel_loop3A_429 = arith.index_cast %rem3A_101 : i32 to index
        %parallel_loop3A_430 = arith.index_cast %parallel_loop3A_424 : i32 to index
        %parallel_loop3A_431 = arith.constant 16 : index
        %parallel_loop3A_432 = tpu.vector_load %arg8[%parallel_loop3A_429, %parallel_loop3A_430, %parallel_loop3A_431] {strides = array<i32>} : memref<3x80x128xf32, #tpu.memory_space<vmem>>, vector<1x1x16xf32>,
        %parallel_loop3A_433 = vector.shape_cast %parallel_loop3A_432 : vector<1x1x16xf32> to vector<16xf32>
        %parallel_loop3A_434 = vector.shape_cast %parallel_loop3A_428 : vector<16xf32> to vector<1x1x16xf32>
        tpu.vector_store %arg8[%parallel_loop3A_429, %parallel_loop3A_430, %parallel_loop3A_431], %parallel_loop3A_434 {add = true, strides = array<i32>} : memref<3x80x128xf32, #tpu.memory_space<vmem>>, vector<1x1x16xf32>,
        %parallel_loop3A_435 = arith.constant 5 : i32
        %parallel_loop3A_436 = arith.addi %parallel_loop3A_144, %parallel_loop3A_435 : i32
        %parallel_loop3A_437 = arith.index_cast %parallel_loop3A_162 : i32 to index
        %parallel_loop3A_438 = arith.constant 16 : index
        %parallel_loop3A_439 = tpu.vector_load %arg6[%parallel_loop3A_437, %parallel_loop3A_438] {strides = array<i32>} : memref<64x128xf32, #tpu.memory_space<vmem>>, vector<1x16xf32>,
        %parallel_loop3A_440 = vector.shape_cast %parallel_loop3A_439 : vector<1x16xf32> to vector<16xf32>
        %parallel_loop3A_441 = arith.index_cast %rem3A_101 : i32 to index
        %parallel_loop3A_442 = arith.index_cast %parallel_loop3A_436 : i32 to index
        %parallel_loop3A_443 = arith.constant 16 : index
        %parallel_loop3A_444 = tpu.vector_load %arg8[%parallel_loop3A_441, %parallel_loop3A_442, %parallel_loop3A_443] {strides = array<i32>} : memref<3x80x128xf32, #tpu.memory_space<vmem>>, vector<1x1x16xf32>,
        %parallel_loop3A_445 = vector.shape_cast %parallel_loop3A_444 : vector<1x1x16xf32> to vector<16xf32>
        %parallel_loop3A_446 = vector.shape_cast %parallel_loop3A_440 : vector<16xf32> to vector<1x1x16xf32>
        tpu.vector_store %arg8[%parallel_loop3A_441, %parallel_loop3A_442, %parallel_loop3A_443], %parallel_loop3A_446 {add = true, strides = array<i32>} : memref<3x80x128xf32, #tpu.memory_space<vmem>>, vector<1x1x16xf32>,
        %parallel_loop3A_447 = arith.constant 6 : i32
        %parallel_loop3A_448 = arith.addi %parallel_loop3A_144, %parallel_loop3A_447 : i32
        %parallel_loop3A_449 = arith.index_cast %parallel_loop3A_164 : i32 to index
        %parallel_loop3A_450 = arith.constant 16 : index
        %parallel_loop3A_451 = tpu.vector_load %arg6[%parallel_loop3A_449, %parallel_loop3A_450] {strides = array<i32>} : memref<64x128xf32, #tpu.memory_space<vmem>>, vector<1x16xf32>,
        %parallel_loop3A_452 = vector.shape_cast %parallel_loop3A_451 : vector<1x16xf32> to vector<16xf32>
        %parallel_loop3A_453 = arith.index_cast %rem3A_101 : i32 to index
        %parallel_loop3A_454 = arith.index_cast %parallel_loop3A_448 : i32 to index
        %parallel_loop3A_455 = arith.constant 16 : index
        %parallel_loop3A_456 = tpu.vector_load %arg8[%parallel_loop3A_453, %parallel_loop3A_454, %parallel_loop3A_455] {strides = array<i32>} : memref<3x80x128xf32, #tpu.memory_space<vmem>>, vector<1x1x16xf32>,
        %parallel_loop3A_457 = vector.shape_cast %parallel_loop3A_456 : vector<1x1x16xf32> to vector<16xf32>
        %parallel_loop3A_458 = vector.shape_cast %parallel_loop3A_452 : vector<16xf32> to vector<1x1x16xf32>
        tpu.vector_store %arg8[%parallel_loop3A_453, %parallel_loop3A_454, %parallel_loop3A_455], %parallel_loop3A_458 {add = true, strides = array<i32>} : memref<3x80x128xf32, #tpu.memory_space<vmem>>, vector<1x1x16xf32>,
        %parallel_loop3A_459 = arith.constant 7 : i32
        %parallel_loop3A_460 = arith.addi %parallel_loop3A_144, %parallel_loop3A_459 : i32
        %parallel_loop3A_461 = arith.index_cast %parallel_loop3A_166 : i32 to index
        %parallel_loop3A_462 = arith.constant 16 : index
        %parallel_loop3A_463 = tpu.vector_load %arg6[%parallel_loop3A_461, %parallel_loop3A_462] {strides = array<i32>} : memref<64x128xf32, #tpu.memory_space<vmem>>, vector<1x16xf32>,
        %parallel_loop3A_464 = vector.shape_cast %parallel_loop3A_463 : vector<1x16xf32> to vector<16xf32>
        %parallel_loop3A_465 = arith.index_cast %rem3A_101 : i32 to index
        %parallel_loop3A_466 = arith.index_cast %parallel_loop3A_460 : i32 to index
        %parallel_loop3A_467 = arith.constant 16 : index
        %parallel_loop3A_468 = tpu.vector_load %arg8[%parallel_loop3A_465, %parallel_loop3A_466, %parallel_loop3A_467] {strides = array<i32>} : memref<3x80x128xf32, #tpu.memory_space<vmem>>, vector<1x1x16xf32>,
        %parallel_loop3A_469 = vector.shape_cast %parallel_loop3A_468 : vector<1x1x16xf32> to vector<16xf32>
        %parallel_loop3A_470 = vector.shape_cast %parallel_loop3A_464 : vector<16xf32> to vector<1x1x16xf32>
        tpu.vector_store %arg8[%parallel_loop3A_465, %parallel_loop3A_466, %parallel_loop3A_467], %parallel_loop3A_470 {add = true, strides = array<i32>} : memref<3x80x128xf32, #tpu.memory_space<vmem>>, vector<1x1x16xf32>,
        %parallel_loop3A_471 = arith.constant 8 : i32
        %parallel_loop3A_472 = arith.addi %parallel_loop3A_144, %parallel_loop3A_471 : i32
        %parallel_loop3A_473 = arith.index_cast %parallel_loop3A_168 : i32 to index
        %parallel_loop3A_474 = arith.constant 16 : index
        %parallel_loop3A_475 = tpu.vector_load %arg6[%parallel_loop3A_473, %parallel_loop3A_474] {strides = array<i32>} : memref<64x128xf32, #tpu.memory_space<vmem>>, vector<1x16xf32>,
        %parallel_loop3A_476 = vector.shape_cast %parallel_loop3A_475 : vector<1x16xf32> to vector<16xf32>
        %parallel_loop3A_477 = arith.index_cast %rem3A_101 : i32 to index
        %parallel_loop3A_478 = arith.index_cast %parallel_loop3A_472 : i32 to index
        %parallel_loop3A_479 = arith.constant 16 : index
        %parallel_loop3A_480 = tpu.vector_load %arg8[%parallel_loop3A_477, %parallel_loop3A_478, %parallel_loop3A_479] {strides = array<i32>} : memref<3x80x128xf32, #tpu.memory_space<vmem>>, vector<1x1x16xf32>,
        %parallel_loop3A_481 = vector.shape_cast %parallel_loop3A_480 : vector<1x1x16xf32> to vector<16xf32>
        %parallel_loop3A_482 = vector.shape_cast %parallel_loop3A_476 : vector<16xf32> to vector<1x1x16xf32>
        tpu.vector_store %arg8[%parallel_loop3A_477, %parallel_loop3A_478, %parallel_loop3A_479], %parallel_loop3A_482 {add = true, strides = array<i32>} : memref<3x80x128xf32, #tpu.memory_space<vmem>>, vector<1x1x16xf32>,
        %parallel_loop3A_483 = arith.constant 9 : i32
        %parallel_loop3A_484 = arith.addi %parallel_loop3A_144, %parallel_loop3A_483 : i32
        %parallel_loop3A_485 = arith.index_cast %parallel_loop3A_170 : i32 to index
        %parallel_loop3A_486 = arith.constant 16 : index
        %parallel_loop3A_487 = tpu.vector_load %arg6[%parallel_loop3A_485, %parallel_loop3A_486] {strides = array<i32>} : memref<64x128xf32, #tpu.memory_space<vmem>>, vector<1x16xf32>,
        %parallel_loop3A_488 = vector.shape_cast %parallel_loop3A_487 : vector<1x16xf32> to vector<16xf32>
        %parallel_loop3A_489 = arith.index_cast %rem3A_101 : i32 to index
        %parallel_loop3A_490 = arith.index_cast %parallel_loop3A_484 : i32 to index
        %parallel_loop3A_491 = arith.constant 16 : index
        %parallel_loop3A_492 = tpu.vector_load %arg8[%parallel_loop3A_489, %parallel_loop3A_490, %parallel_loop3A_491] {strides = array<i32>} : memref<3x80x128xf32, #tpu.memory_space<vmem>>, vector<1x1x16xf32>,
        %parallel_loop3A_493 = vector.shape_cast %parallel_loop3A_492 : vector<1x1x16xf32> to vector<16xf32>
        %parallel_loop3A_494 = vector.shape_cast %parallel_loop3A_488 : vector<16xf32> to vector<1x1x16xf32>
        tpu.vector_store %arg8[%parallel_loop3A_489, %parallel_loop3A_490, %parallel_loop3A_491], %parallel_loop3A_494 {add = true, strides = array<i32>} : memref<3x80x128xf32, #tpu.memory_space<vmem>>, vector<1x1x16xf32>,
        %parallel_loop3A_495 = arith.constant 10 : i32
        %parallel_loop3A_496 = arith.addi %parallel_loop3A_144, %parallel_loop3A_495 : i32
        %parallel_loop3A_497 = arith.index_cast %parallel_loop3A_172 : i32 to index
        %parallel_loop3A_498 = arith.constant 16 : index
        %parallel_loop3A_499 = tpu.vector_load %arg6[%parallel_loop3A_497, %parallel_loop3A_498] {strides = array<i32>} : memref<64x128xf32, #tpu.memory_space<vmem>>, vector<1x16xf32>,
        %parallel_loop3A_500 = vector.shape_cast %parallel_loop3A_499 : vector<1x16xf32> to vector<16xf32>
        %parallel_loop3A_501 = arith.index_cast %rem3A_101 : i32 to index
        %parallel_loop3A_502 = arith.index_cast %parallel_loop3A_496 : i32 to index
        %parallel_loop3A_503 = arith.constant 16 : index
        %parallel_loop3A_504 = tpu.vector_load %arg8[%parallel_loop3A_501, %parallel_loop3A_502, %parallel_loop3A_503] {strides = array<i32>} : memref<3x80x128xf32, #tpu.memory_space<vmem>>, vector<1x1x16xf32>,
        %parallel_loop3A_505 = vector.shape_cast %parallel_loop3A_504 : vector<1x1x16xf32> to vector<16xf32>
        %parallel_loop3A_506 = vector.shape_cast %parallel_loop3A_500 : vector<16xf32> to vector<1x1x16xf32>
        tpu.vector_store %arg8[%parallel_loop3A_501, %parallel_loop3A_502, %parallel_loop3A_503], %parallel_loop3A_506 {add = true, strides = array<i32>} : memref<3x80x128xf32, #tpu.memory_space<vmem>>, vector<1x1x16xf32>,
        %parallel_loop3A_507 = arith.constant 11 : i32
        %parallel_loop3A_508 = arith.addi %parallel_loop3A_144, %parallel_loop3A_507 : i32
        %parallel_loop3A_509 = arith.index_cast %parallel_loop3A_174 : i32 to index
        %parallel_loop3A_510 = arith.constant 16 : index
        %parallel_loop3A_511 = tpu.vector_load %arg6[%parallel_loop3A_509, %parallel_loop3A_510] {strides = array<i32>} : memref<64x128xf32, #tpu.memory_space<vmem>>, vector<1x16xf32>,
        %parallel_loop3A_512 = vector.shape_cast %parallel_loop3A_511 : vector<1x16xf32> to vector<16xf32>
        %parallel_loop3A_513 = arith.index_cast %rem3A_101 : i32 to index
        %parallel_loop3A_514 = arith.index_cast %parallel_loop3A_508 : i32 to index
        %parallel_loop3A_515 = arith.constant 16 : index
        %parallel_loop3A_516 = tpu.vector_load %arg8[%parallel_loop3A_513, %parallel_loop3A_514, %parallel_loop3A_515] {strides = array<i32>} : memref<3x80x128xf32, #tpu.memory_space<vmem>>, vector<1x1x16xf32>,
        %parallel_loop3A_517 = vector.shape_cast %parallel_loop3A_516 : vector<1x1x16xf32> to vector<16xf32>
        %parallel_loop3A_518 = vector.shape_cast %parallel_loop3A_512 : vector<16xf32> to vector<1x1x16xf32>
        tpu.vector_store %arg8[%parallel_loop3A_513, %parallel_loop3A_514, %parallel_loop3A_515], %parallel_loop3A_518 {add = true, strides = array<i32>} : memref<3x80x128xf32, #tpu.memory_space<vmem>>, vector<1x1x16xf32>,
        %parallel_loop3A_519 = arith.constant 12 : i32
        %parallel_loop3A_520 = arith.addi %parallel_loop3A_144, %parallel_loop3A_519 : i32
        %parallel_loop3A_521 = arith.index_cast %parallel_loop3A_176 : i32 to index
        %parallel_loop3A_522 = arith.constant 16 : index
        %parallel_loop3A_523 = tpu.vector_load %arg6[%parallel_loop3A_521, %parallel_loop3A_522] {strides = array<i32>} : memref<64x128xf32, #tpu.memory_space<vmem>>, vector<1x16xf32>,
        %parallel_loop3A_524 = vector.shape_cast %parallel_loop3A_523 : vector<1x16xf32> to vector<16xf32>
        %parallel_loop3A_525 = arith.index_cast %rem3A_101 : i32 to index
        %parallel_loop3A_526 = arith.index_cast %parallel_loop3A_520 : i32 to index
        %parallel_loop3A_527 = arith.constant 16 : index
        %parallel_loop3A_528 = tpu.vector_load %arg8[%parallel_loop3A_525, %parallel_loop3A_526, %parallel_loop3A_527] {strides = array<i32>} : memref<3x80x128xf32, #tpu.memory_space<vmem>>, vector<1x1x16xf32>,
        %parallel_loop3A_529 = vector.shape_cast %parallel_loop3A_528 : vector<1x1x16xf32> to vector<16xf32>
        %parallel_loop3A_530 = vector.shape_cast %parallel_loop3A_524 : vector<16xf32> to vector<1x1x16xf32>
        tpu.vector_store %arg8[%parallel_loop3A_525, %parallel_loop3A_526, %parallel_loop3A_527], %parallel_loop3A_530 {add = true, strides = array<i32>} : memref<3x80x128xf32, #tpu.memory_space<vmem>>, vector<1x1x16xf32>,
        %parallel_loop3A_531 = arith.constant 13 : i32
        %parallel_loop3A_532 = arith.addi %parallel_loop3A_144, %parallel_loop3A_531 : i32
        %parallel_loop3A_533 = arith.index_cast %parallel_loop3A_178 : i32 to index
        %parallel_loop3A_534 = arith.constant 16 : index
        %parallel_loop3A_535 = tpu.vector_load %arg6[%parallel_loop3A_533, %parallel_loop3A_534] {strides = array<i32>} : memref<64x128xf32, #tpu.memory_space<vmem>>, vector<1x16xf32>,
        %parallel_loop3A_536 = vector.shape_cast %parallel_loop3A_535 : vector<1x16xf32> to vector<16xf32>
        %parallel_loop3A_537 = arith.index_cast %rem3A_101 : i32 to index
        %parallel_loop3A_538 = arith.index_cast %parallel_loop3A_532 : i32 to index
        %parallel_loop3A_539 = arith.constant 16 : index
        %parallel_loop3A_540 = tpu.vector_load %arg8[%parallel_loop3A_537, %parallel_loop3A_538, %parallel_loop3A_539] {strides = array<i32>} : memref<3x80x128xf32, #tpu.memory_space<vmem>>, vector<1x1x16xf32>,
        %parallel_loop3A_541 = vector.shape_cast %parallel_loop3A_540 : vector<1x1x16xf32> to vector<16xf32>
        %parallel_loop3A_542 = vector.shape_cast %parallel_loop3A_536 : vector<16xf32> to vector<1x1x16xf32>
        tpu.vector_store %arg8[%parallel_loop3A_537, %parallel_loop3A_538, %parallel_loop3A_539], %parallel_loop3A_542 {add = true, strides = array<i32>} : memref<3x80x128xf32, #tpu.memory_space<vmem>>, vector<1x1x16xf32>,
        %parallel_loop3A_543 = arith.constant 14 : i32
        %parallel_loop3A_544 = arith.addi %parallel_loop3A_144, %parallel_loop3A_543 : i32
        %parallel_loop3A_545 = arith.index_cast %parallel_loop3A_180 : i32 to index
        %parallel_loop3A_546 = arith.constant 16 : index
        %parallel_loop3A_547 = tpu.vector_load %arg6[%parallel_loop3A_545, %parallel_loop3A_546] {strides = array<i32>} : memref<64x128xf32, #tpu.memory_space<vmem>>, vector<1x16xf32>,
        %parallel_loop3A_548 = vector.shape_cast %parallel_loop3A_547 : vector<1x16xf32> to vector<16xf32>
        %parallel_loop3A_549 = arith.index_cast %rem3A_101 : i32 to index
        %parallel_loop3A_550 = arith.index_cast %parallel_loop3A_544 : i32 to index
        %parallel_loop3A_551 = arith.constant 16 : index
        %parallel_loop3A_552 = tpu.vector_load %arg8[%parallel_loop3A_549, %parallel_loop3A_550, %parallel_loop3A_551] {strides = array<i32>} : memref<3x80x128xf32, #tpu.memory_space<vmem>>, vector<1x1x16xf32>,
        %parallel_loop3A_553 = vector.shape_cast %parallel_loop3A_552 : vector<1x1x16xf32> to vector<16xf32>
        %parallel_loop3A_554 = vector.shape_cast %parallel_loop3A_548 : vector<16xf32> to vector<1x1x16xf32>
        tpu.vector_store %arg8[%parallel_loop3A_549, %parallel_loop3A_550, %parallel_loop3A_551], %parallel_loop3A_554 {add = true, strides = array<i32>} : memref<3x80x128xf32, #tpu.memory_space<vmem>>, vector<1x1x16xf32>,
        %parallel_loop3A_555 = arith.constant 15 : i32
        %parallel_loop3A_556 = arith.addi %parallel_loop3A_144, %parallel_loop3A_555 : i32
        %parallel_loop3A_557 = arith.index_cast %parallel_loop3A_182 : i32 to index
        %parallel_loop3A_558 = arith.constant 16 : index
        %parallel_loop3A_559 = tpu.vector_load %arg6[%parallel_loop3A_557, %parallel_loop3A_558] {strides = array<i32>} : memref<64x128xf32, #tpu.memory_space<vmem>>, vector<1x16xf32>,
        %parallel_loop3A_560 = vector.shape_cast %parallel_loop3A_559 : vector<1x16xf32> to vector<16xf32>
        %parallel_loop3A_561 = arith.index_cast %rem3A_101 : i32 to index
        %parallel_loop3A_562 = arith.index_cast %parallel_loop3A_556 : i32 to index
        %parallel_loop3A_563 = arith.constant 16 : index
        %parallel_loop3A_564 = tpu.vector_load %arg8[%parallel_loop3A_561, %parallel_loop3A_562, %parallel_loop3A_563] {strides = array<i32>} : memref<3x80x128xf32, #tpu.memory_space<vmem>>, vector<1x1x16xf32>,
        %parallel_loop3A_565 = vector.shape_cast %parallel_loop3A_564 : vector<1x1x16xf32> to vector<16xf32>
        %parallel_loop3A_566 = vector.shape_cast %parallel_loop3A_560 : vector<16xf32> to vector<1x1x16xf32>
        tpu.vector_store %arg8[%parallel_loop3A_561, %parallel_loop3A_562, %parallel_loop3A_563], %parallel_loop3A_566 {add = true, strides = array<i32>} : memref<3x80x128xf32, #tpu.memory_space<vmem>>, vector<1x1x16xf32>,
        %parallel_loop3A_567 = arith.constant 0 : i32
        %parallel_loop3A_568 = arith.addi %parallel_loop3A_144, %parallel_loop3A_567 : i32
        %parallel_loop3A_569 = arith.index_cast %parallel_loop3A_152 : i32 to index
        %parallel_loop3A_570 = arith.constant 32 : index
        %parallel_loop3A_571 = tpu.vector_load %arg6[%parallel_loop3A_569, %parallel_loop3A_570] {strides = array<i32>} : memref<64x128xf32, #tpu.memory_space<vmem>>, vector<1x16xf32>,
        %parallel_loop3A_572 = vector.shape_cast %parallel_loop3A_571 : vector<1x16xf32> to vector<16xf32>
        %parallel_loop3A_573 = arith.index_cast %rem3A_101 : i32 to index
        %parallel_loop3A_574 = arith.index_cast %parallel_loop3A_568 : i32 to index
        %parallel_loop3A_575 = arith.constant 32 : index
        %parallel_loop3A_576 = tpu.vector_load %arg8[%parallel_loop3A_573, %parallel_loop3A_574, %parallel_loop3A_575] {strides = array<i32>} : memref<3x80x128xf32, #tpu.memory_space<vmem>>, vector<1x1x16xf32>,
        %parallel_loop3A_577 = vector.shape_cast %parallel_loop3A_576 : vector<1x1x16xf32> to vector<16xf32>
        %parallel_loop3A_578 = vector.shape_cast %parallel_loop3A_572 : vector<16xf32> to vector<1x1x16xf32>
        tpu.vector_store %arg8[%parallel_loop3A_573, %parallel_loop3A_574, %parallel_loop3A_575], %parallel_loop3A_578 {add = true, strides = array<i32>} : memref<3x80x128xf32, #tpu.memory_space<vmem>>, vector<1x1x16xf32>,
        %parallel_loop3A_579 = arith.constant 1 : i32
        %parallel_loop3A_580 = arith.addi %parallel_loop3A_144, %parallel_loop3A_579 : i32
        %parallel_loop3A_581 = arith.index_cast %parallel_loop3A_154 : i32 to index
        %parallel_loop3A_582 = arith.constant 32 : index
        %parallel_loop3A_583 = tpu.vector_load %arg6[%parallel_loop3A_581, %parallel_loop3A_582] {strides = array<i32>} : memref<64x128xf32, #tpu.memory_space<vmem>>, vector<1x16xf32>,
        %parallel_loop3A_584 = vector.shape_cast %parallel_loop3A_583 : vector<1x16xf32> to vector<16xf32>
        %parallel_loop3A_585 = arith.index_cast %rem3A_101 : i32 to index
        %parallel_loop3A_586 = arith.index_cast %parallel_loop3A_580 : i32 to index
        %parallel_loop3A_587 = arith.constant 32 : index
        %parallel_loop3A_588 = tpu.vector_load %arg8[%parallel_loop3A_585, %parallel_loop3A_586, %parallel_loop3A_587] {strides = array<i32>} : memref<3x80x128xf32, #tpu.memory_space<vmem>>, vector<1x1x16xf32>,
        %parallel_loop3A_589 = vector.shape_cast %parallel_loop3A_588 : vector<1x1x16xf32> to vector<16xf32>
        %parallel_loop3A_590 = vector.shape_cast %parallel_loop3A_584 : vector<16xf32> to vector<1x1x16xf32>
        tpu.vector_store %arg8[%parallel_loop3A_585, %parallel_loop3A_586, %parallel_loop3A_587], %parallel_loop3A_590 {add = true, strides = array<i32>} : memref<3x80x128xf32, #tpu.memory_space<vmem>>, vector<1x1x16xf32>,
        %parallel_loop3A_591 = arith.constant 2 : i32
        %parallel_loop3A_592 = arith.addi %parallel_loop3A_144, %parallel_loop3A_591 : i32
        %parallel_loop3A_593 = arith.index_cast %parallel_loop3A_156 : i32 to index
        %parallel_loop3A_594 = arith.constant 32 : index
        %parallel_loop3A_595 = tpu.vector_load %arg6[%parallel_loop3A_593, %parallel_loop3A_594] {strides = array<i32>} : memref<64x128xf32, #tpu.memory_space<vmem>>, vector<1x16xf32>,
        %parallel_loop3A_596 = vector.shape_cast %parallel_loop3A_595 : vector<1x16xf32> to vector<16xf32>
        %parallel_loop3A_597 = arith.index_cast %rem3A_101 : i32 to index
        %parallel_loop3A_598 = arith.index_cast %parallel_loop3A_592 : i32 to index
        %parallel_loop3A_599 = arith.constant 32 : index
        %parallel_loop3A_600 = tpu.vector_load %arg8[%parallel_loop3A_597, %parallel_loop3A_598, %parallel_loop3A_599] {strides = array<i32>} : memref<3x80x128xf32, #tpu.memory_space<vmem>>, vector<1x1x16xf32>,
        %parallel_loop3A_601 = vector.shape_cast %parallel_loop3A_600 : vector<1x1x16xf32> to vector<16xf32>
        %parallel_loop3A_602 = vector.shape_cast %parallel_loop3A_596 : vector<16xf32> to vector<1x1x16xf32>
        tpu.vector_store %arg8[%parallel_loop3A_597, %parallel_loop3A_598, %parallel_loop3A_599], %parallel_loop3A_602 {add = true, strides = array<i32>} : memref<3x80x128xf32, #tpu.memory_space<vmem>>, vector<1x1x16xf32>,
        %parallel_loop3A_603 = arith.constant 3 : i32
        %parallel_loop3A_604 = arith.addi %parallel_loop3A_144, %parallel_loop3A_603 : i32
        %parallel_loop3A_605 = arith.index_cast %parallel_loop3A_158 : i32 to index
        %parallel_loop3A_606 = arith.constant 32 : index
        %parallel_loop3A_607 = tpu.vector_load %arg6[%parallel_loop3A_605, %parallel_loop3A_606] {strides = array<i32>} : memref<64x128xf32, #tpu.memory_space<vmem>>, vector<1x16xf32>,
        %parallel_loop3A_608 = vector.shape_cast %parallel_loop3A_607 : vector<1x16xf32> to vector<16xf32>
        %parallel_loop3A_609 = arith.index_cast %rem3A_101 : i32 to index
        %parallel_loop3A_610 = arith.index_cast %parallel_loop3A_604 : i32 to index
        %parallel_loop3A_611 = arith.constant 32 : index
        %parallel_loop3A_612 = tpu.vector_load %arg8[%parallel_loop3A_609, %parallel_loop3A_610, %parallel_loop3A_611] {strides = array<i32>} : memref<3x80x128xf32, #tpu.memory_space<vmem>>, vector<1x1x16xf32>,
        %parallel_loop3A_613 = vector.shape_cast %parallel_loop3A_612 : vector<1x1x16xf32> to vector<16xf32>
        %parallel_loop3A_614 = vector.shape_cast %parallel_loop3A_608 : vector<16xf32> to vector<1x1x16xf32>
        tpu.vector_store %arg8[%parallel_loop3A_609, %parallel_loop3A_610, %parallel_loop3A_611], %parallel_loop3A_614 {add = true, strides = array<i32>} : memref<3x80x128xf32, #tpu.memory_space<vmem>>, vector<1x1x16xf32>,
        %parallel_loop3A_615 = arith.constant 4 : i32
        %parallel_loop3A_616 = arith.addi %parallel_loop3A_144, %parallel_loop3A_615 : i32
        %parallel_loop3A_617 = arith.index_cast %parallel_loop3A_160 : i32 to index
        %parallel_loop3A_618 = arith.constant 32 : index
        %parallel_loop3A_619 = tpu.vector_load %arg6[%parallel_loop3A_617, %parallel_loop3A_618] {strides = array<i32>} : memref<64x128xf32, #tpu.memory_space<vmem>>, vector<1x16xf32>,
        %parallel_loop3A_620 = vector.shape_cast %parallel_loop3A_619 : vector<1x16xf32> to vector<16xf32>
        %parallel_loop3A_621 = arith.index_cast %rem3A_101 : i32 to index
        %parallel_loop3A_622 = arith.index_cast %parallel_loop3A_616 : i32 to index
        %parallel_loop3A_623 = arith.constant 32 : index
        %parallel_loop3A_624 = tpu.vector_load %arg8[%parallel_loop3A_621, %parallel_loop3A_622, %parallel_loop3A_623] {strides = array<i32>} : memref<3x80x128xf32, #tpu.memory_space<vmem>>, vector<1x1x16xf32>,
        %parallel_loop3A_625 = vector.shape_cast %parallel_loop3A_624 : vector<1x1x16xf32> to vector<16xf32>
        %parallel_loop3A_626 = vector.shape_cast %parallel_loop3A_620 : vector<16xf32> to vector<1x1x16xf32>
        tpu.vector_store %arg8[%parallel_loop3A_621, %parallel_loop3A_622, %parallel_loop3A_623], %parallel_loop3A_626 {add = true, strides = array<i32>} : memref<3x80x128xf32, #tpu.memory_space<vmem>>, vector<1x1x16xf32>,
        %parallel_loop3A_627 = arith.constant 5 : i32
        %parallel_loop3A_628 = arith.addi %parallel_loop3A_144, %parallel_loop3A_627 : i32
        %parallel_loop3A_629 = arith.index_cast %parallel_loop3A_162 : i32 to index
        %parallel_loop3A_630 = arith.constant 32 : index
        %parallel_loop3A_631 = tpu.vector_load %arg6[%parallel_loop3A_629, %parallel_loop3A_630] {strides = array<i32>} : memref<64x128xf32, #tpu.memory_space<vmem>>, vector<1x16xf32>,
        %parallel_loop3A_632 = vector.shape_cast %parallel_loop3A_631 : vector<1x16xf32> to vector<16xf32>
        %parallel_loop3A_633 = arith.index_cast %rem3A_101 : i32 to index
        %parallel_loop3A_634 = arith.index_cast %parallel_loop3A_628 : i32 to index
        %parallel_loop3A_635 = arith.constant 32 : index
        %parallel_loop3A_636 = tpu.vector_load %arg8[%parallel_loop3A_633, %parallel_loop3A_634, %parallel_loop3A_635] {strides = array<i32>} : memref<3x80x128xf32, #tpu.memory_space<vmem>>, vector<1x1x16xf32>,
        %parallel_loop3A_637 = vector.shape_cast %parallel_loop3A_636 : vector<1x1x16xf32> to vector<16xf32>
        %parallel_loop3A_638 = vector.shape_cast %parallel_loop3A_632 : vector<16xf32> to vector<1x1x16xf32>
        tpu.vector_store %arg8[%parallel_loop3A_633, %parallel_loop3A_634, %parallel_loop3A_635], %parallel_loop3A_638 {add = true, strides = array<i32>} : memref<3x80x128xf32, #tpu.memory_space<vmem>>, vector<1x1x16xf32>,
        %parallel_loop3A_639 = arith.constant 6 : i32
        %parallel_loop3A_640 = arith.addi %parallel_loop3A_144, %parallel_loop3A_639 : i32
        %parallel_loop3A_641 = arith.index_cast %parallel_loop3A_164 : i32 to index
        %parallel_loop3A_642 = arith.constant 32 : index
        %parallel_loop3A_643 = tpu.vector_load %arg6[%parallel_loop3A_641, %parallel_loop3A_642] {strides = array<i32>} : memref<64x128xf32, #tpu.memory_space<vmem>>, vector<1x16xf32>,
        %parallel_loop3A_644 = vector.shape_cast %parallel_loop3A_643 : vector<1x16xf32> to vector<16xf32>
        %parallel_loop3A_645 = arith.index_cast %rem3A_101 : i32 to index
        %parallel_loop3A_646 = arith.index_cast %parallel_loop3A_640 : i32 to index
        %parallel_loop3A_647 = arith.constant 32 : index
        %parallel_loop3A_648 = tpu.vector_load %arg8[%parallel_loop3A_645, %parallel_loop3A_646, %parallel_loop3A_647] {strides = array<i32>} : memref<3x80x128xf32, #tpu.memory_space<vmem>>, vector<1x1x16xf32>,
        %parallel_loop3A_649 = vector.shape_cast %parallel_loop3A_648 : vector<1x1x16xf32> to vector<16xf32>
        %parallel_loop3A_650 = vector.shape_cast %parallel_loop3A_644 : vector<16xf32> to vector<1x1x16xf32>
        tpu.vector_store %arg8[%parallel_loop3A_645, %parallel_loop3A_646, %parallel_loop3A_647], %parallel_loop3A_650 {add = true, strides = array<i32>} : memref<3x80x128xf32, #tpu.memory_space<vmem>>, vector<1x1x16xf32>,
        %parallel_loop3A_651 = arith.constant 7 : i32
        %parallel_loop3A_652 = arith.addi %parallel_loop3A_144, %parallel_loop3A_651 : i32
        %parallel_loop3A_653 = arith.index_cast %parallel_loop3A_166 : i32 to index
        %parallel_loop3A_654 = arith.constant 32 : index
        %parallel_loop3A_655 = tpu.vector_load %arg6[%parallel_loop3A_653, %parallel_loop3A_654] {strides = array<i32>} : memref<64x128xf32, #tpu.memory_space<vmem>>, vector<1x16xf32>,
        %parallel_loop3A_656 = vector.shape_cast %parallel_loop3A_655 : vector<1x16xf32> to vector<16xf32>
        %parallel_loop3A_657 = arith.index_cast %rem3A_101 : i32 to index
        %parallel_loop3A_658 = arith.index_cast %parallel_loop3A_652 : i32 to index
        %parallel_loop3A_659 = arith.constant 32 : index
        %parallel_loop3A_660 = tpu.vector_load %arg8[%parallel_loop3A_657, %parallel_loop3A_658, %parallel_loop3A_659] {strides = array<i32>} : memref<3x80x128xf32, #tpu.memory_space<vmem>>, vector<1x1x16xf32>,
        %parallel_loop3A_661 = vector.shape_cast %parallel_loop3A_660 : vector<1x1x16xf32> to vector<16xf32>
        %parallel_loop3A_662 = vector.shape_cast %parallel_loop3A_656 : vector<16xf32> to vector<1x1x16xf32>
        tpu.vector_store %arg8[%parallel_loop3A_657, %parallel_loop3A_658, %parallel_loop3A_659], %parallel_loop3A_662 {add = true, strides = array<i32>} : memref<3x80x128xf32, #tpu.memory_space<vmem>>, vector<1x1x16xf32>,
        %parallel_loop3A_663 = arith.constant 8 : i32
        %parallel_loop3A_664 = arith.addi %parallel_loop3A_144, %parallel_loop3A_663 : i32
        %parallel_loop3A_665 = arith.index_cast %parallel_loop3A_168 : i32 to index
        %parallel_loop3A_666 = arith.constant 32 : index
        %parallel_loop3A_667 = tpu.vector_load %arg6[%parallel_loop3A_665, %parallel_loop3A_666] {strides = array<i32>} : memref<64x128xf32, #tpu.memory_space<vmem>>, vector<1x16xf32>,
        %parallel_loop3A_668 = vector.shape_cast %parallel_loop3A_667 : vector<1x16xf32> to vector<16xf32>
        %parallel_loop3A_669 = arith.index_cast %rem3A_101 : i32 to index
        %parallel_loop3A_670 = arith.index_cast %parallel_loop3A_664 : i32 to index
        %parallel_loop3A_671 = arith.constant 32 : index
        %parallel_loop3A_672 = tpu.vector_load %arg8[%parallel_loop3A_669, %parallel_loop3A_670, %parallel_loop3A_671] {strides = array<i32>} : memref<3x80x128xf32, #tpu.memory_space<vmem>>, vector<1x1x16xf32>,
        %parallel_loop3A_673 = vector.shape_cast %parallel_loop3A_672 : vector<1x1x16xf32> to vector<16xf32>
        %parallel_loop3A_674 = vector.shape_cast %parallel_loop3A_668 : vector<16xf32> to vector<1x1x16xf32>
        tpu.vector_store %arg8[%parallel_loop3A_669, %parallel_loop3A_670, %parallel_loop3A_671], %parallel_loop3A_674 {add = true, strides = array<i32>} : memref<3x80x128xf32, #tpu.memory_space<vmem>>, vector<1x1x16xf32>,
        %parallel_loop3A_675 = arith.constant 9 : i32
        %parallel_loop3A_676 = arith.addi %parallel_loop3A_144, %parallel_loop3A_675 : i32
        %parallel_loop3A_677 = arith.index_cast %parallel_loop3A_170 : i32 to index
        %parallel_loop3A_678 = arith.constant 32 : index
        %parallel_loop3A_679 = tpu.vector_load %arg6[%parallel_loop3A_677, %parallel_loop3A_678] {strides = array<i32>} : memref<64x128xf32, #tpu.memory_space<vmem>>, vector<1x16xf32>,
        %parallel_loop3A_680 = vector.shape_cast %parallel_loop3A_679 : vector<1x16xf32> to vector<16xf32>
        %parallel_loop3A_681 = arith.index_cast %rem3A_101 : i32 to index
        %parallel_loop3A_682 = arith.index_cast %parallel_loop3A_676 : i32 to index
        %parallel_loop3A_683 = arith.constant 32 : index
        %parallel_loop3A_684 = tpu.vector_load %arg8[%parallel_loop3A_681, %parallel_loop3A_682, %parallel_loop3A_683] {strides = array<i32>} : memref<3x80x128xf32, #tpu.memory_space<vmem>>, vector<1x1x16xf32>,
        %parallel_loop3A_685 = vector.shape_cast %parallel_loop3A_684 : vector<1x1x16xf32> to vector<16xf32>
        %parallel_loop3A_686 = vector.shape_cast %parallel_loop3A_680 : vector<16xf32> to vector<1x1x16xf32>
        tpu.vector_store %arg8[%parallel_loop3A_681, %parallel_loop3A_682, %parallel_loop3A_683], %parallel_loop3A_686 {add = true, strides = array<i32>} : memref<3x80x128xf32, #tpu.memory_space<vmem>>, vector<1x1x16xf32>,
        %parallel_loop3A_687 = arith.constant 10 : i32
        %parallel_loop3A_688 = arith.addi %parallel_loop3A_144, %parallel_loop3A_687 : i32
        %parallel_loop3A_689 = arith.index_cast %parallel_loop3A_172 : i32 to index
        %parallel_loop3A_690 = arith.constant 32 : index
        %parallel_loop3A_691 = tpu.vector_load %arg6[%parallel_loop3A_689, %parallel_loop3A_690] {strides = array<i32>} : memref<64x128xf32, #tpu.memory_space<vmem>>, vector<1x16xf32>,
        %parallel_loop3A_692 = vector.shape_cast %parallel_loop3A_691 : vector<1x16xf32> to vector<16xf32>
        %parallel_loop3A_693 = arith.index_cast %rem3A_101 : i32 to index
        %parallel_loop3A_694 = arith.index_cast %parallel_loop3A_688 : i32 to index
        %parallel_loop3A_695 = arith.constant 32 : index
        %parallel_loop3A_696 = tpu.vector_load %arg8[%parallel_loop3A_693, %parallel_loop3A_694, %parallel_loop3A_695] {strides = array<i32>} : memref<3x80x128xf32, #tpu.memory_space<vmem>>, vector<1x1x16xf32>,
        %parallel_loop3A_697 = vector.shape_cast %parallel_loop3A_696 : vector<1x1x16xf32> to vector<16xf32>
        %parallel_loop3A_698 = vector.shape_cast %parallel_loop3A_692 : vector<16xf32> to vector<1x1x16xf32>
        tpu.vector_store %arg8[%parallel_loop3A_693, %parallel_loop3A_694, %parallel_loop3A_695], %parallel_loop3A_698 {add = true, strides = array<i32>} : memref<3x80x128xf32, #tpu.memory_space<vmem>>, vector<1x1x16xf32>,
        %parallel_loop3A_699 = arith.constant 11 : i32
        %parallel_loop3A_700 = arith.addi %parallel_loop3A_144, %parallel_loop3A_699 : i32
        %parallel_loop3A_701 = arith.index_cast %parallel_loop3A_174 : i32 to index
        %parallel_loop3A_702 = arith.constant 32 : index
        %parallel_loop3A_703 = tpu.vector_load %arg6[%parallel_loop3A_701, %parallel_loop3A_702] {strides = array<i32>} : memref<64x128xf32, #tpu.memory_space<vmem>>, vector<1x16xf32>,
        %parallel_loop3A_704 = vector.shape_cast %parallel_loop3A_703 : vector<1x16xf32> to vector<16xf32>
        %parallel_loop3A_705 = arith.index_cast %rem3A_101 : i32 to index
        %parallel_loop3A_706 = arith.index_cast %parallel_loop3A_700 : i32 to index
        %parallel_loop3A_707 = arith.constant 32 : index
        %parallel_loop3A_708 = tpu.vector_load %arg8[%parallel_loop3A_705, %parallel_loop3A_706, %parallel_loop3A_707] {strides = array<i32>} : memref<3x80x128xf32, #tpu.memory_space<vmem>>, vector<1x1x16xf32>,
        %parallel_loop3A_709 = vector.shape_cast %parallel_loop3A_708 : vector<1x1x16xf32> to vector<16xf32>
        %parallel_loop3A_710 = vector.shape_cast %parallel_loop3A_704 : vector<16xf32> to vector<1x1x16xf32>
        tpu.vector_store %arg8[%parallel_loop3A_705, %parallel_loop3A_706, %parallel_loop3A_707], %parallel_loop3A_710 {add = true, strides = array<i32>} : memref<3x80x128xf32, #tpu.memory_space<vmem>>, vector<1x1x16xf32>,
        %parallel_loop3A_711 = arith.constant 12 : i32
        %parallel_loop3A_712 = arith.addi %parallel_loop3A_144, %parallel_loop3A_711 : i32
        %parallel_loop3A_713 = arith.index_cast %parallel_loop3A_176 : i32 to index
        %parallel_loop3A_714 = arith.constant 32 : index
        %parallel_loop3A_715 = tpu.vector_load %arg6[%parallel_loop3A_713, %parallel_loop3A_714] {strides = array<i32>} : memref<64x128xf32, #tpu.memory_space<vmem>>, vector<1x16xf32>,
        %parallel_loop3A_716 = vector.shape_cast %parallel_loop3A_715 : vector<1x16xf32> to vector<16xf32>
        %parallel_loop3A_717 = arith.index_cast %rem3A_101 : i32 to index
        %parallel_loop3A_718 = arith.index_cast %parallel_loop3A_712 : i32 to index
        %parallel_loop3A_719 = arith.constant 32 : index
        %parallel_loop3A_720 = tpu.vector_load %arg8[%parallel_loop3A_717, %parallel_loop3A_718, %parallel_loop3A_719] {strides = array<i32>} : memref<3x80x128xf32, #tpu.memory_space<vmem>>, vector<1x1x16xf32>,
        %parallel_loop3A_721 = vector.shape_cast %parallel_loop3A_720 : vector<1x1x16xf32> to vector<16xf32>
        %parallel_loop3A_722 = vector.shape_cast %parallel_loop3A_716 : vector<16xf32> to vector<1x1x16xf32>
        tpu.vector_store %arg8[%parallel_loop3A_717, %parallel_loop3A_718, %parallel_loop3A_719], %parallel_loop3A_722 {add = true, strides = array<i32>} : memref<3x80x128xf32, #tpu.memory_space<vmem>>, vector<1x1x16xf32>,
        %parallel_loop3A_723 = arith.constant 13 : i32
        %parallel_loop3A_724 = arith.addi %parallel_loop3A_144, %parallel_loop3A_723 : i32
        %parallel_loop3A_725 = arith.index_cast %parallel_loop3A_178 : i32 to index
        %parallel_loop3A_726 = arith.constant 32 : index
        %parallel_loop3A_727 = tpu.vector_load %arg6[%parallel_loop3A_725, %parallel_loop3A_726] {strides = array<i32>} : memref<64x128xf32, #tpu.memory_space<vmem>>, vector<1x16xf32>,
        %parallel_loop3A_728 = vector.shape_cast %parallel_loop3A_727 : vector<1x16xf32> to vector<16xf32>
        %parallel_loop3A_729 = arith.index_cast %rem3A_101 : i32 to index
        %parallel_loop3A_730 = arith.index_cast %parallel_loop3A_724 : i32 to index
        %parallel_loop3A_731 = arith.constant 32 : index
        %parallel_loop3A_732 = tpu.vector_load %arg8[%parallel_loop3A_729, %parallel_loop3A_730, %parallel_loop3A_731] {strides = array<i32>} : memref<3x80x128xf32, #tpu.memory_space<vmem>>, vector<1x1x16xf32>,
        %parallel_loop3A_733 = vector.shape_cast %parallel_loop3A_732 : vector<1x1x16xf32> to vector<16xf32>
        %parallel_loop3A_734 = vector.shape_cast %parallel_loop3A_728 : vector<16xf32> to vector<1x1x16xf32>
        tpu.vector_store %arg8[%parallel_loop3A_729, %parallel_loop3A_730, %parallel_loop3A_731], %parallel_loop3A_734 {add = true, strides = array<i32>} : memref<3x80x128xf32, #tpu.memory_space<vmem>>, vector<1x1x16xf32>,
        %parallel_loop3A_735 = arith.constant 14 : i32
        %parallel_loop3A_736 = arith.addi %parallel_loop3A_144, %parallel_loop3A_735 : i32
        %parallel_loop3A_737 = arith.index_cast %parallel_loop3A_180 : i32 to index
        %parallel_loop3A_738 = arith.constant 32 : index
        %parallel_loop3A_739 = tpu.vector_load %arg6[%parallel_loop3A_737, %parallel_loop3A_738] {strides = array<i32>} : memref<64x128xf32, #tpu.memory_space<vmem>>, vector<1x16xf32>,
        %parallel_loop3A_740 = vector.shape_cast %parallel_loop3A_739 : vector<1x16xf32> to vector<16xf32>
        %parallel_loop3A_741 = arith.index_cast %rem3A_101 : i32 to index
        %parallel_loop3A_742 = arith.index_cast %parallel_loop3A_736 : i32 to index
        %parallel_loop3A_743 = arith.constant 32 : index
        %parallel_loop3A_744 = tpu.vector_load %arg8[%parallel_loop3A_741, %parallel_loop3A_742, %parallel_loop3A_743] {strides = array<i32>} : memref<3x80x128xf32, #tpu.memory_space<vmem>>, vector<1x1x16xf32>,
        %parallel_loop3A_745 = vector.shape_cast %parallel_loop3A_744 : vector<1x1x16xf32> to vector<16xf32>
        %parallel_loop3A_746 = vector.shape_cast %parallel_loop3A_740 : vector<16xf32> to vector<1x1x16xf32>
        tpu.vector_store %arg8[%parallel_loop3A_741, %parallel_loop3A_742, %parallel_loop3A_743], %parallel_loop3A_746 {add = true, strides = array<i32>} : memref<3x80x128xf32, #tpu.memory_space<vmem>>, vector<1x1x16xf32>,
        %parallel_loop3A_747 = arith.constant 15 : i32
        %parallel_loop3A_748 = arith.addi %parallel_loop3A_144, %parallel_loop3A_747 : i32
        %parallel_loop3A_749 = arith.index_cast %parallel_loop3A_182 : i32 to index
        %parallel_loop3A_750 = arith.constant 32 : index
        %parallel_loop3A_751 = tpu.vector_load %arg6[%parallel_loop3A_749, %parallel_loop3A_750] {strides = array<i32>} : memref<64x128xf32, #tpu.memory_space<vmem>>, vector<1x16xf32>,
        %parallel_loop3A_752 = vector.shape_cast %parallel_loop3A_751 : vector<1x16xf32> to vector<16xf32>
        %parallel_loop3A_753 = arith.index_cast %rem3A_101 : i32 to index
        %parallel_loop3A_754 = arith.index_cast %parallel_loop3A_748 : i32 to index
        %parallel_loop3A_755 = arith.constant 32 : index
        %parallel_loop3A_756 = tpu.vector_load %arg8[%parallel_loop3A_753, %parallel_loop3A_754, %parallel_loop3A_755] {strides = array<i32>} : memref<3x80x128xf32, #tpu.memory_space<vmem>>, vector<1x1x16xf32>,
        %parallel_loop3A_757 = vector.shape_cast %parallel_loop3A_756 : vector<1x1x16xf32> to vector<16xf32>
        %parallel_loop3A_758 = vector.shape_cast %parallel_loop3A_752 : vector<16xf32> to vector<1x1x16xf32>
        tpu.vector_store %arg8[%parallel_loop3A_753, %parallel_loop3A_754, %parallel_loop3A_755], %parallel_loop3A_758 {add = true, strides = array<i32>} : memref<3x80x128xf32, #tpu.memory_space<vmem>>, vector<1x1x16xf32>,
        %parallel_loop3A_759 = arith.constant 0 : i32
        %parallel_loop3A_760 = arith.addi %parallel_loop3A_144, %parallel_loop3A_759 : i32
        %parallel_loop3A_761 = arith.index_cast %parallel_loop3A_152 : i32 to index
        %parallel_loop3A_762 = arith.constant 48 : index
        %parallel_loop3A_763 = tpu.vector_load %arg6[%parallel_loop3A_761, %parallel_loop3A_762] {strides = array<i32>} : memref<64x128xf32, #tpu.memory_space<vmem>>, vector<1x16xf32>,
        %parallel_loop3A_764 = vector.shape_cast %parallel_loop3A_763 : vector<1x16xf32> to vector<16xf32>
        %parallel_loop3A_765 = arith.index_cast %rem3A_101 : i32 to index
        %parallel_loop3A_766 = arith.index_cast %parallel_loop3A_760 : i32 to index
        %parallel_loop3A_767 = arith.constant 48 : index
        %parallel_loop3A_768 = tpu.vector_load %arg8[%parallel_loop3A_765, %parallel_loop3A_766, %parallel_loop3A_767] {strides = array<i32>} : memref<3x80x128xf32, #tpu.memory_space<vmem>>, vector<1x1x16xf32>,
        %parallel_loop3A_769 = vector.shape_cast %parallel_loop3A_768 : vector<1x1x16xf32> to vector<16xf32>
        %parallel_loop3A_770 = vector.shape_cast %parallel_loop3A_764 : vector<16xf32> to vector<1x1x16xf32>
        tpu.vector_store %arg8[%parallel_loop3A_765, %parallel_loop3A_766, %parallel_loop3A_767], %parallel_loop3A_770 {add = true, strides = array<i32>} : memref<3x80x128xf32, #tpu.memory_space<vmem>>, vector<1x1x16xf32>,
        %parallel_loop3A_771 = arith.constant 1 : i32
        %parallel_loop3A_772 = arith.addi %parallel_loop3A_144, %parallel_loop3A_771 : i32
        %parallel_loop3A_773 = arith.index_cast %parallel_loop3A_154 : i32 to index
        %parallel_loop3A_774 = arith.constant 48 : index
        %parallel_loop3A_775 = tpu.vector_load %arg6[%parallel_loop3A_773, %parallel_loop3A_774] {strides = array<i32>} : memref<64x128xf32, #tpu.memory_space<vmem>>, vector<1x16xf32>,
        %parallel_loop3A_776 = vector.shape_cast %parallel_loop3A_775 : vector<1x16xf32> to vector<16xf32>
        %parallel_loop3A_777 = arith.index_cast %rem3A_101 : i32 to index
        %parallel_loop3A_778 = arith.index_cast %parallel_loop3A_772 : i32 to index
        %parallel_loop3A_779 = arith.constant 48 : index
        %parallel_loop3A_780 = tpu.vector_load %arg8[%parallel_loop3A_777, %parallel_loop3A_778, %parallel_loop3A_779] {strides = array<i32>} : memref<3x80x128xf32, #tpu.memory_space<vmem>>, vector<1x1x16xf32>,
        %parallel_loop3A_781 = vector.shape_cast %parallel_loop3A_780 : vector<1x1x16xf32> to vector<16xf32>
        %parallel_loop3A_782 = vector.shape_cast %parallel_loop3A_776 : vector<16xf32> to vector<1x1x16xf32>
        tpu.vector_store %arg8[%parallel_loop3A_777, %parallel_loop3A_778, %parallel_loop3A_779], %parallel_loop3A_782 {add = true, strides = array<i32>} : memref<3x80x128xf32, #tpu.memory_space<vmem>>, vector<1x1x16xf32>,
        %parallel_loop3A_783 = arith.constant 2 : i32
        %parallel_loop3A_784 = arith.addi %parallel_loop3A_144, %parallel_loop3A_783 : i32
        %parallel_loop3A_785 = arith.index_cast %parallel_loop3A_156 : i32 to index
        %parallel_loop3A_786 = arith.constant 48 : index
        %parallel_loop3A_787 = tpu.vector_load %arg6[%parallel_loop3A_785, %parallel_loop3A_786] {strides = array<i32>} : memref<64x128xf32, #tpu.memory_space<vmem>>, vector<1x16xf32>,
        %parallel_loop3A_788 = vector.shape_cast %parallel_loop3A_787 : vector<1x16xf32> to vector<16xf32>
        %parallel_loop3A_789 = arith.index_cast %rem3A_101 : i32 to index
        %parallel_loop3A_790 = arith.index_cast %parallel_loop3A_784 : i32 to index
        %parallel_loop3A_791 = arith.constant 48 : index
        %parallel_loop3A_792 = tpu.vector_load %arg8[%parallel_loop3A_789, %parallel_loop3A_790, %parallel_loop3A_791] {strides = array<i32>} : memref<3x80x128xf32, #tpu.memory_space<vmem>>, vector<1x1x16xf32>,
        %parallel_loop3A_793 = vector.shape_cast %parallel_loop3A_792 : vector<1x1x16xf32> to vector<16xf32>
        %parallel_loop3A_794 = vector.shape_cast %parallel_loop3A_788 : vector<16xf32> to vector<1x1x16xf32>
        tpu.vector_store %arg8[%parallel_loop3A_789, %parallel_loop3A_790, %parallel_loop3A_791], %parallel_loop3A_794 {add = true, strides = array<i32>} : memref<3x80x128xf32, #tpu.memory_space<vmem>>, vector<1x1x16xf32>,
        %parallel_loop3A_795 = arith.constant 3 : i32
        %parallel_loop3A_796 = arith.addi %parallel_loop3A_144, %parallel_loop3A_795 : i32
        %parallel_loop3A_797 = arith.index_cast %parallel_loop3A_158 : i32 to index
        %parallel_loop3A_798 = arith.constant 48 : index
        %parallel_loop3A_799 = tpu.vector_load %arg6[%parallel_loop3A_797, %parallel_loop3A_798] {strides = array<i32>} : memref<64x128xf32, #tpu.memory_space<vmem>>, vector<1x16xf32>,
        %parallel_loop3A_800 = vector.shape_cast %parallel_loop3A_799 : vector<1x16xf32> to vector<16xf32>
        %parallel_loop3A_801 = arith.index_cast %rem3A_101 : i32 to index
        %parallel_loop3A_802 = arith.index_cast %parallel_loop3A_796 : i32 to index
        %parallel_loop3A_803 = arith.constant 48 : index
        %parallel_loop3A_804 = tpu.vector_load %arg8[%parallel_loop3A_801, %parallel_loop3A_802, %parallel_loop3A_803] {strides = array<i32>} : memref<3x80x128xf32, #tpu.memory_space<vmem>>, vector<1x1x16xf32>,
        %parallel_loop3A_805 = vector.shape_cast %parallel_loop3A_804 : vector<1x1x16xf32> to vector<16xf32>
        %parallel_loop3A_806 = vector.shape_cast %parallel_loop3A_800 : vector<16xf32> to vector<1x1x16xf32>
        tpu.vector_store %arg8[%parallel_loop3A_801, %parallel_loop3A_802, %parallel_loop3A_803], %parallel_loop3A_806 {add = true, strides = array<i32>} : memref<3x80x128xf32, #tpu.memory_space<vmem>>, vector<1x1x16xf32>,
        %parallel_loop3A_807 = arith.constant 4 : i32
        %parallel_loop3A_808 = arith.addi %parallel_loop3A_144, %parallel_loop3A_807 : i32
        %parallel_loop3A_809 = arith.index_cast %parallel_loop3A_160 : i32 to index
        %parallel_loop3A_810 = arith.constant 48 : index
        %parallel_loop3A_811 = tpu.vector_load %arg6[%parallel_loop3A_809, %parallel_loop3A_810] {strides = array<i32>} : memref<64x128xf32, #tpu.memory_space<vmem>>, vector<1x16xf32>,
        %parallel_loop3A_812 = vector.shape_cast %parallel_loop3A_811 : vector<1x16xf32> to vector<16xf32>
        %parallel_loop3A_813 = arith.index_cast %rem3A_101 : i32 to index
        %parallel_loop3A_814 = arith.index_cast %parallel_loop3A_808 : i32 to index
        %parallel_loop3A_815 = arith.constant 48 : index
        %parallel_loop3A_816 = tpu.vector_load %arg8[%parallel_loop3A_813, %parallel_loop3A_814, %parallel_loop3A_815] {strides = array<i32>} : memref<3x80x128xf32, #tpu.memory_space<vmem>>, vector<1x1x16xf32>,
        %parallel_loop3A_817 = vector.shape_cast %parallel_loop3A_816 : vector<1x1x16xf32> to vector<16xf32>
        %parallel_loop3A_818 = vector.shape_cast %parallel_loop3A_812 : vector<16xf32> to vector<1x1x16xf32>
        tpu.vector_store %arg8[%parallel_loop3A_813, %parallel_loop3A_814, %parallel_loop3A_815], %parallel_loop3A_818 {add = true, strides = array<i32>} : memref<3x80x128xf32, #tpu.memory_space<vmem>>, vector<1x1x16xf32>,
        %parallel_loop3A_819 = arith.constant 5 : i32
        %parallel_loop3A_820 = arith.addi %parallel_loop3A_144, %parallel_loop3A_819 : i32
        %parallel_loop3A_821 = arith.index_cast %parallel_loop3A_162 : i32 to index
        %parallel_loop3A_822 = arith.constant 48 : index
        %parallel_loop3A_823 = tpu.vector_load %arg6[%parallel_loop3A_821, %parallel_loop3A_822] {strides = array<i32>} : memref<64x128xf32, #tpu.memory_space<vmem>>, vector<1x16xf32>,
        %parallel_loop3A_824 = vector.shape_cast %parallel_loop3A_823 : vector<1x16xf32> to vector<16xf32>
        %parallel_loop3A_825 = arith.index_cast %rem3A_101 : i32 to index
        %parallel_loop3A_826 = arith.index_cast %parallel_loop3A_820 : i32 to index
        %parallel_loop3A_827 = arith.constant 48 : index
        %parallel_loop3A_828 = tpu.vector_load %arg8[%parallel_loop3A_825, %parallel_loop3A_826, %parallel_loop3A_827] {strides = array<i32>} : memref<3x80x128xf32, #tpu.memory_space<vmem>>, vector<1x1x16xf32>,
        %parallel_loop3A_829 = vector.shape_cast %parallel_loop3A_828 : vector<1x1x16xf32> to vector<16xf32>
        %parallel_loop3A_830 = vector.shape_cast %parallel_loop3A_824 : vector<16xf32> to vector<1x1x16xf32>
        tpu.vector_store %arg8[%parallel_loop3A_825, %parallel_loop3A_826, %parallel_loop3A_827], %parallel_loop3A_830 {add = true, strides = array<i32>} : memref<3x80x128xf32, #tpu.memory_space<vmem>>, vector<1x1x16xf32>,
        %parallel_loop3A_831 = arith.constant 6 : i32
        %parallel_loop3A_832 = arith.addi %parallel_loop3A_144, %parallel_loop3A_831 : i32
        %parallel_loop3A_833 = arith.index_cast %parallel_loop3A_164 : i32 to index
        %parallel_loop3A_834 = arith.constant 48 : index
        %parallel_loop3A_835 = tpu.vector_load %arg6[%parallel_loop3A_833, %parallel_loop3A_834] {strides = array<i32>} : memref<64x128xf32, #tpu.memory_space<vmem>>, vector<1x16xf32>,
        %parallel_loop3A_836 = vector.shape_cast %parallel_loop3A_835 : vector<1x16xf32> to vector<16xf32>
        %parallel_loop3A_837 = arith.index_cast %rem3A_101 : i32 to index
        %parallel_loop3A_838 = arith.index_cast %parallel_loop3A_832 : i32 to index
        %parallel_loop3A_839 = arith.constant 48 : index
        %parallel_loop3A_840 = tpu.vector_load %arg8[%parallel_loop3A_837, %parallel_loop3A_838, %parallel_loop3A_839] {strides = array<i32>} : memref<3x80x128xf32, #tpu.memory_space<vmem>>, vector<1x1x16xf32>,
        %parallel_loop3A_841 = vector.shape_cast %parallel_loop3A_840 : vector<1x1x16xf32> to vector<16xf32>
        %parallel_loop3A_842 = vector.shape_cast %parallel_loop3A_836 : vector<16xf32> to vector<1x1x16xf32>
        tpu.vector_store %arg8[%parallel_loop3A_837, %parallel_loop3A_838, %parallel_loop3A_839], %parallel_loop3A_842 {add = true, strides = array<i32>} : memref<3x80x128xf32, #tpu.memory_space<vmem>>, vector<1x1x16xf32>,
        %parallel_loop3A_843 = arith.constant 7 : i32
        %parallel_loop3A_844 = arith.addi %parallel_loop3A_144, %parallel_loop3A_843 : i32
        %parallel_loop3A_845 = arith.index_cast %parallel_loop3A_166 : i32 to index
        %parallel_loop3A_846 = arith.constant 48 : index
        %parallel_loop3A_847 = tpu.vector_load %arg6[%parallel_loop3A_845, %parallel_loop3A_846] {strides = array<i32>} : memref<64x128xf32, #tpu.memory_space<vmem>>, vector<1x16xf32>,
        %parallel_loop3A_848 = vector.shape_cast %parallel_loop3A_847 : vector<1x16xf32> to vector<16xf32>
        %parallel_loop3A_849 = arith.index_cast %rem3A_101 : i32 to index
        %parallel_loop3A_850 = arith.index_cast %parallel_loop3A_844 : i32 to index
        %parallel_loop3A_851 = arith.constant 48 : index
        %parallel_loop3A_852 = tpu.vector_load %arg8[%parallel_loop3A_849, %parallel_loop3A_850, %parallel_loop3A_851] {strides = array<i32>} : memref<3x80x128xf32, #tpu.memory_space<vmem>>, vector<1x1x16xf32>,
        %parallel_loop3A_853 = vector.shape_cast %parallel_loop3A_852 : vector<1x1x16xf32> to vector<16xf32>
        %parallel_loop3A_854 = vector.shape_cast %parallel_loop3A_848 : vector<16xf32> to vector<1x1x16xf32>
        tpu.vector_store %arg8[%parallel_loop3A_849, %parallel_loop3A_850, %parallel_loop3A_851], %parallel_loop3A_854 {add = true, strides = array<i32>} : memref<3x80x128xf32, #tpu.memory_space<vmem>>, vector<1x1x16xf32>,
        %parallel_loop3A_855 = arith.constant 8 : i32
        %parallel_loop3A_856 = arith.addi %parallel_loop3A_144, %parallel_loop3A_855 : i32
        %parallel_loop3A_857 = arith.index_cast %parallel_loop3A_168 : i32 to index
        %parallel_loop3A_858 = arith.constant 48 : index
        %parallel_loop3A_859 = tpu.vector_load %arg6[%parallel_loop3A_857, %parallel_loop3A_858] {strides = array<i32>} : memref<64x128xf32, #tpu.memory_space<vmem>>, vector<1x16xf32>,
        %parallel_loop3A_860 = vector.shape_cast %parallel_loop3A_859 : vector<1x16xf32> to vector<16xf32>
        %parallel_loop3A_861 = arith.index_cast %rem3A_101 : i32 to index
        %parallel_loop3A_862 = arith.index_cast %parallel_loop3A_856 : i32 to index
        %parallel_loop3A_863 = arith.constant 48 : index
        %parallel_loop3A_864 = tpu.vector_load %arg8[%parallel_loop3A_861, %parallel_loop3A_862, %parallel_loop3A_863] {strides = array<i32>} : memref<3x80x128xf32, #tpu.memory_space<vmem>>, vector<1x1x16xf32>,
        %parallel_loop3A_865 = vector.shape_cast %parallel_loop3A_864 : vector<1x1x16xf32> to vector<16xf32>
        %parallel_loop3A_866 = vector.shape_cast %parallel_loop3A_860 : vector<16xf32> to vector<1x1x16xf32>
        tpu.vector_store %arg8[%parallel_loop3A_861, %parallel_loop3A_862, %parallel_loop3A_863], %parallel_loop3A_866 {add = true, strides = array<i32>} : memref<3x80x128xf32, #tpu.memory_space<vmem>>, vector<1x1x16xf32>,
        %parallel_loop3A_867 = arith.constant 9 : i32
        %parallel_loop3A_868 = arith.addi %parallel_loop3A_144, %parallel_loop3A_867 : i32
        %parallel_loop3A_869 = arith.index_cast %parallel_loop3A_170 : i32 to index
        %parallel_loop3A_870 = arith.constant 48 : index
        %parallel_loop3A_871 = tpu.vector_load %arg6[%parallel_loop3A_869, %parallel_loop3A_870] {strides = array<i32>} : memref<64x128xf32, #tpu.memory_space<vmem>>, vector<1x16xf32>,
        %parallel_loop3A_872 = vector.shape_cast %parallel_loop3A_871 : vector<1x16xf32> to vector<16xf32>
        %parallel_loop3A_873 = arith.index_cast %rem3A_101 : i32 to index
        %parallel_loop3A_874 = arith.index_cast %parallel_loop3A_868 : i32 to index
        %parallel_loop3A_875 = arith.constant 48 : index
        %parallel_loop3A_876 = tpu.vector_load %arg8[%parallel_loop3A_873, %parallel_loop3A_874, %parallel_loop3A_875] {strides = array<i32>} : memref<3x80x128xf32, #tpu.memory_space<vmem>>, vector<1x1x16xf32>,
        %parallel_loop3A_877 = vector.shape_cast %parallel_loop3A_876 : vector<1x1x16xf32> to vector<16xf32>
        %parallel_loop3A_878 = vector.shape_cast %parallel_loop3A_872 : vector<16xf32> to vector<1x1x16xf32>
        tpu.vector_store %arg8[%parallel_loop3A_873, %parallel_loop3A_874, %parallel_loop3A_875], %parallel_loop3A_878 {add = true, strides = array<i32>} : memref<3x80x128xf32, #tpu.memory_space<vmem>>, vector<1x1x16xf32>,
        %parallel_loop3A_879 = arith.constant 10 : i32
        %parallel_loop3A_880 = arith.addi %parallel_loop3A_144, %parallel_loop3A_879 : i32
        %parallel_loop3A_881 = arith.index_cast %parallel_loop3A_172 : i32 to index
        %parallel_loop3A_882 = arith.constant 48 : index
        %parallel_loop3A_883 = tpu.vector_load %arg6[%parallel_loop3A_881, %parallel_loop3A_882] {strides = array<i32>} : memref<64x128xf32, #tpu.memory_space<vmem>>, vector<1x16xf32>,
        %parallel_loop3A_884 = vector.shape_cast %parallel_loop3A_883 : vector<1x16xf32> to vector<16xf32>
        %parallel_loop3A_885 = arith.index_cast %rem3A_101 : i32 to index
        %parallel_loop3A_886 = arith.index_cast %parallel_loop3A_880 : i32 to index
        %parallel_loop3A_887 = arith.constant 48 : index
        %parallel_loop3A_888 = tpu.vector_load %arg8[%parallel_loop3A_885, %parallel_loop3A_886, %parallel_loop3A_887] {strides = array<i32>} : memref<3x80x128xf32, #tpu.memory_space<vmem>>, vector<1x1x16xf32>,
        %parallel_loop3A_889 = vector.shape_cast %parallel_loop3A_888 : vector<1x1x16xf32> to vector<16xf32>
        %parallel_loop3A_890 = vector.shape_cast %parallel_loop3A_884 : vector<16xf32> to vector<1x1x16xf32>
        tpu.vector_store %arg8[%parallel_loop3A_885, %parallel_loop3A_886, %parallel_loop3A_887], %parallel_loop3A_890 {add = true, strides = array<i32>} : memref<3x80x128xf32, #tpu.memory_space<vmem>>, vector<1x1x16xf32>,
        %parallel_loop3A_891 = arith.constant 11 : i32
        %parallel_loop3A_892 = arith.addi %parallel_loop3A_144, %parallel_loop3A_891 : i32
        %parallel_loop3A_893 = arith.index_cast %parallel_loop3A_174 : i32 to index
        %parallel_loop3A_894 = arith.constant 48 : index
        %parallel_loop3A_895 = tpu.vector_load %arg6[%parallel_loop3A_893, %parallel_loop3A_894] {strides = array<i32>} : memref<64x128xf32, #tpu.memory_space<vmem>>, vector<1x16xf32>,
        %parallel_loop3A_896 = vector.shape_cast %parallel_loop3A_895 : vector<1x16xf32> to vector<16xf32>
        %parallel_loop3A_897 = arith.index_cast %rem3A_101 : i32 to index
        %parallel_loop3A_898 = arith.index_cast %parallel_loop3A_892 : i32 to index
        %parallel_loop3A_899 = arith.constant 48 : index
        %parallel_loop3A_900 = tpu.vector_load %arg8[%parallel_loop3A_897, %parallel_loop3A_898, %parallel_loop3A_899] {strides = array<i32>} : memref<3x80x128xf32, #tpu.memory_space<vmem>>, vector<1x1x16xf32>,
        %parallel_loop3A_901 = vector.shape_cast %parallel_loop3A_900 : vector<1x1x16xf32> to vector<16xf32>
        %parallel_loop3A_902 = vector.shape_cast %parallel_loop3A_896 : vector<16xf32> to vector<1x1x16xf32>
        tpu.vector_store %arg8[%parallel_loop3A_897, %parallel_loop3A_898, %parallel_loop3A_899], %parallel_loop3A_902 {add = true, strides = array<i32>} : memref<3x80x128xf32, #tpu.memory_space<vmem>>, vector<1x1x16xf32>,
        %parallel_loop3A_903 = arith.constant 12 : i32
        %parallel_loop3A_904 = arith.addi %parallel_loop3A_144, %parallel_loop3A_903 : i32
        %parallel_loop3A_905 = arith.index_cast %parallel_loop3A_176 : i32 to index
        %parallel_loop3A_906 = arith.constant 48 : index
        %parallel_loop3A_907 = tpu.vector_load %arg6[%parallel_loop3A_905, %parallel_loop3A_906] {strides = array<i32>} : memref<64x128xf32, #tpu.memory_space<vmem>>, vector<1x16xf32>,
        %parallel_loop3A_908 = vector.shape_cast %parallel_loop3A_907 : vector<1x16xf32> to vector<16xf32>
        %parallel_loop3A_909 = arith.index_cast %rem3A_101 : i32 to index
        %parallel_loop3A_910 = arith.index_cast %parallel_loop3A_904 : i32 to index
        %parallel_loop3A_911 = arith.constant 48 : index
        %parallel_loop3A_912 = tpu.vector_load %arg8[%parallel_loop3A_909, %parallel_loop3A_910, %parallel_loop3A_911] {strides = array<i32>} : memref<3x80x128xf32, #tpu.memory_space<vmem>>, vector<1x1x16xf32>,
        %parallel_loop3A_913 = vector.shape_cast %parallel_loop3A_912 : vector<1x1x16xf32> to vector<16xf32>
        %parallel_loop3A_914 = vector.shape_cast %parallel_loop3A_908 : vector<16xf32> to vector<1x1x16xf32>
        tpu.vector_store %arg8[%parallel_loop3A_909, %parallel_loop3A_910, %parallel_loop3A_911], %parallel_loop3A_914 {add = true, strides = array<i32>} : memref<3x80x128xf32, #tpu.memory_space<vmem>>, vector<1x1x16xf32>,
        %parallel_loop3A_915 = arith.constant 13 : i32
        %parallel_loop3A_916 = arith.addi %parallel_loop3A_144, %parallel_loop3A_915 : i32
        %parallel_loop3A_917 = arith.index_cast %parallel_loop3A_178 : i32 to index
        %parallel_loop3A_918 = arith.constant 48 : index
        %parallel_loop3A_919 = tpu.vector_load %arg6[%parallel_loop3A_917, %parallel_loop3A_918] {strides = array<i32>} : memref<64x128xf32, #tpu.memory_space<vmem>>, vector<1x16xf32>,
        %parallel_loop3A_920 = vector.shape_cast %parallel_loop3A_919 : vector<1x16xf32> to vector<16xf32>
        %parallel_loop3A_921 = arith.index_cast %rem3A_101 : i32 to index
        %parallel_loop3A_922 = arith.index_cast %parallel_loop3A_916 : i32 to index
        %parallel_loop3A_923 = arith.constant 48 : index
        %parallel_loop3A_924 = tpu.vector_load %arg8[%parallel_loop3A_921, %parallel_loop3A_922, %parallel_loop3A_923] {strides = array<i32>} : memref<3x80x128xf32, #tpu.memory_space<vmem>>, vector<1x1x16xf32>,
        %parallel_loop3A_925 = vector.shape_cast %parallel_loop3A_924 : vector<1x1x16xf32> to vector<16xf32>
        %parallel_loop3A_926 = vector.shape_cast %parallel_loop3A_920 : vector<16xf32> to vector<1x1x16xf32>
        tpu.vector_store %arg8[%parallel_loop3A_921, %parallel_loop3A_922, %parallel_loop3A_923], %parallel_loop3A_926 {add = true, strides = array<i32>} : memref<3x80x128xf32, #tpu.memory_space<vmem>>, vector<1x1x16xf32>,
        %parallel_loop3A_927 = arith.constant 14 : i32
        %parallel_loop3A_928 = arith.addi %parallel_loop3A_144, %parallel_loop3A_927 : i32
        %parallel_loop3A_929 = arith.index_cast %parallel_loop3A_180 : i32 to index
        %parallel_loop3A_930 = arith.constant 48 : index
        %parallel_loop3A_931 = tpu.vector_load %arg6[%parallel_loop3A_929, %parallel_loop3A_930] {strides = array<i32>} : memref<64x128xf32, #tpu.memory_space<vmem>>, vector<1x16xf32>,
        %parallel_loop3A_932 = vector.shape_cast %parallel_loop3A_931 : vector<1x16xf32> to vector<16xf32>
        %parallel_loop3A_933 = arith.index_cast %rem3A_101 : i32 to index
        %parallel_loop3A_934 = arith.index_cast %parallel_loop3A_928 : i32 to index
        %parallel_loop3A_935 = arith.constant 48 : index
        %parallel_loop3A_936 = tpu.vector_load %arg8[%parallel_loop3A_933, %parallel_loop3A_934, %parallel_loop3A_935] {strides = array<i32>} : memref<3x80x128xf32, #tpu.memory_space<vmem>>, vector<1x1x16xf32>,
        %parallel_loop3A_937 = vector.shape_cast %parallel_loop3A_936 : vector<1x1x16xf32> to vector<16xf32>
        %parallel_loop3A_938 = vector.shape_cast %parallel_loop3A_932 : vector<16xf32> to vector<1x1x16xf32>
        tpu.vector_store %arg8[%parallel_loop3A_933, %parallel_loop3A_934, %parallel_loop3A_935], %parallel_loop3A_938 {add = true, strides = array<i32>} : memref<3x80x128xf32, #tpu.memory_space<vmem>>, vector<1x1x16xf32>,
        %parallel_loop3A_939 = arith.constant 15 : i32
        %parallel_loop3A_940 = arith.addi %parallel_loop3A_144, %parallel_loop3A_939 : i32
        %parallel_loop3A_941 = arith.index_cast %parallel_loop3A_182 : i32 to index
        %parallel_loop3A_942 = arith.constant 48 : index
        %parallel_loop3A_943 = tpu.vector_load %arg6[%parallel_loop3A_941, %parallel_loop3A_942] {strides = array<i32>} : memref<64x128xf32, #tpu.memory_space<vmem>>, vector<1x16xf32>,
        %parallel_loop3A_944 = vector.shape_cast %parallel_loop3A_943 : vector<1x16xf32> to vector<16xf32>
        %parallel_loop3A_945 = arith.index_cast %rem3A_101 : i32 to index
        %parallel_loop3A_946 = arith.index_cast %parallel_loop3A_940 : i32 to index
        %parallel_loop3A_947 = arith.constant 48 : index
        %parallel_loop3A_948 = tpu.vector_load %arg8[%parallel_loop3A_945, %parallel_loop3A_946, %parallel_loop3A_947] {strides = array<i32>} : memref<3x80x128xf32, #tpu.memory_space<vmem>>, vector<1x1x16xf32>,
        %parallel_loop3A_949 = vector.shape_cast %parallel_loop3A_948 : vector<1x1x16xf32> to vector<16xf32>
        %parallel_loop3A_950 = vector.shape_cast %parallel_loop3A_944 : vector<16xf32> to vector<1x1x16xf32>
        tpu.vector_store %arg8[%parallel_loop3A_945, %parallel_loop3A_946, %parallel_loop3A_947], %parallel_loop3A_950 {add = true, strides = array<i32>} : memref<3x80x128xf32, #tpu.memory_space<vmem>>, vector<1x1x16xf32>,
        %parallel_loop3A_951 = arith.constant 0 : i32
        %parallel_loop3A_952 = arith.addi %parallel_loop3A_144, %parallel_loop3A_951 : i32
        %parallel_loop3A_953 = arith.index_cast %parallel_loop3A_152 : i32 to index
        %parallel_loop3A_954 = arith.constant 64 : index
        %parallel_loop3A_955 = tpu.vector_load %arg6[%parallel_loop3A_953, %parallel_loop3A_954] {strides = array<i32>} : memref<64x128xf32, #tpu.memory_space<vmem>>, vector<1x16xf32>,
        %parallel_loop3A_956 = vector.shape_cast %parallel_loop3A_955 : vector<1x16xf32> to vector<16xf32>
        %parallel_loop3A_957 = arith.index_cast %rem3A_101 : i32 to index
        %parallel_loop3A_958 = arith.index_cast %parallel_loop3A_952 : i32 to index
        %parallel_loop3A_959 = arith.constant 64 : index
        %parallel_loop3A_960 = tpu.vector_load %arg8[%parallel_loop3A_957, %parallel_loop3A_958, %parallel_loop3A_959] {strides = array<i32>} : memref<3x80x128xf32, #tpu.memory_space<vmem>>, vector<1x1x16xf32>,
        %parallel_loop3A_961 = vector.shape_cast %parallel_loop3A_960 : vector<1x1x16xf32> to vector<16xf32>
        %parallel_loop3A_962 = vector.shape_cast %parallel_loop3A_956 : vector<16xf32> to vector<1x1x16xf32>
        tpu.vector_store %arg8[%parallel_loop3A_957, %parallel_loop3A_958, %parallel_loop3A_959], %parallel_loop3A_962 {add = true, strides = array<i32>} : memref<3x80x128xf32, #tpu.memory_space<vmem>>, vector<1x1x16xf32>,
        %parallel_loop3A_963 = arith.constant 1 : i32
        %parallel_loop3A_964 = arith.addi %parallel_loop3A_144, %parallel_loop3A_963 : i32
        %parallel_loop3A_965 = arith.index_cast %parallel_loop3A_154 : i32 to index
        %parallel_loop3A_966 = arith.constant 64 : index
        %parallel_loop3A_967 = tpu.vector_load %arg6[%parallel_loop3A_965, %parallel_loop3A_966] {strides = array<i32>} : memref<64x128xf32, #tpu.memory_space<vmem>>, vector<1x16xf32>,
        %parallel_loop3A_968 = vector.shape_cast %parallel_loop3A_967 : vector<1x16xf32> to vector<16xf32>
        %parallel_loop3A_969 = arith.index_cast %rem3A_101 : i32 to index
        %parallel_loop3A_970 = arith.index_cast %parallel_loop3A_964 : i32 to index
        %parallel_loop3A_971 = arith.constant 64 : index
        %parallel_loop3A_972 = tpu.vector_load %arg8[%parallel_loop3A_969, %parallel_loop3A_970, %parallel_loop3A_971] {strides = array<i32>} : memref<3x80x128xf32, #tpu.memory_space<vmem>>, vector<1x1x16xf32>,
        %parallel_loop3A_973 = vector.shape_cast %parallel_loop3A_972 : vector<1x1x16xf32> to vector<16xf32>
        %parallel_loop3A_974 = vector.shape_cast %parallel_loop3A_968 : vector<16xf32> to vector<1x1x16xf32>
        tpu.vector_store %arg8[%parallel_loop3A_969, %parallel_loop3A_970, %parallel_loop3A_971], %parallel_loop3A_974 {add = true, strides = array<i32>} : memref<3x80x128xf32, #tpu.memory_space<vmem>>, vector<1x1x16xf32>,
        %parallel_loop3A_975 = arith.constant 2 : i32
        %parallel_loop3A_976 = arith.addi %parallel_loop3A_144, %parallel_loop3A_975 : i32
        %parallel_loop3A_977 = arith.index_cast %parallel_loop3A_156 : i32 to index
        %parallel_loop3A_978 = arith.constant 64 : index
        %parallel_loop3A_979 = tpu.vector_load %arg6[%parallel_loop3A_977, %parallel_loop3A_978] {strides = array<i32>} : memref<64x128xf32, #tpu.memory_space<vmem>>, vector<1x16xf32>,
        %parallel_loop3A_980 = vector.shape_cast %parallel_loop3A_979 : vector<1x16xf32> to vector<16xf32>
        %parallel_loop3A_981 = arith.index_cast %rem3A_101 : i32 to index
        %parallel_loop3A_982 = arith.index_cast %parallel_loop3A_976 : i32 to index
        %parallel_loop3A_983 = arith.constant 64 : index
        %parallel_loop3A_984 = tpu.vector_load %arg8[%parallel_loop3A_981, %parallel_loop3A_982, %parallel_loop3A_983] {strides = array<i32>} : memref<3x80x128xf32, #tpu.memory_space<vmem>>, vector<1x1x16xf32>,
        %parallel_loop3A_985 = vector.shape_cast %parallel_loop3A_984 : vector<1x1x16xf32> to vector<16xf32>
        %parallel_loop3A_986 = vector.shape_cast %parallel_loop3A_980 : vector<16xf32> to vector<1x1x16xf32>
        tpu.vector_store %arg8[%parallel_loop3A_981, %parallel_loop3A_982, %parallel_loop3A_983], %parallel_loop3A_986 {add = true, strides = array<i32>} : memref<3x80x128xf32, #tpu.memory_space<vmem>>, vector<1x1x16xf32>,
        %parallel_loop3A_987 = arith.constant 3 : i32
        %parallel_loop3A_988 = arith.addi %parallel_loop3A_144, %parallel_loop3A_987 : i32
        %parallel_loop3A_989 = arith.index_cast %parallel_loop3A_158 : i32 to index
        %parallel_loop3A_990 = arith.constant 64 : index
        %parallel_loop3A_991 = tpu.vector_load %arg6[%parallel_loop3A_989, %parallel_loop3A_990] {strides = array<i32>} : memref<64x128xf32, #tpu.memory_space<vmem>>, vector<1x16xf32>,
        %parallel_loop3A_992 = vector.shape_cast %parallel_loop3A_991 : vector<1x16xf32> to vector<16xf32>
        %parallel_loop3A_993 = arith.index_cast %rem3A_101 : i32 to index
        %parallel_loop3A_994 = arith.index_cast %parallel_loop3A_988 : i32 to index
        %parallel_loop3A_995 = arith.constant 64 : index
        %parallel_loop3A_996 = tpu.vector_load %arg8[%parallel_loop3A_993, %parallel_loop3A_994, %parallel_loop3A_995] {strides = array<i32>} : memref<3x80x128xf32, #tpu.memory_space<vmem>>, vector<1x1x16xf32>,
        %parallel_loop3A_997 = vector.shape_cast %parallel_loop3A_996 : vector<1x1x16xf32> to vector<16xf32>
        %parallel_loop3A_998 = vector.shape_cast %parallel_loop3A_992 : vector<16xf32> to vector<1x1x16xf32>
        tpu.vector_store %arg8[%parallel_loop3A_993, %parallel_loop3A_994, %parallel_loop3A_995], %parallel_loop3A_998 {add = true, strides = array<i32>} : memref<3x80x128xf32, #tpu.memory_space<vmem>>, vector<1x1x16xf32>,
        %parallel_loop3A_999 = arith.constant 4 : i32
        %parallel_loop3A_1000 = arith.addi %parallel_loop3A_144, %parallel_loop3A_999 : i32
        %parallel_loop3A_1001 = arith.index_cast %parallel_loop3A_160 : i32 to index
        %parallel_loop3A_1002 = arith.constant 64 : index
        %parallel_loop3A_1003 = tpu.vector_load %arg6[%parallel_loop3A_1001, %parallel_loop3A_1002] {strides = array<i32>} : memref<64x128xf32, #tpu.memory_space<vmem>>, vector<1x16xf32>,
        %parallel_loop3A_1004 = vector.shape_cast %parallel_loop3A_1003 : vector<1x16xf32> to vector<16xf32>
        %parallel_loop3A_1005 = arith.index_cast %rem3A_101 : i32 to index
        %parallel_loop3A_1006 = arith.index_cast %parallel_loop3A_1000 : i32 to index
        %parallel_loop3A_1007 = arith.constant 64 : index
        %parallel_loop3A_1008 = tpu.vector_load %arg8[%parallel_loop3A_1005, %parallel_loop3A_1006, %parallel_loop3A_1007] {strides = array<i32>} : memref<3x80x128xf32, #tpu.memory_space<vmem>>, vector<1x1x16xf32>,
        %parallel_loop3A_1009 = vector.shape_cast %parallel_loop3A_1008 : vector<1x1x16xf32> to vector<16xf32>
        %parallel_loop3A_1010 = vector.shape_cast %parallel_loop3A_1004 : vector<16xf32> to vector<1x1x16xf32>
        tpu.vector_store %arg8[%parallel_loop3A_1005, %parallel_loop3A_1006, %parallel_loop3A_1007], %parallel_loop3A_1010 {add = true, strides = array<i32>} : memref<3x80x128xf32, #tpu.memory_space<vmem>>, vector<1x1x16xf32>,
        %parallel_loop3A_1011 = arith.constant 5 : i32
        %parallel_loop3A_1012 = arith.addi %parallel_loop3A_144, %parallel_loop3A_1011 : i32
        %parallel_loop3A_1013 = arith.index_cast %parallel_loop3A_162 : i32 to index
        %parallel_loop3A_1014 = arith.constant 64 : index
        %parallel_loop3A_1015 = tpu.vector_load %arg6[%parallel_loop3A_1013, %parallel_loop3A_1014] {strides = array<i32>} : memref<64x128xf32, #tpu.memory_space<vmem>>, vector<1x16xf32>,
        %parallel_loop3A_1016 = vector.shape_cast %parallel_loop3A_1015 : vector<1x16xf32> to vector<16xf32>
        %parallel_loop3A_1017 = arith.index_cast %rem3A_101 : i32 to index
        %parallel_loop3A_1018 = arith.index_cast %parallel_loop3A_1012 : i32 to index
        %parallel_loop3A_1019 = arith.constant 64 : index
        %parallel_loop3A_1020 = tpu.vector_load %arg8[%parallel_loop3A_1017, %parallel_loop3A_1018, %parallel_loop3A_1019] {strides = array<i32>} : memref<3x80x128xf32, #tpu.memory_space<vmem>>, vector<1x1x16xf32>,
        %parallel_loop3A_1021 = vector.shape_cast %parallel_loop3A_1020 : vector<1x1x16xf32> to vector<16xf32>
        %parallel_loop3A_1022 = vector.shape_cast %parallel_loop3A_1016 : vector<16xf32> to vector<1x1x16xf32>
        tpu.vector_store %arg8[%parallel_loop3A_1017, %parallel_loop3A_1018, %parallel_loop3A_1019], %parallel_loop3A_1022 {add = true, strides = array<i32>} : memref<3x80x128xf32, #tpu.memory_space<vmem>>, vector<1x1x16xf32>,
        %parallel_loop3A_1023 = arith.constant 6 : i32
        %parallel_loop3A_1024 = arith.addi %parallel_loop3A_144, %parallel_loop3A_1023 : i32
        %parallel_loop3A_1025 = arith.index_cast %parallel_loop3A_164 : i32 to index
        %parallel_loop3A_1026 = arith.constant 64 : index
        %parallel_loop3A_1027 = tpu.vector_load %arg6[%parallel_loop3A_1025, %parallel_loop3A_1026] {strides = array<i32>} : memref<64x128xf32, #tpu.memory_space<vmem>>, vector<1x16xf32>,
        %parallel_loop3A_1028 = vector.shape_cast %parallel_loop3A_1027 : vector<1x16xf32> to vector<16xf32>
        %parallel_loop3A_1029 = arith.index_cast %rem3A_101 : i32 to index
        %parallel_loop3A_1030 = arith.index_cast %parallel_loop3A_1024 : i32 to index
        %parallel_loop3A_1031 = arith.constant 64 : index
        %parallel_loop3A_1032 = tpu.vector_load %arg8[%parallel_loop3A_1029, %parallel_loop3A_1030, %parallel_loop3A_1031] {strides = array<i32>} : memref<3x80x128xf32, #tpu.memory_space<vmem>>, vector<1x1x16xf32>,
        %parallel_loop3A_1033 = vector.shape_cast %parallel_loop3A_1032 : vector<1x1x16xf32> to vector<16xf32>
        %parallel_loop3A_1034 = vector.shape_cast %parallel_loop3A_1028 : vector<16xf32> to vector<1x1x16xf32>
        tpu.vector_store %arg8[%parallel_loop3A_1029, %parallel_loop3A_1030, %parallel_loop3A_1031], %parallel_loop3A_1034 {add = true, strides = array<i32>} : memref<3x80x128xf32, #tpu.memory_space<vmem>>, vector<1x1x16xf32>,
        %parallel_loop3A_1035 = arith.constant 7 : i32
        %parallel_loop3A_1036 = arith.addi %parallel_loop3A_144, %parallel_loop3A_1035 : i32
        %parallel_loop3A_1037 = arith.index_cast %parallel_loop3A_166 : i32 to index
        %parallel_loop3A_1038 = arith.constant 64 : index
        %parallel_loop3A_1039 = tpu.vector_load %arg6[%parallel_loop3A_1037, %parallel_loop3A_1038] {strides = array<i32>} : memref<64x128xf32, #tpu.memory_space<vmem>>, vector<1x16xf32>,
        %parallel_loop3A_1040 = vector.shape_cast %parallel_loop3A_1039 : vector<1x16xf32> to vector<16xf32>
        %parallel_loop3A_1041 = arith.index_cast %rem3A_101 : i32 to index
        %parallel_loop3A_1042 = arith.index_cast %parallel_loop3A_1036 : i32 to index
        %parallel_loop3A_1043 = arith.constant 64 : index
        %parallel_loop3A_1044 = tpu.vector_load %arg8[%parallel_loop3A_1041, %parallel_loop3A_1042, %parallel_loop3A_1043] {strides = array<i32>} : memref<3x80x128xf32, #tpu.memory_space<vmem>>, vector<1x1x16xf32>,
        %parallel_loop3A_1045 = vector.shape_cast %parallel_loop3A_1044 : vector<1x1x16xf32> to vector<16xf32>
        %parallel_loop3A_1046 = vector.shape_cast %parallel_loop3A_1040 : vector<16xf32> to vector<1x1x16xf32>
        tpu.vector_store %arg8[%parallel_loop3A_1041, %parallel_loop3A_1042, %parallel_loop3A_1043], %parallel_loop3A_1046 {add = true, strides = array<i32>} : memref<3x80x128xf32, #tpu.memory_space<vmem>>, vector<1x1x16xf32>,
        %parallel_loop3A_1047 = arith.constant 8 : i32
        %parallel_loop3A_1048 = arith.addi %parallel_loop3A_144, %parallel_loop3A_1047 : i32
        %parallel_loop3A_1049 = arith.index_cast %parallel_loop3A_168 : i32 to index
        %parallel_loop3A_1050 = arith.constant 64 : index
        %parallel_loop3A_1051 = tpu.vector_load %arg6[%parallel_loop3A_1049, %parallel_loop3A_1050] {strides = array<i32>} : memref<64x128xf32, #tpu.memory_space<vmem>>, vector<1x16xf32>,
        %parallel_loop3A_1052 = vector.shape_cast %parallel_loop3A_1051 : vector<1x16xf32> to vector<16xf32>
        %parallel_loop3A_1053 = arith.index_cast %rem3A_101 : i32 to index
        %parallel_loop3A_1054 = arith.index_cast %parallel_loop3A_1048 : i32 to index
        %parallel_loop3A_1055 = arith.constant 64 : index
        %parallel_loop3A_1056 = tpu.vector_load %arg8[%parallel_loop3A_1053, %parallel_loop3A_1054, %parallel_loop3A_1055] {strides = array<i32>} : memref<3x80x128xf32, #tpu.memory_space<vmem>>, vector<1x1x16xf32>,
        %parallel_loop3A_1057 = vector.shape_cast %parallel_loop3A_1056 : vector<1x1x16xf32> to vector<16xf32>
        %parallel_loop3A_1058 = vector.shape_cast %parallel_loop3A_1052 : vector<16xf32> to vector<1x1x16xf32>
        tpu.vector_store %arg8[%parallel_loop3A_1053, %parallel_loop3A_1054, %parallel_loop3A_1055], %parallel_loop3A_1058 {add = true, strides = array<i32>} : memref<3x80x128xf32, #tpu.memory_space<vmem>>, vector<1x1x16xf32>,
        %parallel_loop3A_1059 = arith.constant 9 : i32
        %parallel_loop3A_1060 = arith.addi %parallel_loop3A_144, %parallel_loop3A_1059 : i32
        %parallel_loop3A_1061 = arith.index_cast %parallel_loop3A_170 : i32 to index
        %parallel_loop3A_1062 = arith.constant 64 : index
        %parallel_loop3A_1063 = tpu.vector_load %arg6[%parallel_loop3A_1061, %parallel_loop3A_1062] {strides = array<i32>} : memref<64x128xf32, #tpu.memory_space<vmem>>, vector<1x16xf32>,
        %parallel_loop3A_1064 = vector.shape_cast %parallel_loop3A_1063 : vector<1x16xf32> to vector<16xf32>
        %parallel_loop3A_1065 = arith.index_cast %rem3A_101 : i32 to index
        %parallel_loop3A_1066 = arith.index_cast %parallel_loop3A_1060 : i32 to index
        %parallel_loop3A_1067 = arith.constant 64 : index
        %parallel_loop3A_1068 = tpu.vector_load %arg8[%parallel_loop3A_1065, %parallel_loop3A_1066, %parallel_loop3A_1067] {strides = array<i32>} : memref<3x80x128xf32, #tpu.memory_space<vmem>>, vector<1x1x16xf32>,
        %parallel_loop3A_1069 = vector.shape_cast %parallel_loop3A_1068 : vector<1x1x16xf32> to vector<16xf32>
        %parallel_loop3A_1070 = vector.shape_cast %parallel_loop3A_1064 : vector<16xf32> to vector<1x1x16xf32>
        tpu.vector_store %arg8[%parallel_loop3A_1065, %parallel_loop3A_1066, %parallel_loop3A_1067], %parallel_loop3A_1070 {add = true, strides = array<i32>} : memref<3x80x128xf32, #tpu.memory_space<vmem>>, vector<1x1x16xf32>,
        %parallel_loop3A_1071 = arith.constant 10 : i32
        %parallel_loop3A_1072 = arith.addi %parallel_loop3A_144, %parallel_loop3A_1071 : i32
        %parallel_loop3A_1073 = arith.index_cast %parallel_loop3A_172 : i32 to index
        %parallel_loop3A_1074 = arith.constant 64 : index
        %parallel_loop3A_1075 = tpu.vector_load %arg6[%parallel_loop3A_1073, %parallel_loop3A_1074] {strides = array<i32>} : memref<64x128xf32, #tpu.memory_space<vmem>>, vector<1x16xf32>,
        %parallel_loop3A_1076 = vector.shape_cast %parallel_loop3A_1075 : vector<1x16xf32> to vector<16xf32>
        %parallel_loop3A_1077 = arith.index_cast %rem3A_101 : i32 to index
        %parallel_loop3A_1078 = arith.index_cast %parallel_loop3A_1072 : i32 to index
        %parallel_loop3A_1079 = arith.constant 64 : index
        %parallel_loop3A_1080 = tpu.vector_load %arg8[%parallel_loop3A_1077, %parallel_loop3A_1078, %parallel_loop3A_1079] {strides = array<i32>} : memref<3x80x128xf32, #tpu.memory_space<vmem>>, vector<1x1x16xf32>,
        %parallel_loop3A_1081 = vector.shape_cast %parallel_loop3A_1080 : vector<1x1x16xf32> to vector<16xf32>
        %parallel_loop3A_1082 = vector.shape_cast %parallel_loop3A_1076 : vector<16xf32> to vector<1x1x16xf32>
        tpu.vector_store %arg8[%parallel_loop3A_1077, %parallel_loop3A_1078, %parallel_loop3A_1079], %parallel_loop3A_1082 {add = true, strides = array<i32>} : memref<3x80x128xf32, #tpu.memory_space<vmem>>, vector<1x1x16xf32>,
        %parallel_loop3A_1083 = arith.constant 11 : i32
        %parallel_loop3A_1084 = arith.addi %parallel_loop3A_144, %parallel_loop3A_1083 : i32
        %parallel_loop3A_1085 = arith.index_cast %parallel_loop3A_174 : i32 to index
        %parallel_loop3A_1086 = arith.constant 64 : index
        %parallel_loop3A_1087 = tpu.vector_load %arg6[%parallel_loop3A_1085, %parallel_loop3A_1086] {strides = array<i32>} : memref<64x128xf32, #tpu.memory_space<vmem>>, vector<1x16xf32>,
        %parallel_loop3A_1088 = vector.shape_cast %parallel_loop3A_1087 : vector<1x16xf32> to vector<16xf32>
        %parallel_loop3A_1089 = arith.index_cast %rem3A_101 : i32 to index
        %parallel_loop3A_1090 = arith.index_cast %parallel_loop3A_1084 : i32 to index
        %parallel_loop3A_1091 = arith.constant 64 : index
        %parallel_loop3A_1092 = tpu.vector_load %arg8[%parallel_loop3A_1089, %parallel_loop3A_1090, %parallel_loop3A_1091] {strides = array<i32>} : memref<3x80x128xf32, #tpu.memory_space<vmem>>, vector<1x1x16xf32>,
        %parallel_loop3A_1093 = vector.shape_cast %parallel_loop3A_1092 : vector<1x1x16xf32> to vector<16xf32>
        %parallel_loop3A_1094 = vector.shape_cast %parallel_loop3A_1088 : vector<16xf32> to vector<1x1x16xf32>
        tpu.vector_store %arg8[%parallel_loop3A_1089, %parallel_loop3A_1090, %parallel_loop3A_1091], %parallel_loop3A_1094 {add = true, strides = array<i32>} : memref<3x80x128xf32, #tpu.memory_space<vmem>>, vector<1x1x16xf32>,
        %parallel_loop3A_1095 = arith.constant 12 : i32
        %parallel_loop3A_1096 = arith.addi %parallel_loop3A_144, %parallel_loop3A_1095 : i32
        %parallel_loop3A_1097 = arith.index_cast %parallel_loop3A_176 : i32 to index
        %parallel_loop3A_1098 = arith.constant 64 : index
        %parallel_loop3A_1099 = tpu.vector_load %arg6[%parallel_loop3A_1097, %parallel_loop3A_1098] {strides = array<i32>} : memref<64x128xf32, #tpu.memory_space<vmem>>, vector<1x16xf32>,
        %parallel_loop3A_1100 = vector.shape_cast %parallel_loop3A_1099 : vector<1x16xf32> to vector<16xf32>
        %parallel_loop3A_1101 = arith.index_cast %rem3A_101 : i32 to index
        %parallel_loop3A_1102 = arith.index_cast %parallel_loop3A_1096 : i32 to index
        %parallel_loop3A_1103 = arith.constant 64 : index
        %parallel_loop3A_1104 = tpu.vector_load %arg8[%parallel_loop3A_1101, %parallel_loop3A_1102, %parallel_loop3A_1103] {strides = array<i32>} : memref<3x80x128xf32, #tpu.memory_space<vmem>>, vector<1x1x16xf32>,
        %parallel_loop3A_1105 = vector.shape_cast %parallel_loop3A_1104 : vector<1x1x16xf32> to vector<16xf32>
        %parallel_loop3A_1106 = vector.shape_cast %parallel_loop3A_1100 : vector<16xf32> to vector<1x1x16xf32>
        tpu.vector_store %arg8[%parallel_loop3A_1101, %parallel_loop3A_1102, %parallel_loop3A_1103], %parallel_loop3A_1106 {add = true, strides = array<i32>} : memref<3x80x128xf32, #tpu.memory_space<vmem>>, vector<1x1x16xf32>,
        %parallel_loop3A_1107 = arith.constant 13 : i32
        %parallel_loop3A_1108 = arith.addi %parallel_loop3A_144, %parallel_loop3A_1107 : i32
        %parallel_loop3A_1109 = arith.index_cast %parallel_loop3A_178 : i32 to index
        %parallel_loop3A_1110 = arith.constant 64 : index
        %parallel_loop3A_1111 = tpu.vector_load %arg6[%parallel_loop3A_1109, %parallel_loop3A_1110] {strides = array<i32>} : memref<64x128xf32, #tpu.memory_space<vmem>>, vector<1x16xf32>,
        %parallel_loop3A_1112 = vector.shape_cast %parallel_loop3A_1111 : vector<1x16xf32> to vector<16xf32>
        %parallel_loop3A_1113 = arith.index_cast %rem3A_101 : i32 to index
        %parallel_loop3A_1114 = arith.index_cast %parallel_loop3A_1108 : i32 to index
        %parallel_loop3A_1115 = arith.constant 64 : index
        %parallel_loop3A_1116 = tpu.vector_load %arg8[%parallel_loop3A_1113, %parallel_loop3A_1114, %parallel_loop3A_1115] {strides = array<i32>} : memref<3x80x128xf32, #tpu.memory_space<vmem>>, vector<1x1x16xf32>,
        %parallel_loop3A_1117 = vector.shape_cast %parallel_loop3A_1116 : vector<1x1x16xf32> to vector<16xf32>
        %parallel_loop3A_1118 = vector.shape_cast %parallel_loop3A_1112 : vector<16xf32> to vector<1x1x16xf32>
        tpu.vector_store %arg8[%parallel_loop3A_1113, %parallel_loop3A_1114, %parallel_loop3A_1115], %parallel_loop3A_1118 {add = true, strides = array<i32>} : memref<3x80x128xf32, #tpu.memory_space<vmem>>, vector<1x1x16xf32>,
        %parallel_loop3A_1119 = arith.constant 14 : i32
        %parallel_loop3A_1120 = arith.addi %parallel_loop3A_144, %parallel_loop3A_1119 : i32
        %parallel_loop3A_1121 = arith.index_cast %parallel_loop3A_180 : i32 to index
        %parallel_loop3A_1122 = arith.constant 64 : index
        %parallel_loop3A_1123 = tpu.vector_load %arg6[%parallel_loop3A_1121, %parallel_loop3A_1122] {strides = array<i32>} : memref<64x128xf32, #tpu.memory_space<vmem>>, vector<1x16xf32>,
        %parallel_loop3A_1124 = vector.shape_cast %parallel_loop3A_1123 : vector<1x16xf32> to vector<16xf32>
        %parallel_loop3A_1125 = arith.index_cast %rem3A_101 : i32 to index
        %parallel_loop3A_1126 = arith.index_cast %parallel_loop3A_1120 : i32 to index
        %parallel_loop3A_1127 = arith.constant 64 : index
        %parallel_loop3A_1128 = tpu.vector_load %arg8[%parallel_loop3A_1125, %parallel_loop3A_1126, %parallel_loop3A_1127] {strides = array<i32>} : memref<3x80x128xf32, #tpu.memory_space<vmem>>, vector<1x1x16xf32>,
        %parallel_loop3A_1129 = vector.shape_cast %parallel_loop3A_1128 : vector<1x1x16xf32> to vector<16xf32>
        %parallel_loop3A_1130 = vector.shape_cast %parallel_loop3A_1124 : vector<16xf32> to vector<1x1x16xf32>
        tpu.vector_store %arg8[%parallel_loop3A_1125, %parallel_loop3A_1126, %parallel_loop3A_1127], %parallel_loop3A_1130 {add = true, strides = array<i32>} : memref<3x80x128xf32, #tpu.memory_space<vmem>>, vector<1x1x16xf32>,
        %parallel_loop3A_1131 = arith.constant 15 : i32
        %parallel_loop3A_1132 = arith.addi %parallel_loop3A_144, %parallel_loop3A_1131 : i32
        %parallel_loop3A_1133 = arith.index_cast %parallel_loop3A_182 : i32 to index
        %parallel_loop3A_1134 = arith.constant 64 : index
        %parallel_loop3A_1135 = tpu.vector_load %arg6[%parallel_loop3A_1133, %parallel_loop3A_1134] {strides = array<i32>} : memref<64x128xf32, #tpu.memory_space<vmem>>, vector<1x16xf32>,
        %parallel_loop3A_1136 = vector.shape_cast %parallel_loop3A_1135 : vector<1x16xf32> to vector<16xf32>
        %parallel_loop3A_1137 = arith.index_cast %rem3A_101 : i32 to index
        %parallel_loop3A_1138 = arith.index_cast %parallel_loop3A_1132 : i32 to index
        %parallel_loop3A_1139 = arith.constant 64 : index
        %parallel_loop3A_1140 = tpu.vector_load %arg8[%parallel_loop3A_1137, %parallel_loop3A_1138, %parallel_loop3A_1139] {strides = array<i32>} : memref<3x80x128xf32, #tpu.memory_space<vmem>>, vector<1x1x16xf32>,
        %parallel_loop3A_1141 = vector.shape_cast %parallel_loop3A_1140 : vector<1x1x16xf32> to vector<16xf32>
        %parallel_loop3A_1142 = vector.shape_cast %parallel_loop3A_1136 : vector<16xf32> to vector<1x1x16xf32>
        tpu.vector_store %arg8[%parallel_loop3A_1137, %parallel_loop3A_1138, %parallel_loop3A_1139], %parallel_loop3A_1142 {add = true, strides = array<i32>} : memref<3x80x128xf32, #tpu.memory_space<vmem>>, vector<1x1x16xf32>,
        %parallel_loop3A_1143 = arith.constant 0 : i32
        %parallel_loop3A_1144 = arith.addi %parallel_loop3A_144, %parallel_loop3A_1143 : i32
        %parallel_loop3A_1145 = arith.index_cast %parallel_loop3A_152 : i32 to index
        %parallel_loop3A_1146 = arith.constant 80 : index
        %parallel_loop3A_1147 = tpu.vector_load %arg6[%parallel_loop3A_1145, %parallel_loop3A_1146] {strides = array<i32>} : memref<64x128xf32, #tpu.memory_space<vmem>>, vector<1x16xf32>,
        %parallel_loop3A_1148 = vector.shape_cast %parallel_loop3A_1147 : vector<1x16xf32> to vector<16xf32>
        %parallel_loop3A_1149 = arith.index_cast %rem3A_101 : i32 to index
        %parallel_loop3A_1150 = arith.index_cast %parallel_loop3A_1144 : i32 to index
        %parallel_loop3A_1151 = arith.constant 80 : index
        %parallel_loop3A_1152 = tpu.vector_load %arg8[%parallel_loop3A_1149, %parallel_loop3A_1150, %parallel_loop3A_1151] {strides = array<i32>} : memref<3x80x128xf32, #tpu.memory_space<vmem>>, vector<1x1x16xf32>,
        %parallel_loop3A_1153 = vector.shape_cast %parallel_loop3A_1152 : vector<1x1x16xf32> to vector<16xf32>
        %parallel_loop3A_1154 = vector.shape_cast %parallel_loop3A_1148 : vector<16xf32> to vector<1x1x16xf32>
        tpu.vector_store %arg8[%parallel_loop3A_1149, %parallel_loop3A_1150, %parallel_loop3A_1151], %parallel_loop3A_1154 {add = true, strides = array<i32>} : memref<3x80x128xf32, #tpu.memory_space<vmem>>, vector<1x1x16xf32>,
        %parallel_loop3A_1155 = arith.constant 1 : i32
        %parallel_loop3A_1156 = arith.addi %parallel_loop3A_144, %parallel_loop3A_1155 : i32
        %parallel_loop3A_1157 = arith.index_cast %parallel_loop3A_154 : i32 to index
        %parallel_loop3A_1158 = arith.constant 80 : index
        %parallel_loop3A_1159 = tpu.vector_load %arg6[%parallel_loop3A_1157, %parallel_loop3A_1158] {strides = array<i32>} : memref<64x128xf32, #tpu.memory_space<vmem>>, vector<1x16xf32>,
        %parallel_loop3A_1160 = vector.shape_cast %parallel_loop3A_1159 : vector<1x16xf32> to vector<16xf32>
        %parallel_loop3A_1161 = arith.index_cast %rem3A_101 : i32 to index
        %parallel_loop3A_1162 = arith.index_cast %parallel_loop3A_1156 : i32 to index
        %parallel_loop3A_1163 = arith.constant 80 : index
        %parallel_loop3A_1164 = tpu.vector_load %arg8[%parallel_loop3A_1161, %parallel_loop3A_1162, %parallel_loop3A_1163] {strides = array<i32>} : memref<3x80x128xf32, #tpu.memory_space<vmem>>, vector<1x1x16xf32>,
        %parallel_loop3A_1165 = vector.shape_cast %parallel_loop3A_1164 : vector<1x1x16xf32> to vector<16xf32>
        %parallel_loop3A_1166 = vector.shape_cast %parallel_loop3A_1160 : vector<16xf32> to vector<1x1x16xf32>
        tpu.vector_store %arg8[%parallel_loop3A_1161, %parallel_loop3A_1162, %parallel_loop3A_1163], %parallel_loop3A_1166 {add = true, strides = array<i32>} : memref<3x80x128xf32, #tpu.memory_space<vmem>>, vector<1x1x16xf32>,
        %parallel_loop3A_1167 = arith.constant 2 : i32
        %parallel_loop3A_1168 = arith.addi %parallel_loop3A_144, %parallel_loop3A_1167 : i32
        %parallel_loop3A_1169 = arith.index_cast %parallel_loop3A_156 : i32 to index
        %parallel_loop3A_1170 = arith.constant 80 : index
        %parallel_loop3A_1171 = tpu.vector_load %arg6[%parallel_loop3A_1169, %parallel_loop3A_1170] {strides = array<i32>} : memref<64x128xf32, #tpu.memory_space<vmem>>, vector<1x16xf32>,
        %parallel_loop3A_1172 = vector.shape_cast %parallel_loop3A_1171 : vector<1x16xf32> to vector<16xf32>
        %parallel_loop3A_1173 = arith.index_cast %rem3A_101 : i32 to index
        %parallel_loop3A_1174 = arith.index_cast %parallel_loop3A_1168 : i32 to index
        %parallel_loop3A_1175 = arith.constant 80 : index
        %parallel_loop3A_1176 = tpu.vector_load %arg8[%parallel_loop3A_1173, %parallel_loop3A_1174, %parallel_loop3A_1175] {strides = array<i32>} : memref<3x80x128xf32, #tpu.memory_space<vmem>>, vector<1x1x16xf32>,
        %parallel_loop3A_1177 = vector.shape_cast %parallel_loop3A_1176 : vector<1x1x16xf32> to vector<16xf32>
        %parallel_loop3A_1178 = vector.shape_cast %parallel_loop3A_1172 : vector<16xf32> to vector<1x1x16xf32>
        tpu.vector_store %arg8[%parallel_loop3A_1173, %parallel_loop3A_1174, %parallel_loop3A_1175], %parallel_loop3A_1178 {add = true, strides = array<i32>} : memref<3x80x128xf32, #tpu.memory_space<vmem>>, vector<1x1x16xf32>,
        %parallel_loop3A_1179 = arith.constant 3 : i32
        %parallel_loop3A_1180 = arith.addi %parallel_loop3A_144, %parallel_loop3A_1179 : i32
        %parallel_loop3A_1181 = arith.index_cast %parallel_loop3A_158 : i32 to index
        %parallel_loop3A_1182 = arith.constant 80 : index
        %parallel_loop3A_1183 = tpu.vector_load %arg6[%parallel_loop3A_1181, %parallel_loop3A_1182] {strides = array<i32>} : memref<64x128xf32, #tpu.memory_space<vmem>>, vector<1x16xf32>,
        %parallel_loop3A_1184 = vector.shape_cast %parallel_loop3A_1183 : vector<1x16xf32> to vector<16xf32>
        %parallel_loop3A_1185 = arith.index_cast %rem3A_101 : i32 to index
        %parallel_loop3A_1186 = arith.index_cast %parallel_loop3A_1180 : i32 to index
        %parallel_loop3A_1187 = arith.constant 80 : index
        %parallel_loop3A_1188 = tpu.vector_load %arg8[%parallel_loop3A_1185, %parallel_loop3A_1186, %parallel_loop3A_1187] {strides = array<i32>} : memref<3x80x128xf32, #tpu.memory_space<vmem>>, vector<1x1x16xf32>,
        %parallel_loop3A_1189 = vector.shape_cast %parallel_loop3A_1188 : vector<1x1x16xf32> to vector<16xf32>
        %parallel_loop3A_1190 = vector.shape_cast %parallel_loop3A_1184 : vector<16xf32> to vector<1x1x16xf32>
        tpu.vector_store %arg8[%parallel_loop3A_1185, %parallel_loop3A_1186, %parallel_loop3A_1187], %parallel_loop3A_1190 {add = true, strides = array<i32>} : memref<3x80x128xf32, #tpu.memory_space<vmem>>, vector<1x1x16xf32>,
        %parallel_loop3A_1191 = arith.constant 4 : i32
        %parallel_loop3A_1192 = arith.addi %parallel_loop3A_144, %parallel_loop3A_1191 : i32
        %parallel_loop3A_1193 = arith.index_cast %parallel_loop3A_160 : i32 to index
        %parallel_loop3A_1194 = arith.constant 80 : index
        %parallel_loop3A_1195 = tpu.vector_load %arg6[%parallel_loop3A_1193, %parallel_loop3A_1194] {strides = array<i32>} : memref<64x128xf32, #tpu.memory_space<vmem>>, vector<1x16xf32>,
        %parallel_loop3A_1196 = vector.shape_cast %parallel_loop3A_1195 : vector<1x16xf32> to vector<16xf32>
        %parallel_loop3A_1197 = arith.index_cast %rem3A_101 : i32 to index
        %parallel_loop3A_1198 = arith.index_cast %parallel_loop3A_1192 : i32 to index
        %parallel_loop3A_1199 = arith.constant 80 : index
        %parallel_loop3A_1200 = tpu.vector_load %arg8[%parallel_loop3A_1197, %parallel_loop3A_1198, %parallel_loop3A_1199] {strides = array<i32>} : memref<3x80x128xf32, #tpu.memory_space<vmem>>, vector<1x1x16xf32>,
        %parallel_loop3A_1201 = vector.shape_cast %parallel_loop3A_1200 : vector<1x1x16xf32> to vector<16xf32>
        %parallel_loop3A_1202 = vector.shape_cast %parallel_loop3A_1196 : vector<16xf32> to vector<1x1x16xf32>
        tpu.vector_store %arg8[%parallel_loop3A_1197, %parallel_loop3A_1198, %parallel_loop3A_1199], %parallel_loop3A_1202 {add = true, strides = array<i32>} : memref<3x80x128xf32, #tpu.memory_space<vmem>>, vector<1x1x16xf32>,
        %parallel_loop3A_1203 = arith.constant 5 : i32
        %parallel_loop3A_1204 = arith.addi %parallel_loop3A_144, %parallel_loop3A_1203 : i32
        %parallel_loop3A_1205 = arith.index_cast %parallel_loop3A_162 : i32 to index
        %parallel_loop3A_1206 = arith.constant 80 : index
        %parallel_loop3A_1207 = tpu.vector_load %arg6[%parallel_loop3A_1205, %parallel_loop3A_1206] {strides = array<i32>} : memref<64x128xf32, #tpu.memory_space<vmem>>, vector<1x16xf32>,
        %parallel_loop3A_1208 = vector.shape_cast %parallel_loop3A_1207 : vector<1x16xf32> to vector<16xf32>
        %parallel_loop3A_1209 = arith.index_cast %rem3A_101 : i32 to index
        %parallel_loop3A_1210 = arith.index_cast %parallel_loop3A_1204 : i32 to index
        %parallel_loop3A_1211 = arith.constant 80 : index
        %parallel_loop3A_1212 = tpu.vector_load %arg8[%parallel_loop3A_1209, %parallel_loop3A_1210, %parallel_loop3A_1211] {strides = array<i32>} : memref<3x80x128xf32, #tpu.memory_space<vmem>>, vector<1x1x16xf32>,
        %parallel_loop3A_1213 = vector.shape_cast %parallel_loop3A_1212 : vector<1x1x16xf32> to vector<16xf32>
        %parallel_loop3A_1214 = vector.shape_cast %parallel_loop3A_1208 : vector<16xf32> to vector<1x1x16xf32>
        tpu.vector_store %arg8[%parallel_loop3A_1209, %parallel_loop3A_1210, %parallel_loop3A_1211], %parallel_loop3A_1214 {add = true, strides = array<i32>} : memref<3x80x128xf32, #tpu.memory_space<vmem>>, vector<1x1x16xf32>,
        %parallel_loop3A_1215 = arith.constant 6 : i32
        %parallel_loop3A_1216 = arith.addi %parallel_loop3A_144, %parallel_loop3A_1215 : i32
        %parallel_loop3A_1217 = arith.index_cast %parallel_loop3A_164 : i32 to index
        %parallel_loop3A_1218 = arith.constant 80 : index
        %parallel_loop3A_1219 = tpu.vector_load %arg6[%parallel_loop3A_1217, %parallel_loop3A_1218] {strides = array<i32>} : memref<64x128xf32, #tpu.memory_space<vmem>>, vector<1x16xf32>,
        %parallel_loop3A_1220 = vector.shape_cast %parallel_loop3A_1219 : vector<1x16xf32> to vector<16xf32>
        %parallel_loop3A_1221 = arith.index_cast %rem3A_101 : i32 to index
        %parallel_loop3A_1222 = arith.index_cast %parallel_loop3A_1216 : i32 to index
        %parallel_loop3A_1223 = arith.constant 80 : index
        %parallel_loop3A_1224 = tpu.vector_load %arg8[%parallel_loop3A_1221, %parallel_loop3A_1222, %parallel_loop3A_1223] {strides = array<i32>} : memref<3x80x128xf32, #tpu.memory_space<vmem>>, vector<1x1x16xf32>,
        %parallel_loop3A_1225 = vector.shape_cast %parallel_loop3A_1224 : vector<1x1x16xf32> to vector<16xf32>
        %parallel_loop3A_1226 = vector.shape_cast %parallel_loop3A_1220 : vector<16xf32> to vector<1x1x16xf32>
        tpu.vector_store %arg8[%parallel_loop3A_1221, %parallel_loop3A_1222, %parallel_loop3A_1223], %parallel_loop3A_1226 {add = true, strides = array<i32>} : memref<3x80x128xf32, #tpu.memory_space<vmem>>, vector<1x1x16xf32>,
        %parallel_loop3A_1227 = arith.constant 7 : i32
        %parallel_loop3A_1228 = arith.addi %parallel_loop3A_144, %parallel_loop3A_1227 : i32
        %parallel_loop3A_1229 = arith.index_cast %parallel_loop3A_166 : i32 to index
        %parallel_loop3A_1230 = arith.constant 80 : index
        %parallel_loop3A_1231 = tpu.vector_load %arg6[%parallel_loop3A_1229, %parallel_loop3A_1230] {strides = array<i32>} : memref<64x128xf32, #tpu.memory_space<vmem>>, vector<1x16xf32>,
        %parallel_loop3A_1232 = vector.shape_cast %parallel_loop3A_1231 : vector<1x16xf32> to vector<16xf32>
        %parallel_loop3A_1233 = arith.index_cast %rem3A_101 : i32 to index
        %parallel_loop3A_1234 = arith.index_cast %parallel_loop3A_1228 : i32 to index
        %parallel_loop3A_1235 = arith.constant 80 : index
        %parallel_loop3A_1236 = tpu.vector_load %arg8[%parallel_loop3A_1233, %parallel_loop3A_1234, %parallel_loop3A_1235] {strides = array<i32>} : memref<3x80x128xf32, #tpu.memory_space<vmem>>, vector<1x1x16xf32>,
        %parallel_loop3A_1237 = vector.shape_cast %parallel_loop3A_1236 : vector<1x1x16xf32> to vector<16xf32>
        %parallel_loop3A_1238 = vector.shape_cast %parallel_loop3A_1232 : vector<16xf32> to vector<1x1x16xf32>
        tpu.vector_store %arg8[%parallel_loop3A_1233, %parallel_loop3A_1234, %parallel_loop3A_1235], %parallel_loop3A_1238 {add = true, strides = array<i32>} : memref<3x80x128xf32, #tpu.memory_space<vmem>>, vector<1x1x16xf32>,
        %parallel_loop3A_1239 = arith.constant 8 : i32
        %parallel_loop3A_1240 = arith.addi %parallel_loop3A_144, %parallel_loop3A_1239 : i32
        %parallel_loop3A_1241 = arith.index_cast %parallel_loop3A_168 : i32 to index
        %parallel_loop3A_1242 = arith.constant 80 : index
        %parallel_loop3A_1243 = tpu.vector_load %arg6[%parallel_loop3A_1241, %parallel_loop3A_1242] {strides = array<i32>} : memref<64x128xf32, #tpu.memory_space<vmem>>, vector<1x16xf32>,
        %parallel_loop3A_1244 = vector.shape_cast %parallel_loop3A_1243 : vector<1x16xf32> to vector<16xf32>
        %parallel_loop3A_1245 = arith.index_cast %rem3A_101 : i32 to index
        %parallel_loop3A_1246 = arith.index_cast %parallel_loop3A_1240 : i32 to index
        %parallel_loop3A_1247 = arith.constant 80 : index
        %parallel_loop3A_1248 = tpu.vector_load %arg8[%parallel_loop3A_1245, %parallel_loop3A_1246, %parallel_loop3A_1247] {strides = array<i32>} : memref<3x80x128xf32, #tpu.memory_space<vmem>>, vector<1x1x16xf32>,
        %parallel_loop3A_1249 = vector.shape_cast %parallel_loop3A_1248 : vector<1x1x16xf32> to vector<16xf32>
        %parallel_loop3A_1250 = vector.shape_cast %parallel_loop3A_1244 : vector<16xf32> to vector<1x1x16xf32>
        tpu.vector_store %arg8[%parallel_loop3A_1245, %parallel_loop3A_1246, %parallel_loop3A_1247], %parallel_loop3A_1250 {add = true, strides = array<i32>} : memref<3x80x128xf32, #tpu.memory_space<vmem>>, vector<1x1x16xf32>,
        %parallel_loop3A_1251 = arith.constant 9 : i32
        %parallel_loop3A_1252 = arith.addi %parallel_loop3A_144, %parallel_loop3A_1251 : i32
        %parallel_loop3A_1253 = arith.index_cast %parallel_loop3A_170 : i32 to index
        %parallel_loop3A_1254 = arith.constant 80 : index
        %parallel_loop3A_1255 = tpu.vector_load %arg6[%parallel_loop3A_1253, %parallel_loop3A_1254] {strides = array<i32>} : memref<64x128xf32, #tpu.memory_space<vmem>>, vector<1x16xf32>,
        %parallel_loop3A_1256 = vector.shape_cast %parallel_loop3A_1255 : vector<1x16xf32> to vector<16xf32>
        %parallel_loop3A_1257 = arith.index_cast %rem3A_101 : i32 to index
        %parallel_loop3A_1258 = arith.index_cast %parallel_loop3A_1252 : i32 to index
        %parallel_loop3A_1259 = arith.constant 80 : index
        %parallel_loop3A_1260 = tpu.vector_load %arg8[%parallel_loop3A_1257, %parallel_loop3A_1258, %parallel_loop3A_1259] {strides = array<i32>} : memref<3x80x128xf32, #tpu.memory_space<vmem>>, vector<1x1x16xf32>,
        %parallel_loop3A_1261 = vector.shape_cast %parallel_loop3A_1260 : vector<1x1x16xf32> to vector<16xf32>
        %parallel_loop3A_1262 = vector.shape_cast %parallel_loop3A_1256 : vector<16xf32> to vector<1x1x16xf32>
        tpu.vector_store %arg8[%parallel_loop3A_1257, %parallel_loop3A_1258, %parallel_loop3A_1259], %parallel_loop3A_1262 {add = true, strides = array<i32>} : memref<3x80x128xf32, #tpu.memory_space<vmem>>, vector<1x1x16xf32>,
        %parallel_loop3A_1263 = arith.constant 10 : i32
        %parallel_loop3A_1264 = arith.addi %parallel_loop3A_144, %parallel_loop3A_1263 : i32
        %parallel_loop3A_1265 = arith.index_cast %parallel_loop3A_172 : i32 to index
        %parallel_loop3A_1266 = arith.constant 80 : index
        %parallel_loop3A_1267 = tpu.vector_load %arg6[%parallel_loop3A_1265, %parallel_loop3A_1266] {strides = array<i32>} : memref<64x128xf32, #tpu.memory_space<vmem>>, vector<1x16xf32>,
        %parallel_loop3A_1268 = vector.shape_cast %parallel_loop3A_1267 : vector<1x16xf32> to vector<16xf32>
        %parallel_loop3A_1269 = arith.index_cast %rem3A_101 : i32 to index
        %parallel_loop3A_1270 = arith.index_cast %parallel_loop3A_1264 : i32 to index
        %parallel_loop3A_1271 = arith.constant 80 : index
        %parallel_loop3A_1272 = tpu.vector_load %arg8[%parallel_loop3A_1269, %parallel_loop3A_1270, %parallel_loop3A_1271] {strides = array<i32>} : memref<3x80x128xf32, #tpu.memory_space<vmem>>, vector<1x1x16xf32>,
        %parallel_loop3A_1273 = vector.shape_cast %parallel_loop3A_1272 : vector<1x1x16xf32> to vector<16xf32>
        %parallel_loop3A_1274 = vector.shape_cast %parallel_loop3A_1268 : vector<16xf32> to vector<1x1x16xf32>
        tpu.vector_store %arg8[%parallel_loop3A_1269, %parallel_loop3A_1270, %parallel_loop3A_1271], %parallel_loop3A_1274 {add = true, strides = array<i32>} : memref<3x80x128xf32, #tpu.memory_space<vmem>>, vector<1x1x16xf32>,
        %parallel_loop3A_1275 = arith.constant 11 : i32
        %parallel_loop3A_1276 = arith.addi %parallel_loop3A_144, %parallel_loop3A_1275 : i32
        %parallel_loop3A_1277 = arith.index_cast %parallel_loop3A_174 : i32 to index
        %parallel_loop3A_1278 = arith.constant 80 : index
        %parallel_loop3A_1279 = tpu.vector_load %arg6[%parallel_loop3A_1277, %parallel_loop3A_1278] {strides = array<i32>} : memref<64x128xf32, #tpu.memory_space<vmem>>, vector<1x16xf32>,
        %parallel_loop3A_1280 = vector.shape_cast %parallel_loop3A_1279 : vector<1x16xf32> to vector<16xf32>
        %parallel_loop3A_1281 = arith.index_cast %rem3A_101 : i32 to index
        %parallel_loop3A_1282 = arith.index_cast %parallel_loop3A_1276 : i32 to index
        %parallel_loop3A_1283 = arith.constant 80 : index
        %parallel_loop3A_1284 = tpu.vector_load %arg8[%parallel_loop3A_1281, %parallel_loop3A_1282, %parallel_loop3A_1283] {strides = array<i32>} : memref<3x80x128xf32, #tpu.memory_space<vmem>>, vector<1x1x16xf32>,
        %parallel_loop3A_1285 = vector.shape_cast %parallel_loop3A_1284 : vector<1x1x16xf32> to vector<16xf32>
        %parallel_loop3A_1286 = vector.shape_cast %parallel_loop3A_1280 : vector<16xf32> to vector<1x1x16xf32>
        tpu.vector_store %arg8[%parallel_loop3A_1281, %parallel_loop3A_1282, %parallel_loop3A_1283], %parallel_loop3A_1286 {add = true, strides = array<i32>} : memref<3x80x128xf32, #tpu.memory_space<vmem>>, vector<1x1x16xf32>,
        %parallel_loop3A_1287 = arith.constant 12 : i32
        %parallel_loop3A_1288 = arith.addi %parallel_loop3A_144, %parallel_loop3A_1287 : i32
        %parallel_loop3A_1289 = arith.index_cast %parallel_loop3A_176 : i32 to index
        %parallel_loop3A_1290 = arith.constant 80 : index
        %parallel_loop3A_1291 = tpu.vector_load %arg6[%parallel_loop3A_1289, %parallel_loop3A_1290] {strides = array<i32>} : memref<64x128xf32, #tpu.memory_space<vmem>>, vector<1x16xf32>,
        %parallel_loop3A_1292 = vector.shape_cast %parallel_loop3A_1291 : vector<1x16xf32> to vector<16xf32>
        %parallel_loop3A_1293 = arith.index_cast %rem3A_101 : i32 to index
        %parallel_loop3A_1294 = arith.index_cast %parallel_loop3A_1288 : i32 to index
        %parallel_loop3A_1295 = arith.constant 80 : index
        %parallel_loop3A_1296 = tpu.vector_load %arg8[%parallel_loop3A_1293, %parallel_loop3A_1294, %parallel_loop3A_1295] {strides = array<i32>} : memref<3x80x128xf32, #tpu.memory_space<vmem>>, vector<1x1x16xf32>,
        %parallel_loop3A_1297 = vector.shape_cast %parallel_loop3A_1296 : vector<1x1x16xf32> to vector<16xf32>
        %parallel_loop3A_1298 = vector.shape_cast %parallel_loop3A_1292 : vector<16xf32> to vector<1x1x16xf32>
        tpu.vector_store %arg8[%parallel_loop3A_1293, %parallel_loop3A_1294, %parallel_loop3A_1295], %parallel_loop3A_1298 {add = true, strides = array<i32>} : memref<3x80x128xf32, #tpu.memory_space<vmem>>, vector<1x1x16xf32>,
        %parallel_loop3A_1299 = arith.constant 13 : i32
        %parallel_loop3A_1300 = arith.addi %parallel_loop3A_144, %parallel_loop3A_1299 : i32
        %parallel_loop3A_1301 = arith.index_cast %parallel_loop3A_178 : i32 to index
        %parallel_loop3A_1302 = arith.constant 80 : index
        %parallel_loop3A_1303 = tpu.vector_load %arg6[%parallel_loop3A_1301, %parallel_loop3A_1302] {strides = array<i32>} : memref<64x128xf32, #tpu.memory_space<vmem>>, vector<1x16xf32>,
        %parallel_loop3A_1304 = vector.shape_cast %parallel_loop3A_1303 : vector<1x16xf32> to vector<16xf32>
        %parallel_loop3A_1305 = arith.index_cast %rem3A_101 : i32 to index
        %parallel_loop3A_1306 = arith.index_cast %parallel_loop3A_1300 : i32 to index
        %parallel_loop3A_1307 = arith.constant 80 : index
        %parallel_loop3A_1308 = tpu.vector_load %arg8[%parallel_loop3A_1305, %parallel_loop3A_1306, %parallel_loop3A_1307] {strides = array<i32>} : memref<3x80x128xf32, #tpu.memory_space<vmem>>, vector<1x1x16xf32>,
        %parallel_loop3A_1309 = vector.shape_cast %parallel_loop3A_1308 : vector<1x1x16xf32> to vector<16xf32>
        %parallel_loop3A_1310 = vector.shape_cast %parallel_loop3A_1304 : vector<16xf32> to vector<1x1x16xf32>
        tpu.vector_store %arg8[%parallel_loop3A_1305, %parallel_loop3A_1306, %parallel_loop3A_1307], %parallel_loop3A_1310 {add = true, strides = array<i32>} : memref<3x80x128xf32, #tpu.memory_space<vmem>>, vector<1x1x16xf32>,
        %parallel_loop3A_1311 = arith.constant 14 : i32
        %parallel_loop3A_1312 = arith.addi %parallel_loop3A_144, %parallel_loop3A_1311 : i32
        %parallel_loop3A_1313 = arith.index_cast %parallel_loop3A_180 : i32 to index
        %parallel_loop3A_1314 = arith.constant 80 : index
        %parallel_loop3A_1315 = tpu.vector_load %arg6[%parallel_loop3A_1313, %parallel_loop3A_1314] {strides = array<i32>} : memref<64x128xf32, #tpu.memory_space<vmem>>, vector<1x16xf32>,
        %parallel_loop3A_1316 = vector.shape_cast %parallel_loop3A_1315 : vector<1x16xf32> to vector<16xf32>
        %parallel_loop3A_1317 = arith.index_cast %rem3A_101 : i32 to index
        %parallel_loop3A_1318 = arith.index_cast %parallel_loop3A_1312 : i32 to index
        %parallel_loop3A_1319 = arith.constant 80 : index
        %parallel_loop3A_1320 = tpu.vector_load %arg8[%parallel_loop3A_1317, %parallel_loop3A_1318, %parallel_loop3A_1319] {strides = array<i32>} : memref<3x80x128xf32, #tpu.memory_space<vmem>>, vector<1x1x16xf32>,
        %parallel_loop3A_1321 = vector.shape_cast %parallel_loop3A_1320 : vector<1x1x16xf32> to vector<16xf32>
        %parallel_loop3A_1322 = vector.shape_cast %parallel_loop3A_1316 : vector<16xf32> to vector<1x1x16xf32>
        tpu.vector_store %arg8[%parallel_loop3A_1317, %parallel_loop3A_1318, %parallel_loop3A_1319], %parallel_loop3A_1322 {add = true, strides = array<i32>} : memref<3x80x128xf32, #tpu.memory_space<vmem>>, vector<1x1x16xf32>,
        %parallel_loop3A_1323 = arith.constant 15 : i32
        %parallel_loop3A_1324 = arith.addi %parallel_loop3A_144, %parallel_loop3A_1323 : i32
        %parallel_loop3A_1325 = arith.index_cast %parallel_loop3A_182 : i32 to index
        %parallel_loop3A_1326 = arith.constant 80 : index
        %parallel_loop3A_1327 = tpu.vector_load %arg6[%parallel_loop3A_1325, %parallel_loop3A_1326] {strides = array<i32>} : memref<64x128xf32, #tpu.memory_space<vmem>>, vector<1x16xf32>,
        %parallel_loop3A_1328 = vector.shape_cast %parallel_loop3A_1327 : vector<1x16xf32> to vector<16xf32>
        %parallel_loop3A_1329 = arith.index_cast %rem3A_101 : i32 to index
        %parallel_loop3A_1330 = arith.index_cast %parallel_loop3A_1324 : i32 to index
        %parallel_loop3A_1331 = arith.constant 80 : index
        %parallel_loop3A_1332 = tpu.vector_load %arg8[%parallel_loop3A_1329, %parallel_loop3A_1330, %parallel_loop3A_1331] {strides = array<i32>} : memref<3x80x128xf32, #tpu.memory_space<vmem>>, vector<1x1x16xf32>,
        %parallel_loop3A_1333 = vector.shape_cast %parallel_loop3A_1332 : vector<1x1x16xf32> to vector<16xf32>
        %parallel_loop3A_1334 = vector.shape_cast %parallel_loop3A_1328 : vector<16xf32> to vector<1x1x16xf32>
        tpu.vector_store %arg8[%parallel_loop3A_1329, %parallel_loop3A_1330, %parallel_loop3A_1331], %parallel_loop3A_1334 {add = true, strides = array<i32>} : memref<3x80x128xf32, #tpu.memory_space<vmem>>, vector<1x1x16xf32>,
        %parallel_loop3A_1335 = arith.constant 0 : i32
        %parallel_loop3A_1336 = arith.addi %parallel_loop3A_144, %parallel_loop3A_1335 : i32
        %parallel_loop3A_1337 = arith.index_cast %parallel_loop3A_152 : i32 to index
        %parallel_loop3A_1338 = arith.constant 96 : index
        %parallel_loop3A_1339 = tpu.vector_load %arg6[%parallel_loop3A_1337, %parallel_loop3A_1338] {strides = array<i32>} : memref<64x128xf32, #tpu.memory_space<vmem>>, vector<1x16xf32>,
        %parallel_loop3A_1340 = vector.shape_cast %parallel_loop3A_1339 : vector<1x16xf32> to vector<16xf32>
        %parallel_loop3A_1341 = arith.index_cast %rem3A_101 : i32 to index
        %parallel_loop3A_1342 = arith.index_cast %parallel_loop3A_1336 : i32 to index
        %parallel_loop3A_1343 = arith.constant 96 : index
        %parallel_loop3A_1344 = tpu.vector_load %arg8[%parallel_loop3A_1341, %parallel_loop3A_1342, %parallel_loop3A_1343] {strides = array<i32>} : memref<3x80x128xf32, #tpu.memory_space<vmem>>, vector<1x1x16xf32>,
        %parallel_loop3A_1345 = vector.shape_cast %parallel_loop3A_1344 : vector<1x1x16xf32> to vector<16xf32>
        %parallel_loop3A_1346 = vector.shape_cast %parallel_loop3A_1340 : vector<16xf32> to vector<1x1x16xf32>
        tpu.vector_store %arg8[%parallel_loop3A_1341, %parallel_loop3A_1342, %parallel_loop3A_1343], %parallel_loop3A_1346 {add = true, strides = array<i32>} : memref<3x80x128xf32, #tpu.memory_space<vmem>>, vector<1x1x16xf32>,
        %parallel_loop3A_1347 = arith.constant 1 : i32
        %parallel_loop3A_1348 = arith.addi %parallel_loop3A_144, %parallel_loop3A_1347 : i32
        %parallel_loop3A_1349 = arith.index_cast %parallel_loop3A_154 : i32 to index
        %parallel_loop3A_1350 = arith.constant 96 : index
        %parallel_loop3A_1351 = tpu.vector_load %arg6[%parallel_loop3A_1349, %parallel_loop3A_1350] {strides = array<i32>} : memref<64x128xf32, #tpu.memory_space<vmem>>, vector<1x16xf32>,
        %parallel_loop3A_1352 = vector.shape_cast %parallel_loop3A_1351 : vector<1x16xf32> to vector<16xf32>
        %parallel_loop3A_1353 = arith.index_cast %rem3A_101 : i32 to index
        %parallel_loop3A_1354 = arith.index_cast %parallel_loop3A_1348 : i32 to index
        %parallel_loop3A_1355 = arith.constant 96 : index
        %parallel_loop3A_1356 = tpu.vector_load %arg8[%parallel_loop3A_1353, %parallel_loop3A_1354, %parallel_loop3A_1355] {strides = array<i32>} : memref<3x80x128xf32, #tpu.memory_space<vmem>>, vector<1x1x16xf32>,
        %parallel_loop3A_1357 = vector.shape_cast %parallel_loop3A_1356 : vector<1x1x16xf32> to vector<16xf32>
        %parallel_loop3A_1358 = vector.shape_cast %parallel_loop3A_1352 : vector<16xf32> to vector<1x1x16xf32>
        tpu.vector_store %arg8[%parallel_loop3A_1353, %parallel_loop3A_1354, %parallel_loop3A_1355], %parallel_loop3A_1358 {add = true, strides = array<i32>} : memref<3x80x128xf32, #tpu.memory_space<vmem>>, vector<1x1x16xf32>,
        %parallel_loop3A_1359 = arith.constant 2 : i32
        %parallel_loop3A_1360 = arith.addi %parallel_loop3A_144, %parallel_loop3A_1359 : i32
        %parallel_loop3A_1361 = arith.index_cast %parallel_loop3A_156 : i32 to index
        %parallel_loop3A_1362 = arith.constant 96 : index
        %parallel_loop3A_1363 = tpu.vector_load %arg6[%parallel_loop3A_1361, %parallel_loop3A_1362] {strides = array<i32>} : memref<64x128xf32, #tpu.memory_space<vmem>>, vector<1x16xf32>,
        %parallel_loop3A_1364 = vector.shape_cast %parallel_loop3A_1363 : vector<1x16xf32> to vector<16xf32>
        %parallel_loop3A_1365 = arith.index_cast %rem3A_101 : i32 to index
        %parallel_loop3A_1366 = arith.index_cast %parallel_loop3A_1360 : i32 to index
        %parallel_loop3A_1367 = arith.constant 96 : index
        %parallel_loop3A_1368 = tpu.vector_load %arg8[%parallel_loop3A_1365, %parallel_loop3A_1366, %parallel_loop3A_1367] {strides = array<i32>} : memref<3x80x128xf32, #tpu.memory_space<vmem>>, vector<1x1x16xf32>,
        %parallel_loop3A_1369 = vector.shape_cast %parallel_loop3A_1368 : vector<1x1x16xf32> to vector<16xf32>
        %parallel_loop3A_1370 = vector.shape_cast %parallel_loop3A_1364 : vector<16xf32> to vector<1x1x16xf32>
        tpu.vector_store %arg8[%parallel_loop3A_1365, %parallel_loop3A_1366, %parallel_loop3A_1367], %parallel_loop3A_1370 {add = true, strides = array<i32>} : memref<3x80x128xf32, #tpu.memory_space<vmem>>, vector<1x1x16xf32>,
        %parallel_loop3A_1371 = arith.constant 3 : i32
        %parallel_loop3A_1372 = arith.addi %parallel_loop3A_144, %parallel_loop3A_1371 : i32
        %parallel_loop3A_1373 = arith.index_cast %parallel_loop3A_158 : i32 to index
        %parallel_loop3A_1374 = arith.constant 96 : index
        %parallel_loop3A_1375 = tpu.vector_load %arg6[%parallel_loop3A_1373, %parallel_loop3A_1374] {strides = array<i32>} : memref<64x128xf32, #tpu.memory_space<vmem>>, vector<1x16xf32>,
        %parallel_loop3A_1376 = vector.shape_cast %parallel_loop3A_1375 : vector<1x16xf32> to vector<16xf32>
        %parallel_loop3A_1377 = arith.index_cast %rem3A_101 : i32 to index
        %parallel_loop3A_1378 = arith.index_cast %parallel_loop3A_1372 : i32 to index
        %parallel_loop3A_1379 = arith.constant 96 : index
        %parallel_loop3A_1380 = tpu.vector_load %arg8[%parallel_loop3A_1377, %parallel_loop3A_1378, %parallel_loop3A_1379] {strides = array<i32>} : memref<3x80x128xf32, #tpu.memory_space<vmem>>, vector<1x1x16xf32>,
        %parallel_loop3A_1381 = vector.shape_cast %parallel_loop3A_1380 : vector<1x1x16xf32> to vector<16xf32>
        %parallel_loop3A_1382 = vector.shape_cast %parallel_loop3A_1376 : vector<16xf32> to vector<1x1x16xf32>
        tpu.vector_store %arg8[%parallel_loop3A_1377, %parallel_loop3A_1378, %parallel_loop3A_1379], %parallel_loop3A_1382 {add = true, strides = array<i32>} : memref<3x80x128xf32, #tpu.memory_space<vmem>>, vector<1x1x16xf32>,
        %parallel_loop3A_1383 = arith.constant 4 : i32
        %parallel_loop3A_1384 = arith.addi %parallel_loop3A_144, %parallel_loop3A_1383 : i32
        %parallel_loop3A_1385 = arith.index_cast %parallel_loop3A_160 : i32 to index
        %parallel_loop3A_1386 = arith.constant 96 : index
        %parallel_loop3A_1387 = tpu.vector_load %arg6[%parallel_loop3A_1385, %parallel_loop3A_1386] {strides = array<i32>} : memref<64x128xf32, #tpu.memory_space<vmem>>, vector<1x16xf32>,
        %parallel_loop3A_1388 = vector.shape_cast %parallel_loop3A_1387 : vector<1x16xf32> to vector<16xf32>
        %parallel_loop3A_1389 = arith.index_cast %rem3A_101 : i32 to index
        %parallel_loop3A_1390 = arith.index_cast %parallel_loop3A_1384 : i32 to index
        %parallel_loop3A_1391 = arith.constant 96 : index
        %parallel_loop3A_1392 = tpu.vector_load %arg8[%parallel_loop3A_1389, %parallel_loop3A_1390, %parallel_loop3A_1391] {strides = array<i32>} : memref<3x80x128xf32, #tpu.memory_space<vmem>>, vector<1x1x16xf32>,
        %parallel_loop3A_1393 = vector.shape_cast %parallel_loop3A_1392 : vector<1x1x16xf32> to vector<16xf32>
        %parallel_loop3A_1394 = vector.shape_cast %parallel_loop3A_1388 : vector<16xf32> to vector<1x1x16xf32>
        tpu.vector_store %arg8[%parallel_loop3A_1389, %parallel_loop3A_1390, %parallel_loop3A_1391], %parallel_loop3A_1394 {add = true, strides = array<i32>} : memref<3x80x128xf32, #tpu.memory_space<vmem>>, vector<1x1x16xf32>,
        %parallel_loop3A_1395 = arith.constant 5 : i32
        %parallel_loop3A_1396 = arith.addi %parallel_loop3A_144, %parallel_loop3A_1395 : i32
        %parallel_loop3A_1397 = arith.index_cast %parallel_loop3A_162 : i32 to index
        %parallel_loop3A_1398 = arith.constant 96 : index
        %parallel_loop3A_1399 = tpu.vector_load %arg6[%parallel_loop3A_1397, %parallel_loop3A_1398] {strides = array<i32>} : memref<64x128xf32, #tpu.memory_space<vmem>>, vector<1x16xf32>,
        %parallel_loop3A_1400 = vector.shape_cast %parallel_loop3A_1399 : vector<1x16xf32> to vector<16xf32>
        %parallel_loop3A_1401 = arith.index_cast %rem3A_101 : i32 to index
        %parallel_loop3A_1402 = arith.index_cast %parallel_loop3A_1396 : i32 to index
        %parallel_loop3A_1403 = arith.constant 96 : index
        %parallel_loop3A_1404 = tpu.vector_load %arg8[%parallel_loop3A_1401, %parallel_loop3A_1402, %parallel_loop3A_1403] {strides = array<i32>} : memref<3x80x128xf32, #tpu.memory_space<vmem>>, vector<1x1x16xf32>,
        %parallel_loop3A_1405 = vector.shape_cast %parallel_loop3A_1404 : vector<1x1x16xf32> to vector<16xf32>
        %parallel_loop3A_1406 = vector.shape_cast %parallel_loop3A_1400 : vector<16xf32> to vector<1x1x16xf32>
        tpu.vector_store %arg8[%parallel_loop3A_1401, %parallel_loop3A_1402, %parallel_loop3A_1403], %parallel_loop3A_1406 {add = true, strides = array<i32>} : memref<3x80x128xf32, #tpu.memory_space<vmem>>, vector<1x1x16xf32>,
        %parallel_loop3A_1407 = arith.constant 6 : i32
        %parallel_loop3A_1408 = arith.addi %parallel_loop3A_144, %parallel_loop3A_1407 : i32
        %parallel_loop3A_1409 = arith.index_cast %parallel_loop3A_164 : i32 to index
        %parallel_loop3A_1410 = arith.constant 96 : index
        %parallel_loop3A_1411 = tpu.vector_load %arg6[%parallel_loop3A_1409, %parallel_loop3A_1410] {strides = array<i32>} : memref<64x128xf32, #tpu.memory_space<vmem>>, vector<1x16xf32>,
        %parallel_loop3A_1412 = vector.shape_cast %parallel_loop3A_1411 : vector<1x16xf32> to vector<16xf32>
        %parallel_loop3A_1413 = arith.index_cast %rem3A_101 : i32 to index
        %parallel_loop3A_1414 = arith.index_cast %parallel_loop3A_1408 : i32 to index
        %parallel_loop3A_1415 = arith.constant 96 : index
        %parallel_loop3A_1416 = tpu.vector_load %arg8[%parallel_loop3A_1413, %parallel_loop3A_1414, %parallel_loop3A_1415] {strides = array<i32>} : memref<3x80x128xf32, #tpu.memory_space<vmem>>, vector<1x1x16xf32>,
        %parallel_loop3A_1417 = vector.shape_cast %parallel_loop3A_1416 : vector<1x1x16xf32> to vector<16xf32>
        %parallel_loop3A_1418 = vector.shape_cast %parallel_loop3A_1412 : vector<16xf32> to vector<1x1x16xf32>
        tpu.vector_store %arg8[%parallel_loop3A_1413, %parallel_loop3A_1414, %parallel_loop3A_1415], %parallel_loop3A_1418 {add = true, strides = array<i32>} : memref<3x80x128xf32, #tpu.memory_space<vmem>>, vector<1x1x16xf32>,
        %parallel_loop3A_1419 = arith.constant 7 : i32
        %parallel_loop3A_1420 = arith.addi %parallel_loop3A_144, %parallel_loop3A_1419 : i32
        %parallel_loop3A_1421 = arith.index_cast %parallel_loop3A_166 : i32 to index
        %parallel_loop3A_1422 = arith.constant 96 : index
        %parallel_loop3A_1423 = tpu.vector_load %arg6[%parallel_loop3A_1421, %parallel_loop3A_1422] {strides = array<i32>} : memref<64x128xf32, #tpu.memory_space<vmem>>, vector<1x16xf32>,
        %parallel_loop3A_1424 = vector.shape_cast %parallel_loop3A_1423 : vector<1x16xf32> to vector<16xf32>
        %parallel_loop3A_1425 = arith.index_cast %rem3A_101 : i32 to index
        %parallel_loop3A_1426 = arith.index_cast %parallel_loop3A_1420 : i32 to index
        %parallel_loop3A_1427 = arith.constant 96 : index
        %parallel_loop3A_1428 = tpu.vector_load %arg8[%parallel_loop3A_1425, %parallel_loop3A_1426, %parallel_loop3A_1427] {strides = array<i32>} : memref<3x80x128xf32, #tpu.memory_space<vmem>>, vector<1x1x16xf32>,
        %parallel_loop3A_1429 = vector.shape_cast %parallel_loop3A_1428 : vector<1x1x16xf32> to vector<16xf32>
        %parallel_loop3A_1430 = vector.shape_cast %parallel_loop3A_1424 : vector<16xf32> to vector<1x1x16xf32>
        tpu.vector_store %arg8[%parallel_loop3A_1425, %parallel_loop3A_1426, %parallel_loop3A_1427], %parallel_loop3A_1430 {add = true, strides = array<i32>} : memref<3x80x128xf32, #tpu.memory_space<vmem>>, vector<1x1x16xf32>,
        %parallel_loop3A_1431 = arith.constant 8 : i32
        %parallel_loop3A_1432 = arith.addi %parallel_loop3A_144, %parallel_loop3A_1431 : i32
        %parallel_loop3A_1433 = arith.index_cast %parallel_loop3A_168 : i32 to index
        %parallel_loop3A_1434 = arith.constant 96 : index
        %parallel_loop3A_1435 = tpu.vector_load %arg6[%parallel_loop3A_1433, %parallel_loop3A_1434] {strides = array<i32>} : memref<64x128xf32, #tpu.memory_space<vmem>>, vector<1x16xf32>,
        %parallel_loop3A_1436 = vector.shape_cast %parallel_loop3A_1435 : vector<1x16xf32> to vector<16xf32>
        %parallel_loop3A_1437 = arith.index_cast %rem3A_101 : i32 to index
        %parallel_loop3A_1438 = arith.index_cast %parallel_loop3A_1432 : i32 to index
        %parallel_loop3A_1439 = arith.constant 96 : index
        %parallel_loop3A_1440 = tpu.vector_load %arg8[%parallel_loop3A_1437, %parallel_loop3A_1438, %parallel_loop3A_1439] {strides = array<i32>} : memref<3x80x128xf32, #tpu.memory_space<vmem>>, vector<1x1x16xf32>,
        %parallel_loop3A_1441 = vector.shape_cast %parallel_loop3A_1440 : vector<1x1x16xf32> to vector<16xf32>
        %parallel_loop3A_1442 = vector.shape_cast %parallel_loop3A_1436 : vector<16xf32> to vector<1x1x16xf32>
        tpu.vector_store %arg8[%parallel_loop3A_1437, %parallel_loop3A_1438, %parallel_loop3A_1439], %parallel_loop3A_1442 {add = true, strides = array<i32>} : memref<3x80x128xf32, #tpu.memory_space<vmem>>, vector<1x1x16xf32>,
        %parallel_loop3A_1443 = arith.constant 9 : i32
        %parallel_loop3A_1444 = arith.addi %parallel_loop3A_144, %parallel_loop3A_1443 : i32
        %parallel_loop3A_1445 = arith.index_cast %parallel_loop3A_170 : i32 to index
        %parallel_loop3A_1446 = arith.constant 96 : index
        %parallel_loop3A_1447 = tpu.vector_load %arg6[%parallel_loop3A_1445, %parallel_loop3A_1446] {strides = array<i32>} : memref<64x128xf32, #tpu.memory_space<vmem>>, vector<1x16xf32>,
        %parallel_loop3A_1448 = vector.shape_cast %parallel_loop3A_1447 : vector<1x16xf32> to vector<16xf32>
        %parallel_loop3A_1449 = arith.index_cast %rem3A_101 : i32 to index
        %parallel_loop3A_1450 = arith.index_cast %parallel_loop3A_1444 : i32 to index
        %parallel_loop3A_1451 = arith.constant 96 : index
        %parallel_loop3A_1452 = tpu.vector_load %arg8[%parallel_loop3A_1449, %parallel_loop3A_1450, %parallel_loop3A_1451] {strides = array<i32>} : memref<3x80x128xf32, #tpu.memory_space<vmem>>, vector<1x1x16xf32>,
        %parallel_loop3A_1453 = vector.shape_cast %parallel_loop3A_1452 : vector<1x1x16xf32> to vector<16xf32>
        %parallel_loop3A_1454 = vector.shape_cast %parallel_loop3A_1448 : vector<16xf32> to vector<1x1x16xf32>
        tpu.vector_store %arg8[%parallel_loop3A_1449, %parallel_loop3A_1450, %parallel_loop3A_1451], %parallel_loop3A_1454 {add = true, strides = array<i32>} : memref<3x80x128xf32, #tpu.memory_space<vmem>>, vector<1x1x16xf32>,
        %parallel_loop3A_1455 = arith.constant 10 : i32
        %parallel_loop3A_1456 = arith.addi %parallel_loop3A_144, %parallel_loop3A_1455 : i32
        %parallel_loop3A_1457 = arith.index_cast %parallel_loop3A_172 : i32 to index
        %parallel_loop3A_1458 = arith.constant 96 : index
        %parallel_loop3A_1459 = tpu.vector_load %arg6[%parallel_loop3A_1457, %parallel_loop3A_1458] {strides = array<i32>} : memref<64x128xf32, #tpu.memory_space<vmem>>, vector<1x16xf32>,
        %parallel_loop3A_1460 = vector.shape_cast %parallel_loop3A_1459 : vector<1x16xf32> to vector<16xf32>
        %parallel_loop3A_1461 = arith.index_cast %rem3A_101 : i32 to index
        %parallel_loop3A_1462 = arith.index_cast %parallel_loop3A_1456 : i32 to index
        %parallel_loop3A_1463 = arith.constant 96 : index
        %parallel_loop3A_1464 = tpu.vector_load %arg8[%parallel_loop3A_1461, %parallel_loop3A_1462, %parallel_loop3A_1463] {strides = array<i32>} : memref<3x80x128xf32, #tpu.memory_space<vmem>>, vector<1x1x16xf32>,
        %parallel_loop3A_1465 = vector.shape_cast %parallel_loop3A_1464 : vector<1x1x16xf32> to vector<16xf32>
        %parallel_loop3A_1466 = vector.shape_cast %parallel_loop3A_1460 : vector<16xf32> to vector<1x1x16xf32>
        tpu.vector_store %arg8[%parallel_loop3A_1461, %parallel_loop3A_1462, %parallel_loop3A_1463], %parallel_loop3A_1466 {add = true, strides = array<i32>} : memref<3x80x128xf32, #tpu.memory_space<vmem>>, vector<1x1x16xf32>,
        %parallel_loop3A_1467 = arith.constant 11 : i32
        %parallel_loop3A_1468 = arith.addi %parallel_loop3A_144, %parallel_loop3A_1467 : i32
        %parallel_loop3A_1469 = arith.index_cast %parallel_loop3A_174 : i32 to index
        %parallel_loop3A_1470 = arith.constant 96 : index
        %parallel_loop3A_1471 = tpu.vector_load %arg6[%parallel_loop3A_1469, %parallel_loop3A_1470] {strides = array<i32>} : memref<64x128xf32, #tpu.memory_space<vmem>>, vector<1x16xf32>,
        %parallel_loop3A_1472 = vector.shape_cast %parallel_loop3A_1471 : vector<1x16xf32> to vector<16xf32>
        %parallel_loop3A_1473 = arith.index_cast %rem3A_101 : i32 to index
        %parallel_loop3A_1474 = arith.index_cast %parallel_loop3A_1468 : i32 to index
        %parallel_loop3A_1475 = arith.constant 96 : index
        %parallel_loop3A_1476 = tpu.vector_load %arg8[%parallel_loop3A_1473, %parallel_loop3A_1474, %parallel_loop3A_1475] {strides = array<i32>} : memref<3x80x128xf32, #tpu.memory_space<vmem>>, vector<1x1x16xf32>,
        %parallel_loop3A_1477 = vector.shape_cast %parallel_loop3A_1476 : vector<1x1x16xf32> to vector<16xf32>
        %parallel_loop3A_1478 = vector.shape_cast %parallel_loop3A_1472 : vector<16xf32> to vector<1x1x16xf32>
        tpu.vector_store %arg8[%parallel_loop3A_1473, %parallel_loop3A_1474, %parallel_loop3A_1475], %parallel_loop3A_1478 {add = true, strides = array<i32>} : memref<3x80x128xf32, #tpu.memory_space<vmem>>, vector<1x1x16xf32>,
        %parallel_loop3A_1479 = arith.constant 12 : i32
        %parallel_loop3A_1480 = arith.addi %parallel_loop3A_144, %parallel_loop3A_1479 : i32
        %parallel_loop3A_1481 = arith.index_cast %parallel_loop3A_176 : i32 to index
        %parallel_loop3A_1482 = arith.constant 96 : index
        %parallel_loop3A_1483 = tpu.vector_load %arg6[%parallel_loop3A_1481, %parallel_loop3A_1482] {strides = array<i32>} : memref<64x128xf32, #tpu.memory_space<vmem>>, vector<1x16xf32>,
        %parallel_loop3A_1484 = vector.shape_cast %parallel_loop3A_1483 : vector<1x16xf32> to vector<16xf32>
        %parallel_loop3A_1485 = arith.index_cast %rem3A_101 : i32 to index
        %parallel_loop3A_1486 = arith.index_cast %parallel_loop3A_1480 : i32 to index
        %parallel_loop3A_1487 = arith.constant 96 : index
        %parallel_loop3A_1488 = tpu.vector_load %arg8[%parallel_loop3A_1485, %parallel_loop3A_1486, %parallel_loop3A_1487] {strides = array<i32>} : memref<3x80x128xf32, #tpu.memory_space<vmem>>, vector<1x1x16xf32>,
        %parallel_loop3A_1489 = vector.shape_cast %parallel_loop3A_1488 : vector<1x1x16xf32> to vector<16xf32>
        %parallel_loop3A_1490 = vector.shape_cast %parallel_loop3A_1484 : vector<16xf32> to vector<1x1x16xf32>
        tpu.vector_store %arg8[%parallel_loop3A_1485, %parallel_loop3A_1486, %parallel_loop3A_1487], %parallel_loop3A_1490 {add = true, strides = array<i32>} : memref<3x80x128xf32, #tpu.memory_space<vmem>>, vector<1x1x16xf32>,
        %parallel_loop3A_1491 = arith.constant 13 : i32
        %parallel_loop3A_1492 = arith.addi %parallel_loop3A_144, %parallel_loop3A_1491 : i32
        %parallel_loop3A_1493 = arith.index_cast %parallel_loop3A_178 : i32 to index
        %parallel_loop3A_1494 = arith.constant 96 : index
        %parallel_loop3A_1495 = tpu.vector_load %arg6[%parallel_loop3A_1493, %parallel_loop3A_1494] {strides = array<i32>} : memref<64x128xf32, #tpu.memory_space<vmem>>, vector<1x16xf32>,
        %parallel_loop3A_1496 = vector.shape_cast %parallel_loop3A_1495 : vector<1x16xf32> to vector<16xf32>
        %parallel_loop3A_1497 = arith.index_cast %rem3A_101 : i32 to index
        %parallel_loop3A_1498 = arith.index_cast %parallel_loop3A_1492 : i32 to index
        %parallel_loop3A_1499 = arith.constant 96 : index
        %parallel_loop3A_1500 = tpu.vector_load %arg8[%parallel_loop3A_1497, %parallel_loop3A_1498, %parallel_loop3A_1499] {strides = array<i32>} : memref<3x80x128xf32, #tpu.memory_space<vmem>>, vector<1x1x16xf32>,
        %parallel_loop3A_1501 = vector.shape_cast %parallel_loop3A_1500 : vector<1x1x16xf32> to vector<16xf32>
        %parallel_loop3A_1502 = vector.shape_cast %parallel_loop3A_1496 : vector<16xf32> to vector<1x1x16xf32>
        tpu.vector_store %arg8[%parallel_loop3A_1497, %parallel_loop3A_1498, %parallel_loop3A_1499], %parallel_loop3A_1502 {add = true, strides = array<i32>} : memref<3x80x128xf32, #tpu.memory_space<vmem>>, vector<1x1x16xf32>,
        %parallel_loop3A_1503 = arith.constant 14 : i32
        %parallel_loop3A_1504 = arith.addi %parallel_loop3A_144, %parallel_loop3A_1503 : i32
        %parallel_loop3A_1505 = arith.index_cast %parallel_loop3A_180 : i32 to index
        %parallel_loop3A_1506 = arith.constant 96 : index
        %parallel_loop3A_1507 = tpu.vector_load %arg6[%parallel_loop3A_1505, %parallel_loop3A_1506] {strides = array<i32>} : memref<64x128xf32, #tpu.memory_space<vmem>>, vector<1x16xf32>,
        %parallel_loop3A_1508 = vector.shape_cast %parallel_loop3A_1507 : vector<1x16xf32> to vector<16xf32>
        %parallel_loop3A_1509 = arith.index_cast %rem3A_101 : i32 to index
        %parallel_loop3A_1510 = arith.index_cast %parallel_loop3A_1504 : i32 to index
        %parallel_loop3A_1511 = arith.constant 96 : index
        %parallel_loop3A_1512 = tpu.vector_load %arg8[%parallel_loop3A_1509, %parallel_loop3A_1510, %parallel_loop3A_1511] {strides = array<i32>} : memref<3x80x128xf32, #tpu.memory_space<vmem>>, vector<1x1x16xf32>,
        %parallel_loop3A_1513 = vector.shape_cast %parallel_loop3A_1512 : vector<1x1x16xf32> to vector<16xf32>
        %parallel_loop3A_1514 = vector.shape_cast %parallel_loop3A_1508 : vector<16xf32> to vector<1x1x16xf32>
        tpu.vector_store %arg8[%parallel_loop3A_1509, %parallel_loop3A_1510, %parallel_loop3A_1511], %parallel_loop3A_1514 {add = true, strides = array<i32>} : memref<3x80x128xf32, #tpu.memory_space<vmem>>, vector<1x1x16xf32>,
        %parallel_loop3A_1515 = arith.constant 15 : i32
        %parallel_loop3A_1516 = arith.addi %parallel_loop3A_144, %parallel_loop3A_1515 : i32
        %parallel_loop3A_1517 = arith.index_cast %parallel_loop3A_182 : i32 to index
        %parallel_loop3A_1518 = arith.constant 96 : index
        %parallel_loop3A_1519 = tpu.vector_load %arg6[%parallel_loop3A_1517, %parallel_loop3A_1518] {strides = array<i32>} : memref<64x128xf32, #tpu.memory_space<vmem>>, vector<1x16xf32>,
        %parallel_loop3A_1520 = vector.shape_cast %parallel_loop3A_1519 : vector<1x16xf32> to vector<16xf32>
        %parallel_loop3A_1521 = arith.index_cast %rem3A_101 : i32 to index
        %parallel_loop3A_1522 = arith.index_cast %parallel_loop3A_1516 : i32 to index
        %parallel_loop3A_1523 = arith.constant 96 : index
        %parallel_loop3A_1524 = tpu.vector_load %arg8[%parallel_loop3A_1521, %parallel_loop3A_1522, %parallel_loop3A_1523] {strides = array<i32>} : memref<3x80x128xf32, #tpu.memory_space<vmem>>, vector<1x1x16xf32>,
        %parallel_loop3A_1525 = vector.shape_cast %parallel_loop3A_1524 : vector<1x1x16xf32> to vector<16xf32>
        %parallel_loop3A_1526 = vector.shape_cast %parallel_loop3A_1520 : vector<16xf32> to vector<1x1x16xf32>
        tpu.vector_store %arg8[%parallel_loop3A_1521, %parallel_loop3A_1522, %parallel_loop3A_1523], %parallel_loop3A_1526 {add = true, strides = array<i32>} : memref<3x80x128xf32, #tpu.memory_space<vmem>>, vector<1x1x16xf32>,
        %parallel_loop3A_1527 = arith.constant 0 : i32
        %parallel_loop3A_1528 = arith.addi %parallel_loop3A_144, %parallel_loop3A_1527 : i32
        %parallel_loop3A_1529 = arith.index_cast %parallel_loop3A_152 : i32 to index
        %parallel_loop3A_1530 = arith.constant 112 : index
        %parallel_loop3A_1531 = tpu.vector_load %arg6[%parallel_loop3A_1529, %parallel_loop3A_1530] {strides = array<i32>} : memref<64x128xf32, #tpu.memory_space<vmem>>, vector<1x16xf32>,
        %parallel_loop3A_1532 = vector.shape_cast %parallel_loop3A_1531 : vector<1x16xf32> to vector<16xf32>
        %parallel_loop3A_1533 = arith.index_cast %rem3A_101 : i32 to index
        %parallel_loop3A_1534 = arith.index_cast %parallel_loop3A_1528 : i32 to index
        %parallel_loop3A_1535 = arith.constant 112 : index
        %parallel_loop3A_1536 = tpu.vector_load %arg8[%parallel_loop3A_1533, %parallel_loop3A_1534, %parallel_loop3A_1535] {strides = array<i32>} : memref<3x80x128xf32, #tpu.memory_space<vmem>>, vector<1x1x16xf32>,
        %parallel_loop3A_1537 = vector.shape_cast %parallel_loop3A_1536 : vector<1x1x16xf32> to vector<16xf32>
        %parallel_loop3A_1538 = vector.shape_cast %parallel_loop3A_1532 : vector<16xf32> to vector<1x1x16xf32>
        tpu.vector_store %arg8[%parallel_loop3A_1533, %parallel_loop3A_1534, %parallel_loop3A_1535], %parallel_loop3A_1538 {add = true, strides = array<i32>} : memref<3x80x128xf32, #tpu.memory_space<vmem>>, vector<1x1x16xf32>,
        %parallel_loop3A_1539 = arith.constant 1 : i32
        %parallel_loop3A_1540 = arith.addi %parallel_loop3A_144, %parallel_loop3A_1539 : i32
        %parallel_loop3A_1541 = arith.index_cast %parallel_loop3A_154 : i32 to index
        %parallel_loop3A_1542 = arith.constant 112 : index
        %parallel_loop3A_1543 = tpu.vector_load %arg6[%parallel_loop3A_1541, %parallel_loop3A_1542] {strides = array<i32>} : memref<64x128xf32, #tpu.memory_space<vmem>>, vector<1x16xf32>,
        %parallel_loop3A_1544 = vector.shape_cast %parallel_loop3A_1543 : vector<1x16xf32> to vector<16xf32>
        %parallel_loop3A_1545 = arith.index_cast %rem3A_101 : i32 to index
        %parallel_loop3A_1546 = arith.index_cast %parallel_loop3A_1540 : i32 to index
        %parallel_loop3A_1547 = arith.constant 112 : index
        %parallel_loop3A_1548 = tpu.vector_load %arg8[%parallel_loop3A_1545, %parallel_loop3A_1546, %parallel_loop3A_1547] {strides = array<i32>} : memref<3x80x128xf32, #tpu.memory_space<vmem>>, vector<1x1x16xf32>,
        %parallel_loop3A_1549 = vector.shape_cast %parallel_loop3A_1548 : vector<1x1x16xf32> to vector<16xf32>
        %parallel_loop3A_1550 = vector.shape_cast %parallel_loop3A_1544 : vector<16xf32> to vector<1x1x16xf32>
        tpu.vector_store %arg8[%parallel_loop3A_1545, %parallel_loop3A_1546, %parallel_loop3A_1547], %parallel_loop3A_1550 {add = true, strides = array<i32>} : memref<3x80x128xf32, #tpu.memory_space<vmem>>, vector<1x1x16xf32>,
        %parallel_loop3A_1551 = arith.constant 2 : i32
        %parallel_loop3A_1552 = arith.addi %parallel_loop3A_144, %parallel_loop3A_1551 : i32
        %parallel_loop3A_1553 = arith.index_cast %parallel_loop3A_156 : i32 to index
        %parallel_loop3A_1554 = arith.constant 112 : index
        %parallel_loop3A_1555 = tpu.vector_load %arg6[%parallel_loop3A_1553, %parallel_loop3A_1554] {strides = array<i32>} : memref<64x128xf32, #tpu.memory_space<vmem>>, vector<1x16xf32>,
        %parallel_loop3A_1556 = vector.shape_cast %parallel_loop3A_1555 : vector<1x16xf32> to vector<16xf32>
        %parallel_loop3A_1557 = arith.index_cast %rem3A_101 : i32 to index
        %parallel_loop3A_1558 = arith.index_cast %parallel_loop3A_1552 : i32 to index
        %parallel_loop3A_1559 = arith.constant 112 : index
        %parallel_loop3A_1560 = tpu.vector_load %arg8[%parallel_loop3A_1557, %parallel_loop3A_1558, %parallel_loop3A_1559] {strides = array<i32>} : memref<3x80x128xf32, #tpu.memory_space<vmem>>, vector<1x1x16xf32>,
        %parallel_loop3A_1561 = vector.shape_cast %parallel_loop3A_1560 : vector<1x1x16xf32> to vector<16xf32>
        %parallel_loop3A_1562 = vector.shape_cast %parallel_loop3A_1556 : vector<16xf32> to vector<1x1x16xf32>
        tpu.vector_store %arg8[%parallel_loop3A_1557, %parallel_loop3A_1558, %parallel_loop3A_1559], %parallel_loop3A_1562 {add = true, strides = array<i32>} : memref<3x80x128xf32, #tpu.memory_space<vmem>>, vector<1x1x16xf32>,
        %parallel_loop3A_1563 = arith.constant 3 : i32
        %parallel_loop3A_1564 = arith.addi %parallel_loop3A_144, %parallel_loop3A_1563 : i32
        %parallel_loop3A_1565 = arith.index_cast %parallel_loop3A_158 : i32 to index
        %parallel_loop3A_1566 = arith.constant 112 : index
        %parallel_loop3A_1567 = tpu.vector_load %arg6[%parallel_loop3A_1565, %parallel_loop3A_1566] {strides = array<i32>} : memref<64x128xf32, #tpu.memory_space<vmem>>, vector<1x16xf32>,
        %parallel_loop3A_1568 = vector.shape_cast %parallel_loop3A_1567 : vector<1x16xf32> to vector<16xf32>
        %parallel_loop3A_1569 = arith.index_cast %rem3A_101 : i32 to index
        %parallel_loop3A_1570 = arith.index_cast %parallel_loop3A_1564 : i32 to index
        %parallel_loop3A_1571 = arith.constant 112 : index
        %parallel_loop3A_1572 = tpu.vector_load %arg8[%parallel_loop3A_1569, %parallel_loop3A_1570, %parallel_loop3A_1571] {strides = array<i32>} : memref<3x80x128xf32, #tpu.memory_space<vmem>>, vector<1x1x16xf32>,
        %parallel_loop3A_1573 = vector.shape_cast %parallel_loop3A_1572 : vector<1x1x16xf32> to vector<16xf32>
        %parallel_loop3A_1574 = vector.shape_cast %parallel_loop3A_1568 : vector<16xf32> to vector<1x1x16xf32>
        tpu.vector_store %arg8[%parallel_loop3A_1569, %parallel_loop3A_1570, %parallel_loop3A_1571], %parallel_loop3A_1574 {add = true, strides = array<i32>} : memref<3x80x128xf32, #tpu.memory_space<vmem>>, vector<1x1x16xf32>,
        %parallel_loop3A_1575 = arith.constant 4 : i32
        %parallel_loop3A_1576 = arith.addi %parallel_loop3A_144, %parallel_loop3A_1575 : i32
        %parallel_loop3A_1577 = arith.index_cast %parallel_loop3A_160 : i32 to index
        %parallel_loop3A_1578 = arith.constant 112 : index
        %parallel_loop3A_1579 = tpu.vector_load %arg6[%parallel_loop3A_1577, %parallel_loop3A_1578] {strides = array<i32>} : memref<64x128xf32, #tpu.memory_space<vmem>>, vector<1x16xf32>,
        %parallel_loop3A_1580 = vector.shape_cast %parallel_loop3A_1579 : vector<1x16xf32> to vector<16xf32>
        %parallel_loop3A_1581 = arith.index_cast %rem3A_101 : i32 to index
        %parallel_loop3A_1582 = arith.index_cast %parallel_loop3A_1576 : i32 to index
        %parallel_loop3A_1583 = arith.constant 112 : index
        %parallel_loop3A_1584 = tpu.vector_load %arg8[%parallel_loop3A_1581, %parallel_loop3A_1582, %parallel_loop3A_1583] {strides = array<i32>} : memref<3x80x128xf32, #tpu.memory_space<vmem>>, vector<1x1x16xf32>,
        %parallel_loop3A_1585 = vector.shape_cast %parallel_loop3A_1584 : vector<1x1x16xf32> to vector<16xf32>
        %parallel_loop3A_1586 = vector.shape_cast %parallel_loop3A_1580 : vector<16xf32> to vector<1x1x16xf32>
        tpu.vector_store %arg8[%parallel_loop3A_1581, %parallel_loop3A_1582, %parallel_loop3A_1583], %parallel_loop3A_1586 {add = true, strides = array<i32>} : memref<3x80x128xf32, #tpu.memory_space<vmem>>, vector<1x1x16xf32>,
        %parallel_loop3A_1587 = arith.constant 5 : i32
        %parallel_loop3A_1588 = arith.addi %parallel_loop3A_144, %parallel_loop3A_1587 : i32
        %parallel_loop3A_1589 = arith.index_cast %parallel_loop3A_162 : i32 to index
        %parallel_loop3A_1590 = arith.constant 112 : index
        %parallel_loop3A_1591 = tpu.vector_load %arg6[%parallel_loop3A_1589, %parallel_loop3A_1590] {strides = array<i32>} : memref<64x128xf32, #tpu.memory_space<vmem>>, vector<1x16xf32>,
        %parallel_loop3A_1592 = vector.shape_cast %parallel_loop3A_1591 : vector<1x16xf32> to vector<16xf32>
        %parallel_loop3A_1593 = arith.index_cast %rem3A_101 : i32 to index
        %parallel_loop3A_1594 = arith.index_cast %parallel_loop3A_1588 : i32 to index
        %parallel_loop3A_1595 = arith.constant 112 : index
        %parallel_loop3A_1596 = tpu.vector_load %arg8[%parallel_loop3A_1593, %parallel_loop3A_1594, %parallel_loop3A_1595] {strides = array<i32>} : memref<3x80x128xf32, #tpu.memory_space<vmem>>, vector<1x1x16xf32>,
        %parallel_loop3A_1597 = vector.shape_cast %parallel_loop3A_1596 : vector<1x1x16xf32> to vector<16xf32>
        %parallel_loop3A_1598 = vector.shape_cast %parallel_loop3A_1592 : vector<16xf32> to vector<1x1x16xf32>
        tpu.vector_store %arg8[%parallel_loop3A_1593, %parallel_loop3A_1594, %parallel_loop3A_1595], %parallel_loop3A_1598 {add = true, strides = array<i32>} : memref<3x80x128xf32, #tpu.memory_space<vmem>>, vector<1x1x16xf32>,
        %parallel_loop3A_1599 = arith.constant 6 : i32
        %parallel_loop3A_1600 = arith.addi %parallel_loop3A_144, %parallel_loop3A_1599 : i32
        %parallel_loop3A_1601 = arith.index_cast %parallel_loop3A_164 : i32 to index
        %parallel_loop3A_1602 = arith.constant 112 : index
        %parallel_loop3A_1603 = tpu.vector_load %arg6[%parallel_loop3A_1601, %parallel_loop3A_1602] {strides = array<i32>} : memref<64x128xf32, #tpu.memory_space<vmem>>, vector<1x16xf32>,
        %parallel_loop3A_1604 = vector.shape_cast %parallel_loop3A_1603 : vector<1x16xf32> to vector<16xf32>
        %parallel_loop3A_1605 = arith.index_cast %rem3A_101 : i32 to index
        %parallel_loop3A_1606 = arith.index_cast %parallel_loop3A_1600 : i32 to index
        %parallel_loop3A_1607 = arith.constant 112 : index
        %parallel_loop3A_1608 = tpu.vector_load %arg8[%parallel_loop3A_1605, %parallel_loop3A_1606, %parallel_loop3A_1607] {strides = array<i32>} : memref<3x80x128xf32, #tpu.memory_space<vmem>>, vector<1x1x16xf32>,
        %parallel_loop3A_1609 = vector.shape_cast %parallel_loop3A_1608 : vector<1x1x16xf32> to vector<16xf32>
        %parallel_loop3A_1610 = vector.shape_cast %parallel_loop3A_1604 : vector<16xf32> to vector<1x1x16xf32>
        tpu.vector_store %arg8[%parallel_loop3A_1605, %parallel_loop3A_1606, %parallel_loop3A_1607], %parallel_loop3A_1610 {add = true, strides = array<i32>} : memref<3x80x128xf32, #tpu.memory_space<vmem>>, vector<1x1x16xf32>,
        %parallel_loop3A_1611 = arith.constant 7 : i32
        %parallel_loop3A_1612 = arith.addi %parallel_loop3A_144, %parallel_loop3A_1611 : i32
        %parallel_loop3A_1613 = arith.index_cast %parallel_loop3A_166 : i32 to index
        %parallel_loop3A_1614 = arith.constant 112 : index
        %parallel_loop3A_1615 = tpu.vector_load %arg6[%parallel_loop3A_1613, %parallel_loop3A_1614] {strides = array<i32>} : memref<64x128xf32, #tpu.memory_space<vmem>>, vector<1x16xf32>,
        %parallel_loop3A_1616 = vector.shape_cast %parallel_loop3A_1615 : vector<1x16xf32> to vector<16xf32>
        %parallel_loop3A_1617 = arith.index_cast %rem3A_101 : i32 to index
        %parallel_loop3A_1618 = arith.index_cast %parallel_loop3A_1612 : i32 to index
        %parallel_loop3A_1619 = arith.constant 112 : index
        %parallel_loop3A_1620 = tpu.vector_load %arg8[%parallel_loop3A_1617, %parallel_loop3A_1618, %parallel_loop3A_1619] {strides = array<i32>} : memref<3x80x128xf32, #tpu.memory_space<vmem>>, vector<1x1x16xf32>,
        %parallel_loop3A_1621 = vector.shape_cast %parallel_loop3A_1620 : vector<1x1x16xf32> to vector<16xf32>
        %parallel_loop3A_1622 = vector.shape_cast %parallel_loop3A_1616 : vector<16xf32> to vector<1x1x16xf32>
        tpu.vector_store %arg8[%parallel_loop3A_1617, %parallel_loop3A_1618, %parallel_loop3A_1619], %parallel_loop3A_1622 {add = true, strides = array<i32>} : memref<3x80x128xf32, #tpu.memory_space<vmem>>, vector<1x1x16xf32>,
        %parallel_loop3A_1623 = arith.constant 8 : i32
        %parallel_loop3A_1624 = arith.addi %parallel_loop3A_144, %parallel_loop3A_1623 : i32
        %parallel_loop3A_1625 = arith.index_cast %parallel_loop3A_168 : i32 to index
        %parallel_loop3A_1626 = arith.constant 112 : index
        %parallel_loop3A_1627 = tpu.vector_load %arg6[%parallel_loop3A_1625, %parallel_loop3A_1626] {strides = array<i32>} : memref<64x128xf32, #tpu.memory_space<vmem>>, vector<1x16xf32>,
        %parallel_loop3A_1628 = vector.shape_cast %parallel_loop3A_1627 : vector<1x16xf32> to vector<16xf32>
        %parallel_loop3A_1629 = arith.index_cast %rem3A_101 : i32 to index
        %parallel_loop3A_1630 = arith.index_cast %parallel_loop3A_1624 : i32 to index
        %parallel_loop3A_1631 = arith.constant 112 : index
        %parallel_loop3A_1632 = tpu.vector_load %arg8[%parallel_loop3A_1629, %parallel_loop3A_1630, %parallel_loop3A_1631] {strides = array<i32>} : memref<3x80x128xf32, #tpu.memory_space<vmem>>, vector<1x1x16xf32>,
        %parallel_loop3A_1633 = vector.shape_cast %parallel_loop3A_1632 : vector<1x1x16xf32> to vector<16xf32>
        %parallel_loop3A_1634 = vector.shape_cast %parallel_loop3A_1628 : vector<16xf32> to vector<1x1x16xf32>
        tpu.vector_store %arg8[%parallel_loop3A_1629, %parallel_loop3A_1630, %parallel_loop3A_1631], %parallel_loop3A_1634 {add = true, strides = array<i32>} : memref<3x80x128xf32, #tpu.memory_space<vmem>>, vector<1x1x16xf32>,
        %parallel_loop3A_1635 = arith.constant 9 : i32
        %parallel_loop3A_1636 = arith.addi %parallel_loop3A_144, %parallel_loop3A_1635 : i32
        %parallel_loop3A_1637 = arith.index_cast %parallel_loop3A_170 : i32 to index
        %parallel_loop3A_1638 = arith.constant 112 : index
        %parallel_loop3A_1639 = tpu.vector_load %arg6[%parallel_loop3A_1637, %parallel_loop3A_1638] {strides = array<i32>} : memref<64x128xf32, #tpu.memory_space<vmem>>, vector<1x16xf32>,
        %parallel_loop3A_1640 = vector.shape_cast %parallel_loop3A_1639 : vector<1x16xf32> to vector<16xf32>
        %parallel_loop3A_1641 = arith.index_cast %rem3A_101 : i32 to index
        %parallel_loop3A_1642 = arith.index_cast %parallel_loop3A_1636 : i32 to index
        %parallel_loop3A_1643 = arith.constant 112 : index
        %parallel_loop3A_1644 = tpu.vector_load %arg8[%parallel_loop3A_1641, %parallel_loop3A_1642, %parallel_loop3A_1643] {strides = array<i32>} : memref<3x80x128xf32, #tpu.memory_space<vmem>>, vector<1x1x16xf32>,
        %parallel_loop3A_1645 = vector.shape_cast %parallel_loop3A_1644 : vector<1x1x16xf32> to vector<16xf32>
        %parallel_loop3A_1646 = vector.shape_cast %parallel_loop3A_1640 : vector<16xf32> to vector<1x1x16xf32>
        tpu.vector_store %arg8[%parallel_loop3A_1641, %parallel_loop3A_1642, %parallel_loop3A_1643], %parallel_loop3A_1646 {add = true, strides = array<i32>} : memref<3x80x128xf32, #tpu.memory_space<vmem>>, vector<1x1x16xf32>,
        %parallel_loop3A_1647 = arith.constant 10 : i32
        %parallel_loop3A_1648 = arith.addi %parallel_loop3A_144, %parallel_loop3A_1647 : i32
        %parallel_loop3A_1649 = arith.index_cast %parallel_loop3A_172 : i32 to index
        %parallel_loop3A_1650 = arith.constant 112 : index
        %parallel_loop3A_1651 = tpu.vector_load %arg6[%parallel_loop3A_1649, %parallel_loop3A_1650] {strides = array<i32>} : memref<64x128xf32, #tpu.memory_space<vmem>>, vector<1x16xf32>,
        %parallel_loop3A_1652 = vector.shape_cast %parallel_loop3A_1651 : vector<1x16xf32> to vector<16xf32>
        %parallel_loop3A_1653 = arith.index_cast %rem3A_101 : i32 to index
        %parallel_loop3A_1654 = arith.index_cast %parallel_loop3A_1648 : i32 to index
        %parallel_loop3A_1655 = arith.constant 112 : index
        %parallel_loop3A_1656 = tpu.vector_load %arg8[%parallel_loop3A_1653, %parallel_loop3A_1654, %parallel_loop3A_1655] {strides = array<i32>} : memref<3x80x128xf32, #tpu.memory_space<vmem>>, vector<1x1x16xf32>,
        %parallel_loop3A_1657 = vector.shape_cast %parallel_loop3A_1656 : vector<1x1x16xf32> to vector<16xf32>
        %parallel_loop3A_1658 = vector.shape_cast %parallel_loop3A_1652 : vector<16xf32> to vector<1x1x16xf32>
        tpu.vector_store %arg8[%parallel_loop3A_1653, %parallel_loop3A_1654, %parallel_loop3A_1655], %parallel_loop3A_1658 {add = true, strides = array<i32>} : memref<3x80x128xf32, #tpu.memory_space<vmem>>, vector<1x1x16xf32>,
        %parallel_loop3A_1659 = arith.constant 11 : i32
        %parallel_loop3A_1660 = arith.addi %parallel_loop3A_144, %parallel_loop3A_1659 : i32
        %parallel_loop3A_1661 = arith.index_cast %parallel_loop3A_174 : i32 to index
        %parallel_loop3A_1662 = arith.constant 112 : index
        %parallel_loop3A_1663 = tpu.vector_load %arg6[%parallel_loop3A_1661, %parallel_loop3A_1662] {strides = array<i32>} : memref<64x128xf32, #tpu.memory_space<vmem>>, vector<1x16xf32>,
        %parallel_loop3A_1664 = vector.shape_cast %parallel_loop3A_1663 : vector<1x16xf32> to vector<16xf32>
        %parallel_loop3A_1665 = arith.index_cast %rem3A_101 : i32 to index
        %parallel_loop3A_1666 = arith.index_cast %parallel_loop3A_1660 : i32 to index
        %parallel_loop3A_1667 = arith.constant 112 : index
        %parallel_loop3A_1668 = tpu.vector_load %arg8[%parallel_loop3A_1665, %parallel_loop3A_1666, %parallel_loop3A_1667] {strides = array<i32>} : memref<3x80x128xf32, #tpu.memory_space<vmem>>, vector<1x1x16xf32>,
        %parallel_loop3A_1669 = vector.shape_cast %parallel_loop3A_1668 : vector<1x1x16xf32> to vector<16xf32>
        %parallel_loop3A_1670 = vector.shape_cast %parallel_loop3A_1664 : vector<16xf32> to vector<1x1x16xf32>
        tpu.vector_store %arg8[%parallel_loop3A_1665, %parallel_loop3A_1666, %parallel_loop3A_1667], %parallel_loop3A_1670 {add = true, strides = array<i32>} : memref<3x80x128xf32, #tpu.memory_space<vmem>>, vector<1x1x16xf32>,
        %parallel_loop3A_1671 = arith.constant 12 : i32
        %parallel_loop3A_1672 = arith.addi %parallel_loop3A_144, %parallel_loop3A_1671 : i32
        %parallel_loop3A_1673 = arith.index_cast %parallel_loop3A_176 : i32 to index
        %parallel_loop3A_1674 = arith.constant 112 : index
        %parallel_loop3A_1675 = tpu.vector_load %arg6[%parallel_loop3A_1673, %parallel_loop3A_1674] {strides = array<i32>} : memref<64x128xf32, #tpu.memory_space<vmem>>, vector<1x16xf32>,
        %parallel_loop3A_1676 = vector.shape_cast %parallel_loop3A_1675 : vector<1x16xf32> to vector<16xf32>
        %parallel_loop3A_1677 = arith.index_cast %rem3A_101 : i32 to index
        %parallel_loop3A_1678 = arith.index_cast %parallel_loop3A_1672 : i32 to index
        %parallel_loop3A_1679 = arith.constant 112 : index
        %parallel_loop3A_1680 = tpu.vector_load %arg8[%parallel_loop3A_1677, %parallel_loop3A_1678, %parallel_loop3A_1679] {strides = array<i32>} : memref<3x80x128xf32, #tpu.memory_space<vmem>>, vector<1x1x16xf32>,
        %parallel_loop3A_1681 = vector.shape_cast %parallel_loop3A_1680 : vector<1x1x16xf32> to vector<16xf32>
        %parallel_loop3A_1682 = vector.shape_cast %parallel_loop3A_1676 : vector<16xf32> to vector<1x1x16xf32>
        tpu.vector_store %arg8[%parallel_loop3A_1677, %parallel_loop3A_1678, %parallel_loop3A_1679], %parallel_loop3A_1682 {add = true, strides = array<i32>} : memref<3x80x128xf32, #tpu.memory_space<vmem>>, vector<1x1x16xf32>,
        %parallel_loop3A_1683 = arith.constant 13 : i32
        %parallel_loop3A_1684 = arith.addi %parallel_loop3A_144, %parallel_loop3A_1683 : i32
        %parallel_loop3A_1685 = arith.index_cast %parallel_loop3A_178 : i32 to index
        %parallel_loop3A_1686 = arith.constant 112 : index
        %parallel_loop3A_1687 = tpu.vector_load %arg6[%parallel_loop3A_1685, %parallel_loop3A_1686] {strides = array<i32>} : memref<64x128xf32, #tpu.memory_space<vmem>>, vector<1x16xf32>,
        %parallel_loop3A_1688 = vector.shape_cast %parallel_loop3A_1687 : vector<1x16xf32> to vector<16xf32>
        %parallel_loop3A_1689 = arith.index_cast %rem3A_101 : i32 to index
        %parallel_loop3A_1690 = arith.index_cast %parallel_loop3A_1684 : i32 to index
        %parallel_loop3A_1691 = arith.constant 112 : index
        %parallel_loop3A_1692 = tpu.vector_load %arg8[%parallel_loop3A_1689, %parallel_loop3A_1690, %parallel_loop3A_1691] {strides = array<i32>} : memref<3x80x128xf32, #tpu.memory_space<vmem>>, vector<1x1x16xf32>,
        %parallel_loop3A_1693 = vector.shape_cast %parallel_loop3A_1692 : vector<1x1x16xf32> to vector<16xf32>
        %parallel_loop3A_1694 = vector.shape_cast %parallel_loop3A_1688 : vector<16xf32> to vector<1x1x16xf32>
        tpu.vector_store %arg8[%parallel_loop3A_1689, %parallel_loop3A_1690, %parallel_loop3A_1691], %parallel_loop3A_1694 {add = true, strides = array<i32>} : memref<3x80x128xf32, #tpu.memory_space<vmem>>, vector<1x1x16xf32>,
        %parallel_loop3A_1695 = arith.constant 14 : i32
        %parallel_loop3A_1696 = arith.addi %parallel_loop3A_144, %parallel_loop3A_1695 : i32
        %parallel_loop3A_1697 = arith.index_cast %parallel_loop3A_180 : i32 to index
        %parallel_loop3A_1698 = arith.constant 112 : index
        %parallel_loop3A_1699 = tpu.vector_load %arg6[%parallel_loop3A_1697, %parallel_loop3A_1698] {strides = array<i32>} : memref<64x128xf32, #tpu.memory_space<vmem>>, vector<1x16xf32>,
        %parallel_loop3A_1700 = vector.shape_cast %parallel_loop3A_1699 : vector<1x16xf32> to vector<16xf32>
        %parallel_loop3A_1701 = arith.index_cast %rem3A_101 : i32 to index
        %parallel_loop3A_1702 = arith.index_cast %parallel_loop3A_1696 : i32 to index
        %parallel_loop3A_1703 = arith.constant 112 : index
        %parallel_loop3A_1704 = tpu.vector_load %arg8[%parallel_loop3A_1701, %parallel_loop3A_1702, %parallel_loop3A_1703] {strides = array<i32>} : memref<3x80x128xf32, #tpu.memory_space<vmem>>, vector<1x1x16xf32>,
        %parallel_loop3A_1705 = vector.shape_cast %parallel_loop3A_1704 : vector<1x1x16xf32> to vector<16xf32>
        %parallel_loop3A_1706 = vector.shape_cast %parallel_loop3A_1700 : vector<16xf32> to vector<1x1x16xf32>
        tpu.vector_store %arg8[%parallel_loop3A_1701, %parallel_loop3A_1702, %parallel_loop3A_1703], %parallel_loop3A_1706 {add = true, strides = array<i32>} : memref<3x80x128xf32, #tpu.memory_space<vmem>>, vector<1x1x16xf32>,
        %parallel_loop3A_1707 = arith.constant 15 : i32
        %parallel_loop3A_1708 = arith.addi %parallel_loop3A_144, %parallel_loop3A_1707 : i32
        %parallel_loop3A_1709 = arith.index_cast %parallel_loop3A_182 : i32 to index
        %parallel_loop3A_1710 = arith.constant 112 : index
        %parallel_loop3A_1711 = tpu.vector_load %arg6[%parallel_loop3A_1709, %parallel_loop3A_1710] {strides = array<i32>} : memref<64x128xf32, #tpu.memory_space<vmem>>, vector<1x16xf32>,
        %parallel_loop3A_1712 = vector.shape_cast %parallel_loop3A_1711 : vector<1x16xf32> to vector<16xf32>
        %parallel_loop3A_1713 = arith.index_cast %rem3A_101 : i32 to index
        %parallel_loop3A_1714 = arith.index_cast %parallel_loop3A_1708 : i32 to index
        %parallel_loop3A_1715 = arith.constant 112 : index
        %parallel_loop3A_1716 = tpu.vector_load %arg8[%parallel_loop3A_1713, %parallel_loop3A_1714, %parallel_loop3A_1715] {strides = array<i32>} : memref<3x80x128xf32, #tpu.memory_space<vmem>>, vector<1x1x16xf32>,
        %parallel_loop3A_1717 = vector.shape_cast %parallel_loop3A_1716 : vector<1x1x16xf32> to vector<16xf32>
        %parallel_loop3A_1718 = vector.shape_cast %parallel_loop3A_1712 : vector<16xf32> to vector<1x1x16xf32>
        tpu.vector_store %arg8[%parallel_loop3A_1713, %parallel_loop3A_1714, %parallel_loop3A_1715], %parallel_loop3A_1718 {add = true, strides = array<i32>} : memref<3x80x128xf32, #tpu.memory_space<vmem>>, vector<1x1x16xf32>,
      } {sc.loop_unroll_factor = 5 : i64, sc.parallel_access}
      %mul3A_121 = arith.constant 80 : i32
      %mul3A_122 = arith.muli %scan3A_100, %mul3A_121 : i32
      %add3A_123 = arith.addi %mul3A_2, %mul3A_122 : i32
      %dma_start3A_124 = arith.constant 0 : i32
      %dma_start3A_125 = arith.constant 0 : i32
      %dma_start3A_126 = tpu.memref_slice %arg8[%rem3A_101, %dma_start3A_124, %dma_start3A_125] : memref<3x80x128xf32, #tpu.memory_space<vmem>> -> memref<1x80x128xf32, #tpu.memory_space<vmem>>
      %dma_start3A_127 = tpu.memref_squeeze %dma_start3A_126 : memref<1x80x128xf32, #tpu.memory_space<vmem>> -> memref<80x128xf32, #tpu.memory_space<vmem>>
      %dma_start3A_128 = arith.constant 0 : i32
      %dma_start3A_129 = tpu.memref_slice %arg5[%add3A_123, %dma_start3A_128] : memref<320000x128xf32, #tpu.memory_space<hbm>> -> memref<80x128xf32, #tpu.memory_space<hbm>>
      %dma_start3A_130 = tpu.memref_slice %arg11[%rem3A_101] : memref<3x!tpu.dma_semaphore, #tpu.memory_space<semaphore_mem>> -> memref<1x!tpu.dma_semaphore, #tpu.memory_space<semaphore_mem>>
      %dma_start3A_131 = tpu.memref_squeeze %dma_start3A_130 : memref<1x!tpu.dma_semaphore, #tpu.memory_space<semaphore_mem>> -> memref<!tpu.dma_semaphore, #tpu.memory_space<semaphore_mem>>
      %dma_start3A_132 = arith.constant 0 : i32
      %dma_start3A_133 = tpu.memref_slice %arg5[%add3A_123, %dma_start3A_132] : memref<320000x128xf32, #tpu.memory_space<hbm>> -> memref<80x128xf32, #tpu.memory_space<hbm>>
      %dma_start3A_134 = arith.constant 0 : i32
      %dma_start3A_135 = arith.constant 0 : i32
      %dma_start3A_136 = tpu.memref_slice %arg8[%rem3A_101, %dma_start3A_134, %dma_start3A_135] : memref<3x80x128xf32, #tpu.memory_space<vmem>> -> memref<1x80x128xf32, #tpu.memory_space<vmem>>
      %dma_start3A_137 = tpu.memref_squeeze %dma_start3A_136 : memref<1x80x128xf32, #tpu.memory_space<vmem>> -> memref<80x128xf32, #tpu.memory_space<vmem>>
      tpu.enqueue_dma source(%dma_start3A_137 : memref<80x128xf32, #tpu.memory_space<vmem>>) target(%dma_start3A_133 : memref<80x128xf32, #tpu.memory_space<hbm>>) target_semaphore(%dma_start3A_131 : memref<!tpu.dma_semaphore, #tpu.memory_space<semaphore_mem>>)
      %add3A_138 = arith.constant 2 : i32
      %add3A_139 = arith.addi %scan3A_100, %add3A_138 : i32
      %lt3A = arith.constant 125 : i32
      %lt3A_140 = arith.cmpi slt, %add3A_139, %lt3A : i32
      %convert_element_type3A = arith.extui %lt3A_140 : i1 to i32
      %cond3A = arith.constant 0 : i32
      %cond3A_141 = arith.cmpi ne, %convert_element_type3A, %cond3A : i32
      scf.if %cond3A_141 {
        %add3A_142 = arith.constant 2 : i32
        %add3A_143 = arith.addi %scan3A_100, %add3A_142 : i32
        %rem3A_144 = arith.constant 3 : i32
        %rem3A_145 = arith.remsi %add3A_143, %rem3A_144 : i32
        %ge3A = arith.constant 1 : i32
        %ge3A_146 = arith.cmpi sge, %scan3A_100, %ge3A : i32
        %convert_element_type3A_147 = arith.extui %ge3A_146 : i1 to i32
        %cond3A_148 = arith.constant 0 : i32
        %cond3A_149 = arith.cmpi ne, %convert_element_type3A_147, %cond3A_148 : i32
        scf.if %cond3A_149 {
          %sub3A = arith.constant 1 : i32
          %sub3A_169 = arith.subi %scan3A_100, %sub3A : i32
          %mul3A_170 = arith.constant 80 : i32
          %mul3A_171 = arith.muli %sub3A_169, %mul3A_170 : i32
          %add3A_172 = arith.addi %mul3A_2, %mul3A_171 : i32
          %dma_wait3A_173 = arith.constant 0 : i32
          %dma_wait3A_174 = arith.constant 0 : i32
          %dma_wait3A_175 = tpu.memref_slice %arg8[%rem3A_145, %dma_wait3A_173, %dma_wait3A_174] : memref<3x80x128xf32, #tpu.memory_space<vmem>> -> memref<1x80x128xf32, #tpu.memory_space<vmem>>
          %dma_wait3A_176 = tpu.memref_squeeze %dma_wait3A_175 : memref<1x80x128xf32, #tpu.memory_space<vmem>> -> memref<80x128xf32, #tpu.memory_space<vmem>>
          %dma_wait3A_177 = arith.constant 0 : i32
          %dma_wait3A_178 = tpu.memref_slice %arg5[%add3A_172, %dma_wait3A_177] : memref<320000x128xf32, #tpu.memory_space<hbm>> -> memref<80x128xf32, #tpu.memory_space<hbm>>
          %dma_wait3A_179 = tpu.memref_slice %arg11[%rem3A_145] : memref<3x!tpu.dma_semaphore, #tpu.memory_space<semaphore_mem>> -> memref<1x!tpu.dma_semaphore, #tpu.memory_space<semaphore_mem>>
          %dma_wait3A_180 = tpu.memref_squeeze %dma_wait3A_179 : memref<1x!tpu.dma_semaphore, #tpu.memory_space<semaphore_mem>> -> memref<!tpu.dma_semaphore, #tpu.memory_space<semaphore_mem>>
          %dma_wait3A_181 = arith.constant 0 : i32
          %dma_wait3A_182 = tpu.memref_slice %arg5[%add3A_172, %dma_wait3A_181] : memref<320000x128xf32, #tpu.memory_space<hbm>> -> memref<80x128xf32, #tpu.memory_space<hbm>>
          %dma_wait3A_183 = arith.constant 0 : i32
          %dma_wait3A_184 = arith.constant 0 : i32
          %dma_wait3A_185 = tpu.memref_slice %arg8[%rem3A_145, %dma_wait3A_183, %dma_wait3A_184] : memref<3x80x128xf32, #tpu.memory_space<vmem>> -> memref<1x80x128xf32, #tpu.memory_space<vmem>>
          %dma_wait3A_186 = tpu.memref_squeeze %dma_wait3A_185 : memref<1x80x128xf32, #tpu.memory_space<vmem>> -> memref<80x128xf32, #tpu.memory_space<vmem>>
          tpu.wait_dma2 semaphore(%dma_wait3A_180 : memref<!tpu.dma_semaphore, #tpu.memory_space<semaphore_mem>>) src(%dma_wait3A_186 : memref<80x128xf32, #tpu.memory_space<vmem>>) dst(%dma_wait3A_182 : memref<80x128xf32, #tpu.memory_space<hbm>>)
        } else {
        }
        %add3A_150 = arith.constant 2 : i32
        %add3A_151 = arith.addi %scan3A_100, %add3A_150 : i32
        %mul3A_152 = arith.constant 80 : i32
        %mul3A_153 = arith.muli %add3A_151, %mul3A_152 : i32
        %add3A_154 = arith.addi %mul3A_2, %mul3A_153 : i32
        %dma_start3A_155 = arith.constant 0 : i32
        %dma_start3A_156 = arith.constant 0 : i32
        %dma_start3A_157 = tpu.memref_slice %arg8[%rem3A_145, %dma_start3A_155, %dma_start3A_156] : memref<3x80x128xf32, #tpu.memory_space<vmem>> -> memref<1x80x128xf32, #tpu.memory_space<vmem>>
        %dma_start3A_158 = tpu.memref_squeeze %dma_start3A_157 : memref<1x80x128xf32, #tpu.memory_space<vmem>> -> memref<80x128xf32, #tpu.memory_space<vmem>>
        %dma_start3A_159 = arith.constant 0 : i32
        %dma_start3A_160 = tpu.memref_slice %arg2[%add3A_154, %dma_start3A_159] : memref<320000x128xf32, #tpu.memory_space<hbm>> -> memref<80x128xf32, #tpu.memory_space<hbm>>
        %dma_start3A_161 = tpu.memref_slice %arg10[%rem3A_145] : memref<3x!tpu.dma_semaphore, #tpu.memory_space<semaphore_mem>> -> memref<1x!tpu.dma_semaphore, #tpu.memory_space<semaphore_mem>>
        %dma_start3A_162 = tpu.memref_squeeze %dma_start3A_161 : memref<1x!tpu.dma_semaphore, #tpu.memory_space<semaphore_mem>> -> memref<!tpu.dma_semaphore, #tpu.memory_space<semaphore_mem>>
        %dma_start3A_163 = arith.constant 0 : i32
        %dma_start3A_164 = arith.constant 0 : i32
        %dma_start3A_165 = tpu.memref_slice %arg8[%rem3A_145, %dma_start3A_163, %dma_start3A_164] : memref<3x80x128xf32, #tpu.memory_space<vmem>> -> memref<1x80x128xf32, #tpu.memory_space<vmem>>
        %dma_start3A_166 = tpu.memref_squeeze %dma_start3A_165 : memref<1x80x128xf32, #tpu.memory_space<vmem>> -> memref<80x128xf32, #tpu.memory_space<vmem>>
        %dma_start3A_167 = arith.constant 0 : i32
        %dma_start3A_168 = tpu.memref_slice %arg2[%add3A_154, %dma_start3A_167] : memref<320000x128xf32, #tpu.memory_space<hbm>> -> memref<80x128xf32, #tpu.memory_space<hbm>>
        tpu.enqueue_dma source(%dma_start3A_168 : memref<80x128xf32, #tpu.memory_space<hbm>>) target(%dma_start3A_166 : memref<80x128xf32, #tpu.memory_space<vmem>>) target_semaphore(%dma_start3A_162 : memref<!tpu.dma_semaphore, #tpu.memory_space<semaphore_mem>>)
      } else {
      }
    }
    %scan3A_45 = arith.constant 125 : i32
    %add3A_46 = arith.constant 9760 : i32
    %add3A_47 = arith.addi %mul3A_2, %add3A_46 : i32
    %dma_wait3A_48 = arith.constant 2 : i32
    %dma_wait3A_49 = arith.constant 2 : i32
    %dma_wait3A_50 = arith.constant 0 : i32
    %dma_wait3A_51 = arith.constant 0 : i32
    %dma_wait3A_52 = tpu.memref_slice %arg8[%dma_wait3A_48, %dma_wait3A_50, %dma_wait3A_51] : memref<3x80x128xf32, #tpu.memory_space<vmem>> -> memref<1x80x128xf32, #tpu.memory_space<vmem>>
    %dma_wait3A_53 = tpu.memref_squeeze %dma_wait3A_52 : memref<1x80x128xf32, #tpu.memory_space<vmem>> -> memref<80x128xf32, #tpu.memory_space<vmem>>
    %dma_wait3A_54 = arith.constant 0 : i32
    %dma_wait3A_55 = tpu.memref_slice %arg5[%add3A_47, %dma_wait3A_54] : memref<320000x128xf32, #tpu.memory_space<hbm>> -> memref<80x128xf32, #tpu.memory_space<hbm>>
    %dma_wait3A_56 = tpu.memref_slice %arg11[%dma_wait3A_49] : memref<3x!tpu.dma_semaphore, #tpu.memory_space<semaphore_mem>> -> memref<1x!tpu.dma_semaphore, #tpu.memory_space<semaphore_mem>>
    %dma_wait3A_57 = tpu.memref_squeeze %dma_wait3A_56 : memref<1x!tpu.dma_semaphore, #tpu.memory_space<semaphore_mem>> -> memref<!tpu.dma_semaphore, #tpu.memory_space<semaphore_mem>>
    %dma_wait3A_58 = arith.constant 0 : i32
    %dma_wait3A_59 = tpu.memref_slice %arg5[%add3A_47, %dma_wait3A_58] : memref<320000x128xf32, #tpu.memory_space<hbm>> -> memref<80x128xf32, #tpu.memory_space<hbm>>
    %dma_wait3A_60 = arith.constant 0 : i32
    %dma_wait3A_61 = arith.constant 0 : i32
    %dma_wait3A_62 = tpu.memref_slice %arg8[%dma_wait3A_48, %dma_wait3A_60, %dma_wait3A_61] : memref<3x80x128xf32, #tpu.memory_space<vmem>> -> memref<1x80x128xf32, #tpu.memory_space<vmem>>
    %dma_wait3A_63 = tpu.memref_squeeze %dma_wait3A_62 : memref<1x80x128xf32, #tpu.memory_space<vmem>> -> memref<80x128xf32, #tpu.memory_space<vmem>>
    tpu.wait_dma2 semaphore(%dma_wait3A_57 : memref<!tpu.dma_semaphore, #tpu.memory_space<semaphore_mem>>) src(%dma_wait3A_63 : memref<80x128xf32, #tpu.memory_space<vmem>>) dst(%dma_wait3A_59 : memref<80x128xf32, #tpu.memory_space<hbm>>)
    %add3A_64 = arith.constant 9840 : i32
    %add3A_65 = arith.addi %mul3A_2, %add3A_64 : i32
    %dma_wait3A_66 = arith.constant 0 : i32
    %dma_wait3A_67 = arith.constant 0 : i32
    %dma_wait3A_68 = arith.constant 0 : i32
    %dma_wait3A_69 = arith.constant 0 : i32
    %dma_wait3A_70 = tpu.memref_slice %arg8[%dma_wait3A_66, %dma_wait3A_68, %dma_wait3A_69] : memref<3x80x128xf32, #tpu.memory_space<vmem>> -> memref<1x80x128xf32, #tpu.memory_space<vmem>>
    %dma_wait3A_71 = tpu.memref_squeeze %dma_wait3A_70 : memref<1x80x128xf32, #tpu.memory_space<vmem>> -> memref<80x128xf32, #tpu.memory_space<vmem>>
    %dma_wait3A_72 = arith.constant 0 : i32
    %dma_wait3A_73 = tpu.memref_slice %arg5[%add3A_65, %dma_wait3A_72] : memref<320000x128xf32, #tpu.memory_space<hbm>> -> memref<80x128xf32, #tpu.memory_space<hbm>>
    %dma_wait3A_74 = tpu.memref_slice %arg11[%dma_wait3A_67] : memref<3x!tpu.dma_semaphore, #tpu.memory_space<semaphore_mem>> -> memref<1x!tpu.dma_semaphore, #tpu.memory_space<semaphore_mem>>
    %dma_wait3A_75 = tpu.memref_squeeze %dma_wait3A_74 : memref<1x!tpu.dma_semaphore, #tpu.memory_space<semaphore_mem>> -> memref<!tpu.dma_semaphore, #tpu.memory_space<semaphore_mem>>
    %dma_wait3A_76 = arith.constant 0 : i32
    %dma_wait3A_77 = tpu.memref_slice %arg5[%add3A_65, %dma_wait3A_76] : memref<320000x128xf32, #tpu.memory_space<hbm>> -> memref<80x128xf32, #tpu.memory_space<hbm>>
    %dma_wait3A_78 = arith.constant 0 : i32
    %dma_wait3A_79 = arith.constant 0 : i32
    %dma_wait3A_80 = tpu.memref_slice %arg8[%dma_wait3A_66, %dma_wait3A_78, %dma_wait3A_79] : memref<3x80x128xf32, #tpu.memory_space<vmem>> -> memref<1x80x128xf32, #tpu.memory_space<vmem>>
    %dma_wait3A_81 = tpu.memref_squeeze %dma_wait3A_80 : memref<1x80x128xf32, #tpu.memory_space<vmem>> -> memref<80x128xf32, #tpu.memory_space<vmem>>
    tpu.wait_dma2 semaphore(%dma_wait3A_75 : memref<!tpu.dma_semaphore, #tpu.memory_space<semaphore_mem>>) src(%dma_wait3A_81 : memref<80x128xf32, #tpu.memory_space<vmem>>) dst(%dma_wait3A_77 : memref<80x128xf32, #tpu.memory_space<hbm>>)
    %add3A_82 = arith.constant 9920 : i32
    %add3A_83 = arith.addi %mul3A_2, %add3A_82 : i32
    %dma_wait3A_84 = arith.constant 1 : i32
    %dma_wait3A_85 = arith.constant 1 : i32
    %dma_wait3A_86 = arith.constant 0 : i32
    %dma_wait3A_87 = arith.constant 0 : i32
    %dma_wait3A_88 = tpu.memref_slice %arg8[%dma_wait3A_84, %dma_wait3A_86, %dma_wait3A_87] : memref<3x80x128xf32, #tpu.memory_space<vmem>> -> memref<1x80x128xf32, #tpu.memory_space<vmem>>
    %dma_wait3A_89 = tpu.memref_squeeze %dma_wait3A_88 : memref<1x80x128xf32, #tpu.memory_space<vmem>> -> memref<80x128xf32, #tpu.memory_space<vmem>>
    %dma_wait3A_90 = arith.constant 0 : i32
    %dma_wait3A_91 = tpu.memref_slice %arg5[%add3A_83, %dma_wait3A_90] : memref<320000x128xf32, #tpu.memory_space<hbm>> -> memref<80x128xf32, #tpu.memory_space<hbm>>
    %dma_wait3A_92 = tpu.memref_slice %arg11[%dma_wait3A_85] : memref<3x!tpu.dma_semaphore, #tpu.memory_space<semaphore_mem>> -> memref<1x!tpu.dma_semaphore, #tpu.memory_space<semaphore_mem>>
    %dma_wait3A_93 = tpu.memref_squeeze %dma_wait3A_92 : memref<1x!tpu.dma_semaphore, #tpu.memory_space<semaphore_mem>> -> memref<!tpu.dma_semaphore, #tpu.memory_space<semaphore_mem>>
    %dma_wait3A_94 = arith.constant 0 : i32
    %dma_wait3A_95 = tpu.memref_slice %arg5[%add3A_83, %dma_wait3A_94] : memref<320000x128xf32, #tpu.memory_space<hbm>> -> memref<80x128xf32, #tpu.memory_space<hbm>>
    %dma_wait3A_96 = arith.constant 0 : i32
    %dma_wait3A_97 = arith.constant 0 : i32
    %dma_wait3A_98 = tpu.memref_slice %arg8[%dma_wait3A_84, %dma_wait3A_96, %dma_wait3A_97] : memref<3x80x128xf32, #tpu.memory_space<vmem>> -> memref<1x80x128xf32, #tpu.memory_space<vmem>>
    %dma_wait3A_99 = tpu.memref_squeeze %dma_wait3A_98 : memref<1x80x128xf32, #tpu.memory_space<vmem>> -> memref<80x128xf32, #tpu.memory_space<vmem>>
    tpu.wait_dma2 semaphore(%dma_wait3A_93 : memref<!tpu.dma_semaphore, #tpu.memory_space<semaphore_mem>>) src(%dma_wait3A_99 : memref<80x128xf32, #tpu.memory_space<vmem>>) dst(%dma_wait3A_95 : memref<80x128xf32, #tpu.memory_space<hbm>>)
    return
  }
}

module attributes {stable_mosaic.version = 14 : i64} {
  func.func @_table_body(%arg0: memref<64x128xf32, #tpu.memory_space<vmem>>, %arg1: memref<128x128xf32, #tpu.memory_space<vmem>>, %arg2: memref<1x128xf32, #tpu.memory_space<vmem>>, %arg3: memref<64x128xf32, #tpu.memory_space<vmem>>) attributes {dimension_semantics = [], scalar_prefetch = 0 : i64, scratch_operands = 0 : i64, tpu.core_type = #tpu.core_type<tc>} {
    %get3A = arith.constant 0 : index
    %get3A_0 = arith.constant 0 : index
    %get3A_1 = vector.load %arg0[%get3A, %get3A_0] : memref<64x128xf32, #tpu.memory_space<vmem>>, vector<64x128xf32>
    %get3A_2 = arith.constant 0 : index
    %get3A_3 = arith.constant 0 : index
    %get3A_4 = vector.load %arg1[%get3A_2, %get3A_3] : memref<128x128xf32, #tpu.memory_space<vmem>>, vector<128x128xf32>
    %dot_general3A = arith.constant dense<0.000000e+00> : vector<64x128xf32>
    %dot_general3A_5 = tpu.matmul %get3A_1, %get3A_4, %dot_general3A {dimension_numbers = #tpu.dot_dimension_numbers<[1], [1], [0], [0], [0, 0, 1, 0], [], []>, transpose_lhs_hint = false} : vector<64x128xf32>, vector<128x128xf32>, vector<64x128xf32> -> vector<64x128xf32>
    %get3A_6 = arith.constant 0 : index
    %get3A_7 = arith.constant 0 : index
    %get3A_8 = vector.load %arg2[%get3A_6, %get3A_7] : memref<1x128xf32, #tpu.memory_space<vmem>>, vector<1x128xf32>
    %add3A = vector.broadcast %get3A_8 : vector<1x128xf32> to vector<64x128xf32>
    %add3A_9 = arith.addf %dot_general3A_5, %add3A : vector<64x128xf32>
    %swap3A = arith.constant 0 : index
    %swap3A_10 = arith.constant 0 : index
    %swap3A_11 = vector.load %arg3[%swap3A, %swap3A_10] : memref<64x128xf32, #tpu.memory_space<vmem>>, vector<64x128xf32>
    tpu.vector_store %arg3[%swap3A, %swap3A_10], %add3A_9 {strides = array<i32>} : memref<64x128xf32, #tpu.memory_space<vmem>>, vector<64x128xf32>,
    return
  }
}

</mosaic_0001>

<sc_bundles>
// kernel: kernel.4.cloned.1.call-start
scs
__scs_entry_jumppad:
0x0: {  	(pc) =	sbr.rel $0x88, $3  }
0x1: {  	(tag) =	ssettag $0x0;
	lr =	simm.s32 $0x1  }
0x2: {  	[smem:$0x3F9C] =	sst lr;
	_ =	strace $0xD0000000  }
0x3: {  	_ = 	snop  }
0x4: {  	_ = 	snop  }
0x5: {  	_ = 	snop  }
0x6: {  	_ = 	snop  }
0x7: {  	_ = 	snop  }
__scs_overlays_trampoline_lowered:
0x8: {  	[smem:$0x3FAB] =	sst s0  }
0x9: {  	[smem:$0x3FAC] =	sst s1  }
0xa: {  	[smem:$0x3FAD] =	sst s2  }
0xb: {  	[smem:$0x3FAE] =	sst s3  }
0xc: {  	[smem:$0x3FAF] =	sst s4  }
0xd: {  	[smem:$0x3FB0] =	sst s5  }
0xe: {  	[smem:$0x3FB1] =	sst s6  }
0xf: {  	[smem:$0x3FB2] =	sst s7  }
0x10: {  	[smem:$0x3FB3] =	sst s8  }
0x11: {  	[smem:$0x3FB4] =	sst s9;
	s0 =	simm.s32 @!p0 $0x0  }
0x12: {  	s1 =	sld [smem:$0x3F9A];
	s0 =	simm.s32 @p0 $0x1  }
0x13: {  	[smem:$0x3FB5] =	sst s0;
	s0 =	simm.s32 @!p1 $0x0  }
0x14: {  	s2 =	sld [smem:$0x3F99];
	s0 =	simm.s32 @p1 $0x1  }
0x15: {  	[smem:$0x3FB6] =	sst s0;
	s0 =	simm.s32 @!p2 $0x0  }
0x16: {  	s3 =	sld [smem:$0x3FDB];
	s0 =	simm.s32 @p2 $0x1  }
0x17: {  	s4 =	simm.s32 $0x1BF5;
	[smem:$0x3FB8] =	sst s0  }
0x18: {  	s0 =	sld [smem:$0x3F9B];
	_ =	swait.ge [sflag:s4], $0x0  }
0x19: {  	s7 =	sld [smem:$0x3F9C]  }
0x1a: {  	s8 =	sadd.s32 $0xFFFFE003, lr  }
0x1b: {  	s9 =	sadd.s32 $0xFFFFFEF7, lr;
	s5 =	simm.s32 $0xFFFFFFFF;
	p2 =	slt.u32 s8, $0xFFFFF086  }
0x1c: {  	p1 =	slt.u32 s9, $0xF7A;
	s5 =	simm.s32 @!p2 $0x0  }
0x1d: {  	s5 =	simm.s32 @p1 $0x1;
	p0 =	seq.s32 s7, s2  }
0x1e: {  	s7 =	smul.u32 @!p0 $0xF7A, s2;
	p2 =	seq.s32 @!p0 s5, $0x0  }
0x1f: {  	s9 =	smul.u32 $0xF7A, s1;
	s8 =	simm.s32 @!p0 $0x1BF5;
	p2 =	por !p2, p0  }
0x20: {  	[sflag:s8] =	ssyncset.s32 @!p0 $0xFFFFF086;
	s6 =	sadd.s32 @!p0 s3, s7;
	s7 =	simm.s32 @!p0 $0x108  }
0x21: {  	s3 =	sadd.s32 s3, s9;
	s6 =	sadd.s32 @!p0 $0x88, s6;
	s7 =	simm.s32 @p2 $0x1082  }
0x22: {  	[simem:s7], [sflag:s8] =	dma.local @!p0 [hbm:s6], $0xF7A  }
0x23: {  	s9 =	sor.u32 $0xD0000000, s2;
	s6 =	simm.s32 $0x108;
	_ =	swait.ge @!p0 [sflag:s8], $0x0  }
0x24: {  	s3 =	sadd.s32 $0x88, s3;
	s6 =	simm.s32 @!p1 $0x1082;
	[sflag:s4] =	ssyncset.s32 $0xFFFFF086  }
0x25: {  	[simem:s6], [sflag:s4] =	dma.local [hbm:s3], $0xF7A  }
0x26: {  	[smem:$0x3F9C] =	sst s1;
	(tag) =	ssettag s2;
	_ =	strace s9  }
0x27: {  	s1 =	sld [smem:$0x3FAC]  }
0x28: {  	s2 =	sld [smem:$0x3FAD]  }
0x29: {  	s4 =	sld [smem:$0x3FAF]  }
0x2a: {  	p0 =	seq.s32 s5, $0x0;
	s5 =	sld [smem:$0x3FB0]  }
0x2b: {  	s6 =	sld [smem:$0x3FB1]  }
0x2c: {  	s7 =	sld [smem:$0x3FB2]  }
0x2d: {  	s3 =	simm.s32 $0x108;
	s8 =	sld [smem:$0x3FB3]  }
0x2e: {  	s3 =	simm.s32 @!p0 $0x1082;
	s9 =	sld [smem:$0x3FB4]  }
0x2f: {  	lr =	sadd.s32 s0, s3;
	s0 =	sld [smem:$0x3FAB]  }
0x30: {  	s3 =	sld [smem:$0x3FAE]  }
0x31: {  	[smem:$0x3FB7] =	sst s10  }
0x32: {  	s10 =	sld [smem:$0x3FB5];
	_ =	sdelay $0x3  }
0x33: {  	p0 =	seq.s32 s10, $0x1;
	s10 =	sld [smem:$0x3FB7];
	_ =	sdelay $0x3  }
0x34: {  	[smem:$0x3FB7] =	sst s10  }
0x35: {  	s10 =	sld [smem:$0x3FB6];
	_ =	sdelay $0x3  }
0x36: {  	p1 =	seq.s32 s10, $0x1;
	s10 =	sld [smem:$0x3FB7];
	_ =	sdelay $0x3  }
0x37: {  	[smem:$0x3FB7] =	sst s10  }
0x38: {  	s10 =	sld [smem:$0x3FB8]  }
0x39: {  	_ = 	snop;
	(pc) =	sbr.ind lr, $3  }
0x3a: {  	_ = 	snop  }
0x3b: {  	_ = 	snop  }
0x3c: {  	p2 =	seq.s32 s10, $0x1;
	s10 =	sld [smem:$0x3FB7]  }
0x3d: {  	_ =	shalt  }
0x3e: {  	_ =	shalt  }
0x3f: {  	_ =	shalt  }
0x40: {  	_ =	shalt  }
0x41: {  	_ =	shalt  }
0x42: {  	_ =	shalt  }
0x43: {  	_ =	shalt  }
0x44: {  	_ =	shalt  }
0x45: {  	_ =	shalt  }
0x46: {  	_ =	shalt  }
0x47: {  	_ =	shalt  }
0x48: {  	_ =	shalt  }
0x49: {  	_ =	shalt  }
0x4a: {  	_ =	shalt  }
0x4b: {  	_ =	shalt  }
0x4c: {  	_ =	shalt  }
0x4d: {  	_ =	shalt  }
0x4e: {  	_ =	shalt  }
0x4f: {  	_ =	shalt  }
0x50: {  	_ =	shalt  }
0x51: {  	_ =	shalt  }
0x52: {  	_ =	shalt  }
0x53: {  	_ =	shalt  }
0x54: {  	_ =	shalt  }
0x55: {  	_ =	shalt  }
0x56: {  	_ =	shalt  }
0x57: {  	_ =	shalt  }
0x58: {  	_ =	shalt  }
0x59: {  	_ =	shalt  }
0x5a: {  	_ =	shalt  }
0x5b: {  	_ =	shalt  }
0x5c: {  	_ =	shalt  }
0x5d: {  	_ =	shalt  }
0x5e: {  	_ =	shalt  }
0x5f: {  	_ =	shalt  }
0x60: {  	_ =	shalt  }
0x61: {  	_ =	shalt  }
0x62: {  	_ =	shalt  }
0x63: {  	_ =	shalt  }
0x64: {  	_ =	shalt  }
0x65: {  	_ =	shalt  }
0x66: {  	_ =	shalt  }
0x67: {  	_ =	shalt  }
0x68: {  	_ =	shalt  }
0x69: {  	_ =	shalt  }
0x6a: {  	_ =	shalt  }
0x6b: {  	_ =	shalt  }
0x6c: {  	_ =	shalt  }
0x6d: {  	_ =	shalt  }
0x6e: {  	_ =	shalt  }
0x6f: {  	_ =	shalt  }
0x70: {  	_ =	shalt  }
0x71: {  	_ =	shalt  }
0x72: {  	_ =	shalt  }
0x73: {  	_ =	shalt  }
0x74: {  	_ =	shalt  }
0x75: {  	_ =	shalt  }
0x76: {  	_ =	shalt  }
0x77: {  	_ =	shalt  }
0x78: {  	_ =	shalt  }
0x79: {  	_ =	shalt  }
0x7a: {  	_ =	shalt  }
0x7b: {  	_ =	shalt  }
0x7c: {  	_ =	shalt  }
0x7d: {  	_ =	shalt  }
0x7e: {  	_ =	shalt  }
0x7f: {  	_ =	shalt  }
0x80: {  	_ =	shalt  }
0x81: {  	_ =	shalt  }
0x82: {  	_ =	shalt  }
0x83: {  	_ =	shalt  }
0x84: {  	_ =	shalt  }
0x85: {  	_ =	shalt  }
0x86: {  	_ =	shalt  }
0x87: {  	_ =	shalt  }
.Lfunc_end0:
.L_simem_size_0:
called_computation_lowered:
.L_overlay_start_0:
0x88: {  	s2 =	sld [smem:$0x3FD9]  }
0x89: {  	s3 =	sld [smem:$0x3FFE];
	_ =	sdelay $0x1  }
0x8a: {  	s1 =	srdreg.scid  }
0x8b: {  	s0 =	sand.u32 $0x1, s1  }
0x8c: {  	s17 =	sshll.u32 s0, $0xA;
	s2 =	sadd.s32 s3, s2  }
0x8d: {  	s2 =	sadd.s32 s2, s17  }
0x8e: {  	[smem:$0x3FC3] =	sst s2  }
0x8f: {  	_ = 	snop  }
0x90: {  	s2 =	sld [smem:$0x3FC9]  }
0x91: {  	s18 =	sld [smem:$0x3FC8]  }
0x92: {  	s4 =	sld [smem:$0x3FD0];
	(tm) =	ssettm $0x1  }
0x93: {  	s5 =	sld [smem:$0x3FFB];
	_ =	sdelay $0x3  }
0x94: {  	_ =	strace s5  }
0x95: {  	s5 =	sld [smem:$0x3FFC];
	_ =	sdelay $0x3  }
0x96: {  	_ =	strace s5  }
0x97: {  	s5 =	sld [smem:$0x3FFD];
	_ =	sdelay $0x3  }
0x98: {  	_ =	strace s5  }
0x99: {  	_ =	strace $0x8FFFFFFF  }
0x9a: {  	s19 =	sld [smem:$0x3FDB];
	_ =	sdelay $0x1  }
0x9b: {  	s6 =	simm.s32 $_scs_section_size  }
0x9c: {  	s7 =	simm.s32 $_size__tile_overlayer_lowered;
	s8 =	simm.s32 $_tile_overlayer_lowered  }
0x9d: {  	s22 =	simm.s32 $0x1BFF;
	s21 =	sshll.u32 s8, $0x1;
	s5 =	sadd.s32 s6, s19  }
0x9e: {  	s9 =	simm.s32 $0x0;
	s20 =	sshll.u32 s7, $0x1;
	s7 =	sadd.s32 s21, s5  }
0x9f: {  	[timem:s9], [sflag:s22] =	dma.local [hbm:s7], s20  }
0xa0: {  	_ =	swait.ge [sflag:s22], s20  }
0xa1: {  	s6 =	ssub.s32 $0x0, s20;
	[sflag:s22] =	ssyncset.done $0x0  }
0xa2: {  	[sflag:s22] =	ssyncadd.s32 s6;
	_ =	sdelay $0x1  }
0xa3: {  	s23 =	simm.s32 $0x1B8B  }
0xa4: {  	_ =	swait.ge [sflag:s23], $0x1  }
0xa5: {  	[sflag:s23] =	ssyncset.done $0x0  }
0xa6: {  	s25 =	simm.s32 $0x1B8E;
	s24 =	sld [smem:$0x3FFE];
	[sflag:s23] =	ssyncadd.s32 $0xFFFFFFFF  }
0xa7: {  	s26 =	simm.s32 $execute0_lowered;
	[smem:$0x3FD2] =	sst s25  }
0xa8: {  	s7 =	sshll.u32 s26, $0x1;
	_ =	strace $0x80000046;
	[dreg:$0x1] =	wrdreg $0xFFFFFFFF  }
0xa9: {  	s28 =	simm.s32 $_size_execute0_lowered;
	s5 =	sadd.s32 s5, s7;
	[dreg:$0x0] =	wrdreg $0x0  }
0xaa: {  	s7 =	sshll.u32 s28, $0x1;
	[dreg:$0x2] =	wrdreg s5  }
0xab: {  	[dreg:$0x3] =	wrdreg s7  }
0xac: {  	[dreg:$0x4] =	wrdreg $0xC0  }
0xad: {  	_ =	task [dreg:s9], $0x5FFFF  }
0xae: {  	[dreg:$0x1] =	wrdreg $0xFFFFFFFF  }
0xaf: {  	[dreg:$0x0] =	wrdreg $0x60  }
0xb0: {  	[dreg:$0x2] =	wrdreg s2  }
0xb1: {  	[dreg:$0x3] =	wrdreg s18  }
0xb2: {  	[dreg:$0x4] =	wrdreg s24  }
0xb3: {  	[dreg:$0x5] =	wrdreg s4  }
0xb4: {  	[dreg:$0x6] =	wrdreg $0x9  }
0xb5: {  	_ =	task.clear_ibuf [dreg:s9], $0x7FFFF;
	_ =	strace $0x90000046  }
0xb6: {  	s29 =	simm.s32 $0x9;
	_ =	strace $0x80000048  }
0xb7: {  	_ =	swait.ge [sflag:s29], $0x1  }
0xb8: {  	[sflag:s29] =	ssyncadd.s32 $0xFFFFFFFF  }
0xb9: {  	_ =	strace $0x90000048  }
0xba: {  	_ =	sfence  }
0xbb: {  	s30 =	sld [smem:$0x0];
	_ =	sdelay $0x2  }
0xbc: {  	s31 =	sshll.u32 s1, $0xD;
	s1 =	sshrl.u32 s1, $0x2  }
0xbd: {  	s3 =	sand.u32 $0x4000, s31;
	s1 =	sadd.s32 s1, s30  }
0xbe: {  	s0 =	sor.u32 s3, s0;
	s1 =	sshll.u32 s1, $0x11  }
0xbf: {  	s0 =	sor.u32 s1, s0  }
0xc0: {  	s0 =	sadd.s32 $0x8F2B, s0  }
0xc1: {  	[sflag:s0] =	ssyncadd.remote.s32 $0x1  }
0xc2: {  	_ =	sfence.sel $0xFFFF  }
0xc3: {  	[dreg:$0x0] =	wrdreg $0xFFFFFFFF;
	(pc) =	sbr.abs _section_cstart, $3  }
0xc4: {  	[dreg:$0x1] =	wrdreg $0xFFFFFFFF  }
0xc5: {  	_ =	task.clear_ibuf [dreg:s9], $0x2FFFF;
	_ =	strace $0x9FFFFFFF  }
0xc6: {  	(tm) =	ssettm $0x7FFFFFFF  }
0xc7: {  	_ =	shalt  }
tec
execute0_lowered:
.L_overlay_start_1:
0x0: {  	(tag) =	ssettag $0x1  }
0x1: {  	s0 =	rddreg [dreg:$0x0]  }
0x2: {  	s1 =	rddreg [dreg:$0x1]  }
0x3: {  	s2 =	rddreg [dreg:$0x2];
	s3 =	srdreg.scid  }
0x4: {  	s9 =	stileid.u32;
	s4 =	rddreg [dreg:$0x3];
	s10 =	simm.s32 $0x0  }
0x5: {  	s3 =	sand.u32 $0x1, s3;
	s5 =	sshll.u32 s9, $0x1;
	s26 =	smul.u32 $0x4E200, s9  }
0x6: {  	s5 =	sor.u32 s3, s5;
	s7 =	ssub.s32 $0x2, s3;
	s3 =	smul.u32 $0x27100, s3  }
0x7: {  	[smem:$0x7FF] =	sst s10;
	s2 =	sadd.s32 $0xA00, s2;
	s6 =	smul.u32 $0x2710, s5  }
0x8: {  	_ =	strace $0x80000047;
	[dreg:$0x5] =	wrdreg s2;
	s8 =	smul.u32 $0x27100, s5  }
0x9: {  	s25 =	sshrl.u32 s7, $0x1;
	s5 =	smul.u32 $0x138800, s5;
	s30 =	sadd.s32 s26, s4  }
0xa: {  	s2 =	ssub.s32 s7, s25;
	s31 =	sadd.s32 s3, s30;
	s6 =	sshrl.u32 s6, $0x3  }
0xb: {  	s28 =	sshrl.u32 s5, $0x3;
	s29 =	sadd.s32 s0, s8;
	[dreg:$0xb] =	wrdreg s31  }
0xc: {  	s2 =	smax.u32 s2, $0x1;
	s1 =	sadd.s32 s1, s6;
	[dreg:$0x7] =	wrdreg s29  }
0xd: {  	[dreg:$0x6] =	wrdreg s1;
	s1 =	sadd.s32 s0, s28;
	s0 =	sadd.s32 s26, s0  }
0xe: {  	[dreg:$0x9] =	wrdreg s2;
	s1 =	sadd.s32 $0x500, s1;
	s0 =	sadd.s32 s3, s0  }
0xf: {  	[dreg:$0x8] =	wrdreg s1;
	s0 =	sadd.s32 $0xA00, s0  }
0x10: {  	s2 =	simm.s32 $0x0;
	[dreg:$0xa] =	wrdreg s0  }
.LBB2_1:
0x11: {  	[dreg:$0xc] =	wrdreg s2  }
0x12: {  	s0 =	rddreg [dreg:$0x6];
	s1 =	simm.s32 $0x2000  }
0x13: {  	[tilespmem:s1], [sflag:$0x1] =	stream.linear.gather [hbm4b:s0+s10], $0x2710, $0x38;
	[tilespmem:$0xBF80] =	vst v63  }
0x14: {  	s24 =	rddreg [dreg:$0x5];
	s25 =	simm.s32 $0x8  }
0x15: {  	[tilespmem:s10], [sflag:$0x8] =	stream.linear.gather [hbm4b:s24+s10], $0x2000, $0x38;
	[tilespmem:$0xBF80] =	vst v63  }
0x16: {  	_ =	swait.ge [sflag:s25], $0x2000  }
0x17: {  	[sflag:s25] =	ssyncset.done $0x0  }
0x18: {  	s26 =	simm.s32 $0x1;
	[sflag:s25] =	ssyncadd.s32 $0xFFFFE000  }
0x19: {  	_ =	swait.ge [sflag:s26], $0x2710  }
0x1a: {  	s28 =	rddreg [dreg:$0x7]  }
0x1b: {  	s29 =	simm.s32 $0x4780;
	[sflag:s26] =	ssyncset.done $0x0;
	s30 =	rddreg [dreg:$0x8]  }
0x1c: {  	s31 =	simm.s32 $0x6F80;
	s3 =	rddreg [dreg:$0xb];
	[sflag:s26] =	ssyncadd.s32 $0xFFFFD8F0  }
0x1d: {  	[tilespmem:s29], [sflag:$0x2] =	stream.linear.gather [hbm4b:s28+s10], $0x2800, $0x38;
	[tilespmem:$0xBF80] =	vst v63  }
0x1e: {  	s0 =	simm.s32 $0x2;
	s1 =	simm.s32 $0x2020;
	s2 =	rddreg [dreg:$0xa]  }
0x1f: {  	[tilespmem:s31], [sflag:$0x3] =	stream.linear.gather [hbm4b:s30+s10], $0x2800, $0x38;
	[tilespmem:$0xBF80] =	vst v63  }
.LBB2_2:
0x20: {  	s11 =	sadd.s32 $0xFFFFFFFE, s0  }
0x21: {  	[dreg:$0xd] =	wrdreg s0;
	s0 =	smul.u32 $0xAB, s11  }
0x22: {  	_ = 	snop  }
0x23: {  	s0 =	sshrl.u32 s0, $0x9  }
0x24: {  	s0 =	sand.u32 $0x7F, s0  }
0x25: {  	[dreg:$0x10] =	wrdreg s2;
	s0 =	smul.u32 $0x3, s0  }
0x26: {  	[dreg:$0xf] =	wrdreg s3  }
0x27: {  	[dreg:$0xe] =	wrdreg s1;
	s0 =	ssub.s32 s11, s0  }
0x28: {  	[dreg:$0x11] =	wrdreg s11;
	s2 =	sand.u32 $0xFF, s0  }
0x29: {  	s0 =	sadd.s32 $0x2, s2;
	[dreg:$0x12] =	wrdreg s2  }
0x2a: {  	_ =	swait.ge [sflag:s0], $0x2800  }
0x2b: {  	[sflag:s0] =	ssyncset.done $0x0  }
0x2c: {  	[sflag:s0] =	ssyncadd.s32 $0xFFFFD800  }
0x2d: {  	v0 =	vld [tilespmem:s1+$0xFFFFFFE0];
	_ =	sdelay $0x4  }
0x2e: {  	v0 =	vshll.u32 v0, $0x9  }
0x2f: {  	v0 =	vshra.s32 v0, $0x2  }
0x30: {  	(v2sf) =	vpush v0, $0x0;
	_ =	sdelay $0x5  }
0x31: {  	(v2sf) =	vpush v0, $0x1;
	_ =	sdelay $0x5  }
0x32: {  	(v2sf) =	vpush v0, $0x2;
	_ =	sdelay $0x2  }
0x33: {  	s30 =	spop (v2sf)  }
0x34: {  	v1 =	vld [tilespmem:s30+$0x0];
	_ =	sdelay $0x1  }
0x35: {  	s12 =	smul.u32 $0xA000, s2;
	(v2sf) =	vpush v0, $0x3;
	_ =	sdelay $0x1  }
0x36: {  	s25 =	sshrl.u32 s12, $0x2  }
0x37: {  	s29 =	spop (v2sf);
	[tilespmem:s25+$0x4780] =	vst.add.f32.msk $0xffff, v1  }
0x38: {  	v1 =	vld [tilespmem:s29+$0x0];
	_ =	sdelay $0x1  }
0x39: {  	(v2sf) =	vpush v0, $0x4;
	_ =	sdelay $0x2  }
0x3a: {  	s4 =	spop (v2sf);
	[tilespmem:s25+$0x4800] =	vst.add.f32.msk $0xffff, v1  }
0x3b: {  	v1 =	vld [tilespmem:s4+$0x0];
	_ =	sdelay $0x1  }
0x3c: {  	(v2sf) =	vpush v0, $0x5;
	_ =	sdelay $0x2  }
0x3d: {  	s5 =	spop (v2sf);
	[tilespmem:s25+$0x4880] =	vst.add.f32.msk $0xffff, v1  }
0x3e: {  	v1 =	vld [tilespmem:s5+$0x0];
	_ =	sdelay $0x1  }
0x3f: {  	(v2sf) =	vpush v0, $0x6;
	_ =	sdelay $0x2  }
0x40: {  	s6 =	spop (v2sf);
	[tilespmem:s25+$0x4900] =	vst.add.f32.msk $0xffff, v1  }
0x41: {  	v1 =	vld [tilespmem:s6+$0x0];
	_ =	sdelay $0x1  }
0x42: {  	(v2sf) =	vpush v0, $0x7;
	_ =	sdelay $0x2  }
0x43: {  	s7 =	spop (v2sf);
	[tilespmem:s25+$0x4980] =	vst.add.f32.msk $0xffff, v1  }
0x44: {  	v1 =	vld [tilespmem:s7+$0x0];
	_ =	sdelay $0x1  }
0x45: {  	(v2sf) =	vpush v0, $0x8;
	_ =	sdelay $0x2  }
0x46: {  	s8 =	spop (v2sf);
	[tilespmem:s25+$0x4A00] =	vst.add.f32.msk $0xffff, v1  }
0x47: {  	v1 =	vld [tilespmem:s8+$0x0];
	_ =	sdelay $0x1  }
0x48: {  	(v2sf) =	vpush v0, $0x9;
	_ =	sdelay $0x2  }
0x49: {  	s9 =	spop (v2sf);
	[tilespmem:s25+$0x4A80] =	vst.add.f32.msk $0xffff, v1  }
0x4a: {  	v1 =	vld [tilespmem:s9+$0x0];
	_ =	sdelay $0x1  }
0x4b: {  	(v2sf) =	vpush v0, $0xA;
	_ =	sdelay $0x2  }
0x4c: {  	s12 =	spop (v2sf);
	[tilespmem:s25+$0x4B00] =	vst.add.f32.msk $0xffff, v1  }
0x4d: {  	v1 =	vld [tilespmem:s12+$0x0];
	_ =	sdelay $0x1  }
0x4e: {  	(v2sf) =	vpush v0, $0xB;
	_ =	sdelay $0x2  }
0x4f: {  	s11 =	spop (v2sf);
	[tilespmem:s25+$0x4B80] =	vst.add.f32.msk $0xffff, v1  }
0x50: {  	v1 =	vld [tilespmem:s11+$0x0];
	_ =	sdelay $0x1  }
0x51: {  	(v2sf) =	vpush v0, $0xC;
	_ =	sdelay $0x2  }
0x52: {  	s17 =	spop (v2sf);
	[tilespmem:s25+$0x4C00] =	vst.add.f32.msk $0xffff, v1  }
0x53: {  	v1 =	vld [tilespmem:s17+$0x0];
	_ =	sdelay $0x1  }
0x54: {  	(v2sf) =	vpush v0, $0xD;
	_ =	sdelay $0x2  }
0x55: {  	s18 =	spop (v2sf);
	[tilespmem:s25+$0x4C80] =	vst.add.f32.msk $0xffff, v1  }
0x56: {  	v1 =	vld [tilespmem:s18+$0x0];
	_ =	sdelay $0x1  }
0x57: {  	(v2sf) =	vpush v0, $0xE;
	_ =	sdelay $0x2  }
0x58: {  	s19 =	spop (v2sf);
	[tilespmem:s25+$0x4D00] =	vst.add.f32.msk $0xffff, v1  }
0x59: {  	v1 =	vld [tilespmem:s19+$0x0];
	_ =	sdelay $0x1  }
0x5a: {  	(v2sf) =	vpush v0, $0xF;
	_ =	sdelay $0x2  }
0x5b: {  	s28 =	spop (v2sf);
	[tilespmem:s25+$0x4D80] =	vst.add.f32.msk $0xffff, v1  }
0x5c: {  	v50 =	vld [tilespmem:s28+$0x0];
	_ =	sdelay $0x4  }
0x5d: {  	s2 =	spop (v2sf);
	[tilespmem:s25+$0x4E00] =	vst.add.f32.msk $0xffff, v50  }
0x5e: {  	v0 =	vld [tilespmem:s2+$0x0];
	_ =	sdelay $0x4  }
0x5f: {  	s13 =	spop (v2sf);
	[tilespmem:s25+$0x4E80] =	vst.add.f32.msk $0xffff, v0  }
0x60: {  	v0 =	vld [tilespmem:s13+$0x0];
	_ =	sdelay $0x4  }
0x61: {  	[tilespmem:s25+$0x4F00] =	vst.add.f32.msk $0xffff, v0  }
0x62: {  	v0 =	vld [tilespmem:s30+$0x10];
	_ =	sdelay $0x4  }
0x63: {  	[tilespmem:s25+$0x4790] =	vst.add.f32.msk $0xffff, v0  }
0x64: {  	v0 =	vld [tilespmem:s29+$0x10];
	_ =	sdelay $0x4  }
0x65: {  	[tilespmem:s25+$0x4810] =	vst.add.f32.msk $0xffff, v0  }
0x66: {  	v0 =	vld [tilespmem:s4+$0x10];
	_ =	sdelay $0x4  }
0x67: {  	[tilespmem:s25+$0x4890] =	vst.add.f32.msk $0xffff, v0  }
0x68: {  	v0 =	vld [tilespmem:s5+$0x10];
	_ =	sdelay $0x4  }
0x69: {  	[tilespmem:s25+$0x4910] =	vst.add.f32.msk $0xffff, v0  }
0x6a: {  	v0 =	vld [tilespmem:s6+$0x10];
	_ =	sdelay $0x4  }
0x6b: {  	[tilespmem:s25+$0x4990] =	vst.add.f32.msk $0xffff, v0  }
0x6c: {  	v0 =	vld [tilespmem:s7+$0x10];
	_ =	sdelay $0x4  }
0x6d: {  	[tilespmem:s25+$0x4A10] =	vst.add.f32.msk $0xffff, v0  }
0x6e: {  	v0 =	vld [tilespmem:s8+$0x10];
	_ =	sdelay $0x4  }
0x6f: {  	[tilespmem:s25+$0x4A90] =	vst.add.f32.msk $0xffff, v0  }
0x70: {  	v0 =	vld [tilespmem:s9+$0x10];
	_ =	sdelay $0x4  }
0x71: {  	[tilespmem:s25+$0x4B10] =	vst.add.f32.msk $0xffff, v0  }
0x72: {  	v0 =	vld [tilespmem:s12+$0x10];
	_ =	sdelay $0x4  }
0x73: {  	[tilespmem:s25+$0x4B90] =	vst.add.f32.msk $0xffff, v0  }
0x74: {  	v0 =	vld [tilespmem:s11+$0x10];
	_ =	sdelay $0x4  }
0x75: {  	[tilespmem:s25+$0x4C10] =	vst.add.f32.msk $0xffff, v0  }
0x76: {  	v0 =	vld [tilespmem:s17+$0x10];
	_ =	sdelay $0x4  }
0x77: {  	[tilespmem:s25+$0x4C90] =	vst.add.f32.msk $0xffff, v0  }
0x78: {  	v0 =	vld [tilespmem:s18+$0x10];
	_ =	sdelay $0x4  }
0x79: {  	[tilespmem:s25+$0x4D10] =	vst.add.f32.msk $0xffff, v0  }
0x7a: {  	v0 =	vld [tilespmem:s19+$0x10];
	_ =	sdelay $0x4  }
0x7b: {  	[tilespmem:s25+$0x4D90] =	vst.add.f32.msk $0xffff, v0  }
0x7c: {  	v0 =	vld [tilespmem:s28+$0x10];
	_ =	sdelay $0x4  }
0x7d: {  	[tilespmem:s25+$0x4E10] =	vst.add.f32.msk $0xffff, v0  }
0x7e: {  	v0 =	vld [tilespmem:s2+$0x10];
	_ =	sdelay $0x4  }
0x7f: {  	[tilespmem:s25+$0x4E90] =	vst.add.f32.msk $0xffff, v0  }
0x80: {  	v0 =	vld [tilespmem:s13+$0x10];
	_ =	sdelay $0x4  }
0x81: {  	[tilespmem:s25+$0x4F10] =	vst.add.f32.msk $0xffff, v0  }
0x82: {  	v0 =	vld [tilespmem:s30+$0x20];
	_ =	sdelay $0x4  }
0x83: {  	[tilespmem:s25+$0x47A0] =	vst.add.f32.msk $0xffff, v0  }
0x84: {  	v0 =	vld [tilespmem:s29+$0x20];
	_ =	sdelay $0x4  }
0x85: {  	[tilespmem:s25+$0x4820] =	vst.add.f32.msk $0xffff, v0  }
0x86: {  	v0 =	vld [tilespmem:s4+$0x20];
	_ =	sdelay $0x4  }
0x87: {  	[tilespmem:s25+$0x48A0] =	vst.add.f32.msk $0xffff, v0  }
0x88: {  	v0 =	vld [tilespmem:s5+$0x20];
	_ =	sdelay $0x4  }
0x89: {  	[tilespmem:s25+$0x4920] =	vst.add.f32.msk $0xffff, v0  }
0x8a: {  	v0 =	vld [tilespmem:s6+$0x20];
	_ =	sdelay $0x4  }
0x8b: {  	[tilespmem:s25+$0x49A0] =	vst.add.f32.msk $0xffff, v0  }
0x8c: {  	v0 =	vld [tilespmem:s7+$0x20];
	_ =	sdelay $0x4  }
0x8d: {  	[tilespmem:s25+$0x4A20] =	vst.add.f32.msk $0xffff, v0  }
0x8e: {  	v0 =	vld [tilespmem:s8+$0x20];
	_ =	sdelay $0x4  }
0x8f: {  	[tilespmem:s25+$0x4AA0] =	vst.add.f32.msk $0xffff, v0  }
0x90: {  	v0 =	vld [tilespmem:s9+$0x20];
	_ =	sdelay $0x4  }
0x91: {  	[tilespmem:s25+$0x4B20] =	vst.add.f32.msk $0xffff, v0  }
0x92: {  	v0 =	vld [tilespmem:s12+$0x20];
	_ =	sdelay $0x4  }
0x93: {  	[tilespmem:s25+$0x4BA0] =	vst.add.f32.msk $0xffff, v0  }
0x94: {  	v0 =	vld [tilespmem:s11+$0x20];
	_ =	sdelay $0x4  }
0x95: {  	[tilespmem:s25+$0x4C20] =	vst.add.f32.msk $0xffff, v0  }
0x96: {  	v0 =	vld [tilespmem:s17+$0x20];
	_ =	sdelay $0x4  }
0x97: {  	[tilespmem:s25+$0x4CA0] =	vst.add.f32.msk $0xffff, v0  }
0x98: {  	v0 =	vld [tilespmem:s18+$0x20];
	_ =	sdelay $0x4  }
0x99: {  	[tilespmem:s25+$0x4D20] =	vst.add.f32.msk $0xffff, v0  }
0x9a: {  	v0 =	vld [tilespmem:s19+$0x20];
	_ =	sdelay $0x4  }
0x9b: {  	[tilespmem:s25+$0x4DA0] =	vst.add.f32.msk $0xffff, v0  }
0x9c: {  	v0 =	vld [tilespmem:s28+$0x20];
	_ =	sdelay $0x4  }
0x9d: {  	[tilespmem:s25+$0x4E20] =	vst.add.f32.msk $0xffff, v0  }
0x9e: {  	v0 =	vld [tilespmem:s2+$0x20];
	_ =	sdelay $0x4  }
0x9f: {  	[tilespmem:s25+$0x4EA0] =	vst.add.f32.msk $0xffff, v0  }
0xa0: {  	v0 =	vld [tilespmem:s13+$0x20];
	_ =	sdelay $0x4  }
0xa1: {  	[tilespmem:s25+$0x4F20] =	vst.add.f32.msk $0xffff, v0  }
0xa2: {  	v0 =	vld [tilespmem:s30+$0x30];
	_ =	sdelay $0x4  }
0xa3: {  	[tilespmem:s25+$0x47B0] =	vst.add.f32.msk $0xffff, v0  }
0xa4: {  	v0 =	vld [tilespmem:s29+$0x30];
	_ =	sdelay $0x4  }
0xa5: {  	[tilespmem:s25+$0x4830] =	vst.add.f32.msk $0xffff, v0  }
0xa6: {  	v0 =	vld [tilespmem:s4+$0x30];
	_ =	sdelay $0x4  }
0xa7: {  	[tilespmem:s25+$0x48B0] =	vst.add.f32.msk $0xffff, v0  }
0xa8: {  	v0 =	vld [tilespmem:s5+$0x30];
	_ =	sdelay $0x4  }
0xa9: {  	[tilespmem:s25+$0x4930] =	vst.add.f32.msk $0xffff, v0  }
0xaa: {  	v0 =	vld [tilespmem:s6+$0x30];
	_ =	sdelay $0x4  }
0xab: {  	[tilespmem:s25+$0x49B0] =	vst.add.f32.msk $0xffff, v0  }
0xac: {  	v0 =	vld [tilespmem:s7+$0x30];
	_ =	sdelay $0x4  }
0xad: {  	[tilespmem:s25+$0x4A30] =	vst.add.f32.msk $0xffff, v0  }
0xae: {  	v0 =	vld [tilespmem:s8+$0x30];
	_ =	sdelay $0x4  }
0xaf: {  	[tilespmem:s25+$0x4AB0] =	vst.add.f32.msk $0xffff, v0  }
0xb0: {  	v0 =	vld [tilespmem:s9+$0x30];
	_ =	sdelay $0x4  }
0xb1: {  	[tilespmem:s25+$0x4B30] =	vst.add.f32.msk $0xffff, v0  }
0xb2: {  	v0 =	vld [tilespmem:s12+$0x30];
	_ =	sdelay $0x4  }
0xb3: {  	s10 =	smov.u32 s11;
	[tilespmem:s25+$0x4BB0] =	vst.add.f32.msk $0xffff, v0  }
0xb4: {  	v0 =	vld [tilespmem:s10+$0x30];
	_ =	sdelay $0x4  }
0xb5: {  	[tilespmem:s25+$0x4C30] =	vst.add.f32.msk $0xffff, v0  }
0xb6: {  	v0 =	vld [tilespmem:s17+$0x30];
	_ =	sdelay $0x4  }
0xb7: {  	[tilespmem:s25+$0x4CB0] =	vst.add.f32.msk $0xffff, v0  }
0xb8: {  	v0 =	vld [tilespmem:s18+$0x30];
	_ =	sdelay $0x4  }
0xb9: {  	[tilespmem:s25+$0x4D30] =	vst.add.f32.msk $0xffff, v0  }
0xba: {  	v0 =	vld [tilespmem:s19+$0x30];
	_ =	sdelay $0x2  }
0xbb: {  	s20 =	rddreg [dreg:$0xe]  }
0xbc: {  	v51 =	vld [tilespmem:s20+$0xFFFFFFF0]  }
0xbd: {  	[tilespmem:s25+$0x4DB0] =	vst.add.f32.msk $0xffff, v0  }
0xbe: {  	v0 =	vld [tilespmem:s28+$0x30];
	_ =	sdelay $0x2  }
0xbf: {  	v1 =	vshll.u32 v51, $0x9  }
0xc0: {  	v1 =	vshra.s32 v1, $0x2  }
0xc1: {  	(v2sf) =	vpush v1, $0x0;
	[tilespmem:s25+$0x4E30] =	vst.add.f32.msk $0xffff, v0  }
0xc2: {  	v0 =	vld [tilespmem:s2+$0x30];
	_ =	sdelay $0x4  }
0xc3: {  	(v2sf) =	vpush v1, $0x1;
	[tilespmem:s25+$0x4EB0] =	vst.add.f32.msk $0xffff, v0  }
0xc4: {  	v0 =	vld [tilespmem:s13+$0x30];
	_ =	sdelay $0x4  }
0xc5: {  	(v2sf) =	vpush v1, $0x2;
	[tilespmem:s25+$0x4F30] =	vst.add.f32.msk $0xffff, v0  }
0xc6: {  	v0 =	vld [tilespmem:s30+$0x40];
	_ =	sdelay $0x1  }
0xc7: {  	s31 =	spop (v2sf)  }
0xc8: {  	v2 =	vld [tilespmem:s31+$0x0];
	_ =	sdelay $0x1  }
0xc9: {  	(v2sf) =	vpush v1, $0x3;
	[tilespmem:s25+$0x47C0] =	vst.add.f32.msk $0xffff, v0  }
0xca: {  	v0 =	vld [tilespmem:s29+$0x40];
	_ =	sdelay $0x1  }
0xcb: {  	s23 =	spop (v2sf);
	[tilespmem:s25+$0x4F80] =	vst.add.f32.msk $0xffff, v2  }
0xcc: {  	v2 =	vld [tilespmem:s23+$0x0];
	_ =	sdelay $0x1  }
0xcd: {  	(v2sf) =	vpush v1, $0x4;
	[tilespmem:s25+$0x4840] =	vst.add.f32.msk $0xffff, v0  }
0xce: {  	v0 =	vld [tilespmem:s4+$0x40];
	_ =	sdelay $0x1  }
0xcf: {  	s26 =	spop (v2sf);
	[tilespmem:s25+$0x5000] =	vst.add.f32.msk $0xffff, v2  }
0xd0: {  	v2 =	vld [tilespmem:s26+$0x0];
	_ =	sdelay $0x1  }
0xd1: {  	s14 =	smov.u32 s5;
	(v2sf) =	vpush v1, $0x5;
	[tilespmem:s25+$0x48C0] =	vst.add.f32.msk $0xffff, v0  }
0xd2: {  	v0 =	vld [tilespmem:s14+$0x40];
	_ =	sdelay $0x1  }
0xd3: {  	s11 =	spop (v2sf);
	[tilespmem:s25+$0x5080] =	vst.add.f32.msk $0xffff, v2  }
0xd4: {  	v2 =	vld [tilespmem:s11+$0x0];
	_ =	sdelay $0x1  }
0xd5: {  	(v2sf) =	vpush v1, $0x6;
	[tilespmem:s25+$0x4940] =	vst.add.f32.msk $0xffff, v0  }
0xd6: {  	v0 =	vld [tilespmem:s6+$0x40];
	_ =	sdelay $0x1  }
0xd7: {  	s24 =	spop (v2sf);
	[tilespmem:s25+$0x5100] =	vst.add.f32.msk $0xffff, v2  }
0xd8: {  	v2 =	vld [tilespmem:s24+$0x0];
	_ =	sdelay $0x1  }
0xd9: {  	(v2sf) =	vpush v1, $0x7;
	[tilespmem:s25+$0x49C0] =	vst.add.f32.msk $0xffff, v0  }
0xda: {  	v0 =	vld [tilespmem:s7+$0x40];
	_ =	sdelay $0x1  }
0xdb: {  	s21 =	smov.u32 s13;
	[smem:$0x7CB] =	sst s13;
	[tilespmem:s25+$0x5180] =	vst.add.f32.msk $0xffff, v2;
	s13 =	spop (v2sf)  }
0xdc: {  	v2 =	vld [tilespmem:s13+$0x0];
	_ =	sdelay $0x1  }
0xdd: {  	(v2sf) =	vpush v1, $0x8;
	[tilespmem:s25+$0x4A40] =	vst.add.f32.msk $0xffff, v0  }
0xde: {  	v0 =	vld [tilespmem:s8+$0x40];
	_ =	sdelay $0x1  }
0xdf: {  	s1 =	spop (v2sf);
	[tilespmem:s25+$0x5200] =	vst.add.f32.msk $0xffff, v2  }
0xe0: {  	v2 =	vld [tilespmem:s1+$0x0];
	_ =	sdelay $0x1  }
0xe1: {  	s22 =	smov.u32 s9;
	(v2sf) =	vpush v1, $0x9;
	[tilespmem:s25+$0x4AC0] =	vst.add.f32.msk $0xffff, v0  }
0xe2: {  	v0 =	vld [tilespmem:s22+$0x40];
	_ =	sdelay $0x1  }
0xe3: {  	s0 =	smov.u32 s4;
	[tilespmem:s25+$0x5280] =	vst.add.f32.msk $0xffff, v2;
	s4 =	spop (v2sf)  }
0xe4: {  	v2 =	vld [tilespmem:s4+$0x0];
	_ =	sdelay $0x1  }
0xe5: {  	s16 =	smov.u32 s12;
	(v2sf) =	vpush v1, $0xA;
	[tilespmem:s25+$0x4B40] =	vst.add.f32.msk $0xffff, v0  }
0xe6: {  	v0 =	vld [tilespmem:s16+$0x40];
	_ =	sdelay $0x1  }
0xe7: {  	[tilespmem:s25+$0x5300] =	vst.add.f32.msk $0xffff, v2;
	s22 =	spop (v2sf)  }
0xe8: {  	v2 =	vld [tilespmem:s22+$0x0];
	_ =	sdelay $0x1  }
0xe9: {  	s15 =	smov.u32 s10;
	(v2sf) =	vpush v1, $0xB;
	[tilespmem:s25+$0x4BC0] =	vst.add.f32.msk $0xffff, v0  }
0xea: {  	v0 =	vld [tilespmem:s15+$0x40]  }
0xeb: {  	[smem:$0x7CD] =	sst s16  }
0xec: {  	s20 =	smov.u32 s16;
	s16 =	smov.u32 s15;
	[tilespmem:s25+$0x5380] =	vst.add.f32.msk $0xffff, v2;
	s15 =	spop (v2sf)  }
0xed: {  	v2 =	vld [tilespmem:s15+$0x0];
	_ =	sdelay $0x1  }
0xee: {  	(v2sf) =	vpush v1, $0xC;
	[tilespmem:s25+$0x4C40] =	vst.add.f32.msk $0xffff, v0  }
0xef: {  	v0 =	vld [tilespmem:s17+$0x40];
	_ =	sdelay $0x1  }
0xf0: {  	[smem:$0x7D5] =	sst s9;
	s9 =	spop (v2sf);
	[tilespmem:s25+$0x5400] =	vst.add.f32.msk $0xffff, v2  }
0xf1: {  	v2 =	vld [tilespmem:s9+$0x0];
	_ =	sdelay $0x1  }
0xf2: {  	(v2sf) =	vpush v1, $0xD;
	[tilespmem:s25+$0x4CC0] =	vst.add.f32.msk $0xffff, v0  }
0xf3: {  	v0 =	vld [tilespmem:s18+$0x40];
	_ =	sdelay $0x1  }
0xf4: {  	[dreg:$0x16] =	wrdreg s23;
	s23 =	spop (v2sf);
	[tilespmem:s25+$0x5480] =	vst.add.f32.msk $0xffff, v2  }
0xf5: {  	v2 =	vld [tilespmem:s23+$0x0];
	_ =	sdelay $0x1  }
0xf6: {  	(v2sf) =	vpush v1, $0xE;
	[tilespmem:s25+$0x4D40] =	vst.add.f32.msk $0xffff, v0  }
0xf7: {  	v0 =	vld [tilespmem:s19+$0x40];
	_ =	sdelay $0x1  }
0xf8: {  	[smem:$0x7CA] =	sst s24;
	s24 =	spop (v2sf);
	[tilespmem:s25+$0x5500] =	vst.add.f32.msk $0xffff, v2  }
0xf9: {  	v2 =	vld [tilespmem:s24+$0x0];
	_ =	sdelay $0x1  }
0xfa: {  	(v2sf) =	vpush v1, $0xF;
	[tilespmem:s25+$0x4DC0] =	vst.add.f32.msk $0xffff, v0  }
0xfb: {  	v0 =	vld [tilespmem:s28+$0x40];
	_ =	sdelay $0x1  }
0xfc: {  	[smem:$0x7DE] =	sst s4;
	s4 =	spop (v2sf);
	[tilespmem:s25+$0x5580] =	vst.add.f32.msk $0xffff, v2  }
0xfd: {  	v52 =	vld [tilespmem:s4+$0x0];
	_ =	sdelay $0x1  }
0xfe: {  	[tilespmem:s25+$0x4E40] =	vst.add.f32.msk $0xffff, v0  }
0xff: {  	v0 =	vld [tilespmem:s2+$0x40];
	_ =	sdelay $0x1  }
0x100: {  	s3 =	spop (v2sf);
	[tilespmem:s25+$0x5600] =	vst.add.f32.msk $0xffff, v52  }
0x101: {  	v1 =	vld [tilespmem:s3+$0x0];
	_ =	sdelay $0x1  }
0x102: {  	[tilespmem:s25+$0x4EC0] =	vst.add.f32.msk $0xffff, v0  }
0x103: {  	v0 =	vld [tilespmem:s21+$0x40];
	_ =	sdelay $0x1  }
0x104: {  	[tilespmem:s25+$0x5680] =	vst.add.f32.msk $0xffff, v1;
	s21 =	spop (v2sf)  }
0x105: {  	v1 =	vld [tilespmem:s21+$0x0];
	_ =	sdelay $0x1  }
0x106: {  	[tilespmem:s25+$0x4F40] =	vst.add.f32.msk $0xffff, v0  }
0x107: {  	v0 =	vld [tilespmem:s30+$0x50];
	_ =	sdelay $0x1  }
0x108: {  	[tilespmem:s25+$0x5700] =	vst.add.f32.msk $0xffff, v1  }
0x109: {  	v1 =	vld [tilespmem:s31+$0x10];
	_ =	sdelay $0x1  }
0x10a: {  	[tilespmem:s25+$0x47D0] =	vst.add.f32.msk $0xffff, v0  }
0x10b: {  	v0 =	vld [tilespmem:s29+$0x50]  }
0x10c: {  	[smem:$0x7CC] =	sst s8  }
0x10d: {  	s14 =	smov.u32 s8;
	s8 =	smov.u32 s28;
	s28 =	rddreg [dreg:$0x16];
	[tilespmem:s25+$0x4F90] =	vst.add.f32.msk $0xffff, v1  }
0x10e: {  	v1 =	vld [tilespmem:s28+$0x10];
	_ =	sdelay $0x1  }
0x10f: {  	[tilespmem:s25+$0x4850] =	vst.add.f32.msk $0xffff, v0  }
0x110: {  	v0 =	vld [tilespmem:s0+$0x50]  }
0x111: {  	[smem:$0x7D2] =	sst s5  }
0x112: {  	[smem:$0x7D1] =	sst s0;
	[tilespmem:s25+$0x5010] =	vst.add.f32.msk $0xffff, v1  }
0x113: {  	s5 =	smov.u32 s0;
	s0 =	sld [smem:$0x7D2];
	v1 =	vld [tilespmem:s26+$0x10];
	_ =	sdelay $0x1  }
0x114: {  	[tilespmem:s25+$0x48D0] =	vst.add.f32.msk $0xffff, v0  }
0x115: {  	v0 =	vld [tilespmem:s0+$0x50];
	_ =	sdelay $0x1  }
0x116: {  	[tilespmem:s25+$0x5090] =	vst.add.f32.msk $0xffff, v1  }
0x117: {  	v1 =	vld [tilespmem:s11+$0x10];
	_ =	sdelay $0x1  }
0x118: {  	[tilespmem:s25+$0x4950] =	vst.add.f32.msk $0xffff, v0  }
0x119: {  	s12 =	sld [smem:$0x7CA];
	v0 =	vld [tilespmem:s6+$0x50];
	_ =	sdelay $0x1  }
0x11a: {  	[tilespmem:s25+$0x5110] =	vst.add.f32.msk $0xffff, v1  }
0x11b: {  	v1 =	vld [tilespmem:s12+$0x10];
	_ =	sdelay $0x1  }
0x11c: {  	[tilespmem:s25+$0x49D0] =	vst.add.f32.msk $0xffff, v0  }
0x11d: {  	v0 =	vld [tilespmem:s7+$0x50];
	_ =	sdelay $0x1  }
0x11e: {  	[tilespmem:s25+$0x5190] =	vst.add.f32.msk $0xffff, v1  }
0x11f: {  	v1 =	vld [tilespmem:s13+$0x10];
	_ =	sdelay $0x1  }
0x120: {  	[smem:$0x7DC] =	sst s1;
	[tilespmem:s25+$0x4A50] =	vst.add.f32.msk $0xffff, v0  }
0x121: {  	v0 =	vld [tilespmem:s14+$0x50];
	s14 =	sld [smem:$0x7DC];
	_ =	sdelay $0x1  }
0x122: {  	[tilespmem:s25+$0x5210] =	vst.add.f32.msk $0xffff, v1  }
0x123: {  	s1 =	sld [smem:$0x7D5];
	v1 =	vld [tilespmem:s14+$0x10];
	_ =	sdelay $0x1  }
0x124: {  	[smem:$0x7CE] =	sst s2;
	[tilespmem:s25+$0x4AD0] =	vst.add.f32.msk $0xffff, v0  }
0x125: {  	s10 =	smov.u32 s2;
	s2 =	sld [smem:$0x7DE];
	v0 =	vld [tilespmem:s1+$0x50];
	_ =	sdelay $0x1  }
0x126: {  	[tilespmem:s25+$0x5290] =	vst.add.f32.msk $0xffff, v1  }
0x127: {  	v1 =	vld [tilespmem:s2+$0x10];
	_ =	sdelay $0x1  }
0x128: {  	[tilespmem:s25+$0x4B50] =	vst.add.f32.msk $0xffff, v0  }
0x129: {  	v0 =	vld [tilespmem:s20+$0x50];
	_ =	sdelay $0x1  }
0x12a: {  	[tilespmem:s25+$0x5310] =	vst.add.f32.msk $0xffff, v1  }
0x12b: {  	v1 =	vld [tilespmem:s22+$0x10];
	_ =	sdelay $0x1  }
0x12c: {  	[tilespmem:s25+$0x4BD0] =	vst.add.f32.msk $0xffff, v0  }
0x12d: {  	v0 =	vld [tilespmem:s16+$0x50];
	_ =	sdelay $0x1  }
0x12e: {  	[tilespmem:s25+$0x5390] =	vst.add.f32.msk $0xffff, v1  }
0x12f: {  	v1 =	vld [tilespmem:s15+$0x10];
	_ =	sdelay $0x1  }
0x130: {  	[tilespmem:s25+$0x4C50] =	vst.add.f32.msk $0xffff, v0  }
0x131: {  	v0 =	vld [tilespmem:s17+$0x50];
	_ =	sdelay $0x1  }
0x132: {  	[tilespmem:s25+$0x5410] =	vst.add.f32.msk $0xffff, v1  }
0x133: {  	v1 =	vld [tilespmem:s9+$0x10];
	_ =	sdelay $0x1  }
0x134: {  	[tilespmem:s25+$0x4CD0] =	vst.add.f32.msk $0xffff, v0  }
0x135: {  	v0 =	vld [tilespmem:s18+$0x50];
	_ =	sdelay $0x1  }
0x136: {  	[tilespmem:s25+$0x5490] =	vst.add.f32.msk $0xffff, v1  }
0x137: {  	v1 =	vld [tilespmem:s23+$0x10];
	_ =	sdelay $0x1  }
0x138: {  	[tilespmem:s25+$0x4D50] =	vst.add.f32.msk $0xffff, v0  }
0x139: {  	v0 =	vld [tilespmem:s19+$0x50];
	_ =	sdelay $0x1  }
0x13a: {  	[tilespmem:s25+$0x5510] =	vst.add.f32.msk $0xffff, v1  }
0x13b: {  	v1 =	vld [tilespmem:s24+$0x10];
	_ =	sdelay $0x1  }
0x13c: {  	[tilespmem:s25+$0x4DD0] =	vst.add.f32.msk $0xffff, v0  }
0x13d: {  	v0 =	vld [tilespmem:s8+$0x50];
	_ =	sdelay $0x1  }
0x13e: {  	[tilespmem:s25+$0x5590] =	vst.add.f32.msk $0xffff, v1  }
0x13f: {  	v1 =	vld [tilespmem:s4+$0x10];
	_ =	sdelay $0x1  }
0x140: {  	[tilespmem:s25+$0x4E50] =	vst.add.f32.msk $0xffff, v0  }
0x141: {  	v0 =	vld [tilespmem:s10+$0x50];
	_ =	sdelay $0x1  }
0x142: {  	[tilespmem:s25+$0x5610] =	vst.add.f32.msk $0xffff, v1  }
0x143: {  	s20 =	smov.u32 s16;
	s16 =	smov.u32 s3;
	v1 =	vld [tilespmem:s3+$0x10];
	s3 =	sld [smem:$0x7CB]  }
0x144: {  	_ = 	snop  }
0x145: {  	[tilespmem:s25+$0x4ED0] =	vst.add.f32.msk $0xffff, v0  }
0x146: {  	v0 =	vld [tilespmem:s3+$0x50];
	_ =	sdelay $0x1  }
0x147: {  	[tilespmem:s25+$0x5690] =	vst.add.f32.msk $0xffff, v1  }
0x148: {  	v1 =	vld [tilespmem:s21+$0x10];
	_ =	sdelay $0x1  }
0x149: {  	[tilespmem:s25+$0x4F50] =	vst.add.f32.msk $0xffff, v0  }
0x14a: {  	v0 =	vld [tilespmem:s30+$0x60];
	_ =	sdelay $0x1  }
0x14b: {  	[tilespmem:s25+$0x5710] =	vst.add.f32.msk $0xffff, v1  }
0x14c: {  	v1 =	vld [tilespmem:s31+$0x20];
	_ =	sdelay $0x1  }
0x14d: {  	[tilespmem:s25+$0x47E0] =	vst.add.f32.msk $0xffff, v0  }
0x14e: {  	v0 =	vld [tilespmem:s29+$0x60];
	_ =	sdelay $0x1  }
0x14f: {  	[tilespmem:s25+$0x4FA0] =	vst.add.f32.msk $0xffff, v1  }
0x150: {  	v1 =	vld [tilespmem:s28+$0x20];
	_ =	sdelay $0x1  }
0x151: {  	[tilespmem:s25+$0x4860] =	vst.add.f32.msk $0xffff, v0  }
0x152: {  	v0 =	vld [tilespmem:s5+$0x60];
	_ =	sdelay $0x1  }
0x153: {  	[tilespmem:s25+$0x5020] =	vst.add.f32.msk $0xffff, v1  }
0x154: {  	v1 =	vld [tilespmem:s26+$0x20];
	_ =	sdelay $0x1  }
0x155: {  	[tilespmem:s25+$0x48E0] =	vst.add.f32.msk $0xffff, v0  }
0x156: {  	v0 =	vld [tilespmem:s0+$0x60];
	_ =	sdelay $0x1  }
0x157: {  	[tilespmem:s25+$0x50A0] =	vst.add.f32.msk $0xffff, v1  }
0x158: {  	v1 =	vld [tilespmem:s11+$0x20];
	_ =	sdelay $0x1  }
0x159: {  	[tilespmem:s25+$0x4960] =	vst.add.f32.msk $0xffff, v0  }
0x15a: {  	v0 =	vld [tilespmem:s6+$0x60];
	_ =	sdelay $0x1  }
0x15b: {  	[tilespmem:s25+$0x5120] =	vst.add.f32.msk $0xffff, v1  }
0x15c: {  	v1 =	vld [tilespmem:s12+$0x20];
	_ =	sdelay $0x1  }
0x15d: {  	[tilespmem:s25+$0x49E0] =	vst.add.f32.msk $0xffff, v0  }
0x15e: {  	v0 =	vld [tilespmem:s7+$0x60]  }
0x15f: {  	s5 =	smov.u32 s26  }
0x160: {  	[dreg:$0x15] =	wrdreg s5;
	[tilespmem:s25+$0x51A0] =	vst.add.f32.msk $0xffff, v1  }
0x161: {  	s5 =	sld [smem:$0x7CC];
	v1 =	vld [tilespmem:s13+$0x20];
	_ =	sdelay $0x1  }
0x162: {  	[tilespmem:s25+$0x4A60] =	vst.add.f32.msk $0xffff, v0  }
0x163: {  	v0 =	vld [tilespmem:s5+$0x60];
	_ =	sdelay $0x1  }
0x164: {  	[tilespmem:s25+$0x5220] =	vst.add.f32.msk $0xffff, v1  }
0x165: {  	v1 =	vld [tilespmem:s14+$0x20];
	_ =	sdelay $0x1  }
0x166: {  	[tilespmem:s25+$0x4AE0] =	vst.add.f32.msk $0xffff, v0  }
0x167: {  	v0 =	vld [tilespmem:s1+$0x60];
	_ =	sdelay $0x1  }
0x168: {  	[smem:$0x7D3] =	sst s6;
	[tilespmem:s25+$0x52A0] =	vst.add.f32.msk $0xffff, v1  }
0x169: {  	s6 =	sld [smem:$0x7CD];
	v1 =	vld [tilespmem:s2+$0x20];
	_ =	sdelay $0x1  }
0x16a: {  	[tilespmem:s25+$0x4B60] =	vst.add.f32.msk $0xffff, v0  }
0x16b: {  	v0 =	vld [tilespmem:s6+$0x60];
	_ =	sdelay $0x1  }
0x16c: {  	[tilespmem:s25+$0x5320] =	vst.add.f32.msk $0xffff, v1  }
0x16d: {  	v1 =	vld [tilespmem:s22+$0x20];
	_ =	sdelay $0x1  }
0x16e: {  	[tilespmem:s25+$0x4BE0] =	vst.add.f32.msk $0xffff, v0  }
0x16f: {  	v0 =	vld [tilespmem:s20+$0x60];
	_ =	sdelay $0x1  }
0x170: {  	[tilespmem:s25+$0x53A0] =	vst.add.f32.msk $0xffff, v1  }
0x171: {  	v1 =	vld [tilespmem:s15+$0x20];
	_ =	sdelay $0x1  }
0x172: {  	[tilespmem:s25+$0x4C60] =	vst.add.f32.msk $0xffff, v0  }
0x173: {  	v0 =	vld [tilespmem:s17+$0x60];
	_ =	sdelay $0x1  }
0x174: {  	[tilespmem:s25+$0x5420] =	vst.add.f32.msk $0xffff, v1  }
0x175: {  	v1 =	vld [tilespmem:s9+$0x20];
	_ =	sdelay $0x1  }
0x176: {  	[tilespmem:s25+$0x4CE0] =	vst.add.f32.msk $0xffff, v0  }
0x177: {  	v0 =	vld [tilespmem:s18+$0x60];
	_ =	sdelay $0x1  }
0x178: {  	[tilespmem:s25+$0x54A0] =	vst.add.f32.msk $0xffff, v1  }
0x179: {  	v1 =	vld [tilespmem:s23+$0x20];
	_ =	sdelay $0x1  }
0x17a: {  	[tilespmem:s25+$0x4D60] =	vst.add.f32.msk $0xffff, v0  }
0x17b: {  	v0 =	vld [tilespmem:s19+$0x60];
	_ =	sdelay $0x1  }
0x17c: {  	[tilespmem:s25+$0x5520] =	vst.add.f32.msk $0xffff, v1  }
0x17d: {  	v1 =	vld [tilespmem:s24+$0x20];
	_ =	sdelay $0x1  }
0x17e: {  	[smem:$0x7D4] =	sst s7;
	[tilespmem:s25+$0x4DE0] =	vst.add.f32.msk $0xffff, v0  }
0x17f: {  	[dreg:$0x14] =	wrdreg s4;
	s10 =	smov.u32 s9;
	v0 =	vld [tilespmem:s8+$0x60]  }
0x180: {  	[dreg:$0x19] =	wrdreg s10  }
0x181: {  	s10 =	smov.u32 s23;
	s23 =	smov.u32 s24;
	s24 =	rddreg [dreg:$0x14];
	[tilespmem:s25+$0x55A0] =	vst.add.f32.msk $0xffff, v1  }
0x182: {  	s7 =	sld [smem:$0x7CE];
	v1 =	vld [tilespmem:s24+$0x20];
	_ =	sdelay $0x1  }
0x183: {  	[tilespmem:s25+$0x4E60] =	vst.add.f32.msk $0xffff, v0  }
0x184: {  	v0 =	vld [tilespmem:s7+$0x60];
	_ =	sdelay $0x1  }
0x185: {  	[tilespmem:s25+$0x5620] =	vst.add.f32.msk $0xffff, v1  }
0x186: {  	v1 =	vld [tilespmem:s16+$0x20];
	_ =	sdelay $0x1  }
0x187: {  	[tilespmem:s25+$0x4EE0] =	vst.add.f32.msk $0xffff, v0  }
0x188: {  	v0 =	vld [tilespmem:s3+$0x60];
	_ =	sdelay $0x1  }
0x189: {  	[smem:$0x7CF] =	sst s30;
	s4 =	smov.u32 s21;
	[tilespmem:s25+$0x56A0] =	vst.add.f32.msk $0xffff, v1  }
0x18a: {  	s21 =	smov.u32 s31;
	s31 =	smov.u32 s28;
	s28 =	sld [smem:$0x7CF];
	v1 =	vld [tilespmem:s4+$0x20]  }
0x18b: {  	_ = 	snop  }
0x18c: {  	[tilespmem:s25+$0x4F60] =	vst.add.f32.msk $0xffff, v0  }
0x18d: {  	v0 =	vld [tilespmem:s28+$0x70];
	_ =	sdelay $0x1  }
0x18e: {  	[smem:$0x7D0] =	sst s29;
	[tilespmem:s25+$0x5720] =	vst.add.f32.msk $0xffff, v1  }
0x18f: {  	s29 =	sld [smem:$0x7D0];
	v1 =	vld [tilespmem:s21+$0x30];
	_ =	sdelay $0x1  }
0x190: {  	[tilespmem:s25+$0x47F0] =	vst.add.f32.msk $0xffff, v0  }
0x191: {  	v0 =	vld [tilespmem:s29+$0x70];
	_ =	sdelay $0x1  }
0x192: {  	[tilespmem:s25+$0x4FB0] =	vst.add.f32.msk $0xffff, v1  }
0x193: {  	s30 =	sld [smem:$0x7D1];
	v1 =	vld [tilespmem:s31+$0x30];
	_ =	sdelay $0x1  }
0x194: {  	[tilespmem:s25+$0x4870] =	vst.add.f32.msk $0xffff, v0  }
0x195: {  	v0 =	vld [tilespmem:s30+$0x70];
	_ =	sdelay $0x1  }
0x196: {  	[tilespmem:s25+$0x5030] =	vst.add.f32.msk $0xffff, v1  }
0x197: {  	s31 =	sld [smem:$0x7D2];
	v1 =	vld [tilespmem:s26+$0x30];
	_ =	sdelay $0x1  }
0x198: {  	[tilespmem:s25+$0x48F0] =	vst.add.f32.msk $0xffff, v0  }
0x199: {  	v0 =	vld [tilespmem:s31+$0x70];
	_ =	sdelay $0x1  }
0x19a: {  	[tilespmem:s25+$0x50B0] =	vst.add.f32.msk $0xffff, v1  }
0x19b: {  	s1 =	sld [smem:$0x7D3];
	v1 =	vld [tilespmem:s11+$0x30];
	_ =	sdelay $0x1  }
0x19c: {  	[tilespmem:s25+$0x4970] =	vst.add.f32.msk $0xffff, v0  }
0x19d: {  	v0 =	vld [tilespmem:s1+$0x70];
	_ =	sdelay $0x1  }
0x19e: {  	[tilespmem:s25+$0x5130] =	vst.add.f32.msk $0xffff, v1  }
0x19f: {  	s30 =	smov.u32 s12;
	v1 =	vld [tilespmem:s12+$0x30];
	s12 =	sld [smem:$0x7D4];
	_ =	sdelay $0x1  }
0x1a0: {  	[tilespmem:s25+$0x49F0] =	vst.add.f32.msk $0xffff, v0  }
0x1a1: {  	v0 =	vld [tilespmem:s12+$0x70];
	_ =	sdelay $0x4  }
0x1a2: {  	[tilespmem:s25+$0x4A70] =	vst.add.f32.msk $0xffff, v0  }
0x1a3: {  	v0 =	vld [tilespmem:s5+$0x70];
	_ =	sdelay $0x1  }
0x1a4: {  	[dreg:$0x17] =	wrdreg s21;
	[tilespmem:s25+$0x51B0] =	vst.add.f32.msk $0xffff, v1  }
0x1a5: {  	s21 =	sld [smem:$0x7D5];
	v1 =	vld [tilespmem:s13+$0x30];
	_ =	sdelay $0x1  }
0x1a6: {  	[tilespmem:s25+$0x4AF0] =	vst.add.f32.msk $0xffff, v0  }
0x1a7: {  	v0 =	vld [tilespmem:s21+$0x70];
	_ =	sdelay $0x1  }
0x1a8: {  	[tilespmem:s25+$0x5230] =	vst.add.f32.msk $0xffff, v1  }
0x1a9: {  	v1 =	vld [tilespmem:s14+$0x30];
	_ =	sdelay $0x1  }
0x1aa: {  	[tilespmem:s25+$0x4B70] =	vst.add.f32.msk $0xffff, v0  }
0x1ab: {  	v0 =	vld [tilespmem:s6+$0x70];
	_ =	sdelay $0x1  }
0x1ac: {  	[tilespmem:s25+$0x52B0] =	vst.add.f32.msk $0xffff, v1  }
0x1ad: {  	v1 =	vld [tilespmem:s2+$0x30];
	_ =	sdelay $0x1  }
0x1ae: {  	[tilespmem:s25+$0x4BF0] =	vst.add.f32.msk $0xffff, v0  }
0x1af: {  	v0 =	vld [tilespmem:s20+$0x70];
	_ =	sdelay $0x1  }
0x1b0: {  	[tilespmem:s25+$0x5330] =	vst.add.f32.msk $0xffff, v1  }
0x1b1: {  	v1 =	vld [tilespmem:s22+$0x30];
	_ =	sdelay $0x1  }
0x1b2: {  	[tilespmem:s25+$0x4C70] =	vst.add.f32.msk $0xffff, v0  }
0x1b3: {  	v0 =	vld [tilespmem:s17+$0x70];
	_ =	sdelay $0x1  }
0x1b4: {  	[tilespmem:s25+$0x53B0] =	vst.add.f32.msk $0xffff, v1  }
0x1b5: {  	v1 =	vld [tilespmem:s15+$0x30];
	_ =	sdelay $0x1  }
0x1b6: {  	[tilespmem:s25+$0x4CF0] =	vst.add.f32.msk $0xffff, v0  }
0x1b7: {  	v0 =	vld [tilespmem:s18+$0x70];
	_ =	sdelay $0x1  }
0x1b8: {  	[tilespmem:s25+$0x5430] =	vst.add.f32.msk $0xffff, v1  }
0x1b9: {  	v1 =	vld [tilespmem:s9+$0x30];
	_ =	sdelay $0x1  }
0x1ba: {  	[tilespmem:s25+$0x4D70] =	vst.add.f32.msk $0xffff, v0  }
0x1bb: {  	v0 =	vld [tilespmem:s19+$0x70];
	_ =	sdelay $0x1  }
0x1bc: {  	[tilespmem:s25+$0x54B0] =	vst.add.f32.msk $0xffff, v1  }
0x1bd: {  	v1 =	vld [tilespmem:s10+$0x30];
	_ =	sdelay $0x1  }
0x1be: {  	[tilespmem:s25+$0x4DF0] =	vst.add.f32.msk $0xffff, v0  }
0x1bf: {  	v0 =	vld [tilespmem:s8+$0x70];
	_ =	sdelay $0x1  }
0x1c0: {  	[tilespmem:s25+$0x5530] =	vst.add.f32.msk $0xffff, v1  }
0x1c1: {  	v1 =	vld [tilespmem:s23+$0x30];
	_ =	sdelay $0x1  }
0x1c2: {  	[tilespmem:s25+$0x4E70] =	vst.add.f32.msk $0xffff, v0  }
0x1c3: {  	v0 =	vld [tilespmem:s7+$0x70];
	_ =	sdelay $0x1  }
0x1c4: {  	[tilespmem:s25+$0x55B0] =	vst.add.f32.msk $0xffff, v1  }
0x1c5: {  	v1 =	vld [tilespmem:s24+$0x30];
	s24 =	rddreg [dreg:$0xe]  }
0x1c6: {  	v53 =	vld [tilespmem:s24+$0x0]  }
0x1c7: {  	[tilespmem:s25+$0x4EF0] =	vst.add.f32.msk $0xffff, v0  }
0x1c8: {  	v0 =	vld [tilespmem:s3+$0x70];
	_ =	sdelay $0x4  }
0x1c9: {  	[tilespmem:s25+$0x4F70] =	vst.add.f32.msk $0xffff, v0;
	v0 =	vshll.u32 v53, $0x9  }
0x1ca: {  	v0 =	vshra.s32 v0, $0x2  }
0x1cb: {  	(v2sf) =	vpush v0, $0x0;
	_ =	sdelay $0x5  }
0x1cc: {  	(v2sf) =	vpush v0, $0x1;
	_ =	sdelay $0x1  }
0x1cd: {  	[tilespmem:s25+$0x5630] =	vst.add.f32.msk $0xffff, v1  }
0x1ce: {  	v1 =	vld [tilespmem:s16+$0x30];
	_ =	sdelay $0x2  }
0x1cf: {  	(v2sf) =	vpush v0, $0x2;
	_ =	sdelay $0x1  }
0x1d0: {  	s0 =	smov.u32 s4;
	[tilespmem:s25+$0x56B0] =	vst.add.f32.msk $0xffff, v1  }
0x1d1: {  	v1 =	vld [tilespmem:s0+$0x30];
	s19 =	spop (v2sf)  }
0x1d2: {  	v54 =	vld [tilespmem:s19+$0x0];
	_ =	sdelay $0x1  }
0x1d3: {  	(v2sf) =	vpush v0, $0x3;
	_ =	sdelay $0x1  }
0x1d4: {  	[tilespmem:s25+$0x5730] =	vst.add.f32.msk $0xffff, v1  }
0x1d5: {  	s18 =	spop (v2sf);
	[tilespmem:s25+$0x5780] =	vst.add.f32.msk $0xffff, v54  }
0x1d6: {  	v1 =	vld [tilespmem:s18+$0x0];
	_ =	sdelay $0x1  }
0x1d7: {  	(v2sf) =	vpush v0, $0x4;
	_ =	sdelay $0x2  }
0x1d8: {  	s28 =	smov.u32 s14;
	s14 =	smov.u32 s15;
	s15 =	spop (v2sf);
	[tilespmem:s25+$0x5800] =	vst.add.f32.msk $0xffff, v1  }
0x1d9: {  	v1 =	vld [tilespmem:s15+$0x0];
	_ =	sdelay $0x1  }
0x1da: {  	(v2sf) =	vpush v0, $0x5;
	_ =	sdelay $0x2  }
0x1db: {  	s6 =	spop (v2sf);
	[tilespmem:s25+$0x5880] =	vst.add.f32.msk $0xffff, v1  }
0x1dc: {  	v1 =	vld [tilespmem:s6+$0x0];
	_ =	sdelay $0x1  }
0x1dd: {  	(v2sf) =	vpush v0, $0x6;
	_ =	sdelay $0x2  }
0x1de: {  	s8 =	spop (v2sf);
	[tilespmem:s25+$0x5900] =	vst.add.f32.msk $0xffff, v1  }
0x1df: {  	v1 =	vld [tilespmem:s8+$0x0];
	_ =	sdelay $0x1  }
0x1e0: {  	(v2sf) =	vpush v0, $0x7;
	_ =	sdelay $0x2  }
0x1e1: {  	s7 =	spop (v2sf);
	[tilespmem:s25+$0x5980] =	vst.add.f32.msk $0xffff, v1  }
0x1e2: {  	v1 =	vld [tilespmem:s7+$0x0];
	_ =	sdelay $0x1  }
0x1e3: {  	(v2sf) =	vpush v0, $0x8;
	_ =	sdelay $0x2  }
0x1e4: {  	s21 =	smov.u32 s22;
	s22 =	spop (v2sf);
	[tilespmem:s25+$0x5A00] =	vst.add.f32.msk $0xffff, v1  }
0x1e5: {  	v1 =	vld [tilespmem:s22+$0x0];
	_ =	sdelay $0x1  }
0x1e6: {  	(v2sf) =	vpush v0, $0x9;
	_ =	sdelay $0x2  }
0x1e7: {  	s1 =	spop (v2sf);
	[tilespmem:s25+$0x5A80] =	vst.add.f32.msk $0xffff, v1  }
0x1e8: {  	v1 =	vld [tilespmem:s1+$0x0];
	_ =	sdelay $0x1  }
0x1e9: {  	(v2sf) =	vpush v0, $0xA;
	_ =	sdelay $0x2  }
0x1ea: {  	s3 =	spop (v2sf);
	[tilespmem:s25+$0x5B00] =	vst.add.f32.msk $0xffff, v1  }
0x1eb: {  	v1 =	vld [tilespmem:s3+$0x0];
	_ =	sdelay $0x1  }
0x1ec: {  	(v2sf) =	vpush v0, $0xB;
	_ =	sdelay $0x2  }
0x1ed: {  	s26 =	smov.u32 s2;
	s2 =	spop (v2sf);
	[tilespmem:s25+$0x5B80] =	vst.add.f32.msk $0xffff, v1  }
0x1ee: {  	v1 =	vld [tilespmem:s2+$0x0];
	_ =	sdelay $0x1  }
0x1ef: {  	(v2sf) =	vpush v0, $0xC;
	_ =	sdelay $0x2  }
0x1f0: {  	s9 =	spop (v2sf);
	[tilespmem:s25+$0x5C00] =	vst.add.f32.msk $0xffff, v1  }
0x1f1: {  	v1 =	vld [tilespmem:s9+$0x0];
	_ =	sdelay $0x1  }
0x1f2: {  	(v2sf) =	vpush v0, $0xD;
	_ =	sdelay $0x2  }
0x1f3: {  	s17 =	spop (v2sf);
	[tilespmem:s25+$0x5C80] =	vst.add.f32.msk $0xffff, v1  }
0x1f4: {  	v1 =	vld [tilespmem:s17+$0x0];
	_ =	sdelay $0x1  }
0x1f5: {  	(v2sf) =	vpush v0, $0xE;
	_ =	sdelay $0x2  }
0x1f6: {  	[dreg:$0x1a] =	wrdreg s10;
	s10 =	spop (v2sf);
	[tilespmem:s25+$0x5D00] =	vst.add.f32.msk $0xffff, v1  }
0x1f7: {  	v1 =	vld [tilespmem:s10+$0x0];
	_ =	sdelay $0x1  }
0x1f8: {  	(v2sf) =	vpush v0, $0xF;
	_ =	sdelay $0x2  }
0x1f9: {  	s20 =	spop (v2sf);
	[tilespmem:s25+$0x5D80] =	vst.add.f32.msk $0xffff, v1  }
0x1fa: {  	v55 =	vld [tilespmem:s20+$0x0];
	_ =	sdelay $0x4  }
0x1fb: {  	[dreg:$0x18] =	wrdreg s0;
	s0 =	spop (v2sf);
	[tilespmem:s25+$0x5E00] =	vst.add.f32.msk $0xffff, v55  }
0x1fc: {  	v0 =	vld [tilespmem:s0+$0x0];
	_ =	sdelay $0x4  }
0x1fd: {  	s4 =	spop (v2sf);
	[tilespmem:s25+$0x5E80] =	vst.add.f32.msk $0xffff, v0  }
0x1fe: {  	v0 =	vld [tilespmem:s4+$0x0];
	_ =	sdelay $0x4  }
0x1ff: {  	[tilespmem:s25+$0x5F00] =	vst.add.f32.msk $0xffff, v0  }
0x200: {  	v0 =	vld [tilespmem:s19+$0x10];
	_ =	sdelay $0x4  }
0x201: {  	[tilespmem:s25+$0x5790] =	vst.add.f32.msk $0xffff, v0  }
0x202: {  	v0 =	vld [tilespmem:s18+$0x10];
	_ =	sdelay $0x4  }
0x203: {  	[tilespmem:s25+$0x5810] =	vst.add.f32.msk $0xffff, v0  }
0x204: {  	v0 =	vld [tilespmem:s15+$0x10];
	_ =	sdelay $0x4  }
0x205: {  	[tilespmem:s25+$0x5890] =	vst.add.f32.msk $0xffff, v0  }
0x206: {  	v0 =	vld [tilespmem:s6+$0x10];
	_ =	sdelay $0x4  }
0x207: {  	[tilespmem:s25+$0x5910] =	vst.add.f32.msk $0xffff, v0  }
0x208: {  	v0 =	vld [tilespmem:s8+$0x10];
	_ =	sdelay $0x4  }
0x209: {  	[tilespmem:s25+$0x5990] =	vst.add.f32.msk $0xffff, v0  }
0x20a: {  	v0 =	vld [tilespmem:s7+$0x10];
	_ =	sdelay $0x4  }
0x20b: {  	[tilespmem:s25+$0x5A10] =	vst.add.f32.msk $0xffff, v0  }
0x20c: {  	v0 =	vld [tilespmem:s22+$0x10];
	_ =	sdelay $0x4  }
0x20d: {  	[tilespmem:s25+$0x5A90] =	vst.add.f32.msk $0xffff, v0  }
0x20e: {  	v0 =	vld [tilespmem:s1+$0x10];
	_ =	sdelay $0x4  }
0x20f: {  	[tilespmem:s25+$0x5B10] =	vst.add.f32.msk $0xffff, v0  }
0x210: {  	v0 =	vld [tilespmem:s3+$0x10];
	_ =	sdelay $0x4  }
0x211: {  	[tilespmem:s25+$0x5B90] =	vst.add.f32.msk $0xffff, v0  }
0x212: {  	v0 =	vld [tilespmem:s2+$0x10];
	_ =	sdelay $0x4  }
0x213: {  	[tilespmem:s25+$0x5C10] =	vst.add.f32.msk $0xffff, v0  }
0x214: {  	v0 =	vld [tilespmem:s9+$0x10];
	_ =	sdelay $0x4  }
0x215: {  	[tilespmem:s25+$0x5C90] =	vst.add.f32.msk $0xffff, v0  }
0x216: {  	v0 =	vld [tilespmem:s17+$0x10];
	_ =	sdelay $0x4  }
0x217: {  	[tilespmem:s25+$0x5D10] =	vst.add.f32.msk $0xffff, v0  }
0x218: {  	v0 =	vld [tilespmem:s10+$0x10];
	_ =	sdelay $0x4  }
0x219: {  	[tilespmem:s25+$0x5D90] =	vst.add.f32.msk $0xffff, v0  }
0x21a: {  	v0 =	vld [tilespmem:s20+$0x10];
	_ =	sdelay $0x4  }
0x21b: {  	[tilespmem:s25+$0x5E10] =	vst.add.f32.msk $0xffff, v0  }
0x21c: {  	v0 =	vld [tilespmem:s0+$0x10];
	_ =	sdelay $0x4  }
0x21d: {  	[tilespmem:s25+$0x5E90] =	vst.add.f32.msk $0xffff, v0  }
0x21e: {  	v0 =	vld [tilespmem:s4+$0x10];
	_ =	sdelay $0x4  }
0x21f: {  	[tilespmem:s25+$0x5F10] =	vst.add.f32.msk $0xffff, v0  }
0x220: {  	v0 =	vld [tilespmem:s19+$0x20];
	_ =	sdelay $0x4  }
0x221: {  	[tilespmem:s25+$0x57A0] =	vst.add.f32.msk $0xffff, v0  }
0x222: {  	v0 =	vld [tilespmem:s18+$0x20];
	_ =	sdelay $0x4  }
0x223: {  	[tilespmem:s25+$0x5820] =	vst.add.f32.msk $0xffff, v0  }
0x224: {  	v0 =	vld [tilespmem:s15+$0x20];
	_ =	sdelay $0x4  }
0x225: {  	[tilespmem:s25+$0x58A0] =	vst.add.f32.msk $0xffff, v0  }
0x226: {  	v0 =	vld [tilespmem:s6+$0x20];
	_ =	sdelay $0x4  }
0x227: {  	[tilespmem:s25+$0x5920] =	vst.add.f32.msk $0xffff, v0  }
0x228: {  	v0 =	vld [tilespmem:s8+$0x20];
	_ =	sdelay $0x4  }
0x229: {  	[tilespmem:s25+$0x59A0] =	vst.add.f32.msk $0xffff, v0  }
0x22a: {  	v0 =	vld [tilespmem:s7+$0x20];
	_ =	sdelay $0x4  }
0x22b: {  	[tilespmem:s25+$0x5A20] =	vst.add.f32.msk $0xffff, v0  }
0x22c: {  	v0 =	vld [tilespmem:s22+$0x20];
	_ =	sdelay $0x4  }
0x22d: {  	[tilespmem:s25+$0x5AA0] =	vst.add.f32.msk $0xffff, v0  }
0x22e: {  	v0 =	vld [tilespmem:s1+$0x20];
	_ =	sdelay $0x4  }
0x22f: {  	[tilespmem:s25+$0x5B20] =	vst.add.f32.msk $0xffff, v0  }
0x230: {  	v0 =	vld [tilespmem:s3+$0x20];
	_ =	sdelay $0x4  }
0x231: {  	[tilespmem:s25+$0x5BA0] =	vst.add.f32.msk $0xffff, v0  }
0x232: {  	v0 =	vld [tilespmem:s2+$0x20];
	_ =	sdelay $0x4  }
0x233: {  	[tilespmem:s25+$0x5C20] =	vst.add.f32.msk $0xffff, v0  }
0x234: {  	v0 =	vld [tilespmem:s9+$0x20];
	_ =	sdelay $0x4  }
0x235: {  	[tilespmem:s25+$0x5CA0] =	vst.add.f32.msk $0xffff, v0  }
0x236: {  	v0 =	vld [tilespmem:s17+$0x20];
	_ =	sdelay $0x4  }
0x237: {  	[tilespmem:s25+$0x5D20] =	vst.add.f32.msk $0xffff, v0  }
0x238: {  	v0 =	vld [tilespmem:s10+$0x20];
	_ =	sdelay $0x4  }
0x239: {  	[tilespmem:s25+$0x5DA0] =	vst.add.f32.msk $0xffff, v0  }
0x23a: {  	v0 =	vld [tilespmem:s20+$0x20];
	_ =	sdelay $0x4  }
0x23b: {  	[tilespmem:s25+$0x5E20] =	vst.add.f32.msk $0xffff, v0  }
0x23c: {  	v0 =	vld [tilespmem:s0+$0x20];
	_ =	sdelay $0x4  }
0x23d: {  	[dreg:$0x13] =	wrdreg s16;
	[tilespmem:s25+$0x5EA0] =	vst.add.f32.msk $0xffff, v0  }
0x23e: {  	v0 =	vld [tilespmem:s4+$0x20];
	_ =	sdelay $0x4  }
0x23f: {  	[tilespmem:s25+$0x5F20] =	vst.add.f32.msk $0xffff, v0  }
0x240: {  	v0 =	vld [tilespmem:s19+$0x30];
	_ =	sdelay $0x4  }
0x241: {  	[tilespmem:s25+$0x57B0] =	vst.add.f32.msk $0xffff, v0  }
0x242: {  	v0 =	vld [tilespmem:s18+$0x30];
	_ =	sdelay $0x4  }
0x243: {  	[tilespmem:s25+$0x5830] =	vst.add.f32.msk $0xffff, v0  }
0x244: {  	v0 =	vld [tilespmem:s15+$0x30];
	_ =	sdelay $0x4  }
0x245: {  	[tilespmem:s25+$0x58B0] =	vst.add.f32.msk $0xffff, v0  }
0x246: {  	v0 =	vld [tilespmem:s6+$0x30];
	_ =	sdelay $0x4  }
0x247: {  	[tilespmem:s25+$0x5930] =	vst.add.f32.msk $0xffff, v0  }
0x248: {  	v0 =	vld [tilespmem:s8+$0x30];
	_ =	sdelay $0x4  }
0x249: {  	[tilespmem:s25+$0x59B0] =	vst.add.f32.msk $0xffff, v0  }
0x24a: {  	v0 =	vld [tilespmem:s7+$0x30];
	_ =	sdelay $0x4  }
0x24b: {  	[tilespmem:s25+$0x5A30] =	vst.add.f32.msk $0xffff, v0  }
0x24c: {  	v0 =	vld [tilespmem:s22+$0x30];
	_ =	sdelay $0x4  }
0x24d: {  	[tilespmem:s25+$0x5AB0] =	vst.add.f32.msk $0xffff, v0  }
0x24e: {  	v0 =	vld [tilespmem:s1+$0x30];
	_ =	sdelay $0x4  }
0x24f: {  	[tilespmem:s25+$0x5B30] =	vst.add.f32.msk $0xffff, v0  }
0x250: {  	v0 =	vld [tilespmem:s3+$0x30];
	_ =	sdelay $0x4  }
0x251: {  	[tilespmem:s25+$0x5BB0] =	vst.add.f32.msk $0xffff, v0  }
0x252: {  	v0 =	vld [tilespmem:s2+$0x30];
	_ =	sdelay $0x4  }
0x253: {  	[tilespmem:s25+$0x5C30] =	vst.add.f32.msk $0xffff, v0  }
0x254: {  	v0 =	vld [tilespmem:s9+$0x30];
	_ =	sdelay $0x4  }
0x255: {  	[tilespmem:s25+$0x5CB0] =	vst.add.f32.msk $0xffff, v0  }
0x256: {  	v0 =	vld [tilespmem:s17+$0x30];
	_ =	sdelay $0x4  }
0x257: {  	[tilespmem:s25+$0x5D30] =	vst.add.f32.msk $0xffff, v0  }
0x258: {  	v0 =	vld [tilespmem:s10+$0x30];
	_ =	sdelay $0x4  }
0x259: {  	[tilespmem:s25+$0x5DB0] =	vst.add.f32.msk $0xffff, v0  }
0x25a: {  	v0 =	vld [tilespmem:s20+$0x30];
	_ =	sdelay $0x4  }
0x25b: {  	[tilespmem:s25+$0x5E30] =	vst.add.f32.msk $0xffff, v0  }
0x25c: {  	v0 =	vld [tilespmem:s0+$0x30];
	_ =	sdelay $0x4  }
0x25d: {  	[tilespmem:s25+$0x5EB0] =	vst.add.f32.msk $0xffff, v0  }
0x25e: {  	v0 =	vld [tilespmem:s4+$0x30]  }
0x25f: {  	[smem:$0x7DF] =	sst s1  }
0x260: {  	s16 =	smov.u32 s1;
	s1 =	rddreg [dreg:$0x17]  }
0x261: {  	v56 =	vld [tilespmem:s1+$0x40];
	_ =	sdelay $0x1  }
0x262: {  	[tilespmem:s25+$0x5F30] =	vst.add.f32.msk $0xffff, v0  }
0x263: {  	[smem:$0x7D7] =	sst s20;
	v0 =	vld [tilespmem:s19+$0x40]  }
0x264: {  	s29 =	smov.u32 s13;
	s13 =	smov.u32 s23;
	[smem:$0x7D8] =	sst s0  }
0x265: {  	s23 =	smov.u32 s20;
	[tilespmem:s25+$0x4FC0] =	vst.add.f32.msk $0xffff, v56;
	s20 =	smov.u32 s0;
	s0 =	rddreg [dreg:$0x16]  }
0x266: {  	v1 =	vld [tilespmem:s0+$0x40];
	_ =	sdelay $0x1  }
0x267: {  	[tilespmem:s25+$0x57C0] =	vst.add.f32.msk $0xffff, v0  }
0x268: {  	v0 =	vld [tilespmem:s18+$0x40]  }
0x269: {  	s5 =	smov.u32 s9;
	[smem:$0x7D9] =	sst s4  }
0x26a: {  	s9 =	smov.u32 s4;
	s4 =	smov.u32 s18;
	[tilespmem:s25+$0x5040] =	vst.add.f32.msk $0xffff, v1;
	s18 =	rddreg [dreg:$0x15]  }
0x26b: {  	v1 =	vld [tilespmem:s18+$0x40];
	_ =	sdelay $0x1  }
0x26c: {  	[tilespmem:s25+$0x5840] =	vst.add.f32.msk $0xffff, v0  }
0x26d: {  	v0 =	vld [tilespmem:s15+$0x40];
	_ =	sdelay $0x1  }
0x26e: {  	s31 =	smov.u32 s11;
	[tilespmem:s25+$0x50C0] =	vst.add.f32.msk $0xffff, v1  }
0x26f: {  	v1 =	vld [tilespmem:s31+$0x40];
	_ =	sdelay $0x1  }
0x270: {  	[tilespmem:s25+$0x58C0] =	vst.add.f32.msk $0xffff, v0  }
0x271: {  	v0 =	vld [tilespmem:s6+$0x40];
	_ =	sdelay $0x1  }
0x272: {  	[tilespmem:s25+$0x5140] =	vst.add.f32.msk $0xffff, v1  }
0x273: {  	v1 =	vld [tilespmem:s30+$0x40];
	_ =	sdelay $0x1  }
0x274: {  	[tilespmem:s25+$0x5940] =	vst.add.f32.msk $0xffff, v0  }
0x275: {  	v0 =	vld [tilespmem:s8+$0x40];
	_ =	sdelay $0x1  }
0x276: {  	[tilespmem:s25+$0x51C0] =	vst.add.f32.msk $0xffff, v1  }
0x277: {  	v1 =	vld [tilespmem:s29+$0x40];
	_ =	sdelay $0x1  }
0x278: {  	[tilespmem:s25+$0x59C0] =	vst.add.f32.msk $0xffff, v0  }
0x279: {  	v0 =	vld [tilespmem:s7+$0x40];
	_ =	sdelay $0x1  }
0x27a: {  	[tilespmem:s25+$0x5240] =	vst.add.f32.msk $0xffff, v1  }
0x27b: {  	v1 =	vld [tilespmem:s28+$0x40];
	_ =	sdelay $0x1  }
0x27c: {  	[tilespmem:s25+$0x5A40] =	vst.add.f32.msk $0xffff, v0  }
0x27d: {  	v0 =	vld [tilespmem:s22+$0x40];
	_ =	sdelay $0x1  }
0x27e: {  	[tilespmem:s25+$0x52C0] =	vst.add.f32.msk $0xffff, v1  }
0x27f: {  	v1 =	vld [tilespmem:s26+$0x40];
	_ =	sdelay $0x1  }
0x280: {  	[tilespmem:s25+$0x5AC0] =	vst.add.f32.msk $0xffff, v0  }
0x281: {  	v0 =	vld [tilespmem:s16+$0x40];
	_ =	sdelay $0x1  }
0x282: {  	[tilespmem:s25+$0x5340] =	vst.add.f32.msk $0xffff, v1  }
0x283: {  	v1 =	vld [tilespmem:s21+$0x40];
	_ =	sdelay $0x1  }
0x284: {  	[tilespmem:s25+$0x5B40] =	vst.add.f32.msk $0xffff, v0  }
0x285: {  	v0 =	vld [tilespmem:s3+$0x40];
	_ =	sdelay $0x1  }
0x286: {  	[tilespmem:s25+$0x53C0] =	vst.add.f32.msk $0xffff, v1  }
0x287: {  	v1 =	vld [tilespmem:s14+$0x40];
	_ =	sdelay $0x1  }
0x288: {  	[tilespmem:s25+$0x5BC0] =	vst.add.f32.msk $0xffff, v0  }
0x289: {  	v0 =	vld [tilespmem:s2+$0x40]  }
0x28a: {  	[smem:$0x7D6] =	sst s10  }
0x28b: {  	s24 =	smov.u32 s10;
	s10 =	rddreg [dreg:$0x19];
	[tilespmem:s25+$0x5440] =	vst.add.f32.msk $0xffff, v1  }
0x28c: {  	v1 =	vld [tilespmem:s10+$0x40];
	_ =	sdelay $0x1  }
0x28d: {  	[tilespmem:s25+$0x5C40] =	vst.add.f32.msk $0xffff, v0  }
0x28e: {  	v0 =	vld [tilespmem:s5+$0x40];
	_ =	sdelay $0x1  }
0x28f: {  	s12 =	smov.u32 s11;
	s11 =	rddreg [dreg:$0x1a];
	[tilespmem:s25+$0x54C0] =	vst.add.f32.msk $0xffff, v1  }
0x290: {  	v1 =	vld [tilespmem:s11+$0x40];
	_ =	sdelay $0x1  }
0x291: {  	[tilespmem:s25+$0x5CC0] =	vst.add.f32.msk $0xffff, v0  }
0x292: {  	v0 =	vld [tilespmem:s17+$0x40];
	_ =	sdelay $0x1  }
0x293: {  	[tilespmem:s25+$0x5540] =	vst.add.f32.msk $0xffff, v1  }
0x294: {  	v1 =	vld [tilespmem:s13+$0x40];
	_ =	sdelay $0x1  }
0x295: {  	[tilespmem:s25+$0x5D40] =	vst.add.f32.msk $0xffff, v0  }
0x296: {  	v0 =	vld [tilespmem:s24+$0x40]  }
0x297: {  	s31 =	smov.u32 s30;
	s30 =	smov.u32 s29;
	s29 =	smov.u32 s28  }
0x298: {  	s28 =	smov.u32 s26;
	s26 =	smov.u32 s21;
	s21 =	rddreg [dreg:$0x14];
	[tilespmem:s25+$0x55C0] =	vst.add.f32.msk $0xffff, v1  }
0x299: {  	v1 =	vld [tilespmem:s21+$0x40];
	_ =	sdelay $0x1  }
0x29a: {  	[tilespmem:s25+$0x5DC0] =	vst.add.f32.msk $0xffff, v0  }
0x29b: {  	v0 =	vld [tilespmem:s23+$0x40];
	_ =	sdelay $0x1  }
0x29c: {  	s16 =	smov.u32 s14;
	s14 =	rddreg [dreg:$0x13];
	[tilespmem:s25+$0x5640] =	vst.add.f32.msk $0xffff, v1  }
0x29d: {  	v1 =	vld [tilespmem:s14+$0x40];
	_ =	sdelay $0x1  }
0x29e: {  	[tilespmem:s25+$0x5E40] =	vst.add.f32.msk $0xffff, v0  }
0x29f: {  	v0 =	vld [tilespmem:s20+$0x40]  }
0x2a0: {  	[smem:$0x7E1] =	sst s3  }
0x2a1: {  	s3 =	smov.u32 s17;
	s17 =	smov.u32 s13;
	s13 =	rddreg [dreg:$0x18];
	[tilespmem:s25+$0x56C0] =	vst.add.f32.msk $0xffff, v1  }
0x2a2: {  	v1 =	vld [tilespmem:s13+$0x40];
	_ =	sdelay $0x1  }
0x2a3: {  	[tilespmem:s25+$0x5EC0] =	vst.add.f32.msk $0xffff, v0  }
0x2a4: {  	v0 =	vld [tilespmem:s9+$0x40];
	_ =	sdelay $0x1  }
0x2a5: {  	[tilespmem:s25+$0x5740] =	vst.add.f32.msk $0xffff, v1  }
0x2a6: {  	v1 =	vld [tilespmem:s1+$0x50];
	_ =	sdelay $0x1  }
0x2a7: {  	[tilespmem:s25+$0x5F40] =	vst.add.f32.msk $0xffff, v0  }
0x2a8: {  	v0 =	vld [tilespmem:s19+$0x50];
	_ =	sdelay $0x1  }
0x2a9: {  	[tilespmem:s25+$0x4FD0] =	vst.add.f32.msk $0xffff, v1  }
0x2aa: {  	v1 =	vld [tilespmem:s0+$0x50];
	_ =	sdelay $0x1  }
0x2ab: {  	[tilespmem:s25+$0x57D0] =	vst.add.f32.msk $0xffff, v0  }
0x2ac: {  	v0 =	vld [tilespmem:s4+$0x50];
	_ =	sdelay $0x1  }
0x2ad: {  	[tilespmem:s25+$0x5050] =	vst.add.f32.msk $0xffff, v1  }
0x2ae: {  	v1 =	vld [tilespmem:s18+$0x50];
	_ =	sdelay $0x1  }
0x2af: {  	[tilespmem:s25+$0x5850] =	vst.add.f32.msk $0xffff, v0  }
0x2b0: {  	v0 =	vld [tilespmem:s15+$0x50];
	_ =	sdelay $0x1  }
0x2b1: {  	[tilespmem:s25+$0x50D0] =	vst.add.f32.msk $0xffff, v1  }
0x2b2: {  	v1 =	vld [tilespmem:s12+$0x50];
	_ =	sdelay $0x1  }
0x2b3: {  	[tilespmem:s25+$0x58D0] =	vst.add.f32.msk $0xffff, v0  }
0x2b4: {  	v0 =	vld [tilespmem:s6+$0x50];
	_ =	sdelay $0x1  }
0x2b5: {  	[tilespmem:s25+$0x5150] =	vst.add.f32.msk $0xffff, v1  }
0x2b6: {  	v1 =	vld [tilespmem:s31+$0x50];
	_ =	sdelay $0x1  }
0x2b7: {  	[tilespmem:s25+$0x5950] =	vst.add.f32.msk $0xffff, v0  }
0x2b8: {  	v0 =	vld [tilespmem:s8+$0x50];
	_ =	sdelay $0x1  }
0x2b9: {  	[tilespmem:s25+$0x51D0] =	vst.add.f32.msk $0xffff, v1  }
0x2ba: {  	v1 =	vld [tilespmem:s30+$0x50];
	_ =	sdelay $0x1  }
0x2bb: {  	[tilespmem:s25+$0x59D0] =	vst.add.f32.msk $0xffff, v0  }
0x2bc: {  	v0 =	vld [tilespmem:s7+$0x50];
	_ =	sdelay $0x1  }
0x2bd: {  	[tilespmem:s25+$0x5250] =	vst.add.f32.msk $0xffff, v1  }
0x2be: {  	v1 =	vld [tilespmem:s29+$0x50];
	_ =	sdelay $0x1  }
0x2bf: {  	[tilespmem:s25+$0x5A50] =	vst.add.f32.msk $0xffff, v0  }
0x2c0: {  	v0 =	vld [tilespmem:s22+$0x50];
	_ =	sdelay $0x1  }
0x2c1: {  	[smem:$0x7DA] =	sst s12;
	[tilespmem:s25+$0x52D0] =	vst.add.f32.msk $0xffff, v1  }
0x2c2: {  	s9 =	smov.u32 s4;
	s4 =	smov.u32 s12;
	s12 =	sld [smem:$0x7DF];
	v1 =	vld [tilespmem:s28+$0x50]  }
0x2c3: {  	_ = 	snop  }
0x2c4: {  	[tilespmem:s25+$0x5AD0] =	vst.add.f32.msk $0xffff, v0  }
0x2c5: {  	v0 =	vld [tilespmem:s12+$0x50];
	_ =	sdelay $0x1  }
0x2c6: {  	[smem:$0x7E2] =	sst s2;
	[tilespmem:s25+$0x5350] =	vst.add.f32.msk $0xffff, v1  }
0x2c7: {  	s2 =	sld [smem:$0x7E1];
	v1 =	vld [tilespmem:s26+$0x50];
	_ =	sdelay $0x1  }
0x2c8: {  	[tilespmem:s25+$0x5B50] =	vst.add.f32.msk $0xffff, v0  }
0x2c9: {  	v0 =	vld [tilespmem:s2+$0x50];
	_ =	sdelay $0x1  }
0x2ca: {  	[tilespmem:s25+$0x53D0] =	vst.add.f32.msk $0xffff, v1  }
0x2cb: {  	s23 =	smov.u32 s1;
	s1 =	sld [smem:$0x7E2];
	v1 =	vld [tilespmem:s16+$0x50];
	_ =	sdelay $0x1  }
0x2cc: {  	[tilespmem:s25+$0x5BD0] =	vst.add.f32.msk $0xffff, v0  }
0x2cd: {  	v0 =	vld [tilespmem:s1+$0x50];
	_ =	sdelay $0x1  }
0x2ce: {  	[tilespmem:s25+$0x5450] =	vst.add.f32.msk $0xffff, v1  }
0x2cf: {  	v1 =	vld [tilespmem:s10+$0x50];
	_ =	sdelay $0x1  }
0x2d0: {  	[tilespmem:s25+$0x5C50] =	vst.add.f32.msk $0xffff, v0  }
0x2d1: {  	v0 =	vld [tilespmem:s5+$0x50];
	_ =	sdelay $0x1  }
0x2d2: {  	[tilespmem:s25+$0x54D0] =	vst.add.f32.msk $0xffff, v1  }
0x2d3: {  	v1 =	vld [tilespmem:s11+$0x50];
	_ =	sdelay $0x1  }
0x2d4: {  	[tilespmem:s25+$0x5CD0] =	vst.add.f32.msk $0xffff, v0  }
0x2d5: {  	v0 =	vld [tilespmem:s3+$0x50];
	_ =	sdelay $0x1  }
0x2d6: {  	[tilespmem:s25+$0x5550] =	vst.add.f32.msk $0xffff, v1  }
0x2d7: {  	s20 =	smov.u32 s19;
	s19 =	smov.u32 s0;
	s0 =	sld [smem:$0x7D6];
	v1 =	vld [tilespmem:s17+$0x50]  }
0x2d8: {  	_ = 	snop  }
0x2d9: {  	[tilespmem:s25+$0x5D50] =	vst.add.f32.msk $0xffff, v0  }
0x2da: {  	v0 =	vld [tilespmem:s0+$0x50];
	_ =	sdelay $0x1  }
0x2db: {  	[tilespmem:s25+$0x55D0] =	vst.add.f32.msk $0xffff, v1  }
0x2dc: {  	s24 =	smov.u32 s7;
	s7 =	sld [smem:$0x7D7];
	v1 =	vld [tilespmem:s21+$0x50];
	_ =	sdelay $0x1  }
0x2dd: {  	[tilespmem:s25+$0x5DD0] =	vst.add.f32.msk $0xffff, v0  }
0x2de: {  	v0 =	vld [tilespmem:s7+$0x50];
	_ =	sdelay $0x1  }
0x2df: {  	[tilespmem:s25+$0x5650] =	vst.add.f32.msk $0xffff, v1  }
0x2e0: {  	s10 =	sld [smem:$0x7D8];
	v1 =	vld [tilespmem:s14+$0x50];
	_ =	sdelay $0x1  }
0x2e1: {  	[tilespmem:s25+$0x5E50] =	vst.add.f32.msk $0xffff, v0  }
0x2e2: {  	v0 =	vld [tilespmem:s10+$0x50];
	_ =	sdelay $0x1  }
0x2e3: {  	[tilespmem:s25+$0x56D0] =	vst.add.f32.msk $0xffff, v1  }
0x2e4: {  	v1 =	vld [tilespmem:s13+$0x50];
	s13 =	sld [smem:$0x7D9];
	_ =	sdelay $0x1  }
0x2e5: {  	[tilespmem:s25+$0x5ED0] =	vst.add.f32.msk $0xffff, v0  }
0x2e6: {  	v0 =	vld [tilespmem:s13+$0x50];
	_ =	sdelay $0x4  }
0x2e7: {  	[tilespmem:s25+$0x5F50] =	vst.add.f32.msk $0xffff, v0  }
0x2e8: {  	v0 =	vld [tilespmem:s20+$0x60];
	_ =	sdelay $0x4  }
0x2e9: {  	[tilespmem:s25+$0x57E0] =	vst.add.f32.msk $0xffff, v0  }
0x2ea: {  	v0 =	vld [tilespmem:s9+$0x60];
	_ =	sdelay $0x4  }
0x2eb: {  	[tilespmem:s25+$0x5860] =	vst.add.f32.msk $0xffff, v0  }
0x2ec: {  	v0 =	vld [tilespmem:s15+$0x60]  }
0x2ed: {  	[tilespmem:s25+$0x5750] =	vst.add.f32.msk $0xffff, v1  }
0x2ee: {  	v1 =	vld [tilespmem:s23+$0x60];
	_ =	sdelay $0x2  }
0x2ef: {  	[tilespmem:s25+$0x58E0] =	vst.add.f32.msk $0xffff, v0  }
0x2f0: {  	v0 =	vld [tilespmem:s6+$0x60]  }
0x2f1: {  	[tilespmem:s25+$0x4FE0] =	vst.add.f32.msk $0xffff, v1  }
0x2f2: {  	v1 =	vld [tilespmem:s19+$0x60];
	_ =	sdelay $0x2  }
0x2f3: {  	[tilespmem:s25+$0x5960] =	vst.add.f32.msk $0xffff, v0  }
0x2f4: {  	v0 =	vld [tilespmem:s8+$0x60]  }
0x2f5: {  	[tilespmem:s25+$0x5060] =	vst.add.f32.msk $0xffff, v1  }
0x2f6: {  	v1 =	vld [tilespmem:s18+$0x60];
	_ =	sdelay $0x2  }
0x2f7: {  	[tilespmem:s25+$0x59E0] =	vst.add.f32.msk $0xffff, v0  }
0x2f8: {  	v0 =	vld [tilespmem:s24+$0x60]  }
0x2f9: {  	[tilespmem:s25+$0x50E0] =	vst.add.f32.msk $0xffff, v1  }
0x2fa: {  	v1 =	vld [tilespmem:s4+$0x60]  }
0x2fb: {  	s11 =	rddreg [dreg:$0xe]  }
0x2fc: {  	v57 =	vld [tilespmem:s11+$0x10]  }
0x2fd: {  	[tilespmem:s25+$0x5A60] =	vst.add.f32.msk $0xffff, v0  }
0x2fe: {  	v0 =	vld [tilespmem:s22+$0x60]  }
0x2ff: {  	[tilespmem:s25+$0x5160] =	vst.add.f32.msk $0xffff, v1  }
0x300: {  	v58 =	vld [tilespmem:s31+$0x60];
	_ =	sdelay $0x1  }
0x301: {  	v1 =	vshll.u32 v57, $0x9  }
0x302: {  	v1 =	vshra.s32 v1, $0x2;
	[tilespmem:s25+$0x5AE0] =	vst.add.f32.msk $0xffff, v0  }
0x303: {  	(v2sf) =	vpush v1, $0x0;
	v0 =	vld [tilespmem:s12+$0x60]  }
0x304: {  	[tilespmem:s25+$0x51E0] =	vst.add.f32.msk $0xffff, v58  }
0x305: {  	v2 =	vld [tilespmem:s30+$0x60];
	_ =	sdelay $0x2  }
0x306: {  	[tilespmem:s25+$0x5B60] =	vst.add.f32.msk $0xffff, v0  }
0x307: {  	(v2sf) =	vpush v1, $0x1;
	v0 =	vld [tilespmem:s2+$0x60]  }
0x308: {  	[tilespmem:s25+$0x5260] =	vst.add.f32.msk $0xffff, v2  }
0x309: {  	v2 =	vld [tilespmem:s29+$0x60];
	_ =	sdelay $0x2  }
0x30a: {  	[tilespmem:s25+$0x5BE0] =	vst.add.f32.msk $0xffff, v0  }
0x30b: {  	(v2sf) =	vpush v1, $0x2;
	v0 =	vld [tilespmem:s1+$0x60]  }
0x30c: {  	[tilespmem:s25+$0x52E0] =	vst.add.f32.msk $0xffff, v2  }
0x30d: {  	v2 =	vld [tilespmem:s28+$0x60]  }
0x30e: {  	s12 =	spop (v2sf)  }
0x30f: {  	v3 =	vld [tilespmem:s12+$0x0]  }
0x310: {  	[tilespmem:s25+$0x5C60] =	vst.add.f32.msk $0xffff, v0  }
0x311: {  	(v2sf) =	vpush v1, $0x3;
	v0 =	vld [tilespmem:s5+$0x60]  }
0x312: {  	[tilespmem:s25+$0x5360] =	vst.add.f32.msk $0xffff, v2  }
0x313: {  	v2 =	vld [tilespmem:s26+$0x60]  }
0x314: {  	s28 =	spop (v2sf);
	[tilespmem:s25+$0x5F80] =	vst.add.f32.msk $0xffff, v3  }
0x315: {  	v3 =	vld [tilespmem:s28+$0x0]  }
0x316: {  	[smem:$0x7E0] =	sst s26;
	[tilespmem:s25+$0x5CE0] =	vst.add.f32.msk $0xffff, v0  }
0x317: {  	[dreg:$0x1b] =	wrdreg s16;
	(v2sf) =	vpush v1, $0x4;
	v0 =	vld [tilespmem:s3+$0x60]  }
0x318: {  	s26 =	rddreg [dreg:$0x1b];
	[tilespmem:s25+$0x53E0] =	vst.add.f32.msk $0xffff, v2  }
0x319: {  	v2 =	vld [tilespmem:s26+$0x60]  }
0x31a: {  	s29 =	spop (v2sf);
	[tilespmem:s25+$0x6000] =	vst.add.f32.msk $0xffff, v3  }
0x31b: {  	v3 =	vld [tilespmem:s29+$0x0]  }
0x31c: {  	[tilespmem:s25+$0x5D60] =	vst.add.f32.msk $0xffff, v0  }
0x31d: {  	(v2sf) =	vpush v1, $0x5;
	v0 =	vld [tilespmem:s0+$0x60]  }
0x31e: {  	s2 =	rddreg [dreg:$0x19];
	[tilespmem:s25+$0x5460] =	vst.add.f32.msk $0xffff, v2  }
0x31f: {  	v2 =	vld [tilespmem:s2+$0x60]  }
0x320: {  	[smem:$0x7F9] =	sst s29;
	s29 =	spop (v2sf);
	[tilespmem:s25+$0x6080] =	vst.add.f32.msk $0xffff, v3  }
0x321: {  	v3 =	vld [tilespmem:s29+$0x0]  }
0x322: {  	[tilespmem:s25+$0x5DE0] =	vst.add.f32.msk $0xffff, v0  }
0x323: {  	[smem:$0x7DB] =	sst s6;
	(v2sf) =	vpush v1, $0x6;
	v0 =	vld [tilespmem:s7+$0x60]  }
0x324: {  	s6 =	rddreg [dreg:$0x1a];
	[tilespmem:s25+$0x54E0] =	vst.add.f32.msk $0xffff, v2  }
0x325: {  	v2 =	vld [tilespmem:s6+$0x60]  }
0x326: {  	[smem:$0x7E3] =	sst s5;
	s5 =	spop (v2sf);
	[tilespmem:s25+$0x6100] =	vst.add.f32.msk $0xffff, v3  }
0x327: {  	v3 =	vld [tilespmem:s5+$0x0]  }
0x328: {  	[tilespmem:s25+$0x5E60] =	vst.add.f32.msk $0xffff, v0  }
0x329: {  	(v2sf) =	vpush v1, $0x7;
	v0 =	vld [tilespmem:s10+$0x60]  }
0x32a: {  	[tilespmem:s25+$0x5560] =	vst.add.f32.msk $0xffff, v2  }
0x32b: {  	v2 =	vld [tilespmem:s17+$0x60]  }
0x32c: {  	s4 =	smov.u32 s24;
	s24 =	smov.u32 s3;
	s3 =	spop (v2sf);
	[tilespmem:s25+$0x6180] =	vst.add.f32.msk $0xffff, v3  }
0x32d: {  	v3 =	vld [tilespmem:s3+$0x0]  }
0x32e: {  	[tilespmem:s25+$0x5EE0] =	vst.add.f32.msk $0xffff, v0  }
0x32f: {  	(v2sf) =	vpush v1, $0x8;
	v0 =	vld [tilespmem:s13+$0x60]  }
0x330: {  	[tilespmem:s25+$0x55E0] =	vst.add.f32.msk $0xffff, v2  }
0x331: {  	v2 =	vld [tilespmem:s21+$0x60]  }
0x332: {  	s2 =	spop (v2sf);
	[tilespmem:s25+$0x6200] =	vst.add.f32.msk $0xffff, v3  }
0x333: {  	v3 =	vld [tilespmem:s2+$0x0]  }
0x334: {  	[tilespmem:s25+$0x5F60] =	vst.add.f32.msk $0xffff, v0  }
0x335: {  	(v2sf) =	vpush v1, $0x9;
	v0 =	vld [tilespmem:s20+$0x70]  }
0x336: {  	[tilespmem:s25+$0x5660] =	vst.add.f32.msk $0xffff, v2  }
0x337: {  	v2 =	vld [tilespmem:s14+$0x60]  }
0x338: {  	s1 =	spop (v2sf);
	[tilespmem:s25+$0x6280] =	vst.add.f32.msk $0xffff, v3  }
0x339: {  	v3 =	vld [tilespmem:s1+$0x0]  }
0x33a: {  	[tilespmem:s25+$0x57F0] =	vst.add.f32.msk $0xffff, v0  }
0x33b: {  	(v2sf) =	vpush v1, $0xA;
	v0 =	vld [tilespmem:s9+$0x70]  }
0x33c: {  	s16 =	smov.u32 s7;
	s7 =	rddreg [dreg:$0x18];
	[tilespmem:s25+$0x56E0] =	vst.add.f32.msk $0xffff, v2  }
0x33d: {  	v2 =	vld [tilespmem:s7+$0x60]  }
0x33e: {  	[smem:$0x7DD] =	sst s22;
	s22 =	spop (v2sf);
	[tilespmem:s25+$0x6300] =	vst.add.f32.msk $0xffff, v3  }
0x33f: {  	v3 =	vld [tilespmem:s22+$0x0]  }
0x340: {  	[tilespmem:s25+$0x5870] =	vst.add.f32.msk $0xffff, v0  }
0x341: {  	(v2sf) =	vpush v1, $0xB;
	v0 =	vld [tilespmem:s15+$0x70]  }
0x342: {  	[tilespmem:s25+$0x5760] =	vst.add.f32.msk $0xffff, v2  }
0x343: {  	v2 =	vld [tilespmem:s23+$0x70]  }
0x344: {  	s11 =	spop (v2sf);
	s23 =	sld [smem:$0x7DB];
	[tilespmem:s25+$0x6380] =	vst.add.f32.msk $0xffff, v3  }
0x345: {  	v3 =	vld [tilespmem:s11+$0x0]  }
0x346: {  	[tilespmem:s25+$0x58F0] =	vst.add.f32.msk $0xffff, v0  }
0x347: {  	(v2sf) =	vpush v1, $0xC;
	v0 =	vld [tilespmem:s23+$0x70]  }
0x348: {  	[tilespmem:s25+$0x4FF0] =	vst.add.f32.msk $0xffff, v2  }
0x349: {  	v2 =	vld [tilespmem:s19+$0x70]  }
0x34a: {  	[tilespmem:s25+$0x6400] =	vst.add.f32.msk $0xffff, v3;
	s9 =	spop (v2sf)  }
0x34b: {  	v3 =	vld [tilespmem:s9+$0x0]  }
0x34c: {  	[tilespmem:s25+$0x5970] =	vst.add.f32.msk $0xffff, v0  }
0x34d: {  	v0 =	vld [tilespmem:s8+$0x70]  }
0x34e: {  	[tilespmem:s25+$0x5070] =	vst.add.f32.msk $0xffff, v2  }
0x34f: {  	v2 =	vld [tilespmem:s18+$0x70]  }
0x350: {  	s20 =	spop (v2sf);
	[tilespmem:s25+$0x6480] =	vst.add.f32.msk $0xffff, v3  }
0x351: {  	(v2sf) =	vpush v1, $0xD;
	v3 =	vld [tilespmem:s20+$0x0]  }
0x352: {  	s19 =	sld [smem:$0x7DA];
	[tilespmem:s25+$0x59F0] =	vst.add.f32.msk $0xffff, v0  }
0x353: {  	v0 =	vld [tilespmem:s4+$0x70]  }
0x354: {  	[tilespmem:s25+$0x50F0] =	vst.add.f32.msk $0xffff, v2  }
0x355: {  	v2 =	vld [tilespmem:s19+$0x70]  }
0x356: {  	s7 =	spop (v2sf);
	[tilespmem:s25+$0x6500] =	vst.add.f32.msk $0xffff, v3;
	s8 =	sld [smem:$0x7DD]  }
0x357: {  	(v2sf) =	vpush v1, $0xE;
	v3 =	vld [tilespmem:s7+$0x0]  }
0x358: {  	[tilespmem:s25+$0x5A70] =	vst.add.f32.msk $0xffff, v0  }
0x359: {  	v0 =	vld [tilespmem:s8+$0x70]  }
0x35a: {  	[tilespmem:s25+$0x5170] =	vst.add.f32.msk $0xffff, v2  }
0x35b: {  	v2 =	vld [tilespmem:s31+$0x70]  }
0x35c: {  	s19 =	sld [smem:$0x7DF]  }
0x35d: {  	[tilespmem:s25+$0x6580] =	vst.add.f32.msk $0xffff, v3  }
0x35e: {  	[tilespmem:s25+$0x5AF0] =	vst.add.f32.msk $0xffff, v0  }
0x35f: {  	(v2sf) =	vpush v1, $0xF;
	v0 =	vld [tilespmem:s19+$0x70]  }
0x360: {  	s18 =	spop (v2sf);
	[tilespmem:s25+$0x51F0] =	vst.add.f32.msk $0xffff, v2  }
0x361: {  	v59 =	vld [tilespmem:s18+$0x0]  }
0x362: {  	v2 =	vld [tilespmem:s30+$0x70];
	s30 =	sld [smem:$0x7E1];
	_ =	sdelay $0x1  }
0x363: {  	[tilespmem:s25+$0x5B70] =	vst.add.f32.msk $0xffff, v0  }
0x364: {  	v0 =	vld [tilespmem:s30+$0x70]  }
0x365: {  	s4 =	spop (v2sf)  }
0x366: {  	[tilespmem:s25+$0x6600] =	vst.add.f32.msk $0xffff, v59;
	[dreg:$0x1c] =	wrdreg s4  }
0x367: {  	v1 =	vld [tilespmem:s4+$0x0];
	s4 =	sld [smem:$0x7E2];
	_ =	sdelay $0x1  }
0x368: {  	[tilespmem:s25+$0x5BF0] =	vst.add.f32.msk $0xffff, v0  }
0x369: {  	v0 =	vld [tilespmem:s4+$0x70];
	_ =	sdelay $0x1  }
0x36a: {  	[smem:$0x7E4] =	sst s9  }
0x36b: {  	s9 =	spop (v2sf);
	[tilespmem:s25+$0x6680] =	vst.add.f32.msk $0xffff, v1;
	s8 =	sld [smem:$0x7E3]  }
0x36c: {  	v1 =	vld [tilespmem:s9+$0x0]  }
0x36d: {  	[tilespmem:s25+$0x5C70] =	vst.add.f32.msk $0xffff, v0  }
0x36e: {  	v0 =	vld [tilespmem:s8+$0x70];
	_ =	sdelay $0x2  }
0x36f: {  	[tilespmem:s25+$0x6700] =	vst.add.f32.msk $0xffff, v1  }
0x370: {  	v1 =	vld [tilespmem:s12+$0x10]  }
0x371: {  	[tilespmem:s25+$0x5CF0] =	vst.add.f32.msk $0xffff, v0  }
0x372: {  	v0 =	vld [tilespmem:s24+$0x70];
	_ =	sdelay $0x2  }
0x373: {  	[tilespmem:s25+$0x5F90] =	vst.add.f32.msk $0xffff, v1  }
0x374: {  	v1 =	vld [tilespmem:s28+$0x10]  }
0x375: {  	s26 =	smov.u32 s17;
	s6 =	sld [smem:$0x7DC];
	s17 =	smov.u32 s0;
	[tilespmem:s25+$0x5D70] =	vst.add.f32.msk $0xffff, v0  }
0x376: {  	[smem:$0x7E5] =	sst s9;
	v0 =	vld [tilespmem:s17+$0x70]  }
0x377: {  	[tilespmem:s25+$0x5270] =	vst.add.f32.msk $0xffff, v2;
	s9 =	sld [smem:$0x7F9]  }
0x378: {  	v2 =	vld [tilespmem:s6+$0x70]  }
0x379: {  	[tilespmem:s25+$0x6010] =	vst.add.f32.msk $0xffff, v1  }
0x37a: {  	v1 =	vld [tilespmem:s9+$0x10]  }
0x37b: {  	[tilespmem:s25+$0x5DF0] =	vst.add.f32.msk $0xffff, v0  }
0x37c: {  	v0 =	vld [tilespmem:s16+$0x70];
	_ =	sdelay $0x1  }
0x37d: {  	[tilespmem:s25+$0x52F0] =	vst.add.f32.msk $0xffff, v2  }
0x37e: {  	[tilespmem:s25+$0x6090] =	vst.add.f32.msk $0xffff, v1  }
0x37f: {  	s15 =	sld [smem:$0x7DE];
	v1 =	vld [tilespmem:s29+$0x10]  }
0x380: {  	[tilespmem:s25+$0x5E70] =	vst.add.f32.msk $0xffff, v0  }
0x381: {  	v0 =	vld [tilespmem:s10+$0x70]  }
0x382: {  	v2 =	vld [tilespmem:s15+$0x70];
	s15 =	rddreg [dreg:$0xe]  }
0x383: {  	v60 =	vld [tilespmem:s15+$0x20]  }
0x384: {  	[tilespmem:s25+$0x6110] =	vst.add.f32.msk $0xffff, v1  }
0x385: {  	v1 =	vld [tilespmem:s5+$0x10]  }
0x386: {  	[tilespmem:s25+$0x5EF0] =	vst.add.f32.msk $0xffff, v0  }
0x387: {  	v0 =	vld [tilespmem:s13+$0x70];
	_ =	sdelay $0x2  }
0x388: {  	[tilespmem:s25+$0x6190] =	vst.add.f32.msk $0xffff, v1  }
0x389: {  	v1 =	vld [tilespmem:s3+$0x10]  }
0x38a: {  	[tilespmem:s25+$0x5F70] =	vst.add.f32.msk $0xffff, v0;
	v0 =	vshll.u32 v60, $0x9  }
0x38b: {  	v0 =	vshra.s32 v0, $0x2  }
0x38c: {  	(v2sf) =	vpush v0, $0x0;
	_ =	sdelay $0x1  }
0x38d: {  	[tilespmem:s25+$0x6210] =	vst.add.f32.msk $0xffff, v1  }
0x38e: {  	v1 =	vld [tilespmem:s2+$0x10];
	_ =	sdelay $0x2  }
0x38f: {  	(v2sf) =	vpush v0, $0x1;
	_ =	sdelay $0x1  }
0x390: {  	[tilespmem:s25+$0x6290] =	vst.add.f32.msk $0xffff, v1  }
0x391: {  	v1 =	vld [tilespmem:s1+$0x10];
	_ =	sdelay $0x2  }
0x392: {  	(v2sf) =	vpush v0, $0x2;
	_ =	sdelay $0x1  }
0x393: {  	[tilespmem:s25+$0x6310] =	vst.add.f32.msk $0xffff, v1  }
0x394: {  	[dreg:$0x1e] =	wrdreg s28;
	v1 =	vld [tilespmem:s22+$0x10];
	s28 =	spop (v2sf)  }
0x395: {  	v61 =	vld [tilespmem:s28+$0x0];
	_ =	sdelay $0x1  }
0x396: {  	(v2sf) =	vpush v0, $0x3;
	_ =	sdelay $0x1  }
0x397: {  	[tilespmem:s25+$0x6390] =	vst.add.f32.msk $0xffff, v1  }
0x398: {  	s16 =	spop (v2sf);
	[tilespmem:s25+$0x6780] =	vst.add.f32.msk $0xffff, v61  }
0x399: {  	v1 =	vld [tilespmem:s16+$0x0];
	_ =	sdelay $0x1  }
0x39a: {  	(v2sf) =	vpush v0, $0x4;
	_ =	sdelay $0x2  }
0x39b: {  	s24 =	spop (v2sf);
	[tilespmem:s25+$0x6800] =	vst.add.f32.msk $0xffff, v1  }
0x39c: {  	v1 =	vld [tilespmem:s24+$0x0];
	_ =	sdelay $0x1  }
0x39d: {  	(v2sf) =	vpush v0, $0x5;
	_ =	sdelay $0x2  }
0x39e: {  	[smem:$0x7E8] =	sst s1;
	s1 =	spop (v2sf);
	[tilespmem:s25+$0x6880] =	vst.add.f32.msk $0xffff, v1  }
0x39f: {  	v1 =	vld [tilespmem:s1+$0x0];
	_ =	sdelay $0x1  }
0x3a0: {  	(v2sf) =	vpush v0, $0x6;
	_ =	sdelay $0x2  }
0x3a1: {  	s10 =	spop (v2sf);
	[tilespmem:s25+$0x6900] =	vst.add.f32.msk $0xffff, v1  }
0x3a2: {  	v1 =	vld [tilespmem:s10+$0x0];
	_ =	sdelay $0x1  }
0x3a3: {  	(v2sf) =	vpush v0, $0x7;
	_ =	sdelay $0x2  }
0x3a4: {  	s17 =	spop (v2sf);
	[tilespmem:s25+$0x6980] =	vst.add.f32.msk $0xffff, v1  }
0x3a5: {  	v1 =	vld [tilespmem:s17+$0x0];
	_ =	sdelay $0x1  }
0x3a6: {  	(v2sf) =	vpush v0, $0x8;
	_ =	sdelay $0x2  }
0x3a7: {  	s15 =	spop (v2sf);
	[tilespmem:s25+$0x6A00] =	vst.add.f32.msk $0xffff, v1  }
0x3a8: {  	v1 =	vld [tilespmem:s15+$0x0]  }
0x3a9: {  	s23 =	sld [smem:$0x7E0]  }
0x3aa: {  	(v2sf) =	vpush v0, $0x9  }
0x3ab: {  	[tilespmem:s25+$0x5370] =	vst.add.f32.msk $0xffff, v2  }
0x3ac: {  	v2 =	vld [tilespmem:s23+$0x70]  }
0x3ad: {  	s13 =	spop (v2sf);
	[tilespmem:s25+$0x6A80] =	vst.add.f32.msk $0xffff, v1  }
0x3ae: {  	v1 =	vld [tilespmem:s13+$0x0];
	_ =	sdelay $0x1  }
0x3af: {  	(v2sf) =	vpush v0, $0xA  }
0x3b0: {  	s31 =	rddreg [dreg:$0x1b];
	[tilespmem:s25+$0x53F0] =	vst.add.f32.msk $0xffff, v2  }
0x3b1: {  	v2 =	vld [tilespmem:s31+$0x70]  }
0x3b2: {  	s30 =	spop (v2sf);
	[tilespmem:s25+$0x6B00] =	vst.add.f32.msk $0xffff, v1  }
0x3b3: {  	v1 =	vld [tilespmem:s30+$0x0];
	_ =	sdelay $0x1  }
0x3b4: {  	(v2sf) =	vpush v0, $0xB  }
0x3b5: {  	s6 =	rddreg [dreg:$0x19];
	[tilespmem:s25+$0x5470] =	vst.add.f32.msk $0xffff, v2  }
0x3b6: {  	v2 =	vld [tilespmem:s6+$0x70]  }
0x3b7: {  	s23 =	spop (v2sf);
	[tilespmem:s25+$0x6B80] =	vst.add.f32.msk $0xffff, v1  }
0x3b8: {  	v1 =	vld [tilespmem:s23+$0x0];
	_ =	sdelay $0x1  }
0x3b9: {  	[dreg:$0x1d] =	wrdreg s12;
	(v2sf) =	vpush v0, $0xC  }
0x3ba: {  	s12 =	rddreg [dreg:$0x1a];
	[tilespmem:s25+$0x54F0] =	vst.add.f32.msk $0xffff, v2  }
0x3bb: {  	v2 =	vld [tilespmem:s12+$0x70]  }
0x3bc: {  	s19 =	spop (v2sf);
	[tilespmem:s25+$0x6C00] =	vst.add.f32.msk $0xffff, v1  }
0x3bd: {  	v1 =	vld [tilespmem:s19+$0x0];
	_ =	sdelay $0x1  }
0x3be: {  	(v2sf) =	vpush v0, $0xD  }
0x3bf: {  	[tilespmem:s25+$0x5570] =	vst.add.f32.msk $0xffff, v2  }
0x3c0: {  	v2 =	vld [tilespmem:s26+$0x70]  }
0x3c1: {  	s26 =	spop (v2sf);
	[tilespmem:s25+$0x6C80] =	vst.add.f32.msk $0xffff, v1  }
0x3c2: {  	v1 =	vld [tilespmem:s26+$0x0];
	_ =	sdelay $0x1  }
0x3c3: {  	(v2sf) =	vpush v0, $0xE  }
0x3c4: {  	[tilespmem:s25+$0x55F0] =	vst.add.f32.msk $0xffff, v2  }
0x3c5: {  	v2 =	vld [tilespmem:s21+$0x70]  }
0x3c6: {  	s21 =	spop (v2sf);
	[tilespmem:s25+$0x6D00] =	vst.add.f32.msk $0xffff, v1  }
0x3c7: {  	v1 =	vld [tilespmem:s21+$0x0];
	_ =	sdelay $0x1  }
0x3c8: {  	(v2sf) =	vpush v0, $0xF;
	_ =	sdelay $0x2  }
0x3c9: {  	s31 =	smov.u32 s22;
	s22 =	spop (v2sf);
	[tilespmem:s25+$0x6D80] =	vst.add.f32.msk $0xffff, v1  }
0x3ca: {  	v62 =	vld [tilespmem:s22+$0x0];
	_ =	sdelay $0x4  }
0x3cb: {  	[smem:$0x7E7] =	sst s2;
	s2 =	spop (v2sf);
	[tilespmem:s25+$0x6E00] =	vst.add.f32.msk $0xffff, v62  }
0x3cc: {  	v0 =	vld [tilespmem:s2+$0x0];
	_ =	sdelay $0x2  }
0x3cd: {  	[tilespmem:s25+$0x5670] =	vst.add.f32.msk $0xffff, v2  }
0x3ce: {  	v2 =	vld [tilespmem:s14+$0x70]  }
0x3cf: {  	[smem:$0x7E6] =	sst s3;
	s3 =	spop (v2sf);
	[tilespmem:s25+$0x6E80] =	vst.add.f32.msk $0xffff, v0  }
0x3d0: {  	v0 =	vld [tilespmem:s3+$0x0];
	_ =	sdelay $0x2  }
0x3d1: {  	s14 =	rddreg [dreg:$0x18];
	[tilespmem:s25+$0x56F0] =	vst.add.f32.msk $0xffff, v2  }
0x3d2: {  	v2 =	vld [tilespmem:s14+$0x70]  }
0x3d3: {  	[tilespmem:s25+$0x6F00] =	vst.add.f32.msk $0xffff, v0  }
0x3d4: {  	v0 =	vld [tilespmem:s28+$0x10];
	_ =	sdelay $0x1  }
0x3d5: {  	[smem:$0x7FB] =	sst s29  }
0x3d6: {  	[dreg:$0x1f] =	wrdreg s5  }
0x3d7: {  	[tilespmem:s25+$0x5770] =	vst.add.f32.msk $0xffff, v2;
	[smem:$0x7E9] =	sst s3  }
0x3d8: {  	[tilespmem:s25+$0x6790] =	vst.add.f32.msk $0xffff, v0  }
0x3d9: {  	v0 =	vld [tilespmem:s16+$0x10];
	_ =	sdelay $0x4  }
0x3da: {  	[tilespmem:s25+$0x6810] =	vst.add.f32.msk $0xffff, v0  }
0x3db: {  	v0 =	vld [tilespmem:s24+$0x10];
	_ =	sdelay $0x4  }
0x3dc: {  	[tilespmem:s25+$0x6890] =	vst.add.f32.msk $0xffff, v0  }
0x3dd: {  	v0 =	vld [tilespmem:s1+$0x10];
	_ =	sdelay $0x4  }
0x3de: {  	[tilespmem:s25+$0x6910] =	vst.add.f32.msk $0xffff, v0  }
0x3df: {  	v0 =	vld [tilespmem:s10+$0x10];
	_ =	sdelay $0x4  }
0x3e0: {  	[tilespmem:s25+$0x6990] =	vst.add.f32.msk $0xffff, v0  }
0x3e1: {  	v0 =	vld [tilespmem:s17+$0x10];
	_ =	sdelay $0x4  }
0x3e2: {  	[tilespmem:s25+$0x6A10] =	vst.add.f32.msk $0xffff, v0  }
0x3e3: {  	v0 =	vld [tilespmem:s15+$0x10];
	_ =	sdelay $0x4  }
0x3e4: {  	[tilespmem:s25+$0x6A90] =	vst.add.f32.msk $0xffff, v0  }
0x3e5: {  	v0 =	vld [tilespmem:s13+$0x10];
	_ =	sdelay $0x4  }
0x3e6: {  	[tilespmem:s25+$0x6B10] =	vst.add.f32.msk $0xffff, v0  }
0x3e7: {  	v0 =	vld [tilespmem:s30+$0x10];
	_ =	sdelay $0x2  }
0x3e8: {  	v63 =	vld [tilespmem:s11+$0x10];
	_ =	sdelay $0x1  }
0x3e9: {  	[tilespmem:s25+$0x6B90] =	vst.add.f32.msk $0xffff, v0  }
0x3ea: {  	s12 =	sld [smem:$0x7E4];
	v0 =	vld [tilespmem:s23+$0x10];
	_ =	sdelay $0x1  }
0x3eb: {  	[tilespmem:s25+$0x6410] =	vst.add.f32.msk $0xffff, v63  }
0x3ec: {  	v1 =	vld [tilespmem:s12+$0x10];
	_ =	sdelay $0x1  }
0x3ed: {  	[tilespmem:s25+$0x6C10] =	vst.add.f32.msk $0xffff, v0  }
0x3ee: {  	v0 =	vld [tilespmem:s19+$0x10];
	_ =	sdelay $0x1  }
0x3ef: {  	[tilespmem:s25+$0x6490] =	vst.add.f32.msk $0xffff, v1  }
0x3f0: {  	v1 =	vld [tilespmem:s20+$0x10];
	_ =	sdelay $0x1  }
0x3f1: {  	[tilespmem:s25+$0x6C90] =	vst.add.f32.msk $0xffff, v0  }
0x3f2: {  	v0 =	vld [tilespmem:s26+$0x10];
	_ =	sdelay $0x1  }
0x3f3: {  	[tilespmem:s25+$0x6510] =	vst.add.f32.msk $0xffff, v1  }
0x3f4: {  	v1 =	vld [tilespmem:s7+$0x10];
	_ =	sdelay $0x1  }
0x3f5: {  	[tilespmem:s25+$0x6D10] =	vst.add.f32.msk $0xffff, v0  }
0x3f6: {  	v0 =	vld [tilespmem:s21+$0x10];
	_ =	sdelay $0x1  }
0x3f7: {  	[tilespmem:s25+$0x6590] =	vst.add.f32.msk $0xffff, v1  }
0x3f8: {  	v1 =	vld [tilespmem:s18+$0x10];
	_ =	sdelay $0x1  }
0x3f9: {  	[tilespmem:s25+$0x6D90] =	vst.add.f32.msk $0xffff, v0  }
0x3fa: {  	v0 =	vld [tilespmem:s22+$0x10];
	_ =	sdelay $0x1  }
0x3fb: {  	s14 =	rddreg [dreg:$0x1c];
	[tilespmem:s25+$0x6610] =	vst.add.f32.msk $0xffff, v1  }
0x3fc: {  	v1 =	vld [tilespmem:s14+$0x10];
	_ =	sdelay $0x1  }
0x3fd: {  	[tilespmem:s25+$0x6E10] =	vst.add.f32.msk $0xffff, v0  }
0x3fe: {  	s0 =	smov.u32 s16;
	s16 =	sld [smem:$0x7E5];
	v0 =	vld [tilespmem:s2+$0x10];
	_ =	sdelay $0x1  }
0x3ff: {  	[tilespmem:s25+$0x6690] =	vst.add.f32.msk $0xffff, v1  }
0x400: {  	v1 =	vld [tilespmem:s16+$0x10];
	_ =	sdelay $0x1  }
0x401: {  	[tilespmem:s25+$0x6E90] =	vst.add.f32.msk $0xffff, v0  }
0x402: {  	v0 =	vld [tilespmem:s3+$0x10];
	_ =	sdelay $0x1  }
0x403: {  	s4 =	rddreg [dreg:$0x1d];
	[tilespmem:s25+$0x6710] =	vst.add.f32.msk $0xffff, v1  }
0x404: {  	v1 =	vld [tilespmem:s4+$0x20];
	_ =	sdelay $0x1  }
0x405: {  	[tilespmem:s25+$0x6F10] =	vst.add.f32.msk $0xffff, v0  }
0x406: {  	v0 =	vld [tilespmem:s28+$0x20];
	_ =	sdelay $0x1  }
0x407: {  	s5 =	rddreg [dreg:$0x1e];
	[tilespmem:s25+$0x5FA0] =	vst.add.f32.msk $0xffff, v1  }
0x408: {  	v1 =	vld [tilespmem:s5+$0x20];
	_ =	sdelay $0x1  }
0x409: {  	[tilespmem:s25+$0x67A0] =	vst.add.f32.msk $0xffff, v0  }
0x40a: {  	v0 =	vld [tilespmem:s0+$0x20];
	_ =	sdelay $0x1  }
0x40b: {  	[tilespmem:s25+$0x6020] =	vst.add.f32.msk $0xffff, v1  }
0x40c: {  	v1 =	vld [tilespmem:s9+$0x20];
	_ =	sdelay $0x1  }
0x40d: {  	[tilespmem:s25+$0x6820] =	vst.add.f32.msk $0xffff, v0  }
0x40e: {  	v0 =	vld [tilespmem:s24+$0x20];
	_ =	sdelay $0x1  }
0x40f: {  	[tilespmem:s25+$0x60A0] =	vst.add.f32.msk $0xffff, v1  }
0x410: {  	v1 =	vld [tilespmem:s29+$0x20];
	_ =	sdelay $0x1  }
0x411: {  	[tilespmem:s25+$0x68A0] =	vst.add.f32.msk $0xffff, v0  }
0x412: {  	v0 =	vld [tilespmem:s1+$0x20];
	_ =	sdelay $0x1  }
0x413: {  	s8 =	smov.u32 s20;
	s20 =	smov.u32 s26;
	s26 =	rddreg [dreg:$0x1f];
	[tilespmem:s25+$0x6120] =	vst.add.f32.msk $0xffff, v1  }
0x414: {  	v1 =	vld [tilespmem:s26+$0x20];
	_ =	sdelay $0x1  }
0x415: {  	[tilespmem:s25+$0x6920] =	vst.add.f32.msk $0xffff, v0  }
0x416: {  	s29 =	smov.u32 s1;
	s1 =	sld [smem:$0x7E6];
	v0 =	vld [tilespmem:s10+$0x20];
	_ =	sdelay $0x1  }
0x417: {  	[tilespmem:s25+$0x61A0] =	vst.add.f32.msk $0xffff, v1  }
0x418: {  	v1 =	vld [tilespmem:s1+$0x20];
	_ =	sdelay $0x1  }
0x419: {  	[smem:$0x7F1] =	sst s2;
	[tilespmem:s25+$0x69A0] =	vst.add.f32.msk $0xffff, v0  }
0x41a: {  	s6 =	smov.u32 s18;
	s18 =	smov.u32 s2;
	s2 =	sld [smem:$0x7E7];
	v0 =	vld [tilespmem:s17+$0x20]  }
0x41b: {  	_ = 	snop  }
0x41c: {  	[tilespmem:s25+$0x6220] =	vst.add.f32.msk $0xffff, v1  }
0x41d: {  	v1 =	vld [tilespmem:s2+$0x20];
	_ =	sdelay $0x1  }
0x41e: {  	[tilespmem:s25+$0x6A20] =	vst.add.f32.msk $0xffff, v0  }
0x41f: {  	s3 =	sld [smem:$0x7E8];
	v0 =	vld [tilespmem:s15+$0x20];
	_ =	sdelay $0x1  }
0x420: {  	[tilespmem:s25+$0x62A0] =	vst.add.f32.msk $0xffff, v1  }
0x421: {  	v1 =	vld [tilespmem:s3+$0x20];
	_ =	sdelay $0x1  }
0x422: {  	[tilespmem:s25+$0x6AA0] =	vst.add.f32.msk $0xffff, v0  }
0x423: {  	v0 =	vld [tilespmem:s13+$0x20];
	_ =	sdelay $0x1  }
0x424: {  	[tilespmem:s25+$0x6320] =	vst.add.f32.msk $0xffff, v1  }
0x425: {  	v1 =	vld [tilespmem:s31+$0x20];
	_ =	sdelay $0x1  }
0x426: {  	[tilespmem:s25+$0x6B20] =	vst.add.f32.msk $0xffff, v0  }
0x427: {  	v0 =	vld [tilespmem:s30+$0x20];
	_ =	sdelay $0x1  }
0x428: {  	[tilespmem:s25+$0x63A0] =	vst.add.f32.msk $0xffff, v1  }
0x429: {  	v1 =	vld [tilespmem:s11+$0x20];
	_ =	sdelay $0x1  }
0x42a: {  	[tilespmem:s25+$0x6BA0] =	vst.add.f32.msk $0xffff, v0  }
0x42b: {  	v0 =	vld [tilespmem:s23+$0x20];
	_ =	sdelay $0x1  }
0x42c: {  	[tilespmem:s25+$0x6420] =	vst.add.f32.msk $0xffff, v1  }
0x42d: {  	v1 =	vld [tilespmem:s12+$0x20];
	_ =	sdelay $0x1  }
0x42e: {  	[tilespmem:s25+$0x6C20] =	vst.add.f32.msk $0xffff, v0  }
0x42f: {  	v0 =	vld [tilespmem:s19+$0x20];
	_ =	sdelay $0x1  }
0x430: {  	[tilespmem:s25+$0x64A0] =	vst.add.f32.msk $0xffff, v1  }
0x431: {  	v1 =	vld [tilespmem:s8+$0x20];
	_ =	sdelay $0x1  }
0x432: {  	[tilespmem:s25+$0x6CA0] =	vst.add.f32.msk $0xffff, v0  }
0x433: {  	v0 =	vld [tilespmem:s20+$0x20];
	_ =	sdelay $0x1  }
0x434: {  	[tilespmem:s25+$0x6520] =	vst.add.f32.msk $0xffff, v1  }
0x435: {  	v1 =	vld [tilespmem:s7+$0x20];
	_ =	sdelay $0x1  }
0x436: {  	[tilespmem:s25+$0x6D20] =	vst.add.f32.msk $0xffff, v0  }
0x437: {  	v0 =	vld [tilespmem:s21+$0x20];
	_ =	sdelay $0x1  }
0x438: {  	[tilespmem:s25+$0x65A0] =	vst.add.f32.msk $0xffff, v1  }
0x439: {  	v1 =	vld [tilespmem:s6+$0x20];
	_ =	sdelay $0x1  }
0x43a: {  	[tilespmem:s25+$0x6DA0] =	vst.add.f32.msk $0xffff, v0  }
0x43b: {  	v0 =	vld [tilespmem:s22+$0x20];
	_ =	sdelay $0x1  }
0x43c: {  	[tilespmem:s25+$0x6620] =	vst.add.f32.msk $0xffff, v1  }
0x43d: {  	v1 =	vld [tilespmem:s14+$0x20];
	_ =	sdelay $0x1  }
0x43e: {  	[tilespmem:s25+$0x6E20] =	vst.add.f32.msk $0xffff, v0  }
0x43f: {  	v0 =	vld [tilespmem:s18+$0x20];
	_ =	sdelay $0x1  }
0x440: {  	[smem:$0x7ED] =	sst s13;
	[tilespmem:s25+$0x66A0] =	vst.add.f32.msk $0xffff, v1  }
0x441: {  	s13 =	sld [smem:$0x7E9];
	v1 =	vld [tilespmem:s16+$0x20];
	_ =	sdelay $0x1  }
0x442: {  	[tilespmem:s25+$0x6EA0] =	vst.add.f32.msk $0xffff, v0  }
0x443: {  	v0 =	vld [tilespmem:s13+$0x20];
	_ =	sdelay $0x1  }
0x444: {  	[tilespmem:s25+$0x6720] =	vst.add.f32.msk $0xffff, v1  }
0x445: {  	v1 =	vld [tilespmem:s4+$0x30];
	_ =	sdelay $0x1  }
0x446: {  	[tilespmem:s25+$0x6F20] =	vst.add.f32.msk $0xffff, v0  }
0x447: {  	v0 =	vld [tilespmem:s28+$0x30];
	_ =	sdelay $0x1  }
0x448: {  	[tilespmem:s25+$0x5FB0] =	vst.add.f32.msk $0xffff, v1  }
0x449: {  	v1 =	vld [tilespmem:s5+$0x30];
	_ =	sdelay $0x1  }
0x44a: {  	[tilespmem:s25+$0x67B0] =	vst.add.f32.msk $0xffff, v0  }
0x44b: {  	v0 =	vld [tilespmem:s0+$0x30];
	_ =	sdelay $0x1  }
0x44c: {  	[tilespmem:s25+$0x6030] =	vst.add.f32.msk $0xffff, v1  }
0x44d: {  	v1 =	vld [tilespmem:s9+$0x30];
	_ =	sdelay $0x1  }
0x44e: {  	[smem:$0x7EA] =	sst s10;
	s10 =	smov.u32 s31;
	[tilespmem:s25+$0x6830] =	vst.add.f32.msk $0xffff, v0  }
0x44f: {  	s31 =	smov.u32 s11;
	s11 =	smov.u32 s4;
	s4 =	sld [smem:$0x7FB];
	v0 =	vld [tilespmem:s24+$0x30]  }
0x450: {  	_ = 	snop  }
0x451: {  	[tilespmem:s25+$0x60B0] =	vst.add.f32.msk $0xffff, v1  }
0x452: {  	v1 =	vld [tilespmem:s4+$0x30];
	_ =	sdelay $0x1  }
0x453: {  	[tilespmem:s25+$0x68B0] =	vst.add.f32.msk $0xffff, v0  }
0x454: {  	v0 =	vld [tilespmem:s29+$0x30];
	_ =	sdelay $0x1  }
0x455: {  	[smem:$0x7FA] =	sst s24;
	[tilespmem:s25+$0x6130] =	vst.add.f32.msk $0xffff, v1  }
0x456: {  	s24 =	sld [smem:$0x7EA];
	v1 =	vld [tilespmem:s26+$0x30];
	_ =	sdelay $0x1  }
0x457: {  	[tilespmem:s25+$0x6930] =	vst.add.f32.msk $0xffff, v0  }
0x458: {  	v0 =	vld [tilespmem:s24+$0x30];
	_ =	sdelay $0x1  }
0x459: {  	[smem:$0x7EB] =	sst s17;
	[tilespmem:s25+$0x61B0] =	vst.add.f32.msk $0xffff, v1  }
0x45a: {  	s5 =	smov.u32 s26;
	s26 =	sld [smem:$0x7EB];
	v1 =	vld [tilespmem:s1+$0x30];
	_ =	sdelay $0x1  }
0x45b: {  	[tilespmem:s25+$0x69B0] =	vst.add.f32.msk $0xffff, v0  }
0x45c: {  	v0 =	vld [tilespmem:s26+$0x30]  }
0x45d: {  	[smem:$0x7EC] =	sst s15  }
0x45e: {  	[smem:$0x7F8] =	sst s28;
	[tilespmem:s25+$0x6230] =	vst.add.f32.msk $0xffff, v1  }
0x45f: {  	s28 =	sld [smem:$0x7EC];
	v1 =	vld [tilespmem:s2+$0x30];
	_ =	sdelay $0x1  }
0x460: {  	[tilespmem:s25+$0x6A30] =	vst.add.f32.msk $0xffff, v0  }
0x461: {  	v0 =	vld [tilespmem:s28+$0x30]  }
0x462: {  	[smem:$0x7F0] =	sst s22  }
0x463: {  	[smem:$0x7F3] =	sst s29;
	[tilespmem:s25+$0x62B0] =	vst.add.f32.msk $0xffff, v1  }
0x464: {  	s22 =	smov.u32 s29;
	s29 =	sld [smem:$0x7ED];
	v1 =	vld [tilespmem:s3+$0x30];
	_ =	sdelay $0x1  }
0x465: {  	[tilespmem:s25+$0x6AB0] =	vst.add.f32.msk $0xffff, v0  }
0x466: {  	v0 =	vld [tilespmem:s29+$0x30];
	_ =	sdelay $0x1  }
0x467: {  	[tilespmem:s25+$0x6330] =	vst.add.f32.msk $0xffff, v1  }
0x468: {  	v1 =	vld [tilespmem:s10+$0x30];
	_ =	sdelay $0x1  }
0x469: {  	[tilespmem:s25+$0x6B30] =	vst.add.f32.msk $0xffff, v0  }
0x46a: {  	[smem:$0x7EE] =	sst s23;
	v0 =	vld [tilespmem:s30+$0x30]  }
0x46b: {  	[smem:$0x7F2] =	sst s6  }
0x46c: {  	s15 =	smov.u32 s12;
	[smem:$0x7F4] =	sst s31;
	s12 =	smov.u32 s6;
	[tilespmem:s25+$0x63B0] =	vst.add.f32.msk $0xffff, v1  }
0x46d: {  	s6 =	smov.u32 s1;
	s1 =	smov.u32 s31;
	v1 =	vld [tilespmem:s31+$0x30];
	s31 =	sld [smem:$0x7EE]  }
0x46e: {  	_ = 	snop  }
0x46f: {  	[tilespmem:s25+$0x6BB0] =	vst.add.f32.msk $0xffff, v0  }
0x470: {  	v0 =	vld [tilespmem:s31+$0x30];
	_ =	sdelay $0x1  }
0x471: {  	[tilespmem:s25+$0x6430] =	vst.add.f32.msk $0xffff, v1  }
0x472: {  	v1 =	vld [tilespmem:s15+$0x30];
	_ =	sdelay $0x1  }
0x473: {  	s23 =	smov.u32 s19;
	[tilespmem:s25+$0x6C30] =	vst.add.f32.msk $0xffff, v0  }
0x474: {  	v0 =	vld [tilespmem:s23+$0x30];
	_ =	sdelay $0x1  }
0x475: {  	s19 =	smov.u32 s8;
	[tilespmem:s25+$0x64B0] =	vst.add.f32.msk $0xffff, v1  }
0x476: {  	v1 =	vld [tilespmem:s19+$0x30];
	_ =	sdelay $0x1  }
0x477: {  	s17 =	smov.u32 s20;
	[tilespmem:s25+$0x6CB0] =	vst.add.f32.msk $0xffff, v0  }
0x478: {  	v0 =	vld [tilespmem:s17+$0x30];
	_ =	sdelay $0x1  }
0x479: {  	[smem:$0x7EF] =	sst s21;
	s20 =	smov.u32 s7;
	[tilespmem:s25+$0x6530] =	vst.add.f32.msk $0xffff, v1  }
0x47a: {  	s7 =	smov.u32 s2;
	s2 =	sld [smem:$0x7EF];
	v1 =	vld [tilespmem:s20+$0x30];
	_ =	sdelay $0x1  }
0x47b: {  	[tilespmem:s25+$0x6D30] =	vst.add.f32.msk $0xffff, v0  }
0x47c: {  	v0 =	vld [tilespmem:s2+$0x30];
	_ =	sdelay $0x1  }
0x47d: {  	[smem:$0x7F6] =	sst s17;
	[tilespmem:s25+$0x65B0] =	vst.add.f32.msk $0xffff, v1  }
0x47e: {  	s21 =	smov.u32 s17;
	s17 =	sld [smem:$0x7F0];
	v1 =	vld [tilespmem:s12+$0x30];
	_ =	sdelay $0x1  }
0x47f: {  	[tilespmem:s25+$0x6DB0] =	vst.add.f32.msk $0xffff, v0  }
0x480: {  	v0 =	vld [tilespmem:s17+$0x30];
	_ =	sdelay $0x1  }
0x481: {  	[tilespmem:s25+$0x6630] =	vst.add.f32.msk $0xffff, v1  }
0x482: {  	s18 =	smov.u32 s15;
	s15 =	sld [smem:$0x7F1];
	v1 =	vld [tilespmem:s14+$0x30];
	_ =	sdelay $0x1  }
0x483: {  	[tilespmem:s25+$0x6E30] =	vst.add.f32.msk $0xffff, v0  }
0x484: {  	v0 =	vld [tilespmem:s15+$0x30];
	_ =	sdelay $0x1  }
0x485: {  	[tilespmem:s25+$0x66B0] =	vst.add.f32.msk $0xffff, v1  }
0x486: {  	v1 =	vld [tilespmem:s16+$0x30];
	_ =	sdelay $0x1  }
0x487: {  	[tilespmem:s25+$0x6EB0] =	vst.add.f32.msk $0xffff, v0  }
0x488: {  	v0 =	vld [tilespmem:s13+$0x30];
	_ =	sdelay $0x1  }
0x489: {  	[smem:$0x7F5] =	sst s19;
	[tilespmem:s25+$0x6730] =	vst.add.f32.msk $0xffff, v1  }
0x48a: {  	s8 =	smov.u32 s3;
	s3 =	smov.u32 s19;
	s19 =	sld [smem:$0x7F8];
	v1 =	vld [tilespmem:s11+$0x40]  }
0x48b: {  	_ = 	snop  }
0x48c: {  	[tilespmem:s25+$0x6F30] =	vst.add.f32.msk $0xffff, v0  }
0x48d: {  	v0 =	vld [tilespmem:s19+$0x40];
	_ =	sdelay $0x1  }
0x48e: {  	s11 =	rddreg [dreg:$0x1e];
	[tilespmem:s25+$0x5FC0] =	vst.add.f32.msk $0xffff, v1  }
0x48f: {  	v1 =	vld [tilespmem:s11+$0x40];
	_ =	sdelay $0x1  }
0x490: {  	[tilespmem:s25+$0x67C0] =	vst.add.f32.msk $0xffff, v0  }
0x491: {  	s12 =	sld [smem:$0x7F9];
	v0 =	vld [tilespmem:s0+$0x40];
	_ =	sdelay $0x1  }
0x492: {  	[smem:$0x7FC] =	sst s0;
	[tilespmem:s25+$0x6040] =	vst.add.f32.msk $0xffff, v1  }
0x493: {  	v1 =	vld [tilespmem:s12+$0x40];
	s0 =	sld [smem:$0x7FA];
	_ =	sdelay $0x1  }
0x494: {  	[tilespmem:s25+$0x6840] =	vst.add.f32.msk $0xffff, v0  }
0x495: {  	v0 =	vld [tilespmem:s0+$0x40];
	_ =	sdelay $0x1  }
0x496: {  	[tilespmem:s25+$0x60C0] =	vst.add.f32.msk $0xffff, v1  }
0x497: {  	v1 =	vld [tilespmem:s4+$0x40];
	_ =	sdelay $0x1  }
0x498: {  	[tilespmem:s25+$0x68C0] =	vst.add.f32.msk $0xffff, v0  }
0x499: {  	v0 =	vld [tilespmem:s22+$0x40];
	_ =	sdelay $0x1  }
0x49a: {  	[tilespmem:s25+$0x6140] =	vst.add.f32.msk $0xffff, v1  }
0x49b: {  	v1 =	vld [tilespmem:s5+$0x40];
	_ =	sdelay $0x1  }
0x49c: {  	[tilespmem:s25+$0x6940] =	vst.add.f32.msk $0xffff, v0  }
0x49d: {  	v0 =	vld [tilespmem:s24+$0x40];
	_ =	sdelay $0x1  }
0x49e: {  	[tilespmem:s25+$0x61C0] =	vst.add.f32.msk $0xffff, v1  }
0x49f: {  	v1 =	vld [tilespmem:s6+$0x40];
	_ =	sdelay $0x1  }
0x4a0: {  	[tilespmem:s25+$0x69C0] =	vst.add.f32.msk $0xffff, v0  }
0x4a1: {  	v0 =	vld [tilespmem:s26+$0x40];
	_ =	sdelay $0x1  }
0x4a2: {  	[tilespmem:s25+$0x6240] =	vst.add.f32.msk $0xffff, v1  }
0x4a3: {  	v1 =	vld [tilespmem:s7+$0x40];
	_ =	sdelay $0x1  }
0x4a4: {  	[tilespmem:s25+$0x6A40] =	vst.add.f32.msk $0xffff, v0  }
0x4a5: {  	v0 =	vld [tilespmem:s28+$0x40];
	_ =	sdelay $0x1  }
0x4a6: {  	[tilespmem:s25+$0x62C0] =	vst.add.f32.msk $0xffff, v1  }
0x4a7: {  	v1 =	vld [tilespmem:s8+$0x40];
	_ =	sdelay $0x1  }
0x4a8: {  	[tilespmem:s25+$0x6AC0] =	vst.add.f32.msk $0xffff, v0  }
0x4a9: {  	v0 =	vld [tilespmem:s29+$0x40];
	_ =	sdelay $0x1  }
0x4aa: {  	[tilespmem:s25+$0x6340] =	vst.add.f32.msk $0xffff, v1  }
0x4ab: {  	v1 =	vld [tilespmem:s10+$0x40];
	_ =	sdelay $0x1  }
0x4ac: {  	[tilespmem:s25+$0x6B40] =	vst.add.f32.msk $0xffff, v0  }
0x4ad: {  	v0 =	vld [tilespmem:s30+$0x40];
	_ =	sdelay $0x1  }
0x4ae: {  	[tilespmem:s25+$0x63C0] =	vst.add.f32.msk $0xffff, v1  }
0x4af: {  	v1 =	vld [tilespmem:s1+$0x40];
	_ =	sdelay $0x1  }
0x4b0: {  	[tilespmem:s25+$0x6BC0] =	vst.add.f32.msk $0xffff, v0  }
0x4b1: {  	v0 =	vld [tilespmem:s31+$0x40];
	_ =	sdelay $0x1  }
0x4b2: {  	[tilespmem:s25+$0x6440] =	vst.add.f32.msk $0xffff, v1  }
0x4b3: {  	v1 =	vld [tilespmem:s18+$0x40];
	_ =	sdelay $0x1  }
0x4b4: {  	[tilespmem:s25+$0x6C40] =	vst.add.f32.msk $0xffff, v0  }
0x4b5: {  	v0 =	vld [tilespmem:s23+$0x40];
	_ =	sdelay $0x1  }
0x4b6: {  	[tilespmem:s25+$0x64C0] =	vst.add.f32.msk $0xffff, v1  }
0x4b7: {  	v1 =	vld [tilespmem:s3+$0x40];
	_ =	sdelay $0x1  }
0x4b8: {  	[tilespmem:s25+$0x6CC0] =	vst.add.f32.msk $0xffff, v0  }
0x4b9: {  	v0 =	vld [tilespmem:s21+$0x40];
	_ =	sdelay $0x1  }
0x4ba: {  	[tilespmem:s25+$0x6540] =	vst.add.f32.msk $0xffff, v1  }
0x4bb: {  	v1 =	vld [tilespmem:s20+$0x40];
	_ =	sdelay $0x1  }
0x4bc: {  	[smem:$0x7F7] =	sst s20;
	[tilespmem:s25+$0x6D40] =	vst.add.f32.msk $0xffff, v0  }
0x4bd: {  	s20 =	sld [smem:$0x7F2];
	v0 =	vld [tilespmem:s2+$0x40];
	_ =	sdelay $0x1  }
0x4be: {  	[tilespmem:s25+$0x65C0] =	vst.add.f32.msk $0xffff, v1  }
0x4bf: {  	v1 =	vld [tilespmem:s20+$0x40];
	_ =	sdelay $0x1  }
0x4c0: {  	[tilespmem:s25+$0x6DC0] =	vst.add.f32.msk $0xffff, v0  }
0x4c1: {  	v0 =	vld [tilespmem:s17+$0x40];
	_ =	sdelay $0x1  }
0x4c2: {  	[tilespmem:s25+$0x6640] =	vst.add.f32.msk $0xffff, v1  }
0x4c3: {  	v1 =	vld [tilespmem:s14+$0x40];
	_ =	sdelay $0x1  }
0x4c4: {  	[tilespmem:s25+$0x6E40] =	vst.add.f32.msk $0xffff, v0  }
0x4c5: {  	v0 =	vld [tilespmem:s15+$0x40];
	_ =	sdelay $0x1  }
0x4c6: {  	[tilespmem:s25+$0x66C0] =	vst.add.f32.msk $0xffff, v1  }
0x4c7: {  	v1 =	vld [tilespmem:s16+$0x40];
	_ =	sdelay $0x1  }
0x4c8: {  	[tilespmem:s25+$0x6EC0] =	vst.add.f32.msk $0xffff, v0  }
0x4c9: {  	v0 =	vld [tilespmem:s13+$0x40];
	_ =	sdelay $0x1  }
0x4ca: {  	s21 =	rddreg [dreg:$0x1d];
	[tilespmem:s25+$0x6740] =	vst.add.f32.msk $0xffff, v1  }
0x4cb: {  	v1 =	vld [tilespmem:s21+$0x50];
	_ =	sdelay $0x1  }
0x4cc: {  	[tilespmem:s25+$0x6F40] =	vst.add.f32.msk $0xffff, v0  }
0x4cd: {  	v0 =	vld [tilespmem:s19+$0x50];
	_ =	sdelay $0x1  }
0x4ce: {  	[tilespmem:s25+$0x5FD0] =	vst.add.f32.msk $0xffff, v1  }
0x4cf: {  	v1 =	vld [tilespmem:s11+$0x50];
	s19 =	sld [smem:$0x7FC];
	_ =	sdelay $0x1  }
0x4d0: {  	[tilespmem:s25+$0x67D0] =	vst.add.f32.msk $0xffff, v0  }
0x4d1: {  	v0 =	vld [tilespmem:s19+$0x50];
	_ =	sdelay $0x1  }
0x4d2: {  	[tilespmem:s25+$0x6050] =	vst.add.f32.msk $0xffff, v1  }
0x4d3: {  	v1 =	vld [tilespmem:s12+$0x50];
	_ =	sdelay $0x1  }
0x4d4: {  	[tilespmem:s25+$0x6850] =	vst.add.f32.msk $0xffff, v0  }
0x4d5: {  	v0 =	vld [tilespmem:s0+$0x50];
	_ =	sdelay $0x1  }
0x4d6: {  	[tilespmem:s25+$0x60D0] =	vst.add.f32.msk $0xffff, v1  }
0x4d7: {  	s9 =	smov.u32 s10;
	s10 =	smov.u32 s23;
	s23 =	sld [smem:$0x7F3];
	v1 =	vld [tilespmem:s4+$0x50]  }
0x4d8: {  	_ = 	snop  }
0x4d9: {  	[tilespmem:s25+$0x68D0] =	vst.add.f32.msk $0xffff, v0  }
0x4da: {  	v0 =	vld [tilespmem:s23+$0x50];
	_ =	sdelay $0x1  }
0x4db: {  	[tilespmem:s25+$0x6150] =	vst.add.f32.msk $0xffff, v1  }
0x4dc: {  	v1 =	vld [tilespmem:s5+$0x50];
	_ =	sdelay $0x1  }
0x4dd: {  	[tilespmem:s25+$0x6950] =	vst.add.f32.msk $0xffff, v0  }
0x4de: {  	v0 =	vld [tilespmem:s24+$0x50];
	_ =	sdelay $0x1  }
0x4df: {  	[tilespmem:s25+$0x61D0] =	vst.add.f32.msk $0xffff, v1  }
0x4e0: {  	v1 =	vld [tilespmem:s6+$0x50];
	_ =	sdelay $0x1  }
0x4e1: {  	[tilespmem:s25+$0x69D0] =	vst.add.f32.msk $0xffff, v0  }
0x4e2: {  	v0 =	vld [tilespmem:s26+$0x50];
	_ =	sdelay $0x1  }
0x4e3: {  	[tilespmem:s25+$0x6250] =	vst.add.f32.msk $0xffff, v1  }
0x4e4: {  	v1 =	vld [tilespmem:s7+$0x50];
	_ =	sdelay $0x1  }
0x4e5: {  	[tilespmem:s25+$0x6A50] =	vst.add.f32.msk $0xffff, v0  }
0x4e6: {  	v0 =	vld [tilespmem:s28+$0x50];
	_ =	sdelay $0x1  }
0x4e7: {  	[tilespmem:s25+$0x62D0] =	vst.add.f32.msk $0xffff, v1  }
0x4e8: {  	v1 =	vld [tilespmem:s8+$0x50];
	_ =	sdelay $0x1  }
0x4e9: {  	[tilespmem:s25+$0x6AD0] =	vst.add.f32.msk $0xffff, v0  }
0x4ea: {  	v0 =	vld [tilespmem:s29+$0x50];
	_ =	sdelay $0x1  }
0x4eb: {  	[tilespmem:s25+$0x6350] =	vst.add.f32.msk $0xffff, v1  }
0x4ec: {  	v1 =	vld [tilespmem:s9+$0x50];
	_ =	sdelay $0x1  }
0x4ed: {  	[tilespmem:s25+$0x6B50] =	vst.add.f32.msk $0xffff, v0  }
0x4ee: {  	s11 =	sld [smem:$0x7F4];
	v0 =	vld [tilespmem:s30+$0x50];
	_ =	sdelay $0x1  }
0x4ef: {  	[tilespmem:s25+$0x63D0] =	vst.add.f32.msk $0xffff, v1  }
0x4f0: {  	v1 =	vld [tilespmem:s11+$0x50];
	_ =	sdelay $0x1  }
0x4f1: {  	[tilespmem:s25+$0x6BD0] =	vst.add.f32.msk $0xffff, v0  }
0x4f2: {  	v0 =	vld [tilespmem:s31+$0x50];
	_ =	sdelay $0x1  }
0x4f3: {  	s22 =	smov.u32 s18;
	[tilespmem:s25+$0x6450] =	vst.add.f32.msk $0xffff, v1  }
0x4f4: {  	v1 =	vld [tilespmem:s22+$0x50];
	_ =	sdelay $0x1  }
0x4f5: {  	[smem:$0x7FD] =	sst s10;
	[tilespmem:s25+$0x6C50] =	vst.add.f32.msk $0xffff, v0  }
0x4f6: {  	s18 =	smov.u32 s13;
	s13 =	smov.u32 s10;
	v0 =	vld [tilespmem:s10+$0x50];
	s10 =	sld [smem:$0x7F5]  }
0x4f7: {  	_ = 	snop  }
0x4f8: {  	[tilespmem:s25+$0x64D0] =	vst.add.f32.msk $0xffff, v1  }
0x4f9: {  	s4 =	sld [smem:$0x7F6];
	v1 =	vld [tilespmem:s10+$0x50];
	_ =	sdelay $0x1  }
0x4fa: {  	[tilespmem:s25+$0x6CD0] =	vst.add.f32.msk $0xffff, v0  }
0x4fb: {  	s1 =	smov.u32 s15;
	s15 =	sld [smem:$0x7F7];
	v0 =	vld [tilespmem:s4+$0x50];
	_ =	sdelay $0x1  }
0x4fc: {  	[tilespmem:s25+$0x6550] =	vst.add.f32.msk $0xffff, v1  }
0x4fd: {  	v1 =	vld [tilespmem:s15+$0x50];
	_ =	sdelay $0x1  }
0x4fe: {  	[tilespmem:s25+$0x6D50] =	vst.add.f32.msk $0xffff, v0  }
0x4ff: {  	v0 =	vld [tilespmem:s2+$0x50];
	_ =	sdelay $0x1  }
0x500: {  	[tilespmem:s25+$0x65D0] =	vst.add.f32.msk $0xffff, v1  }
0x501: {  	v1 =	vld [tilespmem:s20+$0x50];
	_ =	sdelay $0x1  }
0x502: {  	s3 =	smov.u32 s17;
	[tilespmem:s25+$0x6DD0] =	vst.add.f32.msk $0xffff, v0  }
0x503: {  	v0 =	vld [tilespmem:s3+$0x50];
	_ =	sdelay $0x1  }
0x504: {  	[tilespmem:s25+$0x6650] =	vst.add.f32.msk $0xffff, v1  }
0x505: {  	v1 =	vld [tilespmem:s14+$0x50];
	_ =	sdelay $0x1  }
0x506: {  	[tilespmem:s25+$0x6E50] =	vst.add.f32.msk $0xffff, v0  }
0x507: {  	v0 =	vld [tilespmem:s1+$0x50];
	_ =	sdelay $0x1  }
0x508: {  	[tilespmem:s25+$0x66D0] =	vst.add.f32.msk $0xffff, v1  }
0x509: {  	v1 =	vld [tilespmem:s16+$0x50];
	_ =	sdelay $0x1  }
0x50a: {  	[tilespmem:s25+$0x6ED0] =	vst.add.f32.msk $0xffff, v0  }
0x50b: {  	v0 =	vld [tilespmem:s18+$0x50];
	_ =	sdelay $0x1  }
0x50c: {  	[tilespmem:s25+$0x6750] =	vst.add.f32.msk $0xffff, v1  }
0x50d: {  	s17 =	smov.u32 s20;
	s20 =	sld [smem:$0x7F8];
	v1 =	vld [tilespmem:s21+$0x60];
	_ =	sdelay $0x1  }
0x50e: {  	[tilespmem:s25+$0x6F50] =	vst.add.f32.msk $0xffff, v0  }
0x50f: {  	v0 =	vld [tilespmem:s20+$0x60];
	_ =	sdelay $0x1  }
0x510: {  	s12 =	smov.u32 s22;
	s22 =	rddreg [dreg:$0x1e];
	[tilespmem:s25+$0x5FE0] =	vst.add.f32.msk $0xffff, v1  }
0x511: {  	v1 =	vld [tilespmem:s22+$0x60];
	_ =	sdelay $0x1  }
0x512: {  	[tilespmem:s25+$0x67E0] =	vst.add.f32.msk $0xffff, v0  }
0x513: {  	s0 =	sld [smem:$0x7F9];
	v0 =	vld [tilespmem:s19+$0x60];
	_ =	sdelay $0x1  }
0x514: {  	[tilespmem:s25+$0x6060] =	vst.add.f32.msk $0xffff, v1  }
0x515: {  	s19 =	sld [smem:$0x7FA];
	v1 =	vld [tilespmem:s0+$0x60];
	_ =	sdelay $0x1  }
0x516: {  	[tilespmem:s25+$0x6860] =	vst.add.f32.msk $0xffff, v0  }
0x517: {  	s21 =	sld [smem:$0x7FB];
	v0 =	vld [tilespmem:s19+$0x60];
	_ =	sdelay $0x1  }
0x518: {  	[tilespmem:s25+$0x60E0] =	vst.add.f32.msk $0xffff, v1  }
0x519: {  	v1 =	vld [tilespmem:s21+$0x60];
	_ =	sdelay $0x1  }
0x51a: {  	[tilespmem:s25+$0x68E0] =	vst.add.f32.msk $0xffff, v0  }
0x51b: {  	v0 =	vld [tilespmem:s23+$0x60];
	_ =	sdelay $0x1  }
0x51c: {  	[tilespmem:s25+$0x6160] =	vst.add.f32.msk $0xffff, v1  }
0x51d: {  	v1 =	vld [tilespmem:s5+$0x60];
	_ =	sdelay $0x1  }
0x51e: {  	[tilespmem:s25+$0x6960] =	vst.add.f32.msk $0xffff, v0  }
0x51f: {  	v0 =	vld [tilespmem:s24+$0x60];
	_ =	sdelay $0x1  }
0x520: {  	[tilespmem:s25+$0x61E0] =	vst.add.f32.msk $0xffff, v1  }
0x521: {  	v1 =	vld [tilespmem:s6+$0x60];
	_ =	sdelay $0x1  }
0x522: {  	[tilespmem:s25+$0x69E0] =	vst.add.f32.msk $0xffff, v0  }
0x523: {  	v0 =	vld [tilespmem:s26+$0x60];
	_ =	sdelay $0x1  }
0x524: {  	[tilespmem:s25+$0x6260] =	vst.add.f32.msk $0xffff, v1  }
0x525: {  	v1 =	vld [tilespmem:s7+$0x60];
	_ =	sdelay $0x1  }
0x526: {  	[tilespmem:s25+$0x6A60] =	vst.add.f32.msk $0xffff, v0  }
0x527: {  	v0 =	vld [tilespmem:s28+$0x60];
	_ =	sdelay $0x1  }
0x528: {  	[tilespmem:s25+$0x62E0] =	vst.add.f32.msk $0xffff, v1  }
0x529: {  	v1 =	vld [tilespmem:s8+$0x60];
	_ =	sdelay $0x1  }
0x52a: {  	[tilespmem:s25+$0x6AE0] =	vst.add.f32.msk $0xffff, v0  }
0x52b: {  	v0 =	vld [tilespmem:s29+$0x60];
	_ =	sdelay $0x1  }
0x52c: {  	[tilespmem:s25+$0x6360] =	vst.add.f32.msk $0xffff, v1  }
0x52d: {  	v1 =	vld [tilespmem:s9+$0x60];
	_ =	sdelay $0x1  }
0x52e: {  	[tilespmem:s25+$0x6B60] =	vst.add.f32.msk $0xffff, v0  }
0x52f: {  	v0 =	vld [tilespmem:s30+$0x60];
	_ =	sdelay $0x1  }
0x530: {  	[tilespmem:s25+$0x63E0] =	vst.add.f32.msk $0xffff, v1  }
0x531: {  	v1 =	vld [tilespmem:s11+$0x60];
	_ =	sdelay $0x1  }
0x532: {  	[tilespmem:s25+$0x6BE0] =	vst.add.f32.msk $0xffff, v0  }
0x533: {  	v0 =	vld [tilespmem:s31+$0x60];
	_ =	sdelay $0x1  }
0x534: {  	[tilespmem:s25+$0x6460] =	vst.add.f32.msk $0xffff, v1  }
0x535: {  	v1 =	vld [tilespmem:s12+$0x60];
	_ =	sdelay $0x1  }
0x536: {  	[tilespmem:s25+$0x6C60] =	vst.add.f32.msk $0xffff, v0  }
0x537: {  	v0 =	vld [tilespmem:s13+$0x60];
	_ =	sdelay $0x1  }
0x538: {  	[tilespmem:s25+$0x64E0] =	vst.add.f32.msk $0xffff, v1  }
0x539: {  	v1 =	vld [tilespmem:s10+$0x60];
	_ =	sdelay $0x1  }
0x53a: {  	[tilespmem:s25+$0x6CE0] =	vst.add.f32.msk $0xffff, v0  }
0x53b: {  	v0 =	vld [tilespmem:s4+$0x60];
	_ =	sdelay $0x1  }
0x53c: {  	[tilespmem:s25+$0x6560] =	vst.add.f32.msk $0xffff, v1  }
0x53d: {  	v1 =	vld [tilespmem:s15+$0x60];
	_ =	sdelay $0x1  }
0x53e: {  	[tilespmem:s25+$0x6D60] =	vst.add.f32.msk $0xffff, v0  }
0x53f: {  	v0 =	vld [tilespmem:s2+$0x60];
	_ =	sdelay $0x1  }
0x540: {  	[tilespmem:s25+$0x65E0] =	vst.add.f32.msk $0xffff, v1  }
0x541: {  	v1 =	vld [tilespmem:s17+$0x60];
	_ =	sdelay $0x1  }
0x542: {  	[tilespmem:s25+$0x6DE0] =	vst.add.f32.msk $0xffff, v0  }
0x543: {  	v0 =	vld [tilespmem:s3+$0x60];
	_ =	sdelay $0x1  }
0x544: {  	[tilespmem:s25+$0x6660] =	vst.add.f32.msk $0xffff, v1  }
0x545: {  	v1 =	vld [tilespmem:s14+$0x60];
	_ =	sdelay $0x1  }
0x546: {  	[tilespmem:s25+$0x6E60] =	vst.add.f32.msk $0xffff, v0  }
0x547: {  	v0 =	vld [tilespmem:s1+$0x60];
	_ =	sdelay $0x1  }
0x548: {  	[tilespmem:s25+$0x66E0] =	vst.add.f32.msk $0xffff, v1  }
0x549: {  	v1 =	vld [tilespmem:s16+$0x60];
	_ =	sdelay $0x1  }
0x54a: {  	[tilespmem:s25+$0x6EE0] =	vst.add.f32.msk $0xffff, v0  }
0x54b: {  	v0 =	vld [tilespmem:s18+$0x60];
	_ =	sdelay $0x1  }
0x54c: {  	s13 =	smov.u32 s10;
	s10 =	rddreg [dreg:$0x1d];
	[tilespmem:s25+$0x6760] =	vst.add.f32.msk $0xffff, v1  }
0x54d: {  	v1 =	vld [tilespmem:s10+$0x70];
	_ =	sdelay $0x1  }
0x54e: {  	[tilespmem:s25+$0x6F60] =	vst.add.f32.msk $0xffff, v0  }
0x54f: {  	v0 =	vld [tilespmem:s20+$0x70];
	_ =	sdelay $0x1  }
0x550: {  	[tilespmem:s25+$0x5FF0] =	vst.add.f32.msk $0xffff, v1  }
0x551: {  	v1 =	vld [tilespmem:s22+$0x70];
	s22 =	sld [smem:$0x7FC];
	_ =	sdelay $0x1  }
0x552: {  	[tilespmem:s25+$0x67F0] =	vst.add.f32.msk $0xffff, v0  }
0x553: {  	v0 =	vld [tilespmem:s22+$0x70];
	_ =	sdelay $0x2  }
0x554: {  	[tilespmem:s25+$0x6070] =	vst.add.f32.msk $0xffff, v1  }
0x555: {  	v1 =	vld [tilespmem:s0+$0x70]  }
0x556: {  	[tilespmem:s25+$0x6870] =	vst.add.f32.msk $0xffff, v0  }
0x557: {  	v0 =	vld [tilespmem:s19+$0x70];
	_ =	sdelay $0x2  }
0x558: {  	[tilespmem:s25+$0x60F0] =	vst.add.f32.msk $0xffff, v1  }
0x559: {  	v1 =	vld [tilespmem:s21+$0x70]  }
0x55a: {  	[tilespmem:s25+$0x68F0] =	vst.add.f32.msk $0xffff, v0  }
0x55b: {  	v0 =	vld [tilespmem:s23+$0x70];
	_ =	sdelay $0x2  }
0x55c: {  	[tilespmem:s25+$0x6170] =	vst.add.f32.msk $0xffff, v1  }
0x55d: {  	v1 =	vld [tilespmem:s5+$0x70]  }
0x55e: {  	[tilespmem:s25+$0x6970] =	vst.add.f32.msk $0xffff, v0  }
0x55f: {  	v0 =	vld [tilespmem:s24+$0x70];
	_ =	sdelay $0x2  }
0x560: {  	[tilespmem:s25+$0x61F0] =	vst.add.f32.msk $0xffff, v1  }
0x561: {  	v1 =	vld [tilespmem:s6+$0x70]  }
0x562: {  	[tilespmem:s25+$0x69F0] =	vst.add.f32.msk $0xffff, v0  }
0x563: {  	v0 =	vld [tilespmem:s26+$0x70];
	_ =	sdelay $0x2  }
0x564: {  	[tilespmem:s25+$0x6270] =	vst.add.f32.msk $0xffff, v1  }
0x565: {  	v1 =	vld [tilespmem:s7+$0x70]  }
0x566: {  	[tilespmem:s25+$0x6A70] =	vst.add.f32.msk $0xffff, v0  }
0x567: {  	v0 =	vld [tilespmem:s28+$0x70];
	_ =	sdelay $0x2  }
0x568: {  	[tilespmem:s25+$0x62F0] =	vst.add.f32.msk $0xffff, v1  }
0x569: {  	v1 =	vld [tilespmem:s8+$0x70]  }
0x56a: {  	[tilespmem:s25+$0x6AF0] =	vst.add.f32.msk $0xffff, v0  }
0x56b: {  	v0 =	vld [tilespmem:s29+$0x70];
	_ =	sdelay $0x2  }
0x56c: {  	[tilespmem:s25+$0x6370] =	vst.add.f32.msk $0xffff, v1  }
0x56d: {  	v1 =	vld [tilespmem:s9+$0x70]  }
0x56e: {  	[tilespmem:s25+$0x6B70] =	vst.add.f32.msk $0xffff, v0  }
0x56f: {  	v0 =	vld [tilespmem:s30+$0x70];
	_ =	sdelay $0x2  }
0x570: {  	[tilespmem:s25+$0x63F0] =	vst.add.f32.msk $0xffff, v1  }
0x571: {  	v1 =	vld [tilespmem:s11+$0x70]  }
0x572: {  	[tilespmem:s25+$0x6BF0] =	vst.add.f32.msk $0xffff, v0  }
0x573: {  	v0 =	vld [tilespmem:s31+$0x70];
	_ =	sdelay $0x2  }
0x574: {  	s22 =	sld [smem:$0x7FD];
	[tilespmem:s25+$0x6470] =	vst.add.f32.msk $0xffff, v1  }
0x575: {  	v1 =	vld [tilespmem:s12+$0x70]  }
0x576: {  	[tilespmem:s25+$0x6C70] =	vst.add.f32.msk $0xffff, v0  }
0x577: {  	v0 =	vld [tilespmem:s22+$0x70];
	_ =	sdelay $0x2  }
0x578: {  	[tilespmem:s25+$0x64F0] =	vst.add.f32.msk $0xffff, v1  }
0x579: {  	v1 =	vld [tilespmem:s13+$0x70]  }
0x57a: {  	[tilespmem:s25+$0x6CF0] =	vst.add.f32.msk $0xffff, v0  }
0x57b: {  	v0 =	vld [tilespmem:s4+$0x70];
	_ =	sdelay $0x2  }
0x57c: {  	[tilespmem:s25+$0x6570] =	vst.add.f32.msk $0xffff, v1  }
0x57d: {  	v1 =	vld [tilespmem:s15+$0x70]  }
0x57e: {  	[tilespmem:s25+$0x6D70] =	vst.add.f32.msk $0xffff, v0  }
0x57f: {  	v0 =	vld [tilespmem:s2+$0x70];
	_ =	sdelay $0x2  }
0x580: {  	[tilespmem:s25+$0x65F0] =	vst.add.f32.msk $0xffff, v1  }
0x581: {  	v1 =	vld [tilespmem:s17+$0x70]  }
0x582: {  	[tilespmem:s25+$0x6DF0] =	vst.add.f32.msk $0xffff, v0  }
0x583: {  	v0 =	vld [tilespmem:s3+$0x70];
	_ =	sdelay $0x2  }
0x584: {  	[tilespmem:s25+$0x6670] =	vst.add.f32.msk $0xffff, v1  }
0x585: {  	v1 =	vld [tilespmem:s14+$0x70]  }
0x586: {  	[tilespmem:s25+$0x6E70] =	vst.add.f32.msk $0xffff, v0  }
0x587: {  	s24 =	rddreg [dreg:$0x11];
	v0 =	vld [tilespmem:s1+$0x70]  }
0x588: {  	s0 =	rddreg [dreg:$0xd];
	p0 =	sgt.u32 s24, $0x7A  }
0x589: {  	s0 =	smul.u32 @!p0 $0xAB, s0  }
0x58a: {  	[tilespmem:s25+$0x66F0] =	vst.add.f32.msk $0xffff, v1  }
0x58b: {  	s0 =	sshrl.u32 @!p0 s0, $0x9;
	v1 =	vld [tilespmem:s16+$0x70]  }
0x58c: {  	s0 =	sand.u32 @!p0 $0x7F, s0;
	[tilespmem:s25+$0x6EF0] =	vst.add.f32.msk $0xffff, v0  }
0x58d: {  	s0 =	smul.u32 @!p0 $0x3, s0;
	v0 =	vld [tilespmem:s18+$0x70]  }
0x58e: {  	s1 =	rddreg [dreg:$0xd]  }
0x58f: {  	s0 =	ssub.s32 @!p0 s1, s0;
	s1 =	rddreg [dreg:$0xd]  }
0x590: {  	s10 =	simm.s32 $0x0;
	s23 =	rddreg [dreg:$0xf];
	p1 =	seq.s32 @!p0 s1, $0x2  }
0x591: {  	s28 =	rddreg [dreg:$0x12];
	s0 =	sand.u32 @!p0 $0xFF, s0;
	p1 =	por p1, p0;
	[tilespmem:s25+$0x6770] =	vst.add.f32.msk $0xffff, v1  }
0x592: {  	s26 =	sadd.s32 $0x4780, s25;
	s2 =	sadd.s32 $0x5, s28;
	s1 =	sadd.s32 @!p1 $0x5, s0;
	[tilespmem:s25+$0x6F70] =	vst.add.f32.msk $0xffff, v0  }
0x593: {  	[hbm4b:s23+s10] =	stream.linear.scatter [tilespmem:s26], [sflag:s2], $0x2800, $0x38;
	[tilespmem:$0xBF80] =	vst v63  }
0x594: {  	s2 =	smul.u32 @!p0 $0xA000, s0;
	_ =	swait.ge @!p1 [sflag:s1], $0x2800  }
0x595: {  	s0 =	sadd.s32 @!p0 $0x2, s0;
	[sflag:s1] =	ssyncset.done @!p1 $0x0  }
0x596: {  	s4 =	rddreg [dreg:$0x10];
	[sflag:s1] =	ssyncadd.s32 @!p1 $0xFFFFD800;
	s1 =	sshrl.u32 @!p0 s2, $0x2  }
0x597: {  	s31 =	rddreg [dreg:$0xd];
	s2 =	simm.s32 @!p0 $0x0;
	s1 =	sadd.s32 @!p0 $0x4780, s1  }
0x598: {  	[tilespmem:s1], [sflag:s0] =	stream.linear.gather @!p0 [hbm4b:s4+s2], $0x2800, $0x38;
	[tilespmem:$0xBF80] =	vst v63  }
0x599: {  	s0 =	sadd.s32 $0x1, s31  }
0x59a: {  	p0 =	sne.s32 s0, $0x7F  }
.Ltmp0:
0x59b: {  	_ = 	snop;
	(pc) =	sbr.rel @p0 .LBB2_2-.Ltmp0, $4  }
0x59c: {  	_ = 	snop  }
0x59d: {  	s29 =	rddreg [dreg:$0x10]  }
0x59e: {  	s30 =	rddreg [dreg:$0xe]  }
0x59f: {  	s3 =	sadd.s32 $0x500, s23;
	s2 =	sadd.s32 $0x500, s29;
	s1 =	sadd.s32 $0x50, s30  }
0x5a0: {  	s0 =	simm.s32 $0x7  }
0x5a1: {  	_ =	swait.ge [sflag:s0], $0x2800  }
0x5a2: {  	[sflag:s0] =	ssyncset.done $0x0  }
0x5a3: {  	s30 =	simm.s32 $0x5;
	[sflag:s0] =	ssyncadd.s32 $0xFFFFD800  }
0x5a4: {  	_ =	swait.ge [sflag:s30], $0x2800  }
0x5a5: {  	[sflag:s30] =	ssyncset.done $0x0  }
0x5a6: {  	s1 =	simm.s32 $0x6;
	[sflag:s30] =	ssyncadd.s32 $0xFFFFD800  }
0x5a7: {  	_ =	swait.ge [sflag:s1], $0x2800  }
0x5a8: {  	s2 =	rddreg [dreg:$0xc]  }
0x5a9: {  	s31 =	rddreg [dreg:$0x9];
	s2 =	sadd.s32 $0x1, s2  }
0x5aa: {  	p0 =	sne.s32 s2, s31  }
.Ltmp1:
0x5ab: {  	_ = 	snop;
	(pc) =	sbr.rel @p0 .LBB2_1-.Ltmp1, $3  }
0x5ac: {  	_ =	sdelay $0x1  }
0x5ad: {  	[sflag:s1] =	ssyncset.done $0x0  }
0x5ae: {  	[sflag:s1] =	ssyncadd.s32 $0xFFFFD800  }
0x5af: {  	_ =	sfence.sel $0x180000  }
0x5b0: {  	[bflag:$0x0] =	sbarrier.arrive $0xFFFF  }
0x5b1: {  	_ =	strace $0x90000047  }
0x5b2: {  	s0 =	stileid.u32;
	[bflag:$0x2] =	sbarrier.arrive $0xFFFF  }
0x5b3: {  	p0 =	sne.s32 s0, $0x0;
	s0 =	rddreg [dreg:$0x4]  }
0x5b4: {  	s0 =	sadd.s32 @!p0 $0x100000, s0  }
0x5b5: {  	[sflag:s0] =	ssyncadd.tile.s32 @!p0 $0x1;
	_ =	shalt  }
.Lfunc_end2:
_tile_overlayer_lowered:
.L_overlay_start_2:
0x5b6: {  	(tag) =	ssettag $0x2  }
0x5b7: {  	s0 =	rddreg [dreg:$0x0];
	s2 =	stileid.u32  }
0x5b8: {  	s1 =	rddreg [dreg:$0x1];
	p0 =	sne.s32 s2, $0x0  }
0x5b9: {  	s3 =	rddreg [dreg:$0x2];
	[bflag:$0x3] =	sbarrier.arrive $0xFFFF;
	s2 =	simm.s32 @!p0 $0x1C08  }
0x5ba: {  	[timem:s3], [sflag:s2] =	dma.local @!p0 [hbm:s0], s1  }
0x5bb: {  	s0 =	simm.s32 @!p0 $0x8  }
0x5bc: {  	_ =	swait.ge @!p0 [sflag:s0], s1  }
0x5bd: {  	s1 =	ssub.s32 @!p0 $0x0, s1;
	[sflag:s0] =	ssyncset.done @!p0 $0x0  }
0x5be: {  	[sflag:s0] =	ssyncadd.s32 @!p0 s1  }
0x5bf: {  	[bflag:$0x3] =	sbarrier.arrive $0xFFFF  }
0x5c0: {  	_ =	shalt  }

</sc_bundles>
